<compile_context>
chip_gen: v7x
topology: tpu7x:2x2x1
jax: 0.10.2.dev20260603
libtpu: 0.0.44.dev20260713+nightly
codegen_flags: <defaults>
</compile_context>

<pallas_src>
import functools

import jax
import jax.numpy as jnp
from jax import lax
from jax.experimental import pallas as pl
from jax.experimental.pallas import tpu as pltpu
from jax.experimental.pallas import tpu_sc as plsc

_E = 320000
_D = 128
_NC = 2
_NS = 16
_NW = _NC * _NS
_PER_W = _E // _NW
_K = 80
_NCHUNK = _PER_W // _K
_L = 16


def _dot_chunk(srows, drows, obuf):
    lane = jnp.arange(_L, dtype=jnp.int32)

    def gbody(g, carry):
        def ebody(i, vec):
            e = g * _L + i
            acc0 = jnp.zeros((_L,), jnp.float32)
            acc1 = jnp.zeros((_L,), jnp.float32)
            for j in range(_D // (2 * _L)):
                acc0 = acc0 + (srows[e, pl.ds(2 * j * _L, _L)] *
                               drows[e, pl.ds(2 * j * _L, _L)])
                acc1 = acc1 + (srows[e, pl.ds((2 * j + 1) * _L, _L)] *
                               drows[e, pl.ds((2 * j + 1) * _L, _L)])
            return jnp.where(lane == i, jnp.sum(acc0 + acc1), vec)

        vec = lax.fori_loop(0, _L, ebody, jnp.zeros((_L,), jnp.float32),
                            unroll=4)
        obuf[pl.ds(pl.multiple_of(g * _L, _L), _L)] = vec
        return carry

    lax.fori_loop(0, _K // _L, gbody, 0)


_NBUF = 2

@functools.partial(
    pl.kernel,
    out_type=jax.ShapeDtypeStruct((_E,), jnp.float32),
    mesh=plsc.VectorSubcoreMesh(core_axis_name="c", subcore_axis_name="s"),
    compiler_params=pltpu.CompilerParams(needs_layout_passes=False),
    scratch_types=[
        pltpu.VMEM((_NBUF, _K // 16, 16), jnp.int32),
        pltpu.VMEM((_NBUF, _K // 16, 16), jnp.int32),
        pltpu.VMEM((_NBUF, _K, _D), jnp.float32),
        pltpu.VMEM((_NBUF, _K, _D), jnp.float32),
        pltpu.VMEM((_NBUF, _K), jnp.float32),
        pltpu.VMEM_SHARED((10000, _D), jnp.float32),
    ] + [pltpu.SemaphoreType.DMA] * (3 * _NBUF + 1),
)
def _score_kernel(x_hbm, src_hbm, dst_hbm, out_hbm,
                  sidx, didx, srows, drows, obuf, xsh, *sems):
    wid = lax.axis_index("s") * _NC + lax.axis_index("c")
    sem_i = sems[0:_NBUF]
    sem_g = sems[_NBUF:2 * _NBUF]
    sem_o = sems[2 * _NBUF:3 * _NBUF]
    sem_x = sems[3 * _NBUF]

    _SG = 16

    def issue_idx(c, b):
        base = pl.multiple_of(wid * _PER_W + c * _K, _K)
        for si in range(_K // _SG):
            pltpu.async_copy(src_hbm.at[pl.ds(base + si * _SG, _SG)],
                             sidx.at[b, si], sem_i[b])
            pltpu.async_copy(dst_hbm.at[pl.ds(base + si * _SG, _SG)],
                             didx.at[b, si], sem_i[b])

    def wait_idx(b):
        for si in range(_K // _SG):
            pltpu.make_async_copy(src_hbm.at[pl.ds(0, _SG)], sidx.at[b, si],
                                  sem_i[b]).wait()
            pltpu.make_async_copy(dst_hbm.at[pl.ds(0, _SG)], didx.at[b, si],
                                  sem_i[b]).wait()

    def issue_gather(b):
        for si in range(_K // _SG):
            pltpu.async_copy(xsh.at[sidx.at[b, si]],
                             srows.at[b, pl.ds(si * _SG, _SG)], sem_g[b])
            pltpu.async_copy(xsh.at[didx.at[b, si]],
                             drows.at[b, pl.ds(si * _SG, _SG)], sem_g[b])

    def wait_gather(b):
        for si in range(_K // _SG):
            pltpu.make_async_copy(x_hbm.at[pl.ds(0, _SG)],
                                  srows.at[b, pl.ds(si * _SG, _SG)],
                                  sem_g[b]).wait()
            pltpu.make_async_copy(x_hbm.at[pl.ds(0, _SG)],
                                  drows.at[b, pl.ds(si * _SG, _SG)],
                                  sem_g[b]).wait()

    def wait_out(b):
        pltpu.make_async_copy(obuf.at[b], out_hbm.at[pl.ds(0, _K)],
                              sem_o[b]).wait()

    def step(c, b):
        gb = (b + _NBUF - 1) % _NBUF

        @pl.when(c + _NBUF - 1 < _NCHUNK)
        def _():
            wait_idx(gb)
            issue_gather(gb)

        wait_gather(b)

        @pl.when(c + _NBUF < _NCHUNK)
        def _():
            issue_idx(c + _NBUF, b)

        @pl.when(c >= _NBUF)
        def _():
            wait_out(b)

        _dot_chunk(srows.at[b], drows.at[b], obuf.at[b])
        base = pl.multiple_of(wid * _PER_W + c * _K, _K)
        pltpu.async_copy(obuf.at[b], out_hbm.at[pl.ds(base, _K)], sem_o[b])

    sid = lax.axis_index("s")
    row0 = pl.multiple_of(sid * 624, 8)
    xcp = pltpu.async_copy(x_hbm.at[pl.ds(row0, 624)],
                           xsh.at[pl.ds(row0, 624)], sem_x)

    @pl.when(sid == 0)
    def _():
        pltpu.sync_copy(x_hbm.at[pl.ds(9984, 16)], xsh.at[pl.ds(9984, 16)])

    for c in range(_NBUF):
        issue_idx(c, c)
    xcp.wait()
    plsc.subcore_barrier()
    for c in range(_NBUF - 1):
        wait_idx(c)
        issue_gather(c)

    def quad(j, carry):
        for b in range(_NBUF):
            step(j * _NBUF + b, b)
        return carry

    lax.fori_loop(0, _NCHUNK // _NBUF, quad, 0)
    for r in range(_NCHUNK % _NBUF):
        c = _NCHUNK - (_NCHUNK % _NBUF) + r
        step(c, c % _NBUF)
    for b in range(_NBUF):
        wait_out(b)


def kernel(x, edge_index):
    src = edge_index[0].astype(jnp.int32)
    dst = edge_index[1].astype(jnp.int32)
    out = _score_kernel(x, src, dst)
    return out.reshape(_E, 1)

# --- scband reference (transcript-rebuilt; emitter-appended) ---
"""Pipeline reference for scband-score-predictor-15625091022922 (READ-ONLY COPY).

The authoritative reference and input builder live on the scoring server;
editing this copy changes nothing except your own understanding.
"""

import jax, jax.numpy as jnp
import numpy as np

N_NODES = 10000
N_EDGES = 320000
D_FEAT = 128


def setup_inputs(seed: int = 0) -> dict:
    key = jax.random.key(seed)
    k1, k2 = jax.random.split(key)
    x = jax.random.normal(k1, (N_NODES, D_FEAT), dtype=jnp.float32)
    edge_index = jax.random.randint(k2, (2, N_EDGES), 0, N_NODES, dtype=jnp.int64)
    return {"x": x, "edge_index": edge_index}


def reference(x, edge_index):
    # DGL u_dot_v('x', 'x', 'score'): for each edge (u, v),
    # score = dot(x[u], x[v]) with a trailing singleton dim, shape [E, 1].
    src = jnp.take(x, edge_index[0], axis=0)  # [E, d] gather (SparseCore)
    dst = jnp.take(x, edge_index[1], axis=0)  # [E, d] gather (SparseCore)
    score = jnp.sum(src * dst, axis=-1, keepdims=True)  # [E, 1]
    return score

if __name__ == "__main__":
    import jax
    _d = setup_inputs()
    print(jax.jit(kernel)(*tuple(_d.values())))

</pallas_src>

<mosaic_0001>
#map = affine_map<(d0, d1) -> (0, 0)>
#map1 = affine_map<(d0, d1) -> (0)>
module attributes {stable_mosaic.version = 14 : i64} {
  func.func @_score_kernel(%arg0: i32, %arg1: i32, %arg2: memref<10000x128xf32, #tpu.memory_space<hbm>>, %arg3: memref<320000xi32, #tpu.memory_space<hbm>>, %arg4: memref<320000xi32, #tpu.memory_space<hbm>>, %arg5: memref<320000xf32, #tpu.memory_space<hbm>>, %arg6: memref<2x5x16xi32, #tpu.memory_space<vmem>>, %arg7: memref<2x5x16xi32, #tpu.memory_space<vmem>>, %arg8: memref<2x80x128xf32, #tpu.memory_space<vmem>>, %arg9: memref<2x80x128xf32, #tpu.memory_space<vmem>>, %arg10: memref<2x80xf32, #tpu.memory_space<vmem>>, %arg11: memref<10000x128xf32, #tpu.memory_space<vmem_shared>>, %arg12: memref<!tpu.dma_semaphore, #tpu.memory_space<semaphore_mem>>, %arg13: memref<!tpu.dma_semaphore, #tpu.memory_space<semaphore_mem>>, %arg14: memref<!tpu.dma_semaphore, #tpu.memory_space<semaphore_mem>>, %arg15: memref<!tpu.dma_semaphore, #tpu.memory_space<semaphore_mem>>, %arg16: memref<!tpu.dma_semaphore, #tpu.memory_space<semaphore_mem>>, %arg17: memref<!tpu.dma_semaphore, #tpu.memory_space<semaphore_mem>>, %arg18: memref<!tpu.dma_semaphore, #tpu.memory_space<semaphore_mem>>) attributes {dimension_semantics = [#tpu.dimension_semantics<core_parallel>, #tpu.dimension_semantics<subcore_parallel>], iteration_bounds = array<i64: 2, 16>, scalar_prefetch = 0 : i64, scratch_operands = 13 : i64, tpu.core_type = #tpu.core_type<sc_vector_subcore>, window_params = [{transform_indices = #map}, {transform_indices = #map1}, {transform_indices = #map1}, {transform_indices = #map1}]} {
    %mul3A = arith.constant 2 : i32
    %mul3A_0 = arith.muli %arg1, %mul3A : i32
    %add3A = arith.addi %mul3A_0, %arg0 : i32
    %mul3A_1 = arith.constant 624 : i32
    %mul3A_2 = arith.muli %arg1, %mul3A_1 : i32
    %multiple_of3A = tpu.assume_multiple %mul3A_2, 8 : i32
    %dma_start3A = arith.constant 0 : i32
    %dma_start3A_3 = tpu.memref_slice %arg11[%multiple_of3A, %dma_start3A] : memref<10000x128xf32, #tpu.memory_space<vmem_shared>> -> memref<624x128xf32, #tpu.memory_space<vmem_shared>>
    %dma_start3A_4 = arith.constant 0 : i32
    %dma_start3A_5 = tpu.memref_slice %arg2[%multiple_of3A, %dma_start3A_4] : memref<10000x128xf32, #tpu.memory_space<hbm>> -> memref<624x128xf32, #tpu.memory_space<hbm>>
    tpu.enqueue_dma source(%dma_start3A_5 : memref<624x128xf32, #tpu.memory_space<hbm>>) target(%dma_start3A_3 : memref<624x128xf32, #tpu.memory_space<vmem_shared>>) target_semaphore(%arg18 : memref<!tpu.dma_semaphore, #tpu.memory_space<semaphore_mem>>)
    %eq3A = arith.constant 0 : i32
    %eq3A_6 = arith.cmpi eq, %arg1, %eq3A : i32
    %convert_element_type3A = arith.extui %eq3A_6 : i1 to i32
    %cond3A = arith.constant 0 : i32
    %cond3A_7 = arith.cmpi ne, %convert_element_type3A, %cond3A : i32
    scf.if %cond3A_7 {
      "tpu.region"() ({
        %run_scoped3A = tpu.sem_alloc : memref<!tpu.dma_semaphore, #tpu.memory_space<semaphore_mem>>
        %dma_start3A_722 = arith.constant 9984 : i32
        %dma_start3A_723 = arith.constant 0 : i32
        %dma_start3A_724 = tpu.memref_slice %arg11[%dma_start3A_722, %dma_start3A_723] : memref<10000x128xf32, #tpu.memory_space<vmem_shared>> -> memref<16x128xf32, #tpu.memory_space<vmem_shared>>
        %dma_start3A_725 = arith.constant 9984 : i32
        %dma_start3A_726 = arith.constant 0 : i32
        %dma_start3A_727 = tpu.memref_slice %arg2[%dma_start3A_725, %dma_start3A_726] : memref<10000x128xf32, #tpu.memory_space<hbm>> -> memref<16x128xf32, #tpu.memory_space<hbm>>
        tpu.enqueue_dma source(%dma_start3A_727 : memref<16x128xf32, #tpu.memory_space<hbm>>) target(%dma_start3A_724 : memref<16x128xf32, #tpu.memory_space<vmem_shared>>) target_semaphore(%run_scoped3A : memref<!tpu.dma_semaphore, #tpu.memory_space<semaphore_mem>>)
        %dma_wait3A_728 = arith.constant 9984 : i32
        %dma_wait3A_729 = arith.constant 0 : i32
        %dma_wait3A_730 = tpu.memref_slice %arg11[%dma_wait3A_728, %dma_wait3A_729] : memref<10000x128xf32, #tpu.memory_space<vmem_shared>> -> memref<16x128xf32, #tpu.memory_space<vmem_shared>>
        %dma_wait3A_731 = arith.constant 9984 : i32
        %dma_wait3A_732 = arith.constant 0 : i32
        %dma_wait3A_733 = tpu.memref_slice %arg2[%dma_wait3A_731, %dma_wait3A_732] : memref<10000x128xf32, #tpu.memory_space<hbm>> -> memref<16x128xf32, #tpu.memory_space<hbm>>
        tpu.wait_dma2 semaphore(%run_scoped3A : memref<!tpu.dma_semaphore, #tpu.memory_space<semaphore_mem>>) src(%dma_wait3A_733 : memref<16x128xf32, #tpu.memory_space<hbm>>) dst(%dma_wait3A_730 : memref<16x128xf32, #tpu.memory_space<vmem_shared>>)
        tpu.yield
      }) : () -> ()
    } else {
    }
    %mul3A_8 = arith.constant 10000 : i32
    %mul3A_9 = arith.muli %add3A, %mul3A_8 : i32
    %add3A_10 = arith.constant 0 : i32
    %add3A_11 = arith.addi %mul3A_9, %add3A_10 : i32
    %multiple_of3A_12 = tpu.assume_multiple %add3A_11, 80 : i32
    %add3A_13 = arith.constant 0 : i32
    %add3A_14 = arith.addi %multiple_of3A_12, %add3A_13 : i32
    %dma_start3A_15 = arith.constant 0 : i32
    %dma_start3A_16 = arith.constant 0 : i32
    %dma_start3A_17 = arith.constant 0 : i32
    %dma_start3A_18 = tpu.memref_slice %arg6[%dma_start3A_15, %dma_start3A_16, %dma_start3A_17] : memref<2x5x16xi32, #tpu.memory_space<vmem>> -> memref<1x1x16xi32, #tpu.memory_space<vmem>>
    %dma_start3A_19 = tpu.memref_squeeze %dma_start3A_18 : memref<1x1x16xi32, #tpu.memory_space<vmem>> -> memref<16xi32, #tpu.memory_space<vmem>>
    %dma_start3A_20 = tpu.memref_slice %arg3[%add3A_14] : memref<320000xi32, #tpu.memory_space<hbm>> -> memref<16xi32, #tpu.memory_space<hbm>>
    %dma_start3A_21 = arith.constant 0 : i32
    %dma_start3A_22 = tpu.memref_slice %arg6[%dma_start3A_15, %dma_start3A_16, %dma_start3A_21] : memref<2x5x16xi32, #tpu.memory_space<vmem>> -> memref<1x1x16xi32, #tpu.memory_space<vmem>>
    %dma_start3A_23 = tpu.memref_squeeze %dma_start3A_22 : memref<1x1x16xi32, #tpu.memory_space<vmem>> -> memref<16xi32, #tpu.memory_space<vmem>>
    %dma_start3A_24 = tpu.memref_slice %arg3[%add3A_14] : memref<320000xi32, #tpu.memory_space<hbm>> -> memref<16xi32, #tpu.memory_space<hbm>>
    tpu.enqueue_dma source(%dma_start3A_24 : memref<16xi32, #tpu.memory_space<hbm>>) target(%dma_start3A_23 : memref<16xi32, #tpu.memory_space<vmem>>) target_semaphore(%arg12 : memref<!tpu.dma_semaphore, #tpu.memory_space<semaphore_mem>>)
    %add3A_25 = arith.constant 0 : i32
    %add3A_26 = arith.addi %multiple_of3A_12, %add3A_25 : i32
    %dma_start3A_27 = arith.constant 0 : i32
    %dma_start3A_28 = arith.constant 0 : i32
    %dma_start3A_29 = arith.constant 0 : i32
    %dma_start3A_30 = tpu.memref_slice %arg7[%dma_start3A_27, %dma_start3A_28, %dma_start3A_29] : memref<2x5x16xi32, #tpu.memory_space<vmem>> -> memref<1x1x16xi32, #tpu.memory_space<vmem>>
    %dma_start3A_31 = tpu.memref_squeeze %dma_start3A_30 : memref<1x1x16xi32, #tpu.memory_space<vmem>> -> memref<16xi32, #tpu.memory_space<vmem>>
    %dma_start3A_32 = tpu.memref_slice %arg4[%add3A_26] : memref<320000xi32, #tpu.memory_space<hbm>> -> memref<16xi32, #tpu.memory_space<hbm>>
    %dma_start3A_33 = arith.constant 0 : i32
    %dma_start3A_34 = tpu.memref_slice %arg7[%dma_start3A_27, %dma_start3A_28, %dma_start3A_33] : memref<2x5x16xi32, #tpu.memory_space<vmem>> -> memref<1x1x16xi32, #tpu.memory_space<vmem>>
    %dma_start3A_35 = tpu.memref_squeeze %dma_start3A_34 : memref<1x1x16xi32, #tpu.memory_space<vmem>> -> memref<16xi32, #tpu.memory_space<vmem>>
    %dma_start3A_36 = tpu.memref_slice %arg4[%add3A_26] : memref<320000xi32, #tpu.memory_space<hbm>> -> memref<16xi32, #tpu.memory_space<hbm>>
    tpu.enqueue_dma source(%dma_start3A_36 : memref<16xi32, #tpu.memory_space<hbm>>) target(%dma_start3A_35 : memref<16xi32, #tpu.memory_space<vmem>>) target_semaphore(%arg12 : memref<!tpu.dma_semaphore, #tpu.memory_space<semaphore_mem>>)
    %add3A_37 = arith.constant 16 : i32
    %add3A_38 = arith.addi %multiple_of3A_12, %add3A_37 : i32
    %dma_start3A_39 = arith.constant 0 : i32
    %dma_start3A_40 = arith.constant 1 : i32
    %dma_start3A_41 = arith.constant 0 : i32
    %dma_start3A_42 = tpu.memref_slice %arg6[%dma_start3A_39, %dma_start3A_40, %dma_start3A_41] : memref<2x5x16xi32, #tpu.memory_space<vmem>> -> memref<1x1x16xi32, #tpu.memory_space<vmem>>
    %dma_start3A_43 = tpu.memref_squeeze %dma_start3A_42 : memref<1x1x16xi32, #tpu.memory_space<vmem>> -> memref<16xi32, #tpu.memory_space<vmem>>
    %dma_start3A_44 = tpu.memref_slice %arg3[%add3A_38] : memref<320000xi32, #tpu.memory_space<hbm>> -> memref<16xi32, #tpu.memory_space<hbm>>
    %dma_start3A_45 = arith.constant 0 : i32
    %dma_start3A_46 = tpu.memref_slice %arg6[%dma_start3A_39, %dma_start3A_40, %dma_start3A_45] : memref<2x5x16xi32, #tpu.memory_space<vmem>> -> memref<1x1x16xi32, #tpu.memory_space<vmem>>
    %dma_start3A_47 = tpu.memref_squeeze %dma_start3A_46 : memref<1x1x16xi32, #tpu.memory_space<vmem>> -> memref<16xi32, #tpu.memory_space<vmem>>
    %dma_start3A_48 = tpu.memref_slice %arg3[%add3A_38] : memref<320000xi32, #tpu.memory_space<hbm>> -> memref<16xi32, #tpu.memory_space<hbm>>
    tpu.enqueue_dma source(%dma_start3A_48 : memref<16xi32, #tpu.memory_space<hbm>>) target(%dma_start3A_47 : memref<16xi32, #tpu.memory_space<vmem>>) target_semaphore(%arg12 : memref<!tpu.dma_semaphore, #tpu.memory_space<semaphore_mem>>)
    %add3A_49 = arith.constant 16 : i32
    %add3A_50 = arith.addi %multiple_of3A_12, %add3A_49 : i32
    %dma_start3A_51 = arith.constant 0 : i32
    %dma_start3A_52 = arith.constant 1 : i32
    %dma_start3A_53 = arith.constant 0 : i32
    %dma_start3A_54 = tpu.memref_slice %arg7[%dma_start3A_51, %dma_start3A_52, %dma_start3A_53] : memref<2x5x16xi32, #tpu.memory_space<vmem>> -> memref<1x1x16xi32, #tpu.memory_space<vmem>>
    %dma_start3A_55 = tpu.memref_squeeze %dma_start3A_54 : memref<1x1x16xi32, #tpu.memory_space<vmem>> -> memref<16xi32, #tpu.memory_space<vmem>>
    %dma_start3A_56 = tpu.memref_slice %arg4[%add3A_50] : memref<320000xi32, #tpu.memory_space<hbm>> -> memref<16xi32, #tpu.memory_space<hbm>>
    %dma_start3A_57 = arith.constant 0 : i32
    %dma_start3A_58 = tpu.memref_slice %arg7[%dma_start3A_51, %dma_start3A_52, %dma_start3A_57] : memref<2x5x16xi32, #tpu.memory_space<vmem>> -> memref<1x1x16xi32, #tpu.memory_space<vmem>>
    %dma_start3A_59 = tpu.memref_squeeze %dma_start3A_58 : memref<1x1x16xi32, #tpu.memory_space<vmem>> -> memref<16xi32, #tpu.memory_space<vmem>>
    %dma_start3A_60 = tpu.memref_slice %arg4[%add3A_50] : memref<320000xi32, #tpu.memory_space<hbm>> -> memref<16xi32, #tpu.memory_space<hbm>>
    tpu.enqueue_dma source(%dma_start3A_60 : memref<16xi32, #tpu.memory_space<hbm>>) target(%dma_start3A_59 : memref<16xi32, #tpu.memory_space<vmem>>) target_semaphore(%arg12 : memref<!tpu.dma_semaphore, #tpu.memory_space<semaphore_mem>>)
    %add3A_61 = arith.constant 32 : i32
    %add3A_62 = arith.addi %multiple_of3A_12, %add3A_61 : i32
    %dma_start3A_63 = arith.constant 0 : i32
    %dma_start3A_64 = arith.constant 2 : i32
    %dma_start3A_65 = arith.constant 0 : i32
    %dma_start3A_66 = tpu.memref_slice %arg6[%dma_start3A_63, %dma_start3A_64, %dma_start3A_65] : memref<2x5x16xi32, #tpu.memory_space<vmem>> -> memref<1x1x16xi32, #tpu.memory_space<vmem>>
    %dma_start3A_67 = tpu.memref_squeeze %dma_start3A_66 : memref<1x1x16xi32, #tpu.memory_space<vmem>> -> memref<16xi32, #tpu.memory_space<vmem>>
    %dma_start3A_68 = tpu.memref_slice %arg3[%add3A_62] : memref<320000xi32, #tpu.memory_space<hbm>> -> memref<16xi32, #tpu.memory_space<hbm>>
    %dma_start3A_69 = arith.constant 0 : i32
    %dma_start3A_70 = tpu.memref_slice %arg6[%dma_start3A_63, %dma_start3A_64, %dma_start3A_69] : memref<2x5x16xi32, #tpu.memory_space<vmem>> -> memref<1x1x16xi32, #tpu.memory_space<vmem>>
    %dma_start3A_71 = tpu.memref_squeeze %dma_start3A_70 : memref<1x1x16xi32, #tpu.memory_space<vmem>> -> memref<16xi32, #tpu.memory_space<vmem>>
    %dma_start3A_72 = tpu.memref_slice %arg3[%add3A_62] : memref<320000xi32, #tpu.memory_space<hbm>> -> memref<16xi32, #tpu.memory_space<hbm>>
    tpu.enqueue_dma source(%dma_start3A_72 : memref<16xi32, #tpu.memory_space<hbm>>) target(%dma_start3A_71 : memref<16xi32, #tpu.memory_space<vmem>>) target_semaphore(%arg12 : memref<!tpu.dma_semaphore, #tpu.memory_space<semaphore_mem>>)
    %add3A_73 = arith.constant 32 : i32
    %add3A_74 = arith.addi %multiple_of3A_12, %add3A_73 : i32
    %dma_start3A_75 = arith.constant 0 : i32
    %dma_start3A_76 = arith.constant 2 : i32
    %dma_start3A_77 = arith.constant 0 : i32
    %dma_start3A_78 = tpu.memref_slice %arg7[%dma_start3A_75, %dma_start3A_76, %dma_start3A_77] : memref<2x5x16xi32, #tpu.memory_space<vmem>> -> memref<1x1x16xi32, #tpu.memory_space<vmem>>
    %dma_start3A_79 = tpu.memref_squeeze %dma_start3A_78 : memref<1x1x16xi32, #tpu.memory_space<vmem>> -> memref<16xi32, #tpu.memory_space<vmem>>
    %dma_start3A_80 = tpu.memref_slice %arg4[%add3A_74] : memref<320000xi32, #tpu.memory_space<hbm>> -> memref<16xi32, #tpu.memory_space<hbm>>
    %dma_start3A_81 = arith.constant 0 : i32
    %dma_start3A_82 = tpu.memref_slice %arg7[%dma_start3A_75, %dma_start3A_76, %dma_start3A_81] : memref<2x5x16xi32, #tpu.memory_space<vmem>> -> memref<1x1x16xi32, #tpu.memory_space<vmem>>
    %dma_start3A_83 = tpu.memref_squeeze %dma_start3A_82 : memref<1x1x16xi32, #tpu.memory_space<vmem>> -> memref<16xi32, #tpu.memory_space<vmem>>
    %dma_start3A_84 = tpu.memref_slice %arg4[%add3A_74] : memref<320000xi32, #tpu.memory_space<hbm>> -> memref<16xi32, #tpu.memory_space<hbm>>
    tpu.enqueue_dma source(%dma_start3A_84 : memref<16xi32, #tpu.memory_space<hbm>>) target(%dma_start3A_83 : memref<16xi32, #tpu.memory_space<vmem>>) target_semaphore(%arg12 : memref<!tpu.dma_semaphore, #tpu.memory_space<semaphore_mem>>)
    %add3A_85 = arith.constant 48 : i32
    %add3A_86 = arith.addi %multiple_of3A_12, %add3A_85 : i32
    %dma_start3A_87 = arith.constant 0 : i32
    %dma_start3A_88 = arith.constant 3 : i32
    %dma_start3A_89 = arith.constant 0 : i32
    %dma_start3A_90 = tpu.memref_slice %arg6[%dma_start3A_87, %dma_start3A_88, %dma_start3A_89] : memref<2x5x16xi32, #tpu.memory_space<vmem>> -> memref<1x1x16xi32, #tpu.memory_space<vmem>>
    %dma_start3A_91 = tpu.memref_squeeze %dma_start3A_90 : memref<1x1x16xi32, #tpu.memory_space<vmem>> -> memref<16xi32, #tpu.memory_space<vmem>>
    %dma_start3A_92 = tpu.memref_slice %arg3[%add3A_86] : memref<320000xi32, #tpu.memory_space<hbm>> -> memref<16xi32, #tpu.memory_space<hbm>>
    %dma_start3A_93 = arith.constant 0 : i32
    %dma_start3A_94 = tpu.memref_slice %arg6[%dma_start3A_87, %dma_start3A_88, %dma_start3A_93] : memref<2x5x16xi32, #tpu.memory_space<vmem>> -> memref<1x1x16xi32, #tpu.memory_space<vmem>>
    %dma_start3A_95 = tpu.memref_squeeze %dma_start3A_94 : memref<1x1x16xi32, #tpu.memory_space<vmem>> -> memref<16xi32, #tpu.memory_space<vmem>>
    %dma_start3A_96 = tpu.memref_slice %arg3[%add3A_86] : memref<320000xi32, #tpu.memory_space<hbm>> -> memref<16xi32, #tpu.memory_space<hbm>>
    tpu.enqueue_dma source(%dma_start3A_96 : memref<16xi32, #tpu.memory_space<hbm>>) target(%dma_start3A_95 : memref<16xi32, #tpu.memory_space<vmem>>) target_semaphore(%arg12 : memref<!tpu.dma_semaphore, #tpu.memory_space<semaphore_mem>>)
    %add3A_97 = arith.constant 48 : i32
    %add3A_98 = arith.addi %multiple_of3A_12, %add3A_97 : i32
    %dma_start3A_99 = arith.constant 0 : i32
    %dma_start3A_100 = arith.constant 3 : i32
    %dma_start3A_101 = arith.constant 0 : i32
    %dma_start3A_102 = tpu.memref_slice %arg7[%dma_start3A_99, %dma_start3A_100, %dma_start3A_101] : memref<2x5x16xi32, #tpu.memory_space<vmem>> -> memref<1x1x16xi32, #tpu.memory_space<vmem>>
    %dma_start3A_103 = tpu.memref_squeeze %dma_start3A_102 : memref<1x1x16xi32, #tpu.memory_space<vmem>> -> memref<16xi32, #tpu.memory_space<vmem>>
    %dma_start3A_104 = tpu.memref_slice %arg4[%add3A_98] : memref<320000xi32, #tpu.memory_space<hbm>> -> memref<16xi32, #tpu.memory_space<hbm>>
    %dma_start3A_105 = arith.constant 0 : i32
    %dma_start3A_106 = tpu.memref_slice %arg7[%dma_start3A_99, %dma_start3A_100, %dma_start3A_105] : memref<2x5x16xi32, #tpu.memory_space<vmem>> -> memref<1x1x16xi32, #tpu.memory_space<vmem>>
    %dma_start3A_107 = tpu.memref_squeeze %dma_start3A_106 : memref<1x1x16xi32, #tpu.memory_space<vmem>> -> memref<16xi32, #tpu.memory_space<vmem>>
    %dma_start3A_108 = tpu.memref_slice %arg4[%add3A_98] : memref<320000xi32, #tpu.memory_space<hbm>> -> memref<16xi32, #tpu.memory_space<hbm>>
    tpu.enqueue_dma source(%dma_start3A_108 : memref<16xi32, #tpu.memory_space<hbm>>) target(%dma_start3A_107 : memref<16xi32, #tpu.memory_space<vmem>>) target_semaphore(%arg12 : memref<!tpu.dma_semaphore, #tpu.memory_space<semaphore_mem>>)
    %add3A_109 = arith.constant 64 : i32
    %add3A_110 = arith.addi %multiple_of3A_12, %add3A_109 : i32
    %dma_start3A_111 = arith.constant 0 : i32
    %dma_start3A_112 = arith.constant 4 : i32
    %dma_start3A_113 = arith.constant 0 : i32
    %dma_start3A_114 = tpu.memref_slice %arg6[%dma_start3A_111, %dma_start3A_112, %dma_start3A_113] : memref<2x5x16xi32, #tpu.memory_space<vmem>> -> memref<1x1x16xi32, #tpu.memory_space<vmem>>
    %dma_start3A_115 = tpu.memref_squeeze %dma_start3A_114 : memref<1x1x16xi32, #tpu.memory_space<vmem>> -> memref<16xi32, #tpu.memory_space<vmem>>
    %dma_start3A_116 = tpu.memref_slice %arg3[%add3A_110] : memref<320000xi32, #tpu.memory_space<hbm>> -> memref<16xi32, #tpu.memory_space<hbm>>
    %dma_start3A_117 = arith.constant 0 : i32
    %dma_start3A_118 = tpu.memref_slice %arg6[%dma_start3A_111, %dma_start3A_112, %dma_start3A_117] : memref<2x5x16xi32, #tpu.memory_space<vmem>> -> memref<1x1x16xi32, #tpu.memory_space<vmem>>
    %dma_start3A_119 = tpu.memref_squeeze %dma_start3A_118 : memref<1x1x16xi32, #tpu.memory_space<vmem>> -> memref<16xi32, #tpu.memory_space<vmem>>
    %dma_start3A_120 = tpu.memref_slice %arg3[%add3A_110] : memref<320000xi32, #tpu.memory_space<hbm>> -> memref<16xi32, #tpu.memory_space<hbm>>
    tpu.enqueue_dma source(%dma_start3A_120 : memref<16xi32, #tpu.memory_space<hbm>>) target(%dma_start3A_119 : memref<16xi32, #tpu.memory_space<vmem>>) target_semaphore(%arg12 : memref<!tpu.dma_semaphore, #tpu.memory_space<semaphore_mem>>)
    %add3A_121 = arith.constant 64 : i32
    %add3A_122 = arith.addi %multiple_of3A_12, %add3A_121 : i32
    %dma_start3A_123 = arith.constant 0 : i32
    %dma_start3A_124 = arith.constant 4 : i32
    %dma_start3A_125 = arith.constant 0 : i32
    %dma_start3A_126 = tpu.memref_slice %arg7[%dma_start3A_123, %dma_start3A_124, %dma_start3A_125] : memref<2x5x16xi32, #tpu.memory_space<vmem>> -> memref<1x1x16xi32, #tpu.memory_space<vmem>>
    %dma_start3A_127 = tpu.memref_squeeze %dma_start3A_126 : memref<1x1x16xi32, #tpu.memory_space<vmem>> -> memref<16xi32, #tpu.memory_space<vmem>>
    %dma_start3A_128 = tpu.memref_slice %arg4[%add3A_122] : memref<320000xi32, #tpu.memory_space<hbm>> -> memref<16xi32, #tpu.memory_space<hbm>>
    %dma_start3A_129 = arith.constant 0 : i32
    %dma_start3A_130 = tpu.memref_slice %arg7[%dma_start3A_123, %dma_start3A_124, %dma_start3A_129] : memref<2x5x16xi32, #tpu.memory_space<vmem>> -> memref<1x1x16xi32, #tpu.memory_space<vmem>>
    %dma_start3A_131 = tpu.memref_squeeze %dma_start3A_130 : memref<1x1x16xi32, #tpu.memory_space<vmem>> -> memref<16xi32, #tpu.memory_space<vmem>>
    %dma_start3A_132 = tpu.memref_slice %arg4[%add3A_122] : memref<320000xi32, #tpu.memory_space<hbm>> -> memref<16xi32, #tpu.memory_space<hbm>>
    tpu.enqueue_dma source(%dma_start3A_132 : memref<16xi32, #tpu.memory_space<hbm>>) target(%dma_start3A_131 : memref<16xi32, #tpu.memory_space<vmem>>) target_semaphore(%arg12 : memref<!tpu.dma_semaphore, #tpu.memory_space<semaphore_mem>>)
    %mul3A_133 = arith.constant 10000 : i32
    %mul3A_134 = arith.muli %add3A, %mul3A_133 : i32
    %add3A_135 = arith.constant 80 : i32
    %add3A_136 = arith.addi %mul3A_134, %add3A_135 : i32
    %multiple_of3A_137 = tpu.assume_multiple %add3A_136, 80 : i32
    %add3A_138 = arith.constant 0 : i32
    %add3A_139 = arith.addi %multiple_of3A_137, %add3A_138 : i32
    %dma_start3A_140 = arith.constant 1 : i32
    %dma_start3A_141 = arith.constant 0 : i32
    %dma_start3A_142 = arith.constant 0 : i32
    %dma_start3A_143 = tpu.memref_slice %arg6[%dma_start3A_140, %dma_start3A_141, %dma_start3A_142] : memref<2x5x16xi32, #tpu.memory_space<vmem>> -> memref<1x1x16xi32, #tpu.memory_space<vmem>>
    %dma_start3A_144 = tpu.memref_squeeze %dma_start3A_143 : memref<1x1x16xi32, #tpu.memory_space<vmem>> -> memref<16xi32, #tpu.memory_space<vmem>>
    %dma_start3A_145 = tpu.memref_slice %arg3[%add3A_139] : memref<320000xi32, #tpu.memory_space<hbm>> -> memref<16xi32, #tpu.memory_space<hbm>>
    %dma_start3A_146 = arith.constant 0 : i32
    %dma_start3A_147 = tpu.memref_slice %arg6[%dma_start3A_140, %dma_start3A_141, %dma_start3A_146] : memref<2x5x16xi32, #tpu.memory_space<vmem>> -> memref<1x1x16xi32, #tpu.memory_space<vmem>>
    %dma_start3A_148 = tpu.memref_squeeze %dma_start3A_147 : memref<1x1x16xi32, #tpu.memory_space<vmem>> -> memref<16xi32, #tpu.memory_space<vmem>>
    %dma_start3A_149 = tpu.memref_slice %arg3[%add3A_139] : memref<320000xi32, #tpu.memory_space<hbm>> -> memref<16xi32, #tpu.memory_space<hbm>>
    tpu.enqueue_dma source(%dma_start3A_149 : memref<16xi32, #tpu.memory_space<hbm>>) target(%dma_start3A_148 : memref<16xi32, #tpu.memory_space<vmem>>) target_semaphore(%arg13 : memref<!tpu.dma_semaphore, #tpu.memory_space<semaphore_mem>>)
    %add3A_150 = arith.constant 0 : i32
    %add3A_151 = arith.addi %multiple_of3A_137, %add3A_150 : i32
    %dma_start3A_152 = arith.constant 1 : i32
    %dma_start3A_153 = arith.constant 0 : i32
    %dma_start3A_154 = arith.constant 0 : i32
    %dma_start3A_155 = tpu.memref_slice %arg7[%dma_start3A_152, %dma_start3A_153, %dma_start3A_154] : memref<2x5x16xi32, #tpu.memory_space<vmem>> -> memref<1x1x16xi32, #tpu.memory_space<vmem>>
    %dma_start3A_156 = tpu.memref_squeeze %dma_start3A_155 : memref<1x1x16xi32, #tpu.memory_space<vmem>> -> memref<16xi32, #tpu.memory_space<vmem>>
    %dma_start3A_157 = tpu.memref_slice %arg4[%add3A_151] : memref<320000xi32, #tpu.memory_space<hbm>> -> memref<16xi32, #tpu.memory_space<hbm>>
    %dma_start3A_158 = arith.constant 0 : i32
    %dma_start3A_159 = tpu.memref_slice %arg7[%dma_start3A_152, %dma_start3A_153, %dma_start3A_158] : memref<2x5x16xi32, #tpu.memory_space<vmem>> -> memref<1x1x16xi32, #tpu.memory_space<vmem>>
    %dma_start3A_160 = tpu.memref_squeeze %dma_start3A_159 : memref<1x1x16xi32, #tpu.memory_space<vmem>> -> memref<16xi32, #tpu.memory_space<vmem>>
    %dma_start3A_161 = tpu.memref_slice %arg4[%add3A_151] : memref<320000xi32, #tpu.memory_space<hbm>> -> memref<16xi32, #tpu.memory_space<hbm>>
    tpu.enqueue_dma source(%dma_start3A_161 : memref<16xi32, #tpu.memory_space<hbm>>) target(%dma_start3A_160 : memref<16xi32, #tpu.memory_space<vmem>>) target_semaphore(%arg13 : memref<!tpu.dma_semaphore, #tpu.memory_space<semaphore_mem>>)
    %add3A_162 = arith.constant 16 : i32
    %add3A_163 = arith.addi %multiple_of3A_137, %add3A_162 : i32
    %dma_start3A_164 = arith.constant 1 : i32
    %dma_start3A_165 = arith.constant 1 : i32
    %dma_start3A_166 = arith.constant 0 : i32
    %dma_start3A_167 = tpu.memref_slice %arg6[%dma_start3A_164, %dma_start3A_165, %dma_start3A_166] : memref<2x5x16xi32, #tpu.memory_space<vmem>> -> memref<1x1x16xi32, #tpu.memory_space<vmem>>
    %dma_start3A_168 = tpu.memref_squeeze %dma_start3A_167 : memref<1x1x16xi32, #tpu.memory_space<vmem>> -> memref<16xi32, #tpu.memory_space<vmem>>
    %dma_start3A_169 = tpu.memref_slice %arg3[%add3A_163] : memref<320000xi32, #tpu.memory_space<hbm>> -> memref<16xi32, #tpu.memory_space<hbm>>
    %dma_start3A_170 = arith.constant 0 : i32
    %dma_start3A_171 = tpu.memref_slice %arg6[%dma_start3A_164, %dma_start3A_165, %dma_start3A_170] : memref<2x5x16xi32, #tpu.memory_space<vmem>> -> memref<1x1x16xi32, #tpu.memory_space<vmem>>
    %dma_start3A_172 = tpu.memref_squeeze %dma_start3A_171 : memref<1x1x16xi32, #tpu.memory_space<vmem>> -> memref<16xi32, #tpu.memory_space<vmem>>
    %dma_start3A_173 = tpu.memref_slice %arg3[%add3A_163] : memref<320000xi32, #tpu.memory_space<hbm>> -> memref<16xi32, #tpu.memory_space<hbm>>
    tpu.enqueue_dma source(%dma_start3A_173 : memref<16xi32, #tpu.memory_space<hbm>>) target(%dma_start3A_172 : memref<16xi32, #tpu.memory_space<vmem>>) target_semaphore(%arg13 : memref<!tpu.dma_semaphore, #tpu.memory_space<semaphore_mem>>)
    %add3A_174 = arith.constant 16 : i32
    %add3A_175 = arith.addi %multiple_of3A_137, %add3A_174 : i32
    %dma_start3A_176 = arith.constant 1 : i32
    %dma_start3A_177 = arith.constant 1 : i32
    %dma_start3A_178 = arith.constant 0 : i32
    %dma_start3A_179 = tpu.memref_slice %arg7[%dma_start3A_176, %dma_start3A_177, %dma_start3A_178] : memref<2x5x16xi32, #tpu.memory_space<vmem>> -> memref<1x1x16xi32, #tpu.memory_space<vmem>>
    %dma_start3A_180 = tpu.memref_squeeze %dma_start3A_179 : memref<1x1x16xi32, #tpu.memory_space<vmem>> -> memref<16xi32, #tpu.memory_space<vmem>>
    %dma_start3A_181 = tpu.memref_slice %arg4[%add3A_175] : memref<320000xi32, #tpu.memory_space<hbm>> -> memref<16xi32, #tpu.memory_space<hbm>>
    %dma_start3A_182 = arith.constant 0 : i32
    %dma_start3A_183 = tpu.memref_slice %arg7[%dma_start3A_176, %dma_start3A_177, %dma_start3A_182] : memref<2x5x16xi32, #tpu.memory_space<vmem>> -> memref<1x1x16xi32, #tpu.memory_space<vmem>>
    %dma_start3A_184 = tpu.memref_squeeze %dma_start3A_183 : memref<1x1x16xi32, #tpu.memory_space<vmem>> -> memref<16xi32, #tpu.memory_space<vmem>>
    %dma_start3A_185 = tpu.memref_slice %arg4[%add3A_175] : memref<320000xi32, #tpu.memory_space<hbm>> -> memref<16xi32, #tpu.memory_space<hbm>>
    tpu.enqueue_dma source(%dma_start3A_185 : memref<16xi32, #tpu.memory_space<hbm>>) target(%dma_start3A_184 : memref<16xi32, #tpu.memory_space<vmem>>) target_semaphore(%arg13 : memref<!tpu.dma_semaphore, #tpu.memory_space<semaphore_mem>>)
    %add3A_186 = arith.constant 32 : i32
    %add3A_187 = arith.addi %multiple_of3A_137, %add3A_186 : i32
    %dma_start3A_188 = arith.constant 1 : i32
    %dma_start3A_189 = arith.constant 2 : i32
    %dma_start3A_190 = arith.constant 0 : i32
    %dma_start3A_191 = tpu.memref_slice %arg6[%dma_start3A_188, %dma_start3A_189, %dma_start3A_190] : memref<2x5x16xi32, #tpu.memory_space<vmem>> -> memref<1x1x16xi32, #tpu.memory_space<vmem>>
    %dma_start3A_192 = tpu.memref_squeeze %dma_start3A_191 : memref<1x1x16xi32, #tpu.memory_space<vmem>> -> memref<16xi32, #tpu.memory_space<vmem>>
    %dma_start3A_193 = tpu.memref_slice %arg3[%add3A_187] : memref<320000xi32, #tpu.memory_space<hbm>> -> memref<16xi32, #tpu.memory_space<hbm>>
    %dma_start3A_194 = arith.constant 0 : i32
    %dma_start3A_195 = tpu.memref_slice %arg6[%dma_start3A_188, %dma_start3A_189, %dma_start3A_194] : memref<2x5x16xi32, #tpu.memory_space<vmem>> -> memref<1x1x16xi32, #tpu.memory_space<vmem>>
    %dma_start3A_196 = tpu.memref_squeeze %dma_start3A_195 : memref<1x1x16xi32, #tpu.memory_space<vmem>> -> memref<16xi32, #tpu.memory_space<vmem>>
    %dma_start3A_197 = tpu.memref_slice %arg3[%add3A_187] : memref<320000xi32, #tpu.memory_space<hbm>> -> memref<16xi32, #tpu.memory_space<hbm>>
    tpu.enqueue_dma source(%dma_start3A_197 : memref<16xi32, #tpu.memory_space<hbm>>) target(%dma_start3A_196 : memref<16xi32, #tpu.memory_space<vmem>>) target_semaphore(%arg13 : memref<!tpu.dma_semaphore, #tpu.memory_space<semaphore_mem>>)
    %add3A_198 = arith.constant 32 : i32
    %add3A_199 = arith.addi %multiple_of3A_137, %add3A_198 : i32
    %dma_start3A_200 = arith.constant 1 : i32
    %dma_start3A_201 = arith.constant 2 : i32
    %dma_start3A_202 = arith.constant 0 : i32
    %dma_start3A_203 = tpu.memref_slice %arg7[%dma_start3A_200, %dma_start3A_201, %dma_start3A_202] : memref<2x5x16xi32, #tpu.memory_space<vmem>> -> memref<1x1x16xi32, #tpu.memory_space<vmem>>
    %dma_start3A_204 = tpu.memref_squeeze %dma_start3A_203 : memref<1x1x16xi32, #tpu.memory_space<vmem>> -> memref<16xi32, #tpu.memory_space<vmem>>
    %dma_start3A_205 = tpu.memref_slice %arg4[%add3A_199] : memref<320000xi32, #tpu.memory_space<hbm>> -> memref<16xi32, #tpu.memory_space<hbm>>
    %dma_start3A_206 = arith.constant 0 : i32
    %dma_start3A_207 = tpu.memref_slice %arg7[%dma_start3A_200, %dma_start3A_201, %dma_start3A_206] : memref<2x5x16xi32, #tpu.memory_space<vmem>> -> memref<1x1x16xi32, #tpu.memory_space<vmem>>
    %dma_start3A_208 = tpu.memref_squeeze %dma_start3A_207 : memref<1x1x16xi32, #tpu.memory_space<vmem>> -> memref<16xi32, #tpu.memory_space<vmem>>
    %dma_start3A_209 = tpu.memref_slice %arg4[%add3A_199] : memref<320000xi32, #tpu.memory_space<hbm>> -> memref<16xi32, #tpu.memory_space<hbm>>
    tpu.enqueue_dma source(%dma_start3A_209 : memref<16xi32, #tpu.memory_space<hbm>>) target(%dma_start3A_208 : memref<16xi32, #tpu.memory_space<vmem>>) target_semaphore(%arg13 : memref<!tpu.dma_semaphore, #tpu.memory_space<semaphore_mem>>)
    %add3A_210 = arith.constant 48 : i32
    %add3A_211 = arith.addi %multiple_of3A_137, %add3A_210 : i32
    %dma_start3A_212 = arith.constant 1 : i32
    %dma_start3A_213 = arith.constant 3 : i32
    %dma_start3A_214 = arith.constant 0 : i32
    %dma_start3A_215 = tpu.memref_slice %arg6[%dma_start3A_212, %dma_start3A_213, %dma_start3A_214] : memref<2x5x16xi32, #tpu.memory_space<vmem>> -> memref<1x1x16xi32, #tpu.memory_space<vmem>>
    %dma_start3A_216 = tpu.memref_squeeze %dma_start3A_215 : memref<1x1x16xi32, #tpu.memory_space<vmem>> -> memref<16xi32, #tpu.memory_space<vmem>>
    %dma_start3A_217 = tpu.memref_slice %arg3[%add3A_211] : memref<320000xi32, #tpu.memory_space<hbm>> -> memref<16xi32, #tpu.memory_space<hbm>>
    %dma_start3A_218 = arith.constant 0 : i32
    %dma_start3A_219 = tpu.memref_slice %arg6[%dma_start3A_212, %dma_start3A_213, %dma_start3A_218] : memref<2x5x16xi32, #tpu.memory_space<vmem>> -> memref<1x1x16xi32, #tpu.memory_space<vmem>>
    %dma_start3A_220 = tpu.memref_squeeze %dma_start3A_219 : memref<1x1x16xi32, #tpu.memory_space<vmem>> -> memref<16xi32, #tpu.memory_space<vmem>>
    %dma_start3A_221 = tpu.memref_slice %arg3[%add3A_211] : memref<320000xi32, #tpu.memory_space<hbm>> -> memref<16xi32, #tpu.memory_space<hbm>>
    tpu.enqueue_dma source(%dma_start3A_221 : memref<16xi32, #tpu.memory_space<hbm>>) target(%dma_start3A_220 : memref<16xi32, #tpu.memory_space<vmem>>) target_semaphore(%arg13 : memref<!tpu.dma_semaphore, #tpu.memory_space<semaphore_mem>>)
    %add3A_222 = arith.constant 48 : i32
    %add3A_223 = arith.addi %multiple_of3A_137, %add3A_222 : i32
    %dma_start3A_224 = arith.constant 1 : i32
    %dma_start3A_225 = arith.constant 3 : i32
    %dma_start3A_226 = arith.constant 0 : i32
    %dma_start3A_227 = tpu.memref_slice %arg7[%dma_start3A_224, %dma_start3A_225, %dma_start3A_226] : memref<2x5x16xi32, #tpu.memory_space<vmem>> -> memref<1x1x16xi32, #tpu.memory_space<vmem>>
    %dma_start3A_228 = tpu.memref_squeeze %dma_start3A_227 : memref<1x1x16xi32, #tpu.memory_space<vmem>> -> memref<16xi32, #tpu.memory_space<vmem>>
    %dma_start3A_229 = tpu.memref_slice %arg4[%add3A_223] : memref<320000xi32, #tpu.memory_space<hbm>> -> memref<16xi32, #tpu.memory_space<hbm>>
    %dma_start3A_230 = arith.constant 0 : i32
    %dma_start3A_231 = tpu.memref_slice %arg7[%dma_start3A_224, %dma_start3A_225, %dma_start3A_230] : memref<2x5x16xi32, #tpu.memory_space<vmem>> -> memref<1x1x16xi32, #tpu.memory_space<vmem>>
    %dma_start3A_232 = tpu.memref_squeeze %dma_start3A_231 : memref<1x1x16xi32, #tpu.memory_space<vmem>> -> memref<16xi32, #tpu.memory_space<vmem>>
    %dma_start3A_233 = tpu.memref_slice %arg4[%add3A_223] : memref<320000xi32, #tpu.memory_space<hbm>> -> memref<16xi32, #tpu.memory_space<hbm>>
    tpu.enqueue_dma source(%dma_start3A_233 : memref<16xi32, #tpu.memory_space<hbm>>) target(%dma_start3A_232 : memref<16xi32, #tpu.memory_space<vmem>>) target_semaphore(%arg13 : memref<!tpu.dma_semaphore, #tpu.memory_space<semaphore_mem>>)
    %add3A_234 = arith.constant 64 : i32
    %add3A_235 = arith.addi %multiple_of3A_137, %add3A_234 : i32
    %dma_start3A_236 = arith.constant 1 : i32
    %dma_start3A_237 = arith.constant 4 : i32
    %dma_start3A_238 = arith.constant 0 : i32
    %dma_start3A_239 = tpu.memref_slice %arg6[%dma_start3A_236, %dma_start3A_237, %dma_start3A_238] : memref<2x5x16xi32, #tpu.memory_space<vmem>> -> memref<1x1x16xi32, #tpu.memory_space<vmem>>
    %dma_start3A_240 = tpu.memref_squeeze %dma_start3A_239 : memref<1x1x16xi32, #tpu.memory_space<vmem>> -> memref<16xi32, #tpu.memory_space<vmem>>
    %dma_start3A_241 = tpu.memref_slice %arg3[%add3A_235] : memref<320000xi32, #tpu.memory_space<hbm>> -> memref<16xi32, #tpu.memory_space<hbm>>
    %dma_start3A_242 = arith.constant 0 : i32
    %dma_start3A_243 = tpu.memref_slice %arg6[%dma_start3A_236, %dma_start3A_237, %dma_start3A_242] : memref<2x5x16xi32, #tpu.memory_space<vmem>> -> memref<1x1x16xi32, #tpu.memory_space<vmem>>
    %dma_start3A_244 = tpu.memref_squeeze %dma_start3A_243 : memref<1x1x16xi32, #tpu.memory_space<vmem>> -> memref<16xi32, #tpu.memory_space<vmem>>
    %dma_start3A_245 = tpu.memref_slice %arg3[%add3A_235] : memref<320000xi32, #tpu.memory_space<hbm>> -> memref<16xi32, #tpu.memory_space<hbm>>
    tpu.enqueue_dma source(%dma_start3A_245 : memref<16xi32, #tpu.memory_space<hbm>>) target(%dma_start3A_244 : memref<16xi32, #tpu.memory_space<vmem>>) target_semaphore(%arg13 : memref<!tpu.dma_semaphore, #tpu.memory_space<semaphore_mem>>)
    %add3A_246 = arith.constant 64 : i32
    %add3A_247 = arith.addi %multiple_of3A_137, %add3A_246 : i32
    %dma_start3A_248 = arith.constant 1 : i32
    %dma_start3A_249 = arith.constant 4 : i32
    %dma_start3A_250 = arith.constant 0 : i32
    %dma_start3A_251 = tpu.memref_slice %arg7[%dma_start3A_248, %dma_start3A_249, %dma_start3A_250] : memref<2x5x16xi32, #tpu.memory_space<vmem>> -> memref<1x1x16xi32, #tpu.memory_space<vmem>>
    %dma_start3A_252 = tpu.memref_squeeze %dma_start3A_251 : memref<1x1x16xi32, #tpu.memory_space<vmem>> -> memref<16xi32, #tpu.memory_space<vmem>>
    %dma_start3A_253 = tpu.memref_slice %arg4[%add3A_247] : memref<320000xi32, #tpu.memory_space<hbm>> -> memref<16xi32, #tpu.memory_space<hbm>>
    %dma_start3A_254 = arith.constant 0 : i32
    %dma_start3A_255 = tpu.memref_slice %arg7[%dma_start3A_248, %dma_start3A_249, %dma_start3A_254] : memref<2x5x16xi32, #tpu.memory_space<vmem>> -> memref<1x1x16xi32, #tpu.memory_space<vmem>>
    %dma_start3A_256 = tpu.memref_squeeze %dma_start3A_255 : memref<1x1x16xi32, #tpu.memory_space<vmem>> -> memref<16xi32, #tpu.memory_space<vmem>>
    %dma_start3A_257 = tpu.memref_slice %arg4[%add3A_247] : memref<320000xi32, #tpu.memory_space<hbm>> -> memref<16xi32, #tpu.memory_space<hbm>>
    tpu.enqueue_dma source(%dma_start3A_257 : memref<16xi32, #tpu.memory_space<hbm>>) target(%dma_start3A_256 : memref<16xi32, #tpu.memory_space<vmem>>) target_semaphore(%arg13 : memref<!tpu.dma_semaphore, #tpu.memory_space<semaphore_mem>>)
    %dma_wait3A = arith.constant 0 : i32
    %dma_wait3A_258 = tpu.memref_slice %arg11[%multiple_of3A, %dma_wait3A] : memref<10000x128xf32, #tpu.memory_space<vmem_shared>> -> memref<624x128xf32, #tpu.memory_space<vmem_shared>>
    %dma_wait3A_259 = arith.constant 0 : i32
    %dma_wait3A_260 = tpu.memref_slice %arg2[%multiple_of3A, %dma_wait3A_259] : memref<10000x128xf32, #tpu.memory_space<hbm>> -> memref<624x128xf32, #tpu.memory_space<hbm>>
    tpu.wait_dma2 semaphore(%arg18 : memref<!tpu.dma_semaphore, #tpu.memory_space<semaphore_mem>>) src(%dma_wait3A_260 : memref<624x128xf32, #tpu.memory_space<hbm>>) dst(%dma_wait3A_258 : memref<624x128xf32, #tpu.memory_space<vmem_shared>>)
    %barrier3A = arith.constant 0 : index
    tpu.barrier barrier_id(%barrier3A)
    %dma_wait3A_261 = arith.constant 0 : i32
    %dma_wait3A_262 = arith.constant 0 : i32
    %dma_wait3A_263 = arith.constant 0 : i32
    %dma_wait3A_264 = tpu.memref_slice %arg6[%dma_wait3A_261, %dma_wait3A_262, %dma_wait3A_263] : memref<2x5x16xi32, #tpu.memory_space<vmem>> -> memref<1x1x16xi32, #tpu.memory_space<vmem>>
    %dma_wait3A_265 = tpu.memref_squeeze %dma_wait3A_264 : memref<1x1x16xi32, #tpu.memory_space<vmem>> -> memref<16xi32, #tpu.memory_space<vmem>>
    %dma_wait3A_266 = arith.constant 0 : i32
    %dma_wait3A_267 = tpu.memref_slice %arg3[%dma_wait3A_266] : memref<320000xi32, #tpu.memory_space<hbm>> -> memref<16xi32, #tpu.memory_space<hbm>>
    %dma_wait3A_268 = arith.constant 0 : i32
    %dma_wait3A_269 = tpu.memref_slice %arg6[%dma_wait3A_261, %dma_wait3A_262, %dma_wait3A_268] : memref<2x5x16xi32, #tpu.memory_space<vmem>> -> memref<1x1x16xi32, #tpu.memory_space<vmem>>
    %dma_wait3A_270 = tpu.memref_squeeze %dma_wait3A_269 : memref<1x1x16xi32, #tpu.memory_space<vmem>> -> memref<16xi32, #tpu.memory_space<vmem>>
    %dma_wait3A_271 = arith.constant 0 : i32
    %dma_wait3A_272 = tpu.memref_slice %arg3[%dma_wait3A_271] : memref<320000xi32, #tpu.memory_space<hbm>> -> memref<16xi32, #tpu.memory_space<hbm>>
    tpu.wait_dma2 semaphore(%arg12 : memref<!tpu.dma_semaphore, #tpu.memory_space<semaphore_mem>>) src(%dma_wait3A_272 : memref<16xi32, #tpu.memory_space<hbm>>) dst(%dma_wait3A_270 : memref<16xi32, #tpu.memory_space<vmem>>)
    %dma_wait3A_273 = arith.constant 0 : i32
    %dma_wait3A_274 = arith.constant 0 : i32
    %dma_wait3A_275 = arith.constant 0 : i32
    %dma_wait3A_276 = tpu.memref_slice %arg7[%dma_wait3A_273, %dma_wait3A_274, %dma_wait3A_275] : memref<2x5x16xi32, #tpu.memory_space<vmem>> -> memref<1x1x16xi32, #tpu.memory_space<vmem>>
    %dma_wait3A_277 = tpu.memref_squeeze %dma_wait3A_276 : memref<1x1x16xi32, #tpu.memory_space<vmem>> -> memref<16xi32, #tpu.memory_space<vmem>>
    %dma_wait3A_278 = arith.constant 0 : i32
    %dma_wait3A_279 = tpu.memref_slice %arg4[%dma_wait3A_278] : memref<320000xi32, #tpu.memory_space<hbm>> -> memref<16xi32, #tpu.memory_space<hbm>>
    %dma_wait3A_280 = arith.constant 0 : i32
    %dma_wait3A_281 = tpu.memref_slice %arg7[%dma_wait3A_273, %dma_wait3A_274, %dma_wait3A_280] : memref<2x5x16xi32, #tpu.memory_space<vmem>> -> memref<1x1x16xi32, #tpu.memory_space<vmem>>
    %dma_wait3A_282 = tpu.memref_squeeze %dma_wait3A_281 : memref<1x1x16xi32, #tpu.memory_space<vmem>> -> memref<16xi32, #tpu.memory_space<vmem>>
    %dma_wait3A_283 = arith.constant 0 : i32
    %dma_wait3A_284 = tpu.memref_slice %arg4[%dma_wait3A_283] : memref<320000xi32, #tpu.memory_space<hbm>> -> memref<16xi32, #tpu.memory_space<hbm>>
    tpu.wait_dma2 semaphore(%arg12 : memref<!tpu.dma_semaphore, #tpu.memory_space<semaphore_mem>>) src(%dma_wait3A_284 : memref<16xi32, #tpu.memory_space<hbm>>) dst(%dma_wait3A_282 : memref<16xi32, #tpu.memory_space<vmem>>)
    %dma_wait3A_285 = arith.constant 0 : i32
    %dma_wait3A_286 = arith.constant 1 : i32
    %dma_wait3A_287 = arith.constant 0 : i32
    %dma_wait3A_288 = tpu.memref_slice %arg6[%dma_wait3A_285, %dma_wait3A_286, %dma_wait3A_287] : memref<2x5x16xi32, #tpu.memory_space<vmem>> -> memref<1x1x16xi32, #tpu.memory_space<vmem>>
    %dma_wait3A_289 = tpu.memref_squeeze %dma_wait3A_288 : memref<1x1x16xi32, #tpu.memory_space<vmem>> -> memref<16xi32, #tpu.memory_space<vmem>>
    %dma_wait3A_290 = arith.constant 0 : i32
    %dma_wait3A_291 = tpu.memref_slice %arg3[%dma_wait3A_290] : memref<320000xi32, #tpu.memory_space<hbm>> -> memref<16xi32, #tpu.memory_space<hbm>>
    %dma_wait3A_292 = arith.constant 0 : i32
    %dma_wait3A_293 = tpu.memref_slice %arg6[%dma_wait3A_285, %dma_wait3A_286, %dma_wait3A_292] : memref<2x5x16xi32, #tpu.memory_space<vmem>> -> memref<1x1x16xi32, #tpu.memory_space<vmem>>
    %dma_wait3A_294 = tpu.memref_squeeze %dma_wait3A_293 : memref<1x1x16xi32, #tpu.memory_space<vmem>> -> memref<16xi32, #tpu.memory_space<vmem>>
    %dma_wait3A_295 = arith.constant 0 : i32
    %dma_wait3A_296 = tpu.memref_slice %arg3[%dma_wait3A_295] : memref<320000xi32, #tpu.memory_space<hbm>> -> memref<16xi32, #tpu.memory_space<hbm>>
    tpu.wait_dma2 semaphore(%arg12 : memref<!tpu.dma_semaphore, #tpu.memory_space<semaphore_mem>>) src(%dma_wait3A_296 : memref<16xi32, #tpu.memory_space<hbm>>) dst(%dma_wait3A_294 : memref<16xi32, #tpu.memory_space<vmem>>)
    %dma_wait3A_297 = arith.constant 0 : i32
    %dma_wait3A_298 = arith.constant 1 : i32
    %dma_wait3A_299 = arith.constant 0 : i32
    %dma_wait3A_300 = tpu.memref_slice %arg7[%dma_wait3A_297, %dma_wait3A_298, %dma_wait3A_299] : memref<2x5x16xi32, #tpu.memory_space<vmem>> -> memref<1x1x16xi32, #tpu.memory_space<vmem>>
    %dma_wait3A_301 = tpu.memref_squeeze %dma_wait3A_300 : memref<1x1x16xi32, #tpu.memory_space<vmem>> -> memref<16xi32, #tpu.memory_space<vmem>>
    %dma_wait3A_302 = arith.constant 0 : i32
    %dma_wait3A_303 = tpu.memref_slice %arg4[%dma_wait3A_302] : memref<320000xi32, #tpu.memory_space<hbm>> -> memref<16xi32, #tpu.memory_space<hbm>>
    %dma_wait3A_304 = arith.constant 0 : i32
    %dma_wait3A_305 = tpu.memref_slice %arg7[%dma_wait3A_297, %dma_wait3A_298, %dma_wait3A_304] : memref<2x5x16xi32, #tpu.memory_space<vmem>> -> memref<1x1x16xi32, #tpu.memory_space<vmem>>
    %dma_wait3A_306 = tpu.memref_squeeze %dma_wait3A_305 : memref<1x1x16xi32, #tpu.memory_space<vmem>> -> memref<16xi32, #tpu.memory_space<vmem>>
    %dma_wait3A_307 = arith.constant 0 : i32
    %dma_wait3A_308 = tpu.memref_slice %arg4[%dma_wait3A_307] : memref<320000xi32, #tpu.memory_space<hbm>> -> memref<16xi32, #tpu.memory_space<hbm>>
    tpu.wait_dma2 semaphore(%arg12 : memref<!tpu.dma_semaphore, #tpu.memory_space<semaphore_mem>>) src(%dma_wait3A_308 : memref<16xi32, #tpu.memory_space<hbm>>) dst(%dma_wait3A_306 : memref<16xi32, #tpu.memory_space<vmem>>)
    %dma_wait3A_309 = arith.constant 0 : i32
    %dma_wait3A_310 = arith.constant 2 : i32
    %dma_wait3A_311 = arith.constant 0 : i32
    %dma_wait3A_312 = tpu.memref_slice %arg6[%dma_wait3A_309, %dma_wait3A_310, %dma_wait3A_311] : memref<2x5x16xi32, #tpu.memory_space<vmem>> -> memref<1x1x16xi32, #tpu.memory_space<vmem>>
    %dma_wait3A_313 = tpu.memref_squeeze %dma_wait3A_312 : memref<1x1x16xi32, #tpu.memory_space<vmem>> -> memref<16xi32, #tpu.memory_space<vmem>>
    %dma_wait3A_314 = arith.constant 0 : i32
    %dma_wait3A_315 = tpu.memref_slice %arg3[%dma_wait3A_314] : memref<320000xi32, #tpu.memory_space<hbm>> -> memref<16xi32, #tpu.memory_space<hbm>>
    %dma_wait3A_316 = arith.constant 0 : i32
    %dma_wait3A_317 = tpu.memref_slice %arg6[%dma_wait3A_309, %dma_wait3A_310, %dma_wait3A_316] : memref<2x5x16xi32, #tpu.memory_space<vmem>> -> memref<1x1x16xi32, #tpu.memory_space<vmem>>
    %dma_wait3A_318 = tpu.memref_squeeze %dma_wait3A_317 : memref<1x1x16xi32, #tpu.memory_space<vmem>> -> memref<16xi32, #tpu.memory_space<vmem>>
    %dma_wait3A_319 = arith.constant 0 : i32
    %dma_wait3A_320 = tpu.memref_slice %arg3[%dma_wait3A_319] : memref<320000xi32, #tpu.memory_space<hbm>> -> memref<16xi32, #tpu.memory_space<hbm>>
    tpu.wait_dma2 semaphore(%arg12 : memref<!tpu.dma_semaphore, #tpu.memory_space<semaphore_mem>>) src(%dma_wait3A_320 : memref<16xi32, #tpu.memory_space<hbm>>) dst(%dma_wait3A_318 : memref<16xi32, #tpu.memory_space<vmem>>)
    %dma_wait3A_321 = arith.constant 0 : i32
    %dma_wait3A_322 = arith.constant 2 : i32
    %dma_wait3A_323 = arith.constant 0 : i32
    %dma_wait3A_324 = tpu.memref_slice %arg7[%dma_wait3A_321, %dma_wait3A_322, %dma_wait3A_323] : memref<2x5x16xi32, #tpu.memory_space<vmem>> -> memref<1x1x16xi32, #tpu.memory_space<vmem>>
    %dma_wait3A_325 = tpu.memref_squeeze %dma_wait3A_324 : memref<1x1x16xi32, #tpu.memory_space<vmem>> -> memref<16xi32, #tpu.memory_space<vmem>>
    %dma_wait3A_326 = arith.constant 0 : i32
    %dma_wait3A_327 = tpu.memref_slice %arg4[%dma_wait3A_326] : memref<320000xi32, #tpu.memory_space<hbm>> -> memref<16xi32, #tpu.memory_space<hbm>>
    %dma_wait3A_328 = arith.constant 0 : i32
    %dma_wait3A_329 = tpu.memref_slice %arg7[%dma_wait3A_321, %dma_wait3A_322, %dma_wait3A_328] : memref<2x5x16xi32, #tpu.memory_space<vmem>> -> memref<1x1x16xi32, #tpu.memory_space<vmem>>
    %dma_wait3A_330 = tpu.memref_squeeze %dma_wait3A_329 : memref<1x1x16xi32, #tpu.memory_space<vmem>> -> memref<16xi32, #tpu.memory_space<vmem>>
    %dma_wait3A_331 = arith.constant 0 : i32
    %dma_wait3A_332 = tpu.memref_slice %arg4[%dma_wait3A_331] : memref<320000xi32, #tpu.memory_space<hbm>> -> memref<16xi32, #tpu.memory_space<hbm>>
    tpu.wait_dma2 semaphore(%arg12 : memref<!tpu.dma_semaphore, #tpu.memory_space<semaphore_mem>>) src(%dma_wait3A_332 : memref<16xi32, #tpu.memory_space<hbm>>) dst(%dma_wait3A_330 : memref<16xi32, #tpu.memory_space<vmem>>)
    %dma_wait3A_333 = arith.constant 0 : i32
    %dma_wait3A_334 = arith.constant 3 : i32
    %dma_wait3A_335 = arith.constant 0 : i32
    %dma_wait3A_336 = tpu.memref_slice %arg6[%dma_wait3A_333, %dma_wait3A_334, %dma_wait3A_335] : memref<2x5x16xi32, #tpu.memory_space<vmem>> -> memref<1x1x16xi32, #tpu.memory_space<vmem>>
    %dma_wait3A_337 = tpu.memref_squeeze %dma_wait3A_336 : memref<1x1x16xi32, #tpu.memory_space<vmem>> -> memref<16xi32, #tpu.memory_space<vmem>>
    %dma_wait3A_338 = arith.constant 0 : i32
    %dma_wait3A_339 = tpu.memref_slice %arg3[%dma_wait3A_338] : memref<320000xi32, #tpu.memory_space<hbm>> -> memref<16xi32, #tpu.memory_space<hbm>>
    %dma_wait3A_340 = arith.constant 0 : i32
    %dma_wait3A_341 = tpu.memref_slice %arg6[%dma_wait3A_333, %dma_wait3A_334, %dma_wait3A_340] : memref<2x5x16xi32, #tpu.memory_space<vmem>> -> memref<1x1x16xi32, #tpu.memory_space<vmem>>
    %dma_wait3A_342 = tpu.memref_squeeze %dma_wait3A_341 : memref<1x1x16xi32, #tpu.memory_space<vmem>> -> memref<16xi32, #tpu.memory_space<vmem>>
    %dma_wait3A_343 = arith.constant 0 : i32
    %dma_wait3A_344 = tpu.memref_slice %arg3[%dma_wait3A_343] : memref<320000xi32, #tpu.memory_space<hbm>> -> memref<16xi32, #tpu.memory_space<hbm>>
    tpu.wait_dma2 semaphore(%arg12 : memref<!tpu.dma_semaphore, #tpu.memory_space<semaphore_mem>>) src(%dma_wait3A_344 : memref<16xi32, #tpu.memory_space<hbm>>) dst(%dma_wait3A_342 : memref<16xi32, #tpu.memory_space<vmem>>)
    %dma_wait3A_345 = arith.constant 0 : i32
    %dma_wait3A_346 = arith.constant 3 : i32
    %dma_wait3A_347 = arith.constant 0 : i32
    %dma_wait3A_348 = tpu.memref_slice %arg7[%dma_wait3A_345, %dma_wait3A_346, %dma_wait3A_347] : memref<2x5x16xi32, #tpu.memory_space<vmem>> -> memref<1x1x16xi32, #tpu.memory_space<vmem>>
    %dma_wait3A_349 = tpu.memref_squeeze %dma_wait3A_348 : memref<1x1x16xi32, #tpu.memory_space<vmem>> -> memref<16xi32, #tpu.memory_space<vmem>>
    %dma_wait3A_350 = arith.constant 0 : i32
    %dma_wait3A_351 = tpu.memref_slice %arg4[%dma_wait3A_350] : memref<320000xi32, #tpu.memory_space<hbm>> -> memref<16xi32, #tpu.memory_space<hbm>>
    %dma_wait3A_352 = arith.constant 0 : i32
    %dma_wait3A_353 = tpu.memref_slice %arg7[%dma_wait3A_345, %dma_wait3A_346, %dma_wait3A_352] : memref<2x5x16xi32, #tpu.memory_space<vmem>> -> memref<1x1x16xi32, #tpu.memory_space<vmem>>
    %dma_wait3A_354 = tpu.memref_squeeze %dma_wait3A_353 : memref<1x1x16xi32, #tpu.memory_space<vmem>> -> memref<16xi32, #tpu.memory_space<vmem>>
    %dma_wait3A_355 = arith.constant 0 : i32
    %dma_wait3A_356 = tpu.memref_slice %arg4[%dma_wait3A_355] : memref<320000xi32, #tpu.memory_space<hbm>> -> memref<16xi32, #tpu.memory_space<hbm>>
    tpu.wait_dma2 semaphore(%arg12 : memref<!tpu.dma_semaphore, #tpu.memory_space<semaphore_mem>>) src(%dma_wait3A_356 : memref<16xi32, #tpu.memory_space<hbm>>) dst(%dma_wait3A_354 : memref<16xi32, #tpu.memory_space<vmem>>)
    %dma_wait3A_357 = arith.constant 0 : i32
    %dma_wait3A_358 = arith.constant 4 : i32
    %dma_wait3A_359 = arith.constant 0 : i32
    %dma_wait3A_360 = tpu.memref_slice %arg6[%dma_wait3A_357, %dma_wait3A_358, %dma_wait3A_359] : memref<2x5x16xi32, #tpu.memory_space<vmem>> -> memref<1x1x16xi32, #tpu.memory_space<vmem>>
    %dma_wait3A_361 = tpu.memref_squeeze %dma_wait3A_360 : memref<1x1x16xi32, #tpu.memory_space<vmem>> -> memref<16xi32, #tpu.memory_space<vmem>>
    %dma_wait3A_362 = arith.constant 0 : i32
    %dma_wait3A_363 = tpu.memref_slice %arg3[%dma_wait3A_362] : memref<320000xi32, #tpu.memory_space<hbm>> -> memref<16xi32, #tpu.memory_space<hbm>>
    %dma_wait3A_364 = arith.constant 0 : i32
    %dma_wait3A_365 = tpu.memref_slice %arg6[%dma_wait3A_357, %dma_wait3A_358, %dma_wait3A_364] : memref<2x5x16xi32, #tpu.memory_space<vmem>> -> memref<1x1x16xi32, #tpu.memory_space<vmem>>
    %dma_wait3A_366 = tpu.memref_squeeze %dma_wait3A_365 : memref<1x1x16xi32, #tpu.memory_space<vmem>> -> memref<16xi32, #tpu.memory_space<vmem>>
    %dma_wait3A_367 = arith.constant 0 : i32
    %dma_wait3A_368 = tpu.memref_slice %arg3[%dma_wait3A_367] : memref<320000xi32, #tpu.memory_space<hbm>> -> memref<16xi32, #tpu.memory_space<hbm>>
    tpu.wait_dma2 semaphore(%arg12 : memref<!tpu.dma_semaphore, #tpu.memory_space<semaphore_mem>>) src(%dma_wait3A_368 : memref<16xi32, #tpu.memory_space<hbm>>) dst(%dma_wait3A_366 : memref<16xi32, #tpu.memory_space<vmem>>)
    %dma_wait3A_369 = arith.constant 0 : i32
    %dma_wait3A_370 = arith.constant 4 : i32
    %dma_wait3A_371 = arith.constant 0 : i32
    %dma_wait3A_372 = tpu.memref_slice %arg7[%dma_wait3A_369, %dma_wait3A_370, %dma_wait3A_371] : memref<2x5x16xi32, #tpu.memory_space<vmem>> -> memref<1x1x16xi32, #tpu.memory_space<vmem>>
    %dma_wait3A_373 = tpu.memref_squeeze %dma_wait3A_372 : memref<1x1x16xi32, #tpu.memory_space<vmem>> -> memref<16xi32, #tpu.memory_space<vmem>>
    %dma_wait3A_374 = arith.constant 0 : i32
    %dma_wait3A_375 = tpu.memref_slice %arg4[%dma_wait3A_374] : memref<320000xi32, #tpu.memory_space<hbm>> -> memref<16xi32, #tpu.memory_space<hbm>>
    %dma_wait3A_376 = arith.constant 0 : i32
    %dma_wait3A_377 = tpu.memref_slice %arg7[%dma_wait3A_369, %dma_wait3A_370, %dma_wait3A_376] : memref<2x5x16xi32, #tpu.memory_space<vmem>> -> memref<1x1x16xi32, #tpu.memory_space<vmem>>
    %dma_wait3A_378 = tpu.memref_squeeze %dma_wait3A_377 : memref<1x1x16xi32, #tpu.memory_space<vmem>> -> memref<16xi32, #tpu.memory_space<vmem>>
    %dma_wait3A_379 = arith.constant 0 : i32
    %dma_wait3A_380 = tpu.memref_slice %arg4[%dma_wait3A_379] : memref<320000xi32, #tpu.memory_space<hbm>> -> memref<16xi32, #tpu.memory_space<hbm>>
    tpu.wait_dma2 semaphore(%arg12 : memref<!tpu.dma_semaphore, #tpu.memory_space<semaphore_mem>>) src(%dma_wait3A_380 : memref<16xi32, #tpu.memory_space<hbm>>) dst(%dma_wait3A_378 : memref<16xi32, #tpu.memory_space<vmem>>)
    %dma_start3A_381 = arith.constant 0 : i32
    %dma_start3A_382 = arith.constant 0 : i32
    %dma_start3A_383 = arith.constant 0 : i32
    %dma_start3A_384 = arith.constant 0 : i32
    %dma_start3A_385 = arith.constant 0 : i32
    %dma_start3A_386 = tpu.memref_slice %arg8[%dma_start3A_383, %dma_start3A_384, %dma_start3A_385] : memref<2x80x128xf32, #tpu.memory_space<vmem>> -> memref<1x16x128xf32, #tpu.memory_space<vmem>>
    %dma_start3A_387 = tpu.memref_squeeze %dma_start3A_386 : memref<1x16x128xf32, #tpu.memory_space<vmem>> -> memref<16x128xf32, #tpu.memory_space<vmem>>
    %dma_start3A_388 = arith.constant 0 : i32
    %dma_start3A_389 = tpu.memref_slice %arg6[%dma_start3A_381, %dma_start3A_382, %dma_start3A_388] : memref<2x5x16xi32, #tpu.memory_space<vmem>> -> memref<1x1x16xi32, #tpu.memory_space<vmem>>
    %dma_start3A_390 = tpu.memref_squeeze %dma_start3A_389 : memref<1x1x16xi32, #tpu.memory_space<vmem>> -> memref<16xi32, #tpu.memory_space<vmem>>
    %dma_start3A_391 = arith.constant 0 : i32
    %dma_start3A_392 = arith.constant 0 : i32
    %dma_start3A_393 = tpu.memref_slice %arg11[%dma_start3A_391, %dma_start3A_392] : memref<10000x128xf32, #tpu.memory_space<vmem_shared>> -> memref<10000x128xf32, #tpu.memory_space<vmem_shared>>
    tpu.enqueue_indirect_dma source(%dma_start3A_393 : memref<10000x128xf32, #tpu.memory_space<vmem_shared>>) target(%dma_start3A_387 : memref<16x128xf32, #tpu.memory_space<vmem>>) offsets(%dma_start3A_390 : memref<16xi32, #tpu.memory_space<vmem>>) semaphore(%arg14 : memref<!tpu.dma_semaphore, #tpu.memory_space<semaphore_mem>>)
    %dma_start3A_394 = arith.constant 0 : i32
    %dma_start3A_395 = arith.constant 0 : i32
    %dma_start3A_396 = arith.constant 0 : i32
    %dma_start3A_397 = arith.constant 0 : i32
    %dma_start3A_398 = arith.constant 0 : i32
    %dma_start3A_399 = tpu.memref_slice %arg9[%dma_start3A_396, %dma_start3A_397, %dma_start3A_398] : memref<2x80x128xf32, #tpu.memory_space<vmem>> -> memref<1x16x128xf32, #tpu.memory_space<vmem>>
    %dma_start3A_400 = tpu.memref_squeeze %dma_start3A_399 : memref<1x16x128xf32, #tpu.memory_space<vmem>> -> memref<16x128xf32, #tpu.memory_space<vmem>>
    %dma_start3A_401 = arith.constant 0 : i32
    %dma_start3A_402 = tpu.memref_slice %arg7[%dma_start3A_394, %dma_start3A_395, %dma_start3A_401] : memref<2x5x16xi32, #tpu.memory_space<vmem>> -> memref<1x1x16xi32, #tpu.memory_space<vmem>>
    %dma_start3A_403 = tpu.memref_squeeze %dma_start3A_402 : memref<1x1x16xi32, #tpu.memory_space<vmem>> -> memref<16xi32, #tpu.memory_space<vmem>>
    %dma_start3A_404 = arith.constant 0 : i32
    %dma_start3A_405 = arith.constant 0 : i32
    %dma_start3A_406 = tpu.memref_slice %arg11[%dma_start3A_404, %dma_start3A_405] : memref<10000x128xf32, #tpu.memory_space<vmem_shared>> -> memref<10000x128xf32, #tpu.memory_space<vmem_shared>>
    tpu.enqueue_indirect_dma source(%dma_start3A_406 : memref<10000x128xf32, #tpu.memory_space<vmem_shared>>) target(%dma_start3A_400 : memref<16x128xf32, #tpu.memory_space<vmem>>) offsets(%dma_start3A_403 : memref<16xi32, #tpu.memory_space<vmem>>) semaphore(%arg14 : memref<!tpu.dma_semaphore, #tpu.memory_space<semaphore_mem>>)
    %dma_start3A_407 = arith.constant 0 : i32
    %dma_start3A_408 = arith.constant 1 : i32
    %dma_start3A_409 = arith.constant 0 : i32
    %dma_start3A_410 = arith.constant 16 : i32
    %dma_start3A_411 = arith.constant 0 : i32
    %dma_start3A_412 = tpu.memref_slice %arg8[%dma_start3A_409, %dma_start3A_410, %dma_start3A_411] : memref<2x80x128xf32, #tpu.memory_space<vmem>> -> memref<1x16x128xf32, #tpu.memory_space<vmem>>
    %dma_start3A_413 = tpu.memref_squeeze %dma_start3A_412 : memref<1x16x128xf32, #tpu.memory_space<vmem>> -> memref<16x128xf32, #tpu.memory_space<vmem>>
    %dma_start3A_414 = arith.constant 0 : i32
    %dma_start3A_415 = tpu.memref_slice %arg6[%dma_start3A_407, %dma_start3A_408, %dma_start3A_414] : memref<2x5x16xi32, #tpu.memory_space<vmem>> -> memref<1x1x16xi32, #tpu.memory_space<vmem>>
    %dma_start3A_416 = tpu.memref_squeeze %dma_start3A_415 : memref<1x1x16xi32, #tpu.memory_space<vmem>> -> memref<16xi32, #tpu.memory_space<vmem>>
    %dma_start3A_417 = arith.constant 0 : i32
    %dma_start3A_418 = arith.constant 0 : i32
    %dma_start3A_419 = tpu.memref_slice %arg11[%dma_start3A_417, %dma_start3A_418] : memref<10000x128xf32, #tpu.memory_space<vmem_shared>> -> memref<10000x128xf32, #tpu.memory_space<vmem_shared>>
    tpu.enqueue_indirect_dma source(%dma_start3A_419 : memref<10000x128xf32, #tpu.memory_space<vmem_shared>>) target(%dma_start3A_413 : memref<16x128xf32, #tpu.memory_space<vmem>>) offsets(%dma_start3A_416 : memref<16xi32, #tpu.memory_space<vmem>>) semaphore(%arg14 : memref<!tpu.dma_semaphore, #tpu.memory_space<semaphore_mem>>)
    %dma_start3A_420 = arith.constant 0 : i32
    %dma_start3A_421 = arith.constant 1 : i32
    %dma_start3A_422 = arith.constant 0 : i32
    %dma_start3A_423 = arith.constant 16 : i32
    %dma_start3A_424 = arith.constant 0 : i32
    %dma_start3A_425 = tpu.memref_slice %arg9[%dma_start3A_422, %dma_start3A_423, %dma_start3A_424] : memref<2x80x128xf32, #tpu.memory_space<vmem>> -> memref<1x16x128xf32, #tpu.memory_space<vmem>>
    %dma_start3A_426 = tpu.memref_squeeze %dma_start3A_425 : memref<1x16x128xf32, #tpu.memory_space<vmem>> -> memref<16x128xf32, #tpu.memory_space<vmem>>
    %dma_start3A_427 = arith.constant 0 : i32
    %dma_start3A_428 = tpu.memref_slice %arg7[%dma_start3A_420, %dma_start3A_421, %dma_start3A_427] : memref<2x5x16xi32, #tpu.memory_space<vmem>> -> memref<1x1x16xi32, #tpu.memory_space<vmem>>
    %dma_start3A_429 = tpu.memref_squeeze %dma_start3A_428 : memref<1x1x16xi32, #tpu.memory_space<vmem>> -> memref<16xi32, #tpu.memory_space<vmem>>
    %dma_start3A_430 = arith.constant 0 : i32
    %dma_start3A_431 = arith.constant 0 : i32
    %dma_start3A_432 = tpu.memref_slice %arg11[%dma_start3A_430, %dma_start3A_431] : memref<10000x128xf32, #tpu.memory_space<vmem_shared>> -> memref<10000x128xf32, #tpu.memory_space<vmem_shared>>
    tpu.enqueue_indirect_dma source(%dma_start3A_432 : memref<10000x128xf32, #tpu.memory_space<vmem_shared>>) target(%dma_start3A_426 : memref<16x128xf32, #tpu.memory_space<vmem>>) offsets(%dma_start3A_429 : memref<16xi32, #tpu.memory_space<vmem>>) semaphore(%arg14 : memref<!tpu.dma_semaphore, #tpu.memory_space<semaphore_mem>>)
    %dma_start3A_433 = arith.constant 0 : i32
    %dma_start3A_434 = arith.constant 2 : i32
    %dma_start3A_435 = arith.constant 0 : i32
    %dma_start3A_436 = arith.constant 32 : i32
    %dma_start3A_437 = arith.constant 0 : i32
    %dma_start3A_438 = tpu.memref_slice %arg8[%dma_start3A_435, %dma_start3A_436, %dma_start3A_437] : memref<2x80x128xf32, #tpu.memory_space<vmem>> -> memref<1x16x128xf32, #tpu.memory_space<vmem>>
    %dma_start3A_439 = tpu.memref_squeeze %dma_start3A_438 : memref<1x16x128xf32, #tpu.memory_space<vmem>> -> memref<16x128xf32, #tpu.memory_space<vmem>>
    %dma_start3A_440 = arith.constant 0 : i32
    %dma_start3A_441 = tpu.memref_slice %arg6[%dma_start3A_433, %dma_start3A_434, %dma_start3A_440] : memref<2x5x16xi32, #tpu.memory_space<vmem>> -> memref<1x1x16xi32, #tpu.memory_space<vmem>>
    %dma_start3A_442 = tpu.memref_squeeze %dma_start3A_441 : memref<1x1x16xi32, #tpu.memory_space<vmem>> -> memref<16xi32, #tpu.memory_space<vmem>>
    %dma_start3A_443 = arith.constant 0 : i32
    %dma_start3A_444 = arith.constant 0 : i32
    %dma_start3A_445 = tpu.memref_slice %arg11[%dma_start3A_443, %dma_start3A_444] : memref<10000x128xf32, #tpu.memory_space<vmem_shared>> -> memref<10000x128xf32, #tpu.memory_space<vmem_shared>>
    tpu.enqueue_indirect_dma source(%dma_start3A_445 : memref<10000x128xf32, #tpu.memory_space<vmem_shared>>) target(%dma_start3A_439 : memref<16x128xf32, #tpu.memory_space<vmem>>) offsets(%dma_start3A_442 : memref<16xi32, #tpu.memory_space<vmem>>) semaphore(%arg14 : memref<!tpu.dma_semaphore, #tpu.memory_space<semaphore_mem>>)
    %dma_start3A_446 = arith.constant 0 : i32
    %dma_start3A_447 = arith.constant 2 : i32
    %dma_start3A_448 = arith.constant 0 : i32
    %dma_start3A_449 = arith.constant 32 : i32
    %dma_start3A_450 = arith.constant 0 : i32
    %dma_start3A_451 = tpu.memref_slice %arg9[%dma_start3A_448, %dma_start3A_449, %dma_start3A_450] : memref<2x80x128xf32, #tpu.memory_space<vmem>> -> memref<1x16x128xf32, #tpu.memory_space<vmem>>
    %dma_start3A_452 = tpu.memref_squeeze %dma_start3A_451 : memref<1x16x128xf32, #tpu.memory_space<vmem>> -> memref<16x128xf32, #tpu.memory_space<vmem>>
    %dma_start3A_453 = arith.constant 0 : i32
    %dma_start3A_454 = tpu.memref_slice %arg7[%dma_start3A_446, %dma_start3A_447, %dma_start3A_453] : memref<2x5x16xi32, #tpu.memory_space<vmem>> -> memref<1x1x16xi32, #tpu.memory_space<vmem>>
    %dma_start3A_455 = tpu.memref_squeeze %dma_start3A_454 : memref<1x1x16xi32, #tpu.memory_space<vmem>> -> memref<16xi32, #tpu.memory_space<vmem>>
    %dma_start3A_456 = arith.constant 0 : i32
    %dma_start3A_457 = arith.constant 0 : i32
    %dma_start3A_458 = tpu.memref_slice %arg11[%dma_start3A_456, %dma_start3A_457] : memref<10000x128xf32, #tpu.memory_space<vmem_shared>> -> memref<10000x128xf32, #tpu.memory_space<vmem_shared>>
    tpu.enqueue_indirect_dma source(%dma_start3A_458 : memref<10000x128xf32, #tpu.memory_space<vmem_shared>>) target(%dma_start3A_452 : memref<16x128xf32, #tpu.memory_space<vmem>>) offsets(%dma_start3A_455 : memref<16xi32, #tpu.memory_space<vmem>>) semaphore(%arg14 : memref<!tpu.dma_semaphore, #tpu.memory_space<semaphore_mem>>)
    %dma_start3A_459 = arith.constant 0 : i32
    %dma_start3A_460 = arith.constant 3 : i32
    %dma_start3A_461 = arith.constant 0 : i32
    %dma_start3A_462 = arith.constant 48 : i32
    %dma_start3A_463 = arith.constant 0 : i32
    %dma_start3A_464 = tpu.memref_slice %arg8[%dma_start3A_461, %dma_start3A_462, %dma_start3A_463] : memref<2x80x128xf32, #tpu.memory_space<vmem>> -> memref<1x16x128xf32, #tpu.memory_space<vmem>>
    %dma_start3A_465 = tpu.memref_squeeze %dma_start3A_464 : memref<1x16x128xf32, #tpu.memory_space<vmem>> -> memref<16x128xf32, #tpu.memory_space<vmem>>
    %dma_start3A_466 = arith.constant 0 : i32
    %dma_start3A_467 = tpu.memref_slice %arg6[%dma_start3A_459, %dma_start3A_460, %dma_start3A_466] : memref<2x5x16xi32, #tpu.memory_space<vmem>> -> memref<1x1x16xi32, #tpu.memory_space<vmem>>
    %dma_start3A_468 = tpu.memref_squeeze %dma_start3A_467 : memref<1x1x16xi32, #tpu.memory_space<vmem>> -> memref<16xi32, #tpu.memory_space<vmem>>
    %dma_start3A_469 = arith.constant 0 : i32
    %dma_start3A_470 = arith.constant 0 : i32
    %dma_start3A_471 = tpu.memref_slice %arg11[%dma_start3A_469, %dma_start3A_470] : memref<10000x128xf32, #tpu.memory_space<vmem_shared>> -> memref<10000x128xf32, #tpu.memory_space<vmem_shared>>
    tpu.enqueue_indirect_dma source(%dma_start3A_471 : memref<10000x128xf32, #tpu.memory_space<vmem_shared>>) target(%dma_start3A_465 : memref<16x128xf32, #tpu.memory_space<vmem>>) offsets(%dma_start3A_468 : memref<16xi32, #tpu.memory_space<vmem>>) semaphore(%arg14 : memref<!tpu.dma_semaphore, #tpu.memory_space<semaphore_mem>>)
    %dma_start3A_472 = arith.constant 0 : i32
    %dma_start3A_473 = arith.constant 3 : i32
    %dma_start3A_474 = arith.constant 0 : i32
    %dma_start3A_475 = arith.constant 48 : i32
    %dma_start3A_476 = arith.constant 0 : i32
    %dma_start3A_477 = tpu.memref_slice %arg9[%dma_start3A_474, %dma_start3A_475, %dma_start3A_476] : memref<2x80x128xf32, #tpu.memory_space<vmem>> -> memref<1x16x128xf32, #tpu.memory_space<vmem>>
    %dma_start3A_478 = tpu.memref_squeeze %dma_start3A_477 : memref<1x16x128xf32, #tpu.memory_space<vmem>> -> memref<16x128xf32, #tpu.memory_space<vmem>>
    %dma_start3A_479 = arith.constant 0 : i32
    %dma_start3A_480 = tpu.memref_slice %arg7[%dma_start3A_472, %dma_start3A_473, %dma_start3A_479] : memref<2x5x16xi32, #tpu.memory_space<vmem>> -> memref<1x1x16xi32, #tpu.memory_space<vmem>>
    %dma_start3A_481 = tpu.memref_squeeze %dma_start3A_480 : memref<1x1x16xi32, #tpu.memory_space<vmem>> -> memref<16xi32, #tpu.memory_space<vmem>>
    %dma_start3A_482 = arith.constant 0 : i32
    %dma_start3A_483 = arith.constant 0 : i32
    %dma_start3A_484 = tpu.memref_slice %arg11[%dma_start3A_482, %dma_start3A_483] : memref<10000x128xf32, #tpu.memory_space<vmem_shared>> -> memref<10000x128xf32, #tpu.memory_space<vmem_shared>>
    tpu.enqueue_indirect_dma source(%dma_start3A_484 : memref<10000x128xf32, #tpu.memory_space<vmem_shared>>) target(%dma_start3A_478 : memref<16x128xf32, #tpu.memory_space<vmem>>) offsets(%dma_start3A_481 : memref<16xi32, #tpu.memory_space<vmem>>) semaphore(%arg14 : memref<!tpu.dma_semaphore, #tpu.memory_space<semaphore_mem>>)
    %dma_start3A_485 = arith.constant 0 : i32
    %dma_start3A_486 = arith.constant 4 : i32
    %dma_start3A_487 = arith.constant 0 : i32
    %dma_start3A_488 = arith.constant 64 : i32
    %dma_start3A_489 = arith.constant 0 : i32
    %dma_start3A_490 = tpu.memref_slice %arg8[%dma_start3A_487, %dma_start3A_488, %dma_start3A_489] : memref<2x80x128xf32, #tpu.memory_space<vmem>> -> memref<1x16x128xf32, #tpu.memory_space<vmem>>
    %dma_start3A_491 = tpu.memref_squeeze %dma_start3A_490 : memref<1x16x128xf32, #tpu.memory_space<vmem>> -> memref<16x128xf32, #tpu.memory_space<vmem>>
    %dma_start3A_492 = arith.constant 0 : i32
    %dma_start3A_493 = tpu.memref_slice %arg6[%dma_start3A_485, %dma_start3A_486, %dma_start3A_492] : memref<2x5x16xi32, #tpu.memory_space<vmem>> -> memref<1x1x16xi32, #tpu.memory_space<vmem>>
    %dma_start3A_494 = tpu.memref_squeeze %dma_start3A_493 : memref<1x1x16xi32, #tpu.memory_space<vmem>> -> memref<16xi32, #tpu.memory_space<vmem>>
    %dma_start3A_495 = arith.constant 0 : i32
    %dma_start3A_496 = arith.constant 0 : i32
    %dma_start3A_497 = tpu.memref_slice %arg11[%dma_start3A_495, %dma_start3A_496] : memref<10000x128xf32, #tpu.memory_space<vmem_shared>> -> memref<10000x128xf32, #tpu.memory_space<vmem_shared>>
    tpu.enqueue_indirect_dma source(%dma_start3A_497 : memref<10000x128xf32, #tpu.memory_space<vmem_shared>>) target(%dma_start3A_491 : memref<16x128xf32, #tpu.memory_space<vmem>>) offsets(%dma_start3A_494 : memref<16xi32, #tpu.memory_space<vmem>>) semaphore(%arg14 : memref<!tpu.dma_semaphore, #tpu.memory_space<semaphore_mem>>)
    %dma_start3A_498 = arith.constant 0 : i32
    %dma_start3A_499 = arith.constant 4 : i32
    %dma_start3A_500 = arith.constant 0 : i32
    %dma_start3A_501 = arith.constant 64 : i32
    %dma_start3A_502 = arith.constant 0 : i32
    %dma_start3A_503 = tpu.memref_slice %arg9[%dma_start3A_500, %dma_start3A_501, %dma_start3A_502] : memref<2x80x128xf32, #tpu.memory_space<vmem>> -> memref<1x16x128xf32, #tpu.memory_space<vmem>>
    %dma_start3A_504 = tpu.memref_squeeze %dma_start3A_503 : memref<1x16x128xf32, #tpu.memory_space<vmem>> -> memref<16x128xf32, #tpu.memory_space<vmem>>
    %dma_start3A_505 = arith.constant 0 : i32
    %dma_start3A_506 = tpu.memref_slice %arg7[%dma_start3A_498, %dma_start3A_499, %dma_start3A_505] : memref<2x5x16xi32, #tpu.memory_space<vmem>> -> memref<1x1x16xi32, #tpu.memory_space<vmem>>
    %dma_start3A_507 = tpu.memref_squeeze %dma_start3A_506 : memref<1x1x16xi32, #tpu.memory_space<vmem>> -> memref<16xi32, #tpu.memory_space<vmem>>
    %dma_start3A_508 = arith.constant 0 : i32
    %dma_start3A_509 = arith.constant 0 : i32
    %dma_start3A_510 = tpu.memref_slice %arg11[%dma_start3A_508, %dma_start3A_509] : memref<10000x128xf32, #tpu.memory_space<vmem_shared>> -> memref<10000x128xf32, #tpu.memory_space<vmem_shared>>
    tpu.enqueue_indirect_dma source(%dma_start3A_510 : memref<10000x128xf32, #tpu.memory_space<vmem_shared>>) target(%dma_start3A_504 : memref<16x128xf32, #tpu.memory_space<vmem>>) offsets(%dma_start3A_507 : memref<16xi32, #tpu.memory_space<vmem>>) semaphore(%arg14 : memref<!tpu.dma_semaphore, #tpu.memory_space<semaphore_mem>>)
    %scan3A = arith.constant 0 : i32
    %scan3A_511 = arith.constant 0 : i32
    %scan3A_512 = arith.constant 62 : i32
    %scan3A_513 = arith.addi %scan3A_511, %scan3A_512 : i32
    %scan3A_514 = arith.constant 1 : i32
    scf.for %scan3A_722 = %scan3A_511 to %scan3A_513 step %scan3A_514  : i32 {
      %mul3A_723 = arith.constant 2 : i32
      %mul3A_724 = arith.muli %scan3A_722, %mul3A_723 : i32
      %add3A_725 = arith.constant 0 : i32
      %add3A_726 = arith.addi %mul3A_724, %add3A_725 : i32
      %add3A_727 = arith.constant 2 : i32
      %add3A_728 = arith.addi %add3A_726, %add3A_727 : i32
      %sub3A = arith.constant 1 : i32
      %sub3A_729 = arith.subi %add3A_728, %sub3A : i32
      %lt3A = arith.constant 125 : i32
      %lt3A_730 = arith.cmpi slt, %sub3A_729, %lt3A : i32
      %convert_element_type3A_731 = arith.extui %lt3A_730 : i1 to i32
      %cond3A_732 = arith.constant 0 : i32
      %cond3A_733 = arith.cmpi ne, %convert_element_type3A_731, %cond3A_732 : i32
      scf.if %cond3A_733 {
        %dma_wait3A_1120 = arith.constant 1 : i32
        %dma_wait3A_1121 = arith.constant 0 : i32
        %dma_wait3A_1122 = arith.constant 0 : i32
        %dma_wait3A_1123 = tpu.memref_slice %arg6[%dma_wait3A_1120, %dma_wait3A_1121, %dma_wait3A_1122] : memref<2x5x16xi32, #tpu.memory_space<vmem>> -> memref<1x1x16xi32, #tpu.memory_space<vmem>>
        %dma_wait3A_1124 = tpu.memref_squeeze %dma_wait3A_1123 : memref<1x1x16xi32, #tpu.memory_space<vmem>> -> memref<16xi32, #tpu.memory_space<vmem>>
        %dma_wait3A_1125 = arith.constant 0 : i32
        %dma_wait3A_1126 = tpu.memref_slice %arg3[%dma_wait3A_1125] : memref<320000xi32, #tpu.memory_space<hbm>> -> memref<16xi32, #tpu.memory_space<hbm>>
        %dma_wait3A_1127 = arith.constant 0 : i32
        %dma_wait3A_1128 = tpu.memref_slice %arg6[%dma_wait3A_1120, %dma_wait3A_1121, %dma_wait3A_1127] : memref<2x5x16xi32, #tpu.memory_space<vmem>> -> memref<1x1x16xi32, #tpu.memory_space<vmem>>
        %dma_wait3A_1129 = tpu.memref_squeeze %dma_wait3A_1128 : memref<1x1x16xi32, #tpu.memory_space<vmem>> -> memref<16xi32, #tpu.memory_space<vmem>>
        %dma_wait3A_1130 = arith.constant 0 : i32
        %dma_wait3A_1131 = tpu.memref_slice %arg3[%dma_wait3A_1130] : memref<320000xi32, #tpu.memory_space<hbm>> -> memref<16xi32, #tpu.memory_space<hbm>>
        tpu.wait_dma2 semaphore(%arg13 : memref<!tpu.dma_semaphore, #tpu.memory_space<semaphore_mem>>) src(%dma_wait3A_1131 : memref<16xi32, #tpu.memory_space<hbm>>) dst(%dma_wait3A_1129 : memref<16xi32, #tpu.memory_space<vmem>>)
        %dma_wait3A_1132 = arith.constant 1 : i32
        %dma_wait3A_1133 = arith.constant 0 : i32
        %dma_wait3A_1134 = arith.constant 0 : i32
        %dma_wait3A_1135 = tpu.memref_slice %arg7[%dma_wait3A_1132, %dma_wait3A_1133, %dma_wait3A_1134] : memref<2x5x16xi32, #tpu.memory_space<vmem>> -> memref<1x1x16xi32, #tpu.memory_space<vmem>>
        %dma_wait3A_1136 = tpu.memref_squeeze %dma_wait3A_1135 : memref<1x1x16xi32, #tpu.memory_space<vmem>> -> memref<16xi32, #tpu.memory_space<vmem>>
        %dma_wait3A_1137 = arith.constant 0 : i32
        %dma_wait3A_1138 = tpu.memref_slice %arg4[%dma_wait3A_1137] : memref<320000xi32, #tpu.memory_space<hbm>> -> memref<16xi32, #tpu.memory_space<hbm>>
        %dma_wait3A_1139 = arith.constant 0 : i32
        %dma_wait3A_1140 = tpu.memref_slice %arg7[%dma_wait3A_1132, %dma_wait3A_1133, %dma_wait3A_1139] : memref<2x5x16xi32, #tpu.memory_space<vmem>> -> memref<1x1x16xi32, #tpu.memory_space<vmem>>
        %dma_wait3A_1141 = tpu.memref_squeeze %dma_wait3A_1140 : memref<1x1x16xi32, #tpu.memory_space<vmem>> -> memref<16xi32, #tpu.memory_space<vmem>>
        %dma_wait3A_1142 = arith.constant 0 : i32
        %dma_wait3A_1143 = tpu.memref_slice %arg4[%dma_wait3A_1142] : memref<320000xi32, #tpu.memory_space<hbm>> -> memref<16xi32, #tpu.memory_space<hbm>>
        tpu.wait_dma2 semaphore(%arg13 : memref<!tpu.dma_semaphore, #tpu.memory_space<semaphore_mem>>) src(%dma_wait3A_1143 : memref<16xi32, #tpu.memory_space<hbm>>) dst(%dma_wait3A_1141 : memref<16xi32, #tpu.memory_space<vmem>>)
        %dma_wait3A_1144 = arith.constant 1 : i32
        %dma_wait3A_1145 = arith.constant 1 : i32
        %dma_wait3A_1146 = arith.constant 0 : i32
        %dma_wait3A_1147 = tpu.memref_slice %arg6[%dma_wait3A_1144, %dma_wait3A_1145, %dma_wait3A_1146] : memref<2x5x16xi32, #tpu.memory_space<vmem>> -> memref<1x1x16xi32, #tpu.memory_space<vmem>>
        %dma_wait3A_1148 = tpu.memref_squeeze %dma_wait3A_1147 : memref<1x1x16xi32, #tpu.memory_space<vmem>> -> memref<16xi32, #tpu.memory_space<vmem>>
        %dma_wait3A_1149 = arith.constant 0 : i32
        %dma_wait3A_1150 = tpu.memref_slice %arg3[%dma_wait3A_1149] : memref<320000xi32, #tpu.memory_space<hbm>> -> memref<16xi32, #tpu.memory_space<hbm>>
        %dma_wait3A_1151 = arith.constant 0 : i32
        %dma_wait3A_1152 = tpu.memref_slice %arg6[%dma_wait3A_1144, %dma_wait3A_1145, %dma_wait3A_1151] : memref<2x5x16xi32, #tpu.memory_space<vmem>> -> memref<1x1x16xi32, #tpu.memory_space<vmem>>
        %dma_wait3A_1153 = tpu.memref_squeeze %dma_wait3A_1152 : memref<1x1x16xi32, #tpu.memory_space<vmem>> -> memref<16xi32, #tpu.memory_space<vmem>>
        %dma_wait3A_1154 = arith.constant 0 : i32
        %dma_wait3A_1155 = tpu.memref_slice %arg3[%dma_wait3A_1154] : memref<320000xi32, #tpu.memory_space<hbm>> -> memref<16xi32, #tpu.memory_space<hbm>>
        tpu.wait_dma2 semaphore(%arg13 : memref<!tpu.dma_semaphore, #tpu.memory_space<semaphore_mem>>) src(%dma_wait3A_1155 : memref<16xi32, #tpu.memory_space<hbm>>) dst(%dma_wait3A_1153 : memref<16xi32, #tpu.memory_space<vmem>>)
        %dma_wait3A_1156 = arith.constant 1 : i32
        %dma_wait3A_1157 = arith.constant 1 : i32
        %dma_wait3A_1158 = arith.constant 0 : i32
        %dma_wait3A_1159 = tpu.memref_slice %arg7[%dma_wait3A_1156, %dma_wait3A_1157, %dma_wait3A_1158] : memref<2x5x16xi32, #tpu.memory_space<vmem>> -> memref<1x1x16xi32, #tpu.memory_space<vmem>>
        %dma_wait3A_1160 = tpu.memref_squeeze %dma_wait3A_1159 : memref<1x1x16xi32, #tpu.memory_space<vmem>> -> memref<16xi32, #tpu.memory_space<vmem>>
        %dma_wait3A_1161 = arith.constant 0 : i32
        %dma_wait3A_1162 = tpu.memref_slice %arg4[%dma_wait3A_1161] : memref<320000xi32, #tpu.memory_space<hbm>> -> memref<16xi32, #tpu.memory_space<hbm>>
        %dma_wait3A_1163 = arith.constant 0 : i32
        %dma_wait3A_1164 = tpu.memref_slice %arg7[%dma_wait3A_1156, %dma_wait3A_1157, %dma_wait3A_1163] : memref<2x5x16xi32, #tpu.memory_space<vmem>> -> memref<1x1x16xi32, #tpu.memory_space<vmem>>
        %dma_wait3A_1165 = tpu.memref_squeeze %dma_wait3A_1164 : memref<1x1x16xi32, #tpu.memory_space<vmem>> -> memref<16xi32, #tpu.memory_space<vmem>>
        %dma_wait3A_1166 = arith.constant 0 : i32
        %dma_wait3A_1167 = tpu.memref_slice %arg4[%dma_wait3A_1166] : memref<320000xi32, #tpu.memory_space<hbm>> -> memref<16xi32, #tpu.memory_space<hbm>>
        tpu.wait_dma2 semaphore(%arg13 : memref<!tpu.dma_semaphore, #tpu.memory_space<semaphore_mem>>) src(%dma_wait3A_1167 : memref<16xi32, #tpu.memory_space<hbm>>) dst(%dma_wait3A_1165 : memref<16xi32, #tpu.memory_space<vmem>>)
        %dma_wait3A_1168 = arith.constant 1 : i32
        %dma_wait3A_1169 = arith.constant 2 : i32
        %dma_wait3A_1170 = arith.constant 0 : i32
        %dma_wait3A_1171 = tpu.memref_slice %arg6[%dma_wait3A_1168, %dma_wait3A_1169, %dma_wait3A_1170] : memref<2x5x16xi32, #tpu.memory_space<vmem>> -> memref<1x1x16xi32, #tpu.memory_space<vmem>>
        %dma_wait3A_1172 = tpu.memref_squeeze %dma_wait3A_1171 : memref<1x1x16xi32, #tpu.memory_space<vmem>> -> memref<16xi32, #tpu.memory_space<vmem>>
        %dma_wait3A_1173 = arith.constant 0 : i32
        %dma_wait3A_1174 = tpu.memref_slice %arg3[%dma_wait3A_1173] : memref<320000xi32, #tpu.memory_space<hbm>> -> memref<16xi32, #tpu.memory_space<hbm>>
        %dma_wait3A_1175 = arith.constant 0 : i32
        %dma_wait3A_1176 = tpu.memref_slice %arg6[%dma_wait3A_1168, %dma_wait3A_1169, %dma_wait3A_1175] : memref<2x5x16xi32, #tpu.memory_space<vmem>> -> memref<1x1x16xi32, #tpu.memory_space<vmem>>
        %dma_wait3A_1177 = tpu.memref_squeeze %dma_wait3A_1176 : memref<1x1x16xi32, #tpu.memory_space<vmem>> -> memref<16xi32, #tpu.memory_space<vmem>>
        %dma_wait3A_1178 = arith.constant 0 : i32
        %dma_wait3A_1179 = tpu.memref_slice %arg3[%dma_wait3A_1178] : memref<320000xi32, #tpu.memory_space<hbm>> -> memref<16xi32, #tpu.memory_space<hbm>>
        tpu.wait_dma2 semaphore(%arg13 : memref<!tpu.dma_semaphore, #tpu.memory_space<semaphore_mem>>) src(%dma_wait3A_1179 : memref<16xi32, #tpu.memory_space<hbm>>) dst(%dma_wait3A_1177 : memref<16xi32, #tpu.memory_space<vmem>>)
        %dma_wait3A_1180 = arith.constant 1 : i32
        %dma_wait3A_1181 = arith.constant 2 : i32
        %dma_wait3A_1182 = arith.constant 0 : i32
        %dma_wait3A_1183 = tpu.memref_slice %arg7[%dma_wait3A_1180, %dma_wait3A_1181, %dma_wait3A_1182] : memref<2x5x16xi32, #tpu.memory_space<vmem>> -> memref<1x1x16xi32, #tpu.memory_space<vmem>>
        %dma_wait3A_1184 = tpu.memref_squeeze %dma_wait3A_1183 : memref<1x1x16xi32, #tpu.memory_space<vmem>> -> memref<16xi32, #tpu.memory_space<vmem>>
        %dma_wait3A_1185 = arith.constant 0 : i32
        %dma_wait3A_1186 = tpu.memref_slice %arg4[%dma_wait3A_1185] : memref<320000xi32, #tpu.memory_space<hbm>> -> memref<16xi32, #tpu.memory_space<hbm>>
        %dma_wait3A_1187 = arith.constant 0 : i32
        %dma_wait3A_1188 = tpu.memref_slice %arg7[%dma_wait3A_1180, %dma_wait3A_1181, %dma_wait3A_1187] : memref<2x5x16xi32, #tpu.memory_space<vmem>> -> memref<1x1x16xi32, #tpu.memory_space<vmem>>
        %dma_wait3A_1189 = tpu.memref_squeeze %dma_wait3A_1188 : memref<1x1x16xi32, #tpu.memory_space<vmem>> -> memref<16xi32, #tpu.memory_space<vmem>>
        %dma_wait3A_1190 = arith.constant 0 : i32
        %dma_wait3A_1191 = tpu.memref_slice %arg4[%dma_wait3A_1190] : memref<320000xi32, #tpu.memory_space<hbm>> -> memref<16xi32, #tpu.memory_space<hbm>>
        tpu.wait_dma2 semaphore(%arg13 : memref<!tpu.dma_semaphore, #tpu.memory_space<semaphore_mem>>) src(%dma_wait3A_1191 : memref<16xi32, #tpu.memory_space<hbm>>) dst(%dma_wait3A_1189 : memref<16xi32, #tpu.memory_space<vmem>>)
        %dma_wait3A_1192 = arith.constant 1 : i32
        %dma_wait3A_1193 = arith.constant 3 : i32
        %dma_wait3A_1194 = arith.constant 0 : i32
        %dma_wait3A_1195 = tpu.memref_slice %arg6[%dma_wait3A_1192, %dma_wait3A_1193, %dma_wait3A_1194] : memref<2x5x16xi32, #tpu.memory_space<vmem>> -> memref<1x1x16xi32, #tpu.memory_space<vmem>>
        %dma_wait3A_1196 = tpu.memref_squeeze %dma_wait3A_1195 : memref<1x1x16xi32, #tpu.memory_space<vmem>> -> memref<16xi32, #tpu.memory_space<vmem>>
        %dma_wait3A_1197 = arith.constant 0 : i32
        %dma_wait3A_1198 = tpu.memref_slice %arg3[%dma_wait3A_1197] : memref<320000xi32, #tpu.memory_space<hbm>> -> memref<16xi32, #tpu.memory_space<hbm>>
        %dma_wait3A_1199 = arith.constant 0 : i32
        %dma_wait3A_1200 = tpu.memref_slice %arg6[%dma_wait3A_1192, %dma_wait3A_1193, %dma_wait3A_1199] : memref<2x5x16xi32, #tpu.memory_space<vmem>> -> memref<1x1x16xi32, #tpu.memory_space<vmem>>
        %dma_wait3A_1201 = tpu.memref_squeeze %dma_wait3A_1200 : memref<1x1x16xi32, #tpu.memory_space<vmem>> -> memref<16xi32, #tpu.memory_space<vmem>>
        %dma_wait3A_1202 = arith.constant 0 : i32
        %dma_wait3A_1203 = tpu.memref_slice %arg3[%dma_wait3A_1202] : memref<320000xi32, #tpu.memory_space<hbm>> -> memref<16xi32, #tpu.memory_space<hbm>>
        tpu.wait_dma2 semaphore(%arg13 : memref<!tpu.dma_semaphore, #tpu.memory_space<semaphore_mem>>) src(%dma_wait3A_1203 : memref<16xi32, #tpu.memory_space<hbm>>) dst(%dma_wait3A_1201 : memref<16xi32, #tpu.memory_space<vmem>>)
        %dma_wait3A_1204 = arith.constant 1 : i32
        %dma_wait3A_1205 = arith.constant 3 : i32
        %dma_wait3A_1206 = arith.constant 0 : i32
        %dma_wait3A_1207 = tpu.memref_slice %arg7[%dma_wait3A_1204, %dma_wait3A_1205, %dma_wait3A_1206] : memref<2x5x16xi32, #tpu.memory_space<vmem>> -> memref<1x1x16xi32, #tpu.memory_space<vmem>>
        %dma_wait3A_1208 = tpu.memref_squeeze %dma_wait3A_1207 : memref<1x1x16xi32, #tpu.memory_space<vmem>> -> memref<16xi32, #tpu.memory_space<vmem>>
        %dma_wait3A_1209 = arith.constant 0 : i32
        %dma_wait3A_1210 = tpu.memref_slice %arg4[%dma_wait3A_1209] : memref<320000xi32, #tpu.memory_space<hbm>> -> memref<16xi32, #tpu.memory_space<hbm>>
        %dma_wait3A_1211 = arith.constant 0 : i32
        %dma_wait3A_1212 = tpu.memref_slice %arg7[%dma_wait3A_1204, %dma_wait3A_1205, %dma_wait3A_1211] : memref<2x5x16xi32, #tpu.memory_space<vmem>> -> memref<1x1x16xi32, #tpu.memory_space<vmem>>
        %dma_wait3A_1213 = tpu.memref_squeeze %dma_wait3A_1212 : memref<1x1x16xi32, #tpu.memory_space<vmem>> -> memref<16xi32, #tpu.memory_space<vmem>>
        %dma_wait3A_1214 = arith.constant 0 : i32
        %dma_wait3A_1215 = tpu.memref_slice %arg4[%dma_wait3A_1214] : memref<320000xi32, #tpu.memory_space<hbm>> -> memref<16xi32, #tpu.memory_space<hbm>>
        tpu.wait_dma2 semaphore(%arg13 : memref<!tpu.dma_semaphore, #tpu.memory_space<semaphore_mem>>) src(%dma_wait3A_1215 : memref<16xi32, #tpu.memory_space<hbm>>) dst(%dma_wait3A_1213 : memref<16xi32, #tpu.memory_space<vmem>>)
        %dma_wait3A_1216 = arith.constant 1 : i32
        %dma_wait3A_1217 = arith.constant 4 : i32
        %dma_wait3A_1218 = arith.constant 0 : i32
        %dma_wait3A_1219 = tpu.memref_slice %arg6[%dma_wait3A_1216, %dma_wait3A_1217, %dma_wait3A_1218] : memref<2x5x16xi32, #tpu.memory_space<vmem>> -> memref<1x1x16xi32, #tpu.memory_space<vmem>>
        %dma_wait3A_1220 = tpu.memref_squeeze %dma_wait3A_1219 : memref<1x1x16xi32, #tpu.memory_space<vmem>> -> memref<16xi32, #tpu.memory_space<vmem>>
        %dma_wait3A_1221 = arith.constant 0 : i32
        %dma_wait3A_1222 = tpu.memref_slice %arg3[%dma_wait3A_1221] : memref<320000xi32, #tpu.memory_space<hbm>> -> memref<16xi32, #tpu.memory_space<hbm>>
        %dma_wait3A_1223 = arith.constant 0 : i32
        %dma_wait3A_1224 = tpu.memref_slice %arg6[%dma_wait3A_1216, %dma_wait3A_1217, %dma_wait3A_1223] : memref<2x5x16xi32, #tpu.memory_space<vmem>> -> memref<1x1x16xi32, #tpu.memory_space<vmem>>
        %dma_wait3A_1225 = tpu.memref_squeeze %dma_wait3A_1224 : memref<1x1x16xi32, #tpu.memory_space<vmem>> -> memref<16xi32, #tpu.memory_space<vmem>>
        %dma_wait3A_1226 = arith.constant 0 : i32
        %dma_wait3A_1227 = tpu.memref_slice %arg3[%dma_wait3A_1226] : memref<320000xi32, #tpu.memory_space<hbm>> -> memref<16xi32, #tpu.memory_space<hbm>>
        tpu.wait_dma2 semaphore(%arg13 : memref<!tpu.dma_semaphore, #tpu.memory_space<semaphore_mem>>) src(%dma_wait3A_1227 : memref<16xi32, #tpu.memory_space<hbm>>) dst(%dma_wait3A_1225 : memref<16xi32, #tpu.memory_space<vmem>>)
        %dma_wait3A_1228 = arith.constant 1 : i32
        %dma_wait3A_1229 = arith.constant 4 : i32
        %dma_wait3A_1230 = arith.constant 0 : i32
        %dma_wait3A_1231 = tpu.memref_slice %arg7[%dma_wait3A_1228, %dma_wait3A_1229, %dma_wait3A_1230] : memref<2x5x16xi32, #tpu.memory_space<vmem>> -> memref<1x1x16xi32, #tpu.memory_space<vmem>>
        %dma_wait3A_1232 = tpu.memref_squeeze %dma_wait3A_1231 : memref<1x1x16xi32, #tpu.memory_space<vmem>> -> memref<16xi32, #tpu.memory_space<vmem>>
        %dma_wait3A_1233 = arith.constant 0 : i32
        %dma_wait3A_1234 = tpu.memref_slice %arg4[%dma_wait3A_1233] : memref<320000xi32, #tpu.memory_space<hbm>> -> memref<16xi32, #tpu.memory_space<hbm>>
        %dma_wait3A_1235 = arith.constant 0 : i32
        %dma_wait3A_1236 = tpu.memref_slice %arg7[%dma_wait3A_1228, %dma_wait3A_1229, %dma_wait3A_1235] : memref<2x5x16xi32, #tpu.memory_space<vmem>> -> memref<1x1x16xi32, #tpu.memory_space<vmem>>
        %dma_wait3A_1237 = tpu.memref_squeeze %dma_wait3A_1236 : memref<1x1x16xi32, #tpu.memory_space<vmem>> -> memref<16xi32, #tpu.memory_space<vmem>>
        %dma_wait3A_1238 = arith.constant 0 : i32
        %dma_wait3A_1239 = tpu.memref_slice %arg4[%dma_wait3A_1238] : memref<320000xi32, #tpu.memory_space<hbm>> -> memref<16xi32, #tpu.memory_space<hbm>>
        tpu.wait_dma2 semaphore(%arg13 : memref<!tpu.dma_semaphore, #tpu.memory_space<semaphore_mem>>) src(%dma_wait3A_1239 : memref<16xi32, #tpu.memory_space<hbm>>) dst(%dma_wait3A_1237 : memref<16xi32, #tpu.memory_space<vmem>>)
        %dma_start3A_1240 = arith.constant 1 : i32
        %dma_start3A_1241 = arith.constant 0 : i32
        %dma_start3A_1242 = arith.constant 1 : i32
        %dma_start3A_1243 = arith.constant 0 : i32
        %dma_start3A_1244 = arith.constant 0 : i32
        %dma_start3A_1245 = tpu.memref_slice %arg8[%dma_start3A_1242, %dma_start3A_1243, %dma_start3A_1244] : memref<2x80x128xf32, #tpu.memory_space<vmem>> -> memref<1x16x128xf32, #tpu.memory_space<vmem>>
        %dma_start3A_1246 = tpu.memref_squeeze %dma_start3A_1245 : memref<1x16x128xf32, #tpu.memory_space<vmem>> -> memref<16x128xf32, #tpu.memory_space<vmem>>
        %dma_start3A_1247 = arith.constant 0 : i32
        %dma_start3A_1248 = tpu.memref_slice %arg6[%dma_start3A_1240, %dma_start3A_1241, %dma_start3A_1247] : memref<2x5x16xi32, #tpu.memory_space<vmem>> -> memref<1x1x16xi32, #tpu.memory_space<vmem>>
        %dma_start3A_1249 = tpu.memref_squeeze %dma_start3A_1248 : memref<1x1x16xi32, #tpu.memory_space<vmem>> -> memref<16xi32, #tpu.memory_space<vmem>>
        %dma_start3A_1250 = arith.constant 0 : i32
        %dma_start3A_1251 = arith.constant 0 : i32
        %dma_start3A_1252 = tpu.memref_slice %arg11[%dma_start3A_1250, %dma_start3A_1251] : memref<10000x128xf32, #tpu.memory_space<vmem_shared>> -> memref<10000x128xf32, #tpu.memory_space<vmem_shared>>
        tpu.enqueue_indirect_dma source(%dma_start3A_1252 : memref<10000x128xf32, #tpu.memory_space<vmem_shared>>) target(%dma_start3A_1246 : memref<16x128xf32, #tpu.memory_space<vmem>>) offsets(%dma_start3A_1249 : memref<16xi32, #tpu.memory_space<vmem>>) semaphore(%arg15 : memref<!tpu.dma_semaphore, #tpu.memory_space<semaphore_mem>>)
        %dma_start3A_1253 = arith.constant 1 : i32
        %dma_start3A_1254 = arith.constant 0 : i32
        %dma_start3A_1255 = arith.constant 1 : i32
        %dma_start3A_1256 = arith.constant 0 : i32
        %dma_start3A_1257 = arith.constant 0 : i32
        %dma_start3A_1258 = tpu.memref_slice %arg9[%dma_start3A_1255, %dma_start3A_1256, %dma_start3A_1257] : memref<2x80x128xf32, #tpu.memory_space<vmem>> -> memref<1x16x128xf32, #tpu.memory_space<vmem>>
        %dma_start3A_1259 = tpu.memref_squeeze %dma_start3A_1258 : memref<1x16x128xf32, #tpu.memory_space<vmem>> -> memref<16x128xf32, #tpu.memory_space<vmem>>
        %dma_start3A_1260 = arith.constant 0 : i32
        %dma_start3A_1261 = tpu.memref_slice %arg7[%dma_start3A_1253, %dma_start3A_1254, %dma_start3A_1260] : memref<2x5x16xi32, #tpu.memory_space<vmem>> -> memref<1x1x16xi32, #tpu.memory_space<vmem>>
        %dma_start3A_1262 = tpu.memref_squeeze %dma_start3A_1261 : memref<1x1x16xi32, #tpu.memory_space<vmem>> -> memref<16xi32, #tpu.memory_space<vmem>>
        %dma_start3A_1263 = arith.constant 0 : i32
        %dma_start3A_1264 = arith.constant 0 : i32
        %dma_start3A_1265 = tpu.memref_slice %arg11[%dma_start3A_1263, %dma_start3A_1264] : memref<10000x128xf32, #tpu.memory_space<vmem_shared>> -> memref<10000x128xf32, #tpu.memory_space<vmem_shared>>
        tpu.enqueue_indirect_dma source(%dma_start3A_1265 : memref<10000x128xf32, #tpu.memory_space<vmem_shared>>) target(%dma_start3A_1259 : memref<16x128xf32, #tpu.memory_space<vmem>>) offsets(%dma_start3A_1262 : memref<16xi32, #tpu.memory_space<vmem>>) semaphore(%arg15 : memref<!tpu.dma_semaphore, #tpu.memory_space<semaphore_mem>>)
        %dma_start3A_1266 = arith.constant 1 : i32
        %dma_start3A_1267 = arith.constant 1 : i32
        %dma_start3A_1268 = arith.constant 1 : i32
        %dma_start3A_1269 = arith.constant 16 : i32
        %dma_start3A_1270 = arith.constant 0 : i32
        %dma_start3A_1271 = tpu.memref_slice %arg8[%dma_start3A_1268, %dma_start3A_1269, %dma_start3A_1270] : memref<2x80x128xf32, #tpu.memory_space<vmem>> -> memref<1x16x128xf32, #tpu.memory_space<vmem>>
        %dma_start3A_1272 = tpu.memref_squeeze %dma_start3A_1271 : memref<1x16x128xf32, #tpu.memory_space<vmem>> -> memref<16x128xf32, #tpu.memory_space<vmem>>
        %dma_start3A_1273 = arith.constant 0 : i32
        %dma_start3A_1274 = tpu.memref_slice %arg6[%dma_start3A_1266, %dma_start3A_1267, %dma_start3A_1273] : memref<2x5x16xi32, #tpu.memory_space<vmem>> -> memref<1x1x16xi32, #tpu.memory_space<vmem>>
        %dma_start3A_1275 = tpu.memref_squeeze %dma_start3A_1274 : memref<1x1x16xi32, #tpu.memory_space<vmem>> -> memref<16xi32, #tpu.memory_space<vmem>>
        %dma_start3A_1276 = arith.constant 0 : i32
        %dma_start3A_1277 = arith.constant 0 : i32
        %dma_start3A_1278 = tpu.memref_slice %arg11[%dma_start3A_1276, %dma_start3A_1277] : memref<10000x128xf32, #tpu.memory_space<vmem_shared>> -> memref<10000x128xf32, #tpu.memory_space<vmem_shared>>
        tpu.enqueue_indirect_dma source(%dma_start3A_1278 : memref<10000x128xf32, #tpu.memory_space<vmem_shared>>) target(%dma_start3A_1272 : memref<16x128xf32, #tpu.memory_space<vmem>>) offsets(%dma_start3A_1275 : memref<16xi32, #tpu.memory_space<vmem>>) semaphore(%arg15 : memref<!tpu.dma_semaphore, #tpu.memory_space<semaphore_mem>>)
        %dma_start3A_1279 = arith.constant 1 : i32
        %dma_start3A_1280 = arith.constant 1 : i32
        %dma_start3A_1281 = arith.constant 1 : i32
        %dma_start3A_1282 = arith.constant 16 : i32
        %dma_start3A_1283 = arith.constant 0 : i32
        %dma_start3A_1284 = tpu.memref_slice %arg9[%dma_start3A_1281, %dma_start3A_1282, %dma_start3A_1283] : memref<2x80x128xf32, #tpu.memory_space<vmem>> -> memref<1x16x128xf32, #tpu.memory_space<vmem>>
        %dma_start3A_1285 = tpu.memref_squeeze %dma_start3A_1284 : memref<1x16x128xf32, #tpu.memory_space<vmem>> -> memref<16x128xf32, #tpu.memory_space<vmem>>
        %dma_start3A_1286 = arith.constant 0 : i32
        %dma_start3A_1287 = tpu.memref_slice %arg7[%dma_start3A_1279, %dma_start3A_1280, %dma_start3A_1286] : memref<2x5x16xi32, #tpu.memory_space<vmem>> -> memref<1x1x16xi32, #tpu.memory_space<vmem>>
        %dma_start3A_1288 = tpu.memref_squeeze %dma_start3A_1287 : memref<1x1x16xi32, #tpu.memory_space<vmem>> -> memref<16xi32, #tpu.memory_space<vmem>>
        %dma_start3A_1289 = arith.constant 0 : i32
        %dma_start3A_1290 = arith.constant 0 : i32
        %dma_start3A_1291 = tpu.memref_slice %arg11[%dma_start3A_1289, %dma_start3A_1290] : memref<10000x128xf32, #tpu.memory_space<vmem_shared>> -> memref<10000x128xf32, #tpu.memory_space<vmem_shared>>
        tpu.enqueue_indirect_dma source(%dma_start3A_1291 : memref<10000x128xf32, #tpu.memory_space<vmem_shared>>) target(%dma_start3A_1285 : memref<16x128xf32, #tpu.memory_space<vmem>>) offsets(%dma_start3A_1288 : memref<16xi32, #tpu.memory_space<vmem>>) semaphore(%arg15 : memref<!tpu.dma_semaphore, #tpu.memory_space<semaphore_mem>>)
        %dma_start3A_1292 = arith.constant 1 : i32
        %dma_start3A_1293 = arith.constant 2 : i32
        %dma_start3A_1294 = arith.constant 1 : i32
        %dma_start3A_1295 = arith.constant 32 : i32
        %dma_start3A_1296 = arith.constant 0 : i32
        %dma_start3A_1297 = tpu.memref_slice %arg8[%dma_start3A_1294, %dma_start3A_1295, %dma_start3A_1296] : memref<2x80x128xf32, #tpu.memory_space<vmem>> -> memref<1x16x128xf32, #tpu.memory_space<vmem>>
        %dma_start3A_1298 = tpu.memref_squeeze %dma_start3A_1297 : memref<1x16x128xf32, #tpu.memory_space<vmem>> -> memref<16x128xf32, #tpu.memory_space<vmem>>
        %dma_start3A_1299 = arith.constant 0 : i32
        %dma_start3A_1300 = tpu.memref_slice %arg6[%dma_start3A_1292, %dma_start3A_1293, %dma_start3A_1299] : memref<2x5x16xi32, #tpu.memory_space<vmem>> -> memref<1x1x16xi32, #tpu.memory_space<vmem>>
        %dma_start3A_1301 = tpu.memref_squeeze %dma_start3A_1300 : memref<1x1x16xi32, #tpu.memory_space<vmem>> -> memref<16xi32, #tpu.memory_space<vmem>>
        %dma_start3A_1302 = arith.constant 0 : i32
        %dma_start3A_1303 = arith.constant 0 : i32
        %dma_start3A_1304 = tpu.memref_slice %arg11[%dma_start3A_1302, %dma_start3A_1303] : memref<10000x128xf32, #tpu.memory_space<vmem_shared>> -> memref<10000x128xf32, #tpu.memory_space<vmem_shared>>
        tpu.enqueue_indirect_dma source(%dma_start3A_1304 : memref<10000x128xf32, #tpu.memory_space<vmem_shared>>) target(%dma_start3A_1298 : memref<16x128xf32, #tpu.memory_space<vmem>>) offsets(%dma_start3A_1301 : memref<16xi32, #tpu.memory_space<vmem>>) semaphore(%arg15 : memref<!tpu.dma_semaphore, #tpu.memory_space<semaphore_mem>>)
        %dma_start3A_1305 = arith.constant 1 : i32
        %dma_start3A_1306 = arith.constant 2 : i32
        %dma_start3A_1307 = arith.constant 1 : i32
        %dma_start3A_1308 = arith.constant 32 : i32
        %dma_start3A_1309 = arith.constant 0 : i32
        %dma_start3A_1310 = tpu.memref_slice %arg9[%dma_start3A_1307, %dma_start3A_1308, %dma_start3A_1309] : memref<2x80x128xf32, #tpu.memory_space<vmem>> -> memref<1x16x128xf32, #tpu.memory_space<vmem>>
        %dma_start3A_1311 = tpu.memref_squeeze %dma_start3A_1310 : memref<1x16x128xf32, #tpu.memory_space<vmem>> -> memref<16x128xf32, #tpu.memory_space<vmem>>
        %dma_start3A_1312 = arith.constant 0 : i32
        %dma_start3A_1313 = tpu.memref_slice %arg7[%dma_start3A_1305, %dma_start3A_1306, %dma_start3A_1312] : memref<2x5x16xi32, #tpu.memory_space<vmem>> -> memref<1x1x16xi32, #tpu.memory_space<vmem>>
        %dma_start3A_1314 = tpu.memref_squeeze %dma_start3A_1313 : memref<1x1x16xi32, #tpu.memory_space<vmem>> -> memref<16xi32, #tpu.memory_space<vmem>>
        %dma_start3A_1315 = arith.constant 0 : i32
        %dma_start3A_1316 = arith.constant 0 : i32
        %dma_start3A_1317 = tpu.memref_slice %arg11[%dma_start3A_1315, %dma_start3A_1316] : memref<10000x128xf32, #tpu.memory_space<vmem_shared>> -> memref<10000x128xf32, #tpu.memory_space<vmem_shared>>
        tpu.enqueue_indirect_dma source(%dma_start3A_1317 : memref<10000x128xf32, #tpu.memory_space<vmem_shared>>) target(%dma_start3A_1311 : memref<16x128xf32, #tpu.memory_space<vmem>>) offsets(%dma_start3A_1314 : memref<16xi32, #tpu.memory_space<vmem>>) semaphore(%arg15 : memref<!tpu.dma_semaphore, #tpu.memory_space<semaphore_mem>>)
        %dma_start3A_1318 = arith.constant 1 : i32
        %dma_start3A_1319 = arith.constant 3 : i32
        %dma_start3A_1320 = arith.constant 1 : i32
        %dma_start3A_1321 = arith.constant 48 : i32
        %dma_start3A_1322 = arith.constant 0 : i32
        %dma_start3A_1323 = tpu.memref_slice %arg8[%dma_start3A_1320, %dma_start3A_1321, %dma_start3A_1322] : memref<2x80x128xf32, #tpu.memory_space<vmem>> -> memref<1x16x128xf32, #tpu.memory_space<vmem>>
        %dma_start3A_1324 = tpu.memref_squeeze %dma_start3A_1323 : memref<1x16x128xf32, #tpu.memory_space<vmem>> -> memref<16x128xf32, #tpu.memory_space<vmem>>
        %dma_start3A_1325 = arith.constant 0 : i32
        %dma_start3A_1326 = tpu.memref_slice %arg6[%dma_start3A_1318, %dma_start3A_1319, %dma_start3A_1325] : memref<2x5x16xi32, #tpu.memory_space<vmem>> -> memref<1x1x16xi32, #tpu.memory_space<vmem>>
        %dma_start3A_1327 = tpu.memref_squeeze %dma_start3A_1326 : memref<1x1x16xi32, #tpu.memory_space<vmem>> -> memref<16xi32, #tpu.memory_space<vmem>>
        %dma_start3A_1328 = arith.constant 0 : i32
        %dma_start3A_1329 = arith.constant 0 : i32
        %dma_start3A_1330 = tpu.memref_slice %arg11[%dma_start3A_1328, %dma_start3A_1329] : memref<10000x128xf32, #tpu.memory_space<vmem_shared>> -> memref<10000x128xf32, #tpu.memory_space<vmem_shared>>
        tpu.enqueue_indirect_dma source(%dma_start3A_1330 : memref<10000x128xf32, #tpu.memory_space<vmem_shared>>) target(%dma_start3A_1324 : memref<16x128xf32, #tpu.memory_space<vmem>>) offsets(%dma_start3A_1327 : memref<16xi32, #tpu.memory_space<vmem>>) semaphore(%arg15 : memref<!tpu.dma_semaphore, #tpu.memory_space<semaphore_mem>>)
        %dma_start3A_1331 = arith.constant 1 : i32
        %dma_start3A_1332 = arith.constant 3 : i32
        %dma_start3A_1333 = arith.constant 1 : i32
        %dma_start3A_1334 = arith.constant 48 : i32
        %dma_start3A_1335 = arith.constant 0 : i32
        %dma_start3A_1336 = tpu.memref_slice %arg9[%dma_start3A_1333, %dma_start3A_1334, %dma_start3A_1335] : memref<2x80x128xf32, #tpu.memory_space<vmem>> -> memref<1x16x128xf32, #tpu.memory_space<vmem>>
        %dma_start3A_1337 = tpu.memref_squeeze %dma_start3A_1336 : memref<1x16x128xf32, #tpu.memory_space<vmem>> -> memref<16x128xf32, #tpu.memory_space<vmem>>
        %dma_start3A_1338 = arith.constant 0 : i32
        %dma_start3A_1339 = tpu.memref_slice %arg7[%dma_start3A_1331, %dma_start3A_1332, %dma_start3A_1338] : memref<2x5x16xi32, #tpu.memory_space<vmem>> -> memref<1x1x16xi32, #tpu.memory_space<vmem>>
        %dma_start3A_1340 = tpu.memref_squeeze %dma_start3A_1339 : memref<1x1x16xi32, #tpu.memory_space<vmem>> -> memref<16xi32, #tpu.memory_space<vmem>>
        %dma_start3A_1341 = arith.constant 0 : i32
        %dma_start3A_1342 = arith.constant 0 : i32
        %dma_start3A_1343 = tpu.memref_slice %arg11[%dma_start3A_1341, %dma_start3A_1342] : memref<10000x128xf32, #tpu.memory_space<vmem_shared>> -> memref<10000x128xf32, #tpu.memory_space<vmem_shared>>
        tpu.enqueue_indirect_dma source(%dma_start3A_1343 : memref<10000x128xf32, #tpu.memory_space<vmem_shared>>) target(%dma_start3A_1337 : memref<16x128xf32, #tpu.memory_space<vmem>>) offsets(%dma_start3A_1340 : memref<16xi32, #tpu.memory_space<vmem>>) semaphore(%arg15 : memref<!tpu.dma_semaphore, #tpu.memory_space<semaphore_mem>>)
        %dma_start3A_1344 = arith.constant 1 : i32
        %dma_start3A_1345 = arith.constant 4 : i32
        %dma_start3A_1346 = arith.constant 1 : i32
        %dma_start3A_1347 = arith.constant 64 : i32
        %dma_start3A_1348 = arith.constant 0 : i32
        %dma_start3A_1349 = tpu.memref_slice %arg8[%dma_start3A_1346, %dma_start3A_1347, %dma_start3A_1348] : memref<2x80x128xf32, #tpu.memory_space<vmem>> -> memref<1x16x128xf32, #tpu.memory_space<vmem>>
        %dma_start3A_1350 = tpu.memref_squeeze %dma_start3A_1349 : memref<1x16x128xf32, #tpu.memory_space<vmem>> -> memref<16x128xf32, #tpu.memory_space<vmem>>
        %dma_start3A_1351 = arith.constant 0 : i32
        %dma_start3A_1352 = tpu.memref_slice %arg6[%dma_start3A_1344, %dma_start3A_1345, %dma_start3A_1351] : memref<2x5x16xi32, #tpu.memory_space<vmem>> -> memref<1x1x16xi32, #tpu.memory_space<vmem>>
        %dma_start3A_1353 = tpu.memref_squeeze %dma_start3A_1352 : memref<1x1x16xi32, #tpu.memory_space<vmem>> -> memref<16xi32, #tpu.memory_space<vmem>>
        %dma_start3A_1354 = arith.constant 0 : i32
        %dma_start3A_1355 = arith.constant 0 : i32
        %dma_start3A_1356 = tpu.memref_slice %arg11[%dma_start3A_1354, %dma_start3A_1355] : memref<10000x128xf32, #tpu.memory_space<vmem_shared>> -> memref<10000x128xf32, #tpu.memory_space<vmem_shared>>
        tpu.enqueue_indirect_dma source(%dma_start3A_1356 : memref<10000x128xf32, #tpu.memory_space<vmem_shared>>) target(%dma_start3A_1350 : memref<16x128xf32, #tpu.memory_space<vmem>>) offsets(%dma_start3A_1353 : memref<16xi32, #tpu.memory_space<vmem>>) semaphore(%arg15 : memref<!tpu.dma_semaphore, #tpu.memory_space<semaphore_mem>>)
        %dma_start3A_1357 = arith.constant 1 : i32
        %dma_start3A_1358 = arith.constant 4 : i32
        %dma_start3A_1359 = arith.constant 1 : i32
        %dma_start3A_1360 = arith.constant 64 : i32
        %dma_start3A_1361 = arith.constant 0 : i32
        %dma_start3A_1362 = tpu.memref_slice %arg9[%dma_start3A_1359, %dma_start3A_1360, %dma_start3A_1361] : memref<2x80x128xf32, #tpu.memory_space<vmem>> -> memref<1x16x128xf32, #tpu.memory_space<vmem>>
        %dma_start3A_1363 = tpu.memref_squeeze %dma_start3A_1362 : memref<1x16x128xf32, #tpu.memory_space<vmem>> -> memref<16x128xf32, #tpu.memory_space<vmem>>
        %dma_start3A_1364 = arith.constant 0 : i32
        %dma_start3A_1365 = tpu.memref_slice %arg7[%dma_start3A_1357, %dma_start3A_1358, %dma_start3A_1364] : memref<2x5x16xi32, #tpu.memory_space<vmem>> -> memref<1x1x16xi32, #tpu.memory_space<vmem>>
        %dma_start3A_1366 = tpu.memref_squeeze %dma_start3A_1365 : memref<1x1x16xi32, #tpu.memory_space<vmem>> -> memref<16xi32, #tpu.memory_space<vmem>>
        %dma_start3A_1367 = arith.constant 0 : i32
        %dma_start3A_1368 = arith.constant 0 : i32
        %dma_start3A_1369 = tpu.memref_slice %arg11[%dma_start3A_1367, %dma_start3A_1368] : memref<10000x128xf32, #tpu.memory_space<vmem_shared>> -> memref<10000x128xf32, #tpu.memory_space<vmem_shared>>
        tpu.enqueue_indirect_dma source(%dma_start3A_1369 : memref<10000x128xf32, #tpu.memory_space<vmem_shared>>) target(%dma_start3A_1363 : memref<16x128xf32, #tpu.memory_space<vmem>>) offsets(%dma_start3A_1366 : memref<16xi32, #tpu.memory_space<vmem>>) semaphore(%arg15 : memref<!tpu.dma_semaphore, #tpu.memory_space<semaphore_mem>>)
      } else {
      }
      %dma_wait3A_734 = arith.constant 0 : i32
      %dma_wait3A_735 = arith.constant 0 : i32
      %dma_wait3A_736 = arith.constant 0 : i32
      %dma_wait3A_737 = tpu.memref_slice %arg8[%dma_wait3A_734, %dma_wait3A_735, %dma_wait3A_736] : memref<2x80x128xf32, #tpu.memory_space<vmem>> -> memref<1x16x128xf32, #tpu.memory_space<vmem>>
      %dma_wait3A_738 = tpu.memref_squeeze %dma_wait3A_737 : memref<1x16x128xf32, #tpu.memory_space<vmem>> -> memref<16x128xf32, #tpu.memory_space<vmem>>
      %dma_wait3A_739 = arith.constant 0 : i32
      %dma_wait3A_740 = arith.constant 0 : i32
      %dma_wait3A_741 = tpu.memref_slice %arg2[%dma_wait3A_739, %dma_wait3A_740] : memref<10000x128xf32, #tpu.memory_space<hbm>> -> memref<16x128xf32, #tpu.memory_space<hbm>>
      %dma_wait3A_742 = arith.constant 0 : i32
      %dma_wait3A_743 = arith.constant 0 : i32
      %dma_wait3A_744 = tpu.memref_slice %arg8[%dma_wait3A_734, %dma_wait3A_742, %dma_wait3A_743] : memref<2x80x128xf32, #tpu.memory_space<vmem>> -> memref<1x16x128xf32, #tpu.memory_space<vmem>>
      %dma_wait3A_745 = tpu.memref_squeeze %dma_wait3A_744 : memref<1x16x128xf32, #tpu.memory_space<vmem>> -> memref<16x128xf32, #tpu.memory_space<vmem>>
      %dma_wait3A_746 = arith.constant 0 : i32
      %dma_wait3A_747 = arith.constant 0 : i32
      %dma_wait3A_748 = tpu.memref_slice %arg2[%dma_wait3A_746, %dma_wait3A_747] : memref<10000x128xf32, #tpu.memory_space<hbm>> -> memref<16x128xf32, #tpu.memory_space<hbm>>
      tpu.wait_dma2 semaphore(%arg14 : memref<!tpu.dma_semaphore, #tpu.memory_space<semaphore_mem>>) src(%dma_wait3A_748 : memref<16x128xf32, #tpu.memory_space<hbm>>) dst(%dma_wait3A_745 : memref<16x128xf32, #tpu.memory_space<vmem>>)
      %dma_wait3A_749 = arith.constant 0 : i32
      %dma_wait3A_750 = arith.constant 0 : i32
      %dma_wait3A_751 = arith.constant 0 : i32
      %dma_wait3A_752 = tpu.memref_slice %arg9[%dma_wait3A_749, %dma_wait3A_750, %dma_wait3A_751] : memref<2x80x128xf32, #tpu.memory_space<vmem>> -> memref<1x16x128xf32, #tpu.memory_space<vmem>>
      %dma_wait3A_753 = tpu.memref_squeeze %dma_wait3A_752 : memref<1x16x128xf32, #tpu.memory_space<vmem>> -> memref<16x128xf32, #tpu.memory_space<vmem>>
      %dma_wait3A_754 = arith.constant 0 : i32
      %dma_wait3A_755 = arith.constant 0 : i32
      %dma_wait3A_756 = tpu.memref_slice %arg2[%dma_wait3A_754, %dma_wait3A_755] : memref<10000x128xf32, #tpu.memory_space<hbm>> -> memref<16x128xf32, #tpu.memory_space<hbm>>
      %dma_wait3A_757 = arith.constant 0 : i32
      %dma_wait3A_758 = arith.constant 0 : i32
      %dma_wait3A_759 = tpu.memref_slice %arg9[%dma_wait3A_749, %dma_wait3A_757, %dma_wait3A_758] : memref<2x80x128xf32, #tpu.memory_space<vmem>> -> memref<1x16x128xf32, #tpu.memory_space<vmem>>
      %dma_wait3A_760 = tpu.memref_squeeze %dma_wait3A_759 : memref<1x16x128xf32, #tpu.memory_space<vmem>> -> memref<16x128xf32, #tpu.memory_space<vmem>>
      %dma_wait3A_761 = arith.constant 0 : i32
      %dma_wait3A_762 = arith.constant 0 : i32
      %dma_wait3A_763 = tpu.memref_slice %arg2[%dma_wait3A_761, %dma_wait3A_762] : memref<10000x128xf32, #tpu.memory_space<hbm>> -> memref<16x128xf32, #tpu.memory_space<hbm>>
      tpu.wait_dma2 semaphore(%arg14 : memref<!tpu.dma_semaphore, #tpu.memory_space<semaphore_mem>>) src(%dma_wait3A_763 : memref<16x128xf32, #tpu.memory_space<hbm>>) dst(%dma_wait3A_760 : memref<16x128xf32, #tpu.memory_space<vmem>>)
      %dma_wait3A_764 = arith.constant 0 : i32
      %dma_wait3A_765 = arith.constant 16 : i32
      %dma_wait3A_766 = arith.constant 0 : i32
      %dma_wait3A_767 = tpu.memref_slice %arg8[%dma_wait3A_764, %dma_wait3A_765, %dma_wait3A_766] : memref<2x80x128xf32, #tpu.memory_space<vmem>> -> memref<1x16x128xf32, #tpu.memory_space<vmem>>
      %dma_wait3A_768 = tpu.memref_squeeze %dma_wait3A_767 : memref<1x16x128xf32, #tpu.memory_space<vmem>> -> memref<16x128xf32, #tpu.memory_space<vmem>>
      %dma_wait3A_769 = arith.constant 0 : i32
      %dma_wait3A_770 = arith.constant 0 : i32
      %dma_wait3A_771 = tpu.memref_slice %arg2[%dma_wait3A_769, %dma_wait3A_770] : memref<10000x128xf32, #tpu.memory_space<hbm>> -> memref<16x128xf32, #tpu.memory_space<hbm>>
      %dma_wait3A_772 = arith.constant 16 : i32
      %dma_wait3A_773 = arith.constant 0 : i32
      %dma_wait3A_774 = tpu.memref_slice %arg8[%dma_wait3A_764, %dma_wait3A_772, %dma_wait3A_773] : memref<2x80x128xf32, #tpu.memory_space<vmem>> -> memref<1x16x128xf32, #tpu.memory_space<vmem>>
      %dma_wait3A_775 = tpu.memref_squeeze %dma_wait3A_774 : memref<1x16x128xf32, #tpu.memory_space<vmem>> -> memref<16x128xf32, #tpu.memory_space<vmem>>
      %dma_wait3A_776 = arith.constant 0 : i32
      %dma_wait3A_777 = arith.constant 0 : i32
      %dma_wait3A_778 = tpu.memref_slice %arg2[%dma_wait3A_776, %dma_wait3A_777] : memref<10000x128xf32, #tpu.memory_space<hbm>> -> memref<16x128xf32, #tpu.memory_space<hbm>>
      tpu.wait_dma2 semaphore(%arg14 : memref<!tpu.dma_semaphore, #tpu.memory_space<semaphore_mem>>) src(%dma_wait3A_778 : memref<16x128xf32, #tpu.memory_space<hbm>>) dst(%dma_wait3A_775 : memref<16x128xf32, #tpu.memory_space<vmem>>)
      %dma_wait3A_779 = arith.constant 0 : i32
      %dma_wait3A_780 = arith.constant 16 : i32
      %dma_wait3A_781 = arith.constant 0 : i32
      %dma_wait3A_782 = tpu.memref_slice %arg9[%dma_wait3A_779, %dma_wait3A_780, %dma_wait3A_781] : memref<2x80x128xf32, #tpu.memory_space<vmem>> -> memref<1x16x128xf32, #tpu.memory_space<vmem>>
      %dma_wait3A_783 = tpu.memref_squeeze %dma_wait3A_782 : memref<1x16x128xf32, #tpu.memory_space<vmem>> -> memref<16x128xf32, #tpu.memory_space<vmem>>
      %dma_wait3A_784 = arith.constant 0 : i32
      %dma_wait3A_785 = arith.constant 0 : i32
      %dma_wait3A_786 = tpu.memref_slice %arg2[%dma_wait3A_784, %dma_wait3A_785] : memref<10000x128xf32, #tpu.memory_space<hbm>> -> memref<16x128xf32, #tpu.memory_space<hbm>>
      %dma_wait3A_787 = arith.constant 16 : i32
      %dma_wait3A_788 = arith.constant 0 : i32
      %dma_wait3A_789 = tpu.memref_slice %arg9[%dma_wait3A_779, %dma_wait3A_787, %dma_wait3A_788] : memref<2x80x128xf32, #tpu.memory_space<vmem>> -> memref<1x16x128xf32, #tpu.memory_space<vmem>>
      %dma_wait3A_790 = tpu.memref_squeeze %dma_wait3A_789 : memref<1x16x128xf32, #tpu.memory_space<vmem>> -> memref<16x128xf32, #tpu.memory_space<vmem>>
      %dma_wait3A_791 = arith.constant 0 : i32
      %dma_wait3A_792 = arith.constant 0 : i32
      %dma_wait3A_793 = tpu.memref_slice %arg2[%dma_wait3A_791, %dma_wait3A_792] : memref<10000x128xf32, #tpu.memory_space<hbm>> -> memref<16x128xf32, #tpu.memory_space<hbm>>
      tpu.wait_dma2 semaphore(%arg14 : memref<!tpu.dma_semaphore, #tpu.memory_space<semaphore_mem>>) src(%dma_wait3A_793 : memref<16x128xf32, #tpu.memory_space<hbm>>) dst(%dma_wait3A_790 : memref<16x128xf32, #tpu.memory_space<vmem>>)
      %dma_wait3A_794 = arith.constant 0 : i32
      %dma_wait3A_795 = arith.constant 32 : i32
      %dma_wait3A_796 = arith.constant 0 : i32
      %dma_wait3A_797 = tpu.memref_slice %arg8[%dma_wait3A_794, %dma_wait3A_795, %dma_wait3A_796] : memref<2x80x128xf32, #tpu.memory_space<vmem>> -> memref<1x16x128xf32, #tpu.memory_space<vmem>>
      %dma_wait3A_798 = tpu.memref_squeeze %dma_wait3A_797 : memref<1x16x128xf32, #tpu.memory_space<vmem>> -> memref<16x128xf32, #tpu.memory_space<vmem>>
      %dma_wait3A_799 = arith.constant 0 : i32
      %dma_wait3A_800 = arith.constant 0 : i32
      %dma_wait3A_801 = tpu.memref_slice %arg2[%dma_wait3A_799, %dma_wait3A_800] : memref<10000x128xf32, #tpu.memory_space<hbm>> -> memref<16x128xf32, #tpu.memory_space<hbm>>
      %dma_wait3A_802 = arith.constant 32 : i32
      %dma_wait3A_803 = arith.constant 0 : i32
      %dma_wait3A_804 = tpu.memref_slice %arg8[%dma_wait3A_794, %dma_wait3A_802, %dma_wait3A_803] : memref<2x80x128xf32, #tpu.memory_space<vmem>> -> memref<1x16x128xf32, #tpu.memory_space<vmem>>
      %dma_wait3A_805 = tpu.memref_squeeze %dma_wait3A_804 : memref<1x16x128xf32, #tpu.memory_space<vmem>> -> memref<16x128xf32, #tpu.memory_space<vmem>>
      %dma_wait3A_806 = arith.constant 0 : i32
      %dma_wait3A_807 = arith.constant 0 : i32
      %dma_wait3A_808 = tpu.memref_slice %arg2[%dma_wait3A_806, %dma_wait3A_807] : memref<10000x128xf32, #tpu.memory_space<hbm>> -> memref<16x128xf32, #tpu.memory_space<hbm>>
      tpu.wait_dma2 semaphore(%arg14 : memref<!tpu.dma_semaphore, #tpu.memory_space<semaphore_mem>>) src(%dma_wait3A_808 : memref<16x128xf32, #tpu.memory_space<hbm>>) dst(%dma_wait3A_805 : memref<16x128xf32, #tpu.memory_space<vmem>>)
      %dma_wait3A_809 = arith.constant 0 : i32
      %dma_wait3A_810 = arith.constant 32 : i32
      %dma_wait3A_811 = arith.constant 0 : i32
      %dma_wait3A_812 = tpu.memref_slice %arg9[%dma_wait3A_809, %dma_wait3A_810, %dma_wait3A_811] : memref<2x80x128xf32, #tpu.memory_space<vmem>> -> memref<1x16x128xf32, #tpu.memory_space<vmem>>
      %dma_wait3A_813 = tpu.memref_squeeze %dma_wait3A_812 : memref<1x16x128xf32, #tpu.memory_space<vmem>> -> memref<16x128xf32, #tpu.memory_space<vmem>>
      %dma_wait3A_814 = arith.constant 0 : i32
      %dma_wait3A_815 = arith.constant 0 : i32
      %dma_wait3A_816 = tpu.memref_slice %arg2[%dma_wait3A_814, %dma_wait3A_815] : memref<10000x128xf32, #tpu.memory_space<hbm>> -> memref<16x128xf32, #tpu.memory_space<hbm>>
      %dma_wait3A_817 = arith.constant 32 : i32
      %dma_wait3A_818 = arith.constant 0 : i32
      %dma_wait3A_819 = tpu.memref_slice %arg9[%dma_wait3A_809, %dma_wait3A_817, %dma_wait3A_818] : memref<2x80x128xf32, #tpu.memory_space<vmem>> -> memref<1x16x128xf32, #tpu.memory_space<vmem>>
      %dma_wait3A_820 = tpu.memref_squeeze %dma_wait3A_819 : memref<1x16x128xf32, #tpu.memory_space<vmem>> -> memref<16x128xf32, #tpu.memory_space<vmem>>
      %dma_wait3A_821 = arith.constant 0 : i32
      %dma_wait3A_822 = arith.constant 0 : i32
      %dma_wait3A_823 = tpu.memref_slice %arg2[%dma_wait3A_821, %dma_wait3A_822] : memref<10000x128xf32, #tpu.memory_space<hbm>> -> memref<16x128xf32, #tpu.memory_space<hbm>>
      tpu.wait_dma2 semaphore(%arg14 : memref<!tpu.dma_semaphore, #tpu.memory_space<semaphore_mem>>) src(%dma_wait3A_823 : memref<16x128xf32, #tpu.memory_space<hbm>>) dst(%dma_wait3A_820 : memref<16x128xf32, #tpu.memory_space<vmem>>)
      %dma_wait3A_824 = arith.constant 0 : i32
      %dma_wait3A_825 = arith.constant 48 : i32
      %dma_wait3A_826 = arith.constant 0 : i32
      %dma_wait3A_827 = tpu.memref_slice %arg8[%dma_wait3A_824, %dma_wait3A_825, %dma_wait3A_826] : memref<2x80x128xf32, #tpu.memory_space<vmem>> -> memref<1x16x128xf32, #tpu.memory_space<vmem>>
      %dma_wait3A_828 = tpu.memref_squeeze %dma_wait3A_827 : memref<1x16x128xf32, #tpu.memory_space<vmem>> -> memref<16x128xf32, #tpu.memory_space<vmem>>
      %dma_wait3A_829 = arith.constant 0 : i32
      %dma_wait3A_830 = arith.constant 0 : i32
      %dma_wait3A_831 = tpu.memref_slice %arg2[%dma_wait3A_829, %dma_wait3A_830] : memref<10000x128xf32, #tpu.memory_space<hbm>> -> memref<16x128xf32, #tpu.memory_space<hbm>>
      %dma_wait3A_832 = arith.constant 48 : i32
      %dma_wait3A_833 = arith.constant 0 : i32
      %dma_wait3A_834 = tpu.memref_slice %arg8[%dma_wait3A_824, %dma_wait3A_832, %dma_wait3A_833] : memref<2x80x128xf32, #tpu.memory_space<vmem>> -> memref<1x16x128xf32, #tpu.memory_space<vmem>>
      %dma_wait3A_835 = tpu.memref_squeeze %dma_wait3A_834 : memref<1x16x128xf32, #tpu.memory_space<vmem>> -> memref<16x128xf32, #tpu.memory_space<vmem>>
      %dma_wait3A_836 = arith.constant 0 : i32
      %dma_wait3A_837 = arith.constant 0 : i32
      %dma_wait3A_838 = tpu.memref_slice %arg2[%dma_wait3A_836, %dma_wait3A_837] : memref<10000x128xf32, #tpu.memory_space<hbm>> -> memref<16x128xf32, #tpu.memory_space<hbm>>
      tpu.wait_dma2 semaphore(%arg14 : memref<!tpu.dma_semaphore, #tpu.memory_space<semaphore_mem>>) src(%dma_wait3A_838 : memref<16x128xf32, #tpu.memory_space<hbm>>) dst(%dma_wait3A_835 : memref<16x128xf32, #tpu.memory_space<vmem>>)
      %dma_wait3A_839 = arith.constant 0 : i32
      %dma_wait3A_840 = arith.constant 48 : i32
      %dma_wait3A_841 = arith.constant 0 : i32
      %dma_wait3A_842 = tpu.memref_slice %arg9[%dma_wait3A_839, %dma_wait3A_840, %dma_wait3A_841] : memref<2x80x128xf32, #tpu.memory_space<vmem>> -> memref<1x16x128xf32, #tpu.memory_space<vmem>>
      %dma_wait3A_843 = tpu.memref_squeeze %dma_wait3A_842 : memref<1x16x128xf32, #tpu.memory_space<vmem>> -> memref<16x128xf32, #tpu.memory_space<vmem>>
      %dma_wait3A_844 = arith.constant 0 : i32
      %dma_wait3A_845 = arith.constant 0 : i32
      %dma_wait3A_846 = tpu.memref_slice %arg2[%dma_wait3A_844, %dma_wait3A_845] : memref<10000x128xf32, #tpu.memory_space<hbm>> -> memref<16x128xf32, #tpu.memory_space<hbm>>
      %dma_wait3A_847 = arith.constant 48 : i32
      %dma_wait3A_848 = arith.constant 0 : i32
      %dma_wait3A_849 = tpu.memref_slice %arg9[%dma_wait3A_839, %dma_wait3A_847, %dma_wait3A_848] : memref<2x80x128xf32, #tpu.memory_space<vmem>> -> memref<1x16x128xf32, #tpu.memory_space<vmem>>
      %dma_wait3A_850 = tpu.memref_squeeze %dma_wait3A_849 : memref<1x16x128xf32, #tpu.memory_space<vmem>> -> memref<16x128xf32, #tpu.memory_space<vmem>>
      %dma_wait3A_851 = arith.constant 0 : i32
      %dma_wait3A_852 = arith.constant 0 : i32
      %dma_wait3A_853 = tpu.memref_slice %arg2[%dma_wait3A_851, %dma_wait3A_852] : memref<10000x128xf32, #tpu.memory_space<hbm>> -> memref<16x128xf32, #tpu.memory_space<hbm>>
      tpu.wait_dma2 semaphore(%arg14 : memref<!tpu.dma_semaphore, #tpu.memory_space<semaphore_mem>>) src(%dma_wait3A_853 : memref<16x128xf32, #tpu.memory_space<hbm>>) dst(%dma_wait3A_850 : memref<16x128xf32, #tpu.memory_space<vmem>>)
      %dma_wait3A_854 = arith.constant 0 : i32
      %dma_wait3A_855 = arith.constant 64 : i32
      %dma_wait3A_856 = arith.constant 0 : i32
      %dma_wait3A_857 = tpu.memref_slice %arg8[%dma_wait3A_854, %dma_wait3A_855, %dma_wait3A_856] : memref<2x80x128xf32, #tpu.memory_space<vmem>> -> memref<1x16x128xf32, #tpu.memory_space<vmem>>
      %dma_wait3A_858 = tpu.memref_squeeze %dma_wait3A_857 : memref<1x16x128xf32, #tpu.memory_space<vmem>> -> memref<16x128xf32, #tpu.memory_space<vmem>>
      %dma_wait3A_859 = arith.constant 0 : i32
      %dma_wait3A_860 = arith.constant 0 : i32
      %dma_wait3A_861 = tpu.memref_slice %arg2[%dma_wait3A_859, %dma_wait3A_860] : memref<10000x128xf32, #tpu.memory_space<hbm>> -> memref<16x128xf32, #tpu.memory_space<hbm>>
      %dma_wait3A_862 = arith.constant 64 : i32
      %dma_wait3A_863 = arith.constant 0 : i32
      %dma_wait3A_864 = tpu.memref_slice %arg8[%dma_wait3A_854, %dma_wait3A_862, %dma_wait3A_863] : memref<2x80x128xf32, #tpu.memory_space<vmem>> -> memref<1x16x128xf32, #tpu.memory_space<vmem>>
      %dma_wait3A_865 = tpu.memref_squeeze %dma_wait3A_864 : memref<1x16x128xf32, #tpu.memory_space<vmem>> -> memref<16x128xf32, #tpu.memory_space<vmem>>
      %dma_wait3A_866 = arith.constant 0 : i32
      %dma_wait3A_867 = arith.constant 0 : i32
      %dma_wait3A_868 = tpu.memref_slice %arg2[%dma_wait3A_866, %dma_wait3A_867] : memref<10000x128xf32, #tpu.memory_space<hbm>> -> memref<16x128xf32, #tpu.memory_space<hbm>>
      tpu.wait_dma2 semaphore(%arg14 : memref<!tpu.dma_semaphore, #tpu.memory_space<semaphore_mem>>) src(%dma_wait3A_868 : memref<16x128xf32, #tpu.memory_space<hbm>>) dst(%dma_wait3A_865 : memref<16x128xf32, #tpu.memory_space<vmem>>)
      %dma_wait3A_869 = arith.constant 0 : i32
      %dma_wait3A_870 = arith.constant 64 : i32
      %dma_wait3A_871 = arith.constant 0 : i32
      %dma_wait3A_872 = tpu.memref_slice %arg9[%dma_wait3A_869, %dma_wait3A_870, %dma_wait3A_871] : memref<2x80x128xf32, #tpu.memory_space<vmem>> -> memref<1x16x128xf32, #tpu.memory_space<vmem>>
      %dma_wait3A_873 = tpu.memref_squeeze %dma_wait3A_872 : memref<1x16x128xf32, #tpu.memory_space<vmem>> -> memref<16x128xf32, #tpu.memory_space<vmem>>
      %dma_wait3A_874 = arith.constant 0 : i32
      %dma_wait3A_875 = arith.constant 0 : i32
      %dma_wait3A_876 = tpu.memref_slice %arg2[%dma_wait3A_874, %dma_wait3A_875] : memref<10000x128xf32, #tpu.memory_space<hbm>> -> memref<16x128xf32, #tpu.memory_space<hbm>>
      %dma_wait3A_877 = arith.constant 64 : i32
      %dma_wait3A_878 = arith.constant 0 : i32
      %dma_wait3A_879 = tpu.memref_slice %arg9[%dma_wait3A_869, %dma_wait3A_877, %dma_wait3A_878] : memref<2x80x128xf32, #tpu.memory_space<vmem>> -> memref<1x16x128xf32, #tpu.memory_space<vmem>>
      %dma_wait3A_880 = tpu.memref_squeeze %dma_wait3A_879 : memref<1x16x128xf32, #tpu.memory_space<vmem>> -> memref<16x128xf32, #tpu.memory_space<vmem>>
      %dma_wait3A_881 = arith.constant 0 : i32
      %dma_wait3A_882 = arith.constant 0 : i32
      %dma_wait3A_883 = tpu.memref_slice %arg2[%dma_wait3A_881, %dma_wait3A_882] : memref<10000x128xf32, #tpu.memory_space<hbm>> -> memref<16x128xf32, #tpu.memory_space<hbm>>
      tpu.wait_dma2 semaphore(%arg14 : memref<!tpu.dma_semaphore, #tpu.memory_space<semaphore_mem>>) src(%dma_wait3A_883 : memref<16x128xf32, #tpu.memory_space<hbm>>) dst(%dma_wait3A_880 : memref<16x128xf32, #tpu.memory_space<vmem>>)
      %add3A_884 = arith.constant 2 : i32
      %add3A_885 = arith.addi %add3A_726, %add3A_884 : i32
      %lt3A_886 = arith.constant 125 : i32
      %lt3A_887 = arith.cmpi slt, %add3A_885, %lt3A_886 : i32
      %convert_element_type3A_888 = arith.extui %lt3A_887 : i1 to i32
      %cond3A_889 = arith.constant 0 : i32
      %cond3A_890 = arith.cmpi ne, %convert_element_type3A_888, %cond3A_889 : i32
      scf.if %cond3A_890 {
        %add3A_1120 = arith.constant 2 : i32
        %add3A_1121 = arith.addi %add3A_726, %add3A_1120 : i32
        %mul3A_1122 = arith.constant 10000 : i32
        %mul3A_1123 = arith.muli %add3A, %mul3A_1122 : i32
        %mul3A_1124 = arith.constant 80 : i32
        %mul3A_1125 = arith.muli %add3A_1121, %mul3A_1124 : i32
        %add3A_1126 = arith.addi %mul3A_1123, %mul3A_1125 : i32
        %multiple_of3A_1127 = tpu.assume_multiple %add3A_1126, 80 : i32
        %add3A_1128 = arith.constant 0 : i32
        %add3A_1129 = arith.addi %multiple_of3A_1127, %add3A_1128 : i32
        %dma_start3A_1130 = arith.constant 0 : i32
        %dma_start3A_1131 = arith.constant 0 : i32
        %dma_start3A_1132 = arith.constant 0 : i32
        %dma_start3A_1133 = tpu.memref_slice %arg6[%dma_start3A_1130, %dma_start3A_1131, %dma_start3A_1132] : memref<2x5x16xi32, #tpu.memory_space<vmem>> -> memref<1x1x16xi32, #tpu.memory_space<vmem>>
        %dma_start3A_1134 = tpu.memref_squeeze %dma_start3A_1133 : memref<1x1x16xi32, #tpu.memory_space<vmem>> -> memref<16xi32, #tpu.memory_space<vmem>>
        %dma_start3A_1135 = tpu.memref_slice %arg3[%add3A_1129] : memref<320000xi32, #tpu.memory_space<hbm>> -> memref<16xi32, #tpu.memory_space<hbm>>
        %dma_start3A_1136 = arith.constant 0 : i32
        %dma_start3A_1137 = tpu.memref_slice %arg6[%dma_start3A_1130, %dma_start3A_1131, %dma_start3A_1136] : memref<2x5x16xi32, #tpu.memory_space<vmem>> -> memref<1x1x16xi32, #tpu.memory_space<vmem>>
        %dma_start3A_1138 = tpu.memref_squeeze %dma_start3A_1137 : memref<1x1x16xi32, #tpu.memory_space<vmem>> -> memref<16xi32, #tpu.memory_space<vmem>>
        %dma_start3A_1139 = tpu.memref_slice %arg3[%add3A_1129] : memref<320000xi32, #tpu.memory_space<hbm>> -> memref<16xi32, #tpu.memory_space<hbm>>
        tpu.enqueue_dma source(%dma_start3A_1139 : memref<16xi32, #tpu.memory_space<hbm>>) target(%dma_start3A_1138 : memref<16xi32, #tpu.memory_space<vmem>>) target_semaphore(%arg12 : memref<!tpu.dma_semaphore, #tpu.memory_space<semaphore_mem>>)
        %add3A_1140 = arith.constant 0 : i32
        %add3A_1141 = arith.addi %multiple_of3A_1127, %add3A_1140 : i32
        %dma_start3A_1142 = arith.constant 0 : i32
        %dma_start3A_1143 = arith.constant 0 : i32
        %dma_start3A_1144 = arith.constant 0 : i32
        %dma_start3A_1145 = tpu.memref_slice %arg7[%dma_start3A_1142, %dma_start3A_1143, %dma_start3A_1144] : memref<2x5x16xi32, #tpu.memory_space<vmem>> -> memref<1x1x16xi32, #tpu.memory_space<vmem>>
        %dma_start3A_1146 = tpu.memref_squeeze %dma_start3A_1145 : memref<1x1x16xi32, #tpu.memory_space<vmem>> -> memref<16xi32, #tpu.memory_space<vmem>>
        %dma_start3A_1147 = tpu.memref_slice %arg4[%add3A_1141] : memref<320000xi32, #tpu.memory_space<hbm>> -> memref<16xi32, #tpu.memory_space<hbm>>
        %dma_start3A_1148 = arith.constant 0 : i32
        %dma_start3A_1149 = tpu.memref_slice %arg7[%dma_start3A_1142, %dma_start3A_1143, %dma_start3A_1148] : memref<2x5x16xi32, #tpu.memory_space<vmem>> -> memref<1x1x16xi32, #tpu.memory_space<vmem>>
        %dma_start3A_1150 = tpu.memref_squeeze %dma_start3A_1149 : memref<1x1x16xi32, #tpu.memory_space<vmem>> -> memref<16xi32, #tpu.memory_space<vmem>>
        %dma_start3A_1151 = tpu.memref_slice %arg4[%add3A_1141] : memref<320000xi32, #tpu.memory_space<hbm>> -> memref<16xi32, #tpu.memory_space<hbm>>
        tpu.enqueue_dma source(%dma_start3A_1151 : memref<16xi32, #tpu.memory_space<hbm>>) target(%dma_start3A_1150 : memref<16xi32, #tpu.memory_space<vmem>>) target_semaphore(%arg12 : memref<!tpu.dma_semaphore, #tpu.memory_space<semaphore_mem>>)
        %add3A_1152 = arith.constant 16 : i32
        %add3A_1153 = arith.addi %multiple_of3A_1127, %add3A_1152 : i32
        %dma_start3A_1154 = arith.constant 0 : i32
        %dma_start3A_1155 = arith.constant 1 : i32
        %dma_start3A_1156 = arith.constant 0 : i32
        %dma_start3A_1157 = tpu.memref_slice %arg6[%dma_start3A_1154, %dma_start3A_1155, %dma_start3A_1156] : memref<2x5x16xi32, #tpu.memory_space<vmem>> -> memref<1x1x16xi32, #tpu.memory_space<vmem>>
        %dma_start3A_1158 = tpu.memref_squeeze %dma_start3A_1157 : memref<1x1x16xi32, #tpu.memory_space<vmem>> -> memref<16xi32, #tpu.memory_space<vmem>>
        %dma_start3A_1159 = tpu.memref_slice %arg3[%add3A_1153] : memref<320000xi32, #tpu.memory_space<hbm>> -> memref<16xi32, #tpu.memory_space<hbm>>
        %dma_start3A_1160 = arith.constant 0 : i32
        %dma_start3A_1161 = tpu.memref_slice %arg6[%dma_start3A_1154, %dma_start3A_1155, %dma_start3A_1160] : memref<2x5x16xi32, #tpu.memory_space<vmem>> -> memref<1x1x16xi32, #tpu.memory_space<vmem>>
        %dma_start3A_1162 = tpu.memref_squeeze %dma_start3A_1161 : memref<1x1x16xi32, #tpu.memory_space<vmem>> -> memref<16xi32, #tpu.memory_space<vmem>>
        %dma_start3A_1163 = tpu.memref_slice %arg3[%add3A_1153] : memref<320000xi32, #tpu.memory_space<hbm>> -> memref<16xi32, #tpu.memory_space<hbm>>
        tpu.enqueue_dma source(%dma_start3A_1163 : memref<16xi32, #tpu.memory_space<hbm>>) target(%dma_start3A_1162 : memref<16xi32, #tpu.memory_space<vmem>>) target_semaphore(%arg12 : memref<!tpu.dma_semaphore, #tpu.memory_space<semaphore_mem>>)
        %add3A_1164 = arith.constant 16 : i32
        %add3A_1165 = arith.addi %multiple_of3A_1127, %add3A_1164 : i32
        %dma_start3A_1166 = arith.constant 0 : i32
        %dma_start3A_1167 = arith.constant 1 : i32
        %dma_start3A_1168 = arith.constant 0 : i32
        %dma_start3A_1169 = tpu.memref_slice %arg7[%dma_start3A_1166, %dma_start3A_1167, %dma_start3A_1168] : memref<2x5x16xi32, #tpu.memory_space<vmem>> -> memref<1x1x16xi32, #tpu.memory_space<vmem>>
        %dma_start3A_1170 = tpu.memref_squeeze %dma_start3A_1169 : memref<1x1x16xi32, #tpu.memory_space<vmem>> -> memref<16xi32, #tpu.memory_space<vmem>>
        %dma_start3A_1171 = tpu.memref_slice %arg4[%add3A_1165] : memref<320000xi32, #tpu.memory_space<hbm>> -> memref<16xi32, #tpu.memory_space<hbm>>
        %dma_start3A_1172 = arith.constant 0 : i32
        %dma_start3A_1173 = tpu.memref_slice %arg7[%dma_start3A_1166, %dma_start3A_1167, %dma_start3A_1172] : memref<2x5x16xi32, #tpu.memory_space<vmem>> -> memref<1x1x16xi32, #tpu.memory_space<vmem>>
        %dma_start3A_1174 = tpu.memref_squeeze %dma_start3A_1173 : memref<1x1x16xi32, #tpu.memory_space<vmem>> -> memref<16xi32, #tpu.memory_space<vmem>>
        %dma_start3A_1175 = tpu.memref_slice %arg4[%add3A_1165] : memref<320000xi32, #tpu.memory_space<hbm>> -> memref<16xi32, #tpu.memory_space<hbm>>
        tpu.enqueue_dma source(%dma_start3A_1175 : memref<16xi32, #tpu.memory_space<hbm>>) target(%dma_start3A_1174 : memref<16xi32, #tpu.memory_space<vmem>>) target_semaphore(%arg12 : memref<!tpu.dma_semaphore, #tpu.memory_space<semaphore_mem>>)
        %add3A_1176 = arith.constant 32 : i32
        %add3A_1177 = arith.addi %multiple_of3A_1127, %add3A_1176 : i32
        %dma_start3A_1178 = arith.constant 0 : i32
        %dma_start3A_1179 = arith.constant 2 : i32
        %dma_start3A_1180 = arith.constant 0 : i32
        %dma_start3A_1181 = tpu.memref_slice %arg6[%dma_start3A_1178, %dma_start3A_1179, %dma_start3A_1180] : memref<2x5x16xi32, #tpu.memory_space<vmem>> -> memref<1x1x16xi32, #tpu.memory_space<vmem>>
        %dma_start3A_1182 = tpu.memref_squeeze %dma_start3A_1181 : memref<1x1x16xi32, #tpu.memory_space<vmem>> -> memref<16xi32, #tpu.memory_space<vmem>>
        %dma_start3A_1183 = tpu.memref_slice %arg3[%add3A_1177] : memref<320000xi32, #tpu.memory_space<hbm>> -> memref<16xi32, #tpu.memory_space<hbm>>
        %dma_start3A_1184 = arith.constant 0 : i32
        %dma_start3A_1185 = tpu.memref_slice %arg6[%dma_start3A_1178, %dma_start3A_1179, %dma_start3A_1184] : memref<2x5x16xi32, #tpu.memory_space<vmem>> -> memref<1x1x16xi32, #tpu.memory_space<vmem>>
        %dma_start3A_1186 = tpu.memref_squeeze %dma_start3A_1185 : memref<1x1x16xi32, #tpu.memory_space<vmem>> -> memref<16xi32, #tpu.memory_space<vmem>>
        %dma_start3A_1187 = tpu.memref_slice %arg3[%add3A_1177] : memref<320000xi32, #tpu.memory_space<hbm>> -> memref<16xi32, #tpu.memory_space<hbm>>
        tpu.enqueue_dma source(%dma_start3A_1187 : memref<16xi32, #tpu.memory_space<hbm>>) target(%dma_start3A_1186 : memref<16xi32, #tpu.memory_space<vmem>>) target_semaphore(%arg12 : memref<!tpu.dma_semaphore, #tpu.memory_space<semaphore_mem>>)
        %add3A_1188 = arith.constant 32 : i32
        %add3A_1189 = arith.addi %multiple_of3A_1127, %add3A_1188 : i32
        %dma_start3A_1190 = arith.constant 0 : i32
        %dma_start3A_1191 = arith.constant 2 : i32
        %dma_start3A_1192 = arith.constant 0 : i32
        %dma_start3A_1193 = tpu.memref_slice %arg7[%dma_start3A_1190, %dma_start3A_1191, %dma_start3A_1192] : memref<2x5x16xi32, #tpu.memory_space<vmem>> -> memref<1x1x16xi32, #tpu.memory_space<vmem>>
        %dma_start3A_1194 = tpu.memref_squeeze %dma_start3A_1193 : memref<1x1x16xi32, #tpu.memory_space<vmem>> -> memref<16xi32, #tpu.memory_space<vmem>>
        %dma_start3A_1195 = tpu.memref_slice %arg4[%add3A_1189] : memref<320000xi32, #tpu.memory_space<hbm>> -> memref<16xi32, #tpu.memory_space<hbm>>
        %dma_start3A_1196 = arith.constant 0 : i32
        %dma_start3A_1197 = tpu.memref_slice %arg7[%dma_start3A_1190, %dma_start3A_1191, %dma_start3A_1196] : memref<2x5x16xi32, #tpu.memory_space<vmem>> -> memref<1x1x16xi32, #tpu.memory_space<vmem>>
        %dma_start3A_1198 = tpu.memref_squeeze %dma_start3A_1197 : memref<1x1x16xi32, #tpu.memory_space<vmem>> -> memref<16xi32, #tpu.memory_space<vmem>>
        %dma_start3A_1199 = tpu.memref_slice %arg4[%add3A_1189] : memref<320000xi32, #tpu.memory_space<hbm>> -> memref<16xi32, #tpu.memory_space<hbm>>
        tpu.enqueue_dma source(%dma_start3A_1199 : memref<16xi32, #tpu.memory_space<hbm>>) target(%dma_start3A_1198 : memref<16xi32, #tpu.memory_space<vmem>>) target_semaphore(%arg12 : memref<!tpu.dma_semaphore, #tpu.memory_space<semaphore_mem>>)
        %add3A_1200 = arith.constant 48 : i32
        %add3A_1201 = arith.addi %multiple_of3A_1127, %add3A_1200 : i32
        %dma_start3A_1202 = arith.constant 0 : i32
        %dma_start3A_1203 = arith.constant 3 : i32
        %dma_start3A_1204 = arith.constant 0 : i32
        %dma_start3A_1205 = tpu.memref_slice %arg6[%dma_start3A_1202, %dma_start3A_1203, %dma_start3A_1204] : memref<2x5x16xi32, #tpu.memory_space<vmem>> -> memref<1x1x16xi32, #tpu.memory_space<vmem>>
        %dma_start3A_1206 = tpu.memref_squeeze %dma_start3A_1205 : memref<1x1x16xi32, #tpu.memory_space<vmem>> -> memref<16xi32, #tpu.memory_space<vmem>>
        %dma_start3A_1207 = tpu.memref_slice %arg3[%add3A_1201] : memref<320000xi32, #tpu.memory_space<hbm>> -> memref<16xi32, #tpu.memory_space<hbm>>
        %dma_start3A_1208 = arith.constant 0 : i32
        %dma_start3A_1209 = tpu.memref_slice %arg6[%dma_start3A_1202, %dma_start3A_1203, %dma_start3A_1208] : memref<2x5x16xi32, #tpu.memory_space<vmem>> -> memref<1x1x16xi32, #tpu.memory_space<vmem>>
        %dma_start3A_1210 = tpu.memref_squeeze %dma_start3A_1209 : memref<1x1x16xi32, #tpu.memory_space<vmem>> -> memref<16xi32, #tpu.memory_space<vmem>>
        %dma_start3A_1211 = tpu.memref_slice %arg3[%add3A_1201] : memref<320000xi32, #tpu.memory_space<hbm>> -> memref<16xi32, #tpu.memory_space<hbm>>
        tpu.enqueue_dma source(%dma_start3A_1211 : memref<16xi32, #tpu.memory_space<hbm>>) target(%dma_start3A_1210 : memref<16xi32, #tpu.memory_space<vmem>>) target_semaphore(%arg12 : memref<!tpu.dma_semaphore, #tpu.memory_space<semaphore_mem>>)
        %add3A_1212 = arith.constant 48 : i32
        %add3A_1213 = arith.addi %multiple_of3A_1127, %add3A_1212 : i32
        %dma_start3A_1214 = arith.constant 0 : i32
        %dma_start3A_1215 = arith.constant 3 : i32
        %dma_start3A_1216 = arith.constant 0 : i32
        %dma_start3A_1217 = tpu.memref_slice %arg7[%dma_start3A_1214, %dma_start3A_1215, %dma_start3A_1216] : memref<2x5x16xi32, #tpu.memory_space<vmem>> -> memref<1x1x16xi32, #tpu.memory_space<vmem>>
        %dma_start3A_1218 = tpu.memref_squeeze %dma_start3A_1217 : memref<1x1x16xi32, #tpu.memory_space<vmem>> -> memref<16xi32, #tpu.memory_space<vmem>>
        %dma_start3A_1219 = tpu.memref_slice %arg4[%add3A_1213] : memref<320000xi32, #tpu.memory_space<hbm>> -> memref<16xi32, #tpu.memory_space<hbm>>
        %dma_start3A_1220 = arith.constant 0 : i32
        %dma_start3A_1221 = tpu.memref_slice %arg7[%dma_start3A_1214, %dma_start3A_1215, %dma_start3A_1220] : memref<2x5x16xi32, #tpu.memory_space<vmem>> -> memref<1x1x16xi32, #tpu.memory_space<vmem>>
        %dma_start3A_1222 = tpu.memref_squeeze %dma_start3A_1221 : memref<1x1x16xi32, #tpu.memory_space<vmem>> -> memref<16xi32, #tpu.memory_space<vmem>>
        %dma_start3A_1223 = tpu.memref_slice %arg4[%add3A_1213] : memref<320000xi32, #tpu.memory_space<hbm>> -> memref<16xi32, #tpu.memory_space<hbm>>
        tpu.enqueue_dma source(%dma_start3A_1223 : memref<16xi32, #tpu.memory_space<hbm>>) target(%dma_start3A_1222 : memref<16xi32, #tpu.memory_space<vmem>>) target_semaphore(%arg12 : memref<!tpu.dma_semaphore, #tpu.memory_space<semaphore_mem>>)
        %add3A_1224 = arith.constant 64 : i32
        %add3A_1225 = arith.addi %multiple_of3A_1127, %add3A_1224 : i32
        %dma_start3A_1226 = arith.constant 0 : i32
        %dma_start3A_1227 = arith.constant 4 : i32
        %dma_start3A_1228 = arith.constant 0 : i32
        %dma_start3A_1229 = tpu.memref_slice %arg6[%dma_start3A_1226, %dma_start3A_1227, %dma_start3A_1228] : memref<2x5x16xi32, #tpu.memory_space<vmem>> -> memref<1x1x16xi32, #tpu.memory_space<vmem>>
        %dma_start3A_1230 = tpu.memref_squeeze %dma_start3A_1229 : memref<1x1x16xi32, #tpu.memory_space<vmem>> -> memref<16xi32, #tpu.memory_space<vmem>>
        %dma_start3A_1231 = tpu.memref_slice %arg3[%add3A_1225] : memref<320000xi32, #tpu.memory_space<hbm>> -> memref<16xi32, #tpu.memory_space<hbm>>
        %dma_start3A_1232 = arith.constant 0 : i32
        %dma_start3A_1233 = tpu.memref_slice %arg6[%dma_start3A_1226, %dma_start3A_1227, %dma_start3A_1232] : memref<2x5x16xi32, #tpu.memory_space<vmem>> -> memref<1x1x16xi32, #tpu.memory_space<vmem>>
        %dma_start3A_1234 = tpu.memref_squeeze %dma_start3A_1233 : memref<1x1x16xi32, #tpu.memory_space<vmem>> -> memref<16xi32, #tpu.memory_space<vmem>>
        %dma_start3A_1235 = tpu.memref_slice %arg3[%add3A_1225] : memref<320000xi32, #tpu.memory_space<hbm>> -> memref<16xi32, #tpu.memory_space<hbm>>
        tpu.enqueue_dma source(%dma_start3A_1235 : memref<16xi32, #tpu.memory_space<hbm>>) target(%dma_start3A_1234 : memref<16xi32, #tpu.memory_space<vmem>>) target_semaphore(%arg12 : memref<!tpu.dma_semaphore, #tpu.memory_space<semaphore_mem>>)
        %add3A_1236 = arith.constant 64 : i32
        %add3A_1237 = arith.addi %multiple_of3A_1127, %add3A_1236 : i32
        %dma_start3A_1238 = arith.constant 0 : i32
        %dma_start3A_1239 = arith.constant 4 : i32
        %dma_start3A_1240 = arith.constant 0 : i32
        %dma_start3A_1241 = tpu.memref_slice %arg7[%dma_start3A_1238, %dma_start3A_1239, %dma_start3A_1240] : memref<2x5x16xi32, #tpu.memory_space<vmem>> -> memref<1x1x16xi32, #tpu.memory_space<vmem>>
        %dma_start3A_1242 = tpu.memref_squeeze %dma_start3A_1241 : memref<1x1x16xi32, #tpu.memory_space<vmem>> -> memref<16xi32, #tpu.memory_space<vmem>>
        %dma_start3A_1243 = tpu.memref_slice %arg4[%add3A_1237] : memref<320000xi32, #tpu.memory_space<hbm>> -> memref<16xi32, #tpu.memory_space<hbm>>
        %dma_start3A_1244 = arith.constant 0 : i32
        %dma_start3A_1245 = tpu.memref_slice %arg7[%dma_start3A_1238, %dma_start3A_1239, %dma_start3A_1244] : memref<2x5x16xi32, #tpu.memory_space<vmem>> -> memref<1x1x16xi32, #tpu.memory_space<vmem>>
        %dma_start3A_1246 = tpu.memref_squeeze %dma_start3A_1245 : memref<1x1x16xi32, #tpu.memory_space<vmem>> -> memref<16xi32, #tpu.memory_space<vmem>>
        %dma_start3A_1247 = tpu.memref_slice %arg4[%add3A_1237] : memref<320000xi32, #tpu.memory_space<hbm>> -> memref<16xi32, #tpu.memory_space<hbm>>
        tpu.enqueue_dma source(%dma_start3A_1247 : memref<16xi32, #tpu.memory_space<hbm>>) target(%dma_start3A_1246 : memref<16xi32, #tpu.memory_space<vmem>>) target_semaphore(%arg12 : memref<!tpu.dma_semaphore, #tpu.memory_space<semaphore_mem>>)
      } else {
      }
      %ge3A = arith.constant 2 : i32
      %ge3A_891 = arith.cmpi sge, %add3A_726, %ge3A : i32
      %convert_element_type3A_892 = arith.extui %ge3A_891 : i1 to i32
      %cond3A_893 = arith.constant 0 : i32
      %cond3A_894 = arith.cmpi ne, %convert_element_type3A_892, %cond3A_893 : i32
      scf.if %cond3A_894 {
        %dma_wait3A_1120 = arith.constant 0 : i32
        %dma_wait3A_1121 = arith.constant 0 : i32
        %dma_wait3A_1122 = tpu.memref_slice %arg10[%dma_wait3A_1120, %dma_wait3A_1121] : memref<2x80xf32, #tpu.memory_space<vmem>> -> memref<1x80xf32, #tpu.memory_space<vmem>>
        %dma_wait3A_1123 = tpu.memref_squeeze %dma_wait3A_1122 : memref<1x80xf32, #tpu.memory_space<vmem>> -> memref<80xf32, #tpu.memory_space<vmem>>
        %dma_wait3A_1124 = arith.constant 0 : i32
        %dma_wait3A_1125 = tpu.memref_slice %arg5[%dma_wait3A_1124] : memref<320000xf32, #tpu.memory_space<hbm>> -> memref<80xf32, #tpu.memory_space<hbm>>
        %dma_wait3A_1126 = arith.constant 0 : i32
        %dma_wait3A_1127 = tpu.memref_slice %arg5[%dma_wait3A_1126] : memref<320000xf32, #tpu.memory_space<hbm>> -> memref<80xf32, #tpu.memory_space<hbm>>
        %dma_wait3A_1128 = arith.constant 0 : i32
        %dma_wait3A_1129 = tpu.memref_slice %arg10[%dma_wait3A_1120, %dma_wait3A_1128] : memref<2x80xf32, #tpu.memory_space<vmem>> -> memref<1x80xf32, #tpu.memory_space<vmem>>
        %dma_wait3A_1130 = tpu.memref_squeeze %dma_wait3A_1129 : memref<1x80xf32, #tpu.memory_space<vmem>> -> memref<80xf32, #tpu.memory_space<vmem>>
        tpu.wait_dma2 semaphore(%arg16 : memref<!tpu.dma_semaphore, #tpu.memory_space<semaphore_mem>>) src(%dma_wait3A_1130 : memref<80xf32, #tpu.memory_space<vmem>>) dst(%dma_wait3A_1127 : memref<80xf32, #tpu.memory_space<hbm>>)
      } else {
      }
      %iota3A_895 = tpu.iota {dimensions = array<i32: 0>} : vector<16xi32>
      %scan3A_896 = arith.constant 0 : i32
      %scan3A_897 = arith.constant 0 : i32
      %scan3A_898 = arith.constant 0 : i32
      %scan3A_899 = arith.constant 0 : i32
      %scan3A_900 = arith.constant 0 : i32
      %scan3A_901 = arith.constant 5 : i32
      %scan3A_902 = arith.addi %scan3A_900, %scan3A_901 : i32
      %scan3A_903 = arith.constant 1 : i32
      scf.for %scan3A_1120 = %scan3A_900 to %scan3A_902 step %scan3A_903  : i32 {
        %broadcast_in_dim3A = arith.constant 0.000000e+00 : f32
        %broadcast_in_dim3A_1121 = vector.broadcast %broadcast_in_dim3A : f32 to vector<16xf32>
        %scan3A_1122 = arith.constant 0 : i32
        %scan3A_1123 = arith.constant 16 : i32
        %scan3A_1124 = arith.addi %scan3A_1122, %scan3A_1123 : i32
        %scan3A_1125 = arith.constant 4 : i32
        %scan3A_1126 = scf.for %scan3A_1135 = %scan3A_1122 to %scan3A_1124 step %scan3A_1125 iter_args(%scan3A_1136 = %broadcast_in_dim3A_1121) -> (vector<16xf32>)  : i32 {
          %mul3A_1137 = arith.constant 16 : i32
          %mul3A_1138 = arith.muli %scan3A_1120, %mul3A_1137 : i32
          %add3A_1139 = arith.addi %mul3A_1138, %scan3A_1135 : i32
          %broadcast_in_dim3A_1140 = arith.constant 0.000000e+00 : f32
          %broadcast_in_dim3A_1141 = vector.broadcast %broadcast_in_dim3A_1140 : f32 to vector<16xf32>
          %broadcast_in_dim3A_1142 = arith.constant 0.000000e+00 : f32
          %broadcast_in_dim3A_1143 = vector.broadcast %broadcast_in_dim3A_1142 : f32 to vector<16xf32>
          %get3A = arith.constant 0 : i32
          %get3A_1144 = arith.constant 0 : i32
          %get3A_1145 = tpu.memref_slice %arg8[%scan3A_897, %get3A, %get3A_1144] : memref<2x80x128xf32, #tpu.memory_space<vmem>> -> memref<1x80x128xf32, #tpu.memory_space<vmem>>
          %get3A_1146 = tpu.memref_squeeze %get3A_1145 : memref<1x80x128xf32, #tpu.memory_space<vmem>> -> memref<80x128xf32, #tpu.memory_space<vmem>>
          %get3A_1147 = arith.index_cast %add3A_1139 : i32 to index
          %get3A_1148 = arith.constant 0 : index
          %get3A_1149 = tpu.vector_load %get3A_1146[%get3A_1147, %get3A_1148] {strides = array<i32>} : memref<80x128xf32, #tpu.memory_space<vmem>>, vector<16xf32>,
          %get3A_1150 = arith.constant 0 : i32
          %get3A_1151 = arith.constant 0 : i32
          %get3A_1152 = tpu.memref_slice %arg9[%scan3A_898, %get3A_1150, %get3A_1151] : memref<2x80x128xf32, #tpu.memory_space<vmem>> -> memref<1x80x128xf32, #tpu.memory_space<vmem>>
          %get3A_1153 = tpu.memref_squeeze %get3A_1152 : memref<1x80x128xf32, #tpu.memory_space<vmem>> -> memref<80x128xf32, #tpu.memory_space<vmem>>
          %get3A_1154 = arith.index_cast %add3A_1139 : i32 to index
          %get3A_1155 = arith.constant 0 : index
          %get3A_1156 = tpu.vector_load %get3A_1153[%get3A_1154, %get3A_1155] {strides = array<i32>} : memref<80x128xf32, #tpu.memory_space<vmem>>, vector<16xf32>,
          %mul3A_1157 = arith.mulf %get3A_1149, %get3A_1156 : vector<16xf32>
          %add3A_1158 = arith.addf %broadcast_in_dim3A_1141, %mul3A_1157 : vector<16xf32>
          %get3A_1159 = arith.constant 0 : i32
          %get3A_1160 = arith.constant 0 : i32
          %get3A_1161 = tpu.memref_slice %arg8[%scan3A_897, %get3A_1159, %get3A_1160] : memref<2x80x128xf32, #tpu.memory_space<vmem>> -> memref<1x80x128xf32, #tpu.memory_space<vmem>>
          %get3A_1162 = tpu.memref_squeeze %get3A_1161 : memref<1x80x128xf32, #tpu.memory_space<vmem>> -> memref<80x128xf32, #tpu.memory_space<vmem>>
          %get3A_1163 = arith.index_cast %add3A_1139 : i32 to index
          %get3A_1164 = arith.constant 16 : index
          %get3A_1165 = tpu.vector_load %get3A_1162[%get3A_1163, %get3A_1164] {strides = array<i32>} : memref<80x128xf32, #tpu.memory_space<vmem>>, vector<16xf32>,
          %get3A_1166 = arith.constant 0 : i32
          %get3A_1167 = arith.constant 0 : i32
          %get3A_1168 = tpu.memref_slice %arg9[%scan3A_898, %get3A_1166, %get3A_1167] : memref<2x80x128xf32, #tpu.memory_space<vmem>> -> memref<1x80x128xf32, #tpu.memory_space<vmem>>
          %get3A_1169 = tpu.memref_squeeze %get3A_1168 : memref<1x80x128xf32, #tpu.memory_space<vmem>> -> memref<80x128xf32, #tpu.memory_space<vmem>>
          %get3A_1170 = arith.index_cast %add3A_1139 : i32 to index
          %get3A_1171 = arith.constant 16 : index
          %get3A_1172 = tpu.vector_load %get3A_1169[%get3A_1170, %get3A_1171] {strides = array<i32>} : memref<80x128xf32, #tpu.memory_space<vmem>>, vector<16xf32>,
          %mul3A_1173 = arith.mulf %get3A_1165, %get3A_1172 : vector<16xf32>
          %add3A_1174 = arith.addf %broadcast_in_dim3A_1143, %mul3A_1173 : vector<16xf32>
          %get3A_1175 = arith.constant 0 : i32
          %get3A_1176 = arith.constant 0 : i32
          %get3A_1177 = tpu.memref_slice %arg8[%scan3A_897, %get3A_1175, %get3A_1176] : memref<2x80x128xf32, #tpu.memory_space<vmem>> -> memref<1x80x128xf32, #tpu.memory_space<vmem>>
          %get3A_1178 = tpu.memref_squeeze %get3A_1177 : memref<1x80x128xf32, #tpu.memory_space<vmem>> -> memref<80x128xf32, #tpu.memory_space<vmem>>
          %get3A_1179 = arith.index_cast %add3A_1139 : i32 to index
          %get3A_1180 = arith.constant 32 : index
          %get3A_1181 = tpu.vector_load %get3A_1178[%get3A_1179, %get3A_1180] {strides = array<i32>} : memref<80x128xf32, #tpu.memory_space<vmem>>, vector<16xf32>,
          %get3A_1182 = arith.constant 0 : i32
          %get3A_1183 = arith.constant 0 : i32
          %get3A_1184 = tpu.memref_slice %arg9[%scan3A_898, %get3A_1182, %get3A_1183] : memref<2x80x128xf32, #tpu.memory_space<vmem>> -> memref<1x80x128xf32, #tpu.memory_space<vmem>>
          %get3A_1185 = tpu.memref_squeeze %get3A_1184 : memref<1x80x128xf32, #tpu.memory_space<vmem>> -> memref<80x128xf32, #tpu.memory_space<vmem>>
          %get3A_1186 = arith.index_cast %add3A_1139 : i32 to index
          %get3A_1187 = arith.constant 32 : index
          %get3A_1188 = tpu.vector_load %get3A_1185[%get3A_1186, %get3A_1187] {strides = array<i32>} : memref<80x128xf32, #tpu.memory_space<vmem>>, vector<16xf32>,
          %mul3A_1189 = arith.mulf %get3A_1181, %get3A_1188 : vector<16xf32>
          %add3A_1190 = arith.addf %add3A_1158, %mul3A_1189 : vector<16xf32>
          %get3A_1191 = arith.constant 0 : i32
          %get3A_1192 = arith.constant 0 : i32
          %get3A_1193 = tpu.memref_slice %arg8[%scan3A_897, %get3A_1191, %get3A_1192] : memref<2x80x128xf32, #tpu.memory_space<vmem>> -> memref<1x80x128xf32, #tpu.memory_space<vmem>>
          %get3A_1194 = tpu.memref_squeeze %get3A_1193 : memref<1x80x128xf32, #tpu.memory_space<vmem>> -> memref<80x128xf32, #tpu.memory_space<vmem>>
          %get3A_1195 = arith.index_cast %add3A_1139 : i32 to index
          %get3A_1196 = arith.constant 48 : index
          %get3A_1197 = tpu.vector_load %get3A_1194[%get3A_1195, %get3A_1196] {strides = array<i32>} : memref<80x128xf32, #tpu.memory_space<vmem>>, vector<16xf32>,
          %get3A_1198 = arith.constant 0 : i32
          %get3A_1199 = arith.constant 0 : i32
          %get3A_1200 = tpu.memref_slice %arg9[%scan3A_898, %get3A_1198, %get3A_1199] : memref<2x80x128xf32, #tpu.memory_space<vmem>> -> memref<1x80x128xf32, #tpu.memory_space<vmem>>
          %get3A_1201 = tpu.memref_squeeze %get3A_1200 : memref<1x80x128xf32, #tpu.memory_space<vmem>> -> memref<80x128xf32, #tpu.memory_space<vmem>>
          %get3A_1202 = arith.index_cast %add3A_1139 : i32 to index
          %get3A_1203 = arith.constant 48 : index
          %get3A_1204 = tpu.vector_load %get3A_1201[%get3A_1202, %get3A_1203] {strides = array<i32>} : memref<80x128xf32, #tpu.memory_space<vmem>>, vector<16xf32>,
          %mul3A_1205 = arith.mulf %get3A_1197, %get3A_1204 : vector<16xf32>
          %add3A_1206 = arith.addf %add3A_1174, %mul3A_1205 : vector<16xf32>
          %get3A_1207 = arith.constant 0 : i32
          %get3A_1208 = arith.constant 0 : i32
          %get3A_1209 = tpu.memref_slice %arg8[%scan3A_897, %get3A_1207, %get3A_1208] : memref<2x80x128xf32, #tpu.memory_space<vmem>> -> memref<1x80x128xf32, #tpu.memory_space<vmem>>
          %get3A_1210 = tpu.memref_squeeze %get3A_1209 : memref<1x80x128xf32, #tpu.memory_space<vmem>> -> memref<80x128xf32, #tpu.memory_space<vmem>>
          %get3A_1211 = arith.index_cast %add3A_1139 : i32 to index
          %get3A_1212 = arith.constant 64 : index
          %get3A_1213 = tpu.vector_load %get3A_1210[%get3A_1211, %get3A_1212] {strides = array<i32>} : memref<80x128xf32, #tpu.memory_space<vmem>>, vector<16xf32>,
          %get3A_1214 = arith.constant 0 : i32
          %get3A_1215 = arith.constant 0 : i32
          %get3A_1216 = tpu.memref_slice %arg9[%scan3A_898, %get3A_1214, %get3A_1215] : memref<2x80x128xf32, #tpu.memory_space<vmem>> -> memref<1x80x128xf32, #tpu.memory_space<vmem>>
          %get3A_1217 = tpu.memref_squeeze %get3A_1216 : memref<1x80x128xf32, #tpu.memory_space<vmem>> -> memref<80x128xf32, #tpu.memory_space<vmem>>
          %get3A_1218 = arith.index_cast %add3A_1139 : i32 to index
          %get3A_1219 = arith.constant 64 : index
          %get3A_1220 = tpu.vector_load %get3A_1217[%get3A_1218, %get3A_1219] {strides = array<i32>} : memref<80x128xf32, #tpu.memory_space<vmem>>, vector<16xf32>,
          %mul3A_1221 = arith.mulf %get3A_1213, %get3A_1220 : vector<16xf32>
          %add3A_1222 = arith.addf %add3A_1190, %mul3A_1221 : vector<16xf32>
          %get3A_1223 = arith.constant 0 : i32
          %get3A_1224 = arith.constant 0 : i32
          %get3A_1225 = tpu.memref_slice %arg8[%scan3A_897, %get3A_1223, %get3A_1224] : memref<2x80x128xf32, #tpu.memory_space<vmem>> -> memref<1x80x128xf32, #tpu.memory_space<vmem>>
          %get3A_1226 = tpu.memref_squeeze %get3A_1225 : memref<1x80x128xf32, #tpu.memory_space<vmem>> -> memref<80x128xf32, #tpu.memory_space<vmem>>
          %get3A_1227 = arith.index_cast %add3A_1139 : i32 to index
          %get3A_1228 = arith.constant 80 : index
          %get3A_1229 = tpu.vector_load %get3A_1226[%get3A_1227, %get3A_1228] {strides = array<i32>} : memref<80x128xf32, #tpu.memory_space<vmem>>, vector<16xf32>,
          %get3A_1230 = arith.constant 0 : i32
          %get3A_1231 = arith.constant 0 : i32
          %get3A_1232 = tpu.memref_slice %arg9[%scan3A_898, %get3A_1230, %get3A_1231] : memref<2x80x128xf32, #tpu.memory_space<vmem>> -> memref<1x80x128xf32, #tpu.memory_space<vmem>>
          %get3A_1233 = tpu.memref_squeeze %get3A_1232 : memref<1x80x128xf32, #tpu.memory_space<vmem>> -> memref<80x128xf32, #tpu.memory_space<vmem>>
          %get3A_1234 = arith.index_cast %add3A_1139 : i32 to index
          %get3A_1235 = arith.constant 80 : index
          %get3A_1236 = tpu.vector_load %get3A_1233[%get3A_1234, %get3A_1235] {strides = array<i32>} : memref<80x128xf32, #tpu.memory_space<vmem>>, vector<16xf32>,
          %mul3A_1237 = arith.mulf %get3A_1229, %get3A_1236 : vector<16xf32>
          %add3A_1238 = arith.addf %add3A_1206, %mul3A_1237 : vector<16xf32>
          %get3A_1239 = arith.constant 0 : i32
          %get3A_1240 = arith.constant 0 : i32
          %get3A_1241 = tpu.memref_slice %arg8[%scan3A_897, %get3A_1239, %get3A_1240] : memref<2x80x128xf32, #tpu.memory_space<vmem>> -> memref<1x80x128xf32, #tpu.memory_space<vmem>>
          %get3A_1242 = tpu.memref_squeeze %get3A_1241 : memref<1x80x128xf32, #tpu.memory_space<vmem>> -> memref<80x128xf32, #tpu.memory_space<vmem>>
          %get3A_1243 = arith.index_cast %add3A_1139 : i32 to index
          %get3A_1244 = arith.constant 96 : index
          %get3A_1245 = tpu.vector_load %get3A_1242[%get3A_1243, %get3A_1244] {strides = array<i32>} : memref<80x128xf32, #tpu.memory_space<vmem>>, vector<16xf32>,
          %get3A_1246 = arith.constant 0 : i32
          %get3A_1247 = arith.constant 0 : i32
          %get3A_1248 = tpu.memref_slice %arg9[%scan3A_898, %get3A_1246, %get3A_1247] : memref<2x80x128xf32, #tpu.memory_space<vmem>> -> memref<1x80x128xf32, #tpu.memory_space<vmem>>
          %get3A_1249 = tpu.memref_squeeze %get3A_1248 : memref<1x80x128xf32, #tpu.memory_space<vmem>> -> memref<80x128xf32, #tpu.memory_space<vmem>>
          %get3A_1250 = arith.index_cast %add3A_1139 : i32 to index
          %get3A_1251 = arith.constant 96 : index
          %get3A_1252 = tpu.vector_load %get3A_1249[%get3A_1250, %get3A_1251] {strides = array<i32>} : memref<80x128xf32, #tpu.memory_space<vmem>>, vector<16xf32>,
          %mul3A_1253 = arith.mulf %get3A_1245, %get3A_1252 : vector<16xf32>
          %add3A_1254 = arith.addf %add3A_1222, %mul3A_1253 : vector<16xf32>
          %get3A_1255 = arith.constant 0 : i32
          %get3A_1256 = arith.constant 0 : i32
          %get3A_1257 = tpu.memref_slice %arg8[%scan3A_897, %get3A_1255, %get3A_1256] : memref<2x80x128xf32, #tpu.memory_space<vmem>> -> memref<1x80x128xf32, #tpu.memory_space<vmem>>
          %get3A_1258 = tpu.memref_squeeze %get3A_1257 : memref<1x80x128xf32, #tpu.memory_space<vmem>> -> memref<80x128xf32, #tpu.memory_space<vmem>>
          %get3A_1259 = arith.index_cast %add3A_1139 : i32 to index
          %get3A_1260 = arith.constant 112 : index
          %get3A_1261 = tpu.vector_load %get3A_1258[%get3A_1259, %get3A_1260] {strides = array<i32>} : memref<80x128xf32, #tpu.memory_space<vmem>>, vector<16xf32>,
          %get3A_1262 = arith.constant 0 : i32
          %get3A_1263 = arith.constant 0 : i32
          %get3A_1264 = tpu.memref_slice %arg9[%scan3A_898, %get3A_1262, %get3A_1263] : memref<2x80x128xf32, #tpu.memory_space<vmem>> -> memref<1x80x128xf32, #tpu.memory_space<vmem>>
          %get3A_1265 = tpu.memref_squeeze %get3A_1264 : memref<1x80x128xf32, #tpu.memory_space<vmem>> -> memref<80x128xf32, #tpu.memory_space<vmem>>
          %get3A_1266 = arith.index_cast %add3A_1139 : i32 to index
          %get3A_1267 = arith.constant 112 : index
          %get3A_1268 = tpu.vector_load %get3A_1265[%get3A_1266, %get3A_1267] {strides = array<i32>} : memref<80x128xf32, #tpu.memory_space<vmem>>, vector<16xf32>,
          %mul3A_1269 = arith.mulf %get3A_1261, %get3A_1268 : vector<16xf32>
          %add3A_1270 = arith.addf %add3A_1238, %mul3A_1269 : vector<16xf32>
          %eq3A_1271 = vector.broadcast %scan3A_1135 : i32 to vector<16xi32>
          %eq3A_1272 = arith.cmpi eq, %iota3A_895, %eq3A_1271 : vector<16xi32>
          %add3A_1273 = arith.addf %add3A_1254, %add3A_1270 : vector<16xf32>
          %reduce_sum3A = arith.constant true
          %reduce_sum3A_1274 = vector.broadcast %reduce_sum3A : i1 to vector<16xi1>
          %reduce_sum3A_1275 = tpu.scan <sum>, %add3A_1273 masked %reduce_sum3A_1274 : vector<16xf32>, vector<16xi1> -> vector<16xf32>
          %reduce_sum3A_1276 = vector.extract %reduce_sum3A_1275[15] : f32 from vector<16xf32>
          %broadcast_in_dim3A_1277 = vector.broadcast %reduce_sum3A_1276 : f32 to vector<16xf32>
          %select_n3A = arith.select %eq3A_1272, %broadcast_in_dim3A_1277, %scan3A_1136 : vector<16xi1>, vector<16xf32>
          %scan3A_1278 = arith.constant 1 : i32
          %scan3A_1279 = arith.addi %scan3A_1135, %scan3A_1278 : i32
          %mul3A_1280 = arith.constant 16 : i32
          %mul3A_1281 = arith.muli %scan3A_1120, %mul3A_1280 : i32
          %add3A_1282 = arith.addi %mul3A_1281, %scan3A_1279 : i32
          %broadcast_in_dim3A_1283 = arith.constant 0.000000e+00 : f32
          %broadcast_in_dim3A_1284 = vector.broadcast %broadcast_in_dim3A_1283 : f32 to vector<16xf32>
          %broadcast_in_dim3A_1285 = arith.constant 0.000000e+00 : f32
          %broadcast_in_dim3A_1286 = vector.broadcast %broadcast_in_dim3A_1285 : f32 to vector<16xf32>
          %get3A_1287 = arith.constant 0 : i32
          %get3A_1288 = arith.constant 0 : i32
          %get3A_1289 = tpu.memref_slice %arg8[%scan3A_897, %get3A_1287, %get3A_1288] : memref<2x80x128xf32, #tpu.memory_space<vmem>> -> memref<1x80x128xf32, #tpu.memory_space<vmem>>
          %get3A_1290 = tpu.memref_squeeze %get3A_1289 : memref<1x80x128xf32, #tpu.memory_space<vmem>> -> memref<80x128xf32, #tpu.memory_space<vmem>>
          %get3A_1291 = arith.index_cast %add3A_1282 : i32 to index
          %get3A_1292 = arith.constant 0 : index
          %get3A_1293 = tpu.vector_load %get3A_1290[%get3A_1291, %get3A_1292] {strides = array<i32>} : memref<80x128xf32, #tpu.memory_space<vmem>>, vector<16xf32>,
          %get3A_1294 = arith.constant 0 : i32
          %get3A_1295 = arith.constant 0 : i32
          %get3A_1296 = tpu.memref_slice %arg9[%scan3A_898, %get3A_1294, %get3A_1295] : memref<2x80x128xf32, #tpu.memory_space<vmem>> -> memref<1x80x128xf32, #tpu.memory_space<vmem>>
          %get3A_1297 = tpu.memref_squeeze %get3A_1296 : memref<1x80x128xf32, #tpu.memory_space<vmem>> -> memref<80x128xf32, #tpu.memory_space<vmem>>
          %get3A_1298 = arith.index_cast %add3A_1282 : i32 to index
          %get3A_1299 = arith.constant 0 : index
          %get3A_1300 = tpu.vector_load %get3A_1297[%get3A_1298, %get3A_1299] {strides = array<i32>} : memref<80x128xf32, #tpu.memory_space<vmem>>, vector<16xf32>,
          %mul3A_1301 = arith.mulf %get3A_1293, %get3A_1300 : vector<16xf32>
          %add3A_1302 = arith.addf %broadcast_in_dim3A_1284, %mul3A_1301 : vector<16xf32>
          %get3A_1303 = arith.constant 0 : i32
          %get3A_1304 = arith.constant 0 : i32
          %get3A_1305 = tpu.memref_slice %arg8[%scan3A_897, %get3A_1303, %get3A_1304] : memref<2x80x128xf32, #tpu.memory_space<vmem>> -> memref<1x80x128xf32, #tpu.memory_space<vmem>>
          %get3A_1306 = tpu.memref_squeeze %get3A_1305 : memref<1x80x128xf32, #tpu.memory_space<vmem>> -> memref<80x128xf32, #tpu.memory_space<vmem>>
          %get3A_1307 = arith.index_cast %add3A_1282 : i32 to index
          %get3A_1308 = arith.constant 16 : index
          %get3A_1309 = tpu.vector_load %get3A_1306[%get3A_1307, %get3A_1308] {strides = array<i32>} : memref<80x128xf32, #tpu.memory_space<vmem>>, vector<16xf32>,
          %get3A_1310 = arith.constant 0 : i32
          %get3A_1311 = arith.constant 0 : i32
          %get3A_1312 = tpu.memref_slice %arg9[%scan3A_898, %get3A_1310, %get3A_1311] : memref<2x80x128xf32, #tpu.memory_space<vmem>> -> memref<1x80x128xf32, #tpu.memory_space<vmem>>
          %get3A_1313 = tpu.memref_squeeze %get3A_1312 : memref<1x80x128xf32, #tpu.memory_space<vmem>> -> memref<80x128xf32, #tpu.memory_space<vmem>>
          %get3A_1314 = arith.index_cast %add3A_1282 : i32 to index
          %get3A_1315 = arith.constant 16 : index
          %get3A_1316 = tpu.vector_load %get3A_1313[%get3A_1314, %get3A_1315] {strides = array<i32>} : memref<80x128xf32, #tpu.memory_space<vmem>>, vector<16xf32>,
          %mul3A_1317 = arith.mulf %get3A_1309, %get3A_1316 : vector<16xf32>
          %add3A_1318 = arith.addf %broadcast_in_dim3A_1286, %mul3A_1317 : vector<16xf32>
          %get3A_1319 = arith.constant 0 : i32
          %get3A_1320 = arith.constant 0 : i32
          %get3A_1321 = tpu.memref_slice %arg8[%scan3A_897, %get3A_1319, %get3A_1320] : memref<2x80x128xf32, #tpu.memory_space<vmem>> -> memref<1x80x128xf32, #tpu.memory_space<vmem>>
          %get3A_1322 = tpu.memref_squeeze %get3A_1321 : memref<1x80x128xf32, #tpu.memory_space<vmem>> -> memref<80x128xf32, #tpu.memory_space<vmem>>
          %get3A_1323 = arith.index_cast %add3A_1282 : i32 to index
          %get3A_1324 = arith.constant 32 : index
          %get3A_1325 = tpu.vector_load %get3A_1322[%get3A_1323, %get3A_1324] {strides = array<i32>} : memref<80x128xf32, #tpu.memory_space<vmem>>, vector<16xf32>,
          %get3A_1326 = arith.constant 0 : i32
          %get3A_1327 = arith.constant 0 : i32
          %get3A_1328 = tpu.memref_slice %arg9[%scan3A_898, %get3A_1326, %get3A_1327] : memref<2x80x128xf32, #tpu.memory_space<vmem>> -> memref<1x80x128xf32, #tpu.memory_space<vmem>>
          %get3A_1329 = tpu.memref_squeeze %get3A_1328 : memref<1x80x128xf32, #tpu.memory_space<vmem>> -> memref<80x128xf32, #tpu.memory_space<vmem>>
          %get3A_1330 = arith.index_cast %add3A_1282 : i32 to index
          %get3A_1331 = arith.constant 32 : index
          %get3A_1332 = tpu.vector_load %get3A_1329[%get3A_1330, %get3A_1331] {strides = array<i32>} : memref<80x128xf32, #tpu.memory_space<vmem>>, vector<16xf32>,
          %mul3A_1333 = arith.mulf %get3A_1325, %get3A_1332 : vector<16xf32>
          %add3A_1334 = arith.addf %add3A_1302, %mul3A_1333 : vector<16xf32>
          %get3A_1335 = arith.constant 0 : i32
          %get3A_1336 = arith.constant 0 : i32
          %get3A_1337 = tpu.memref_slice %arg8[%scan3A_897, %get3A_1335, %get3A_1336] : memref<2x80x128xf32, #tpu.memory_space<vmem>> -> memref<1x80x128xf32, #tpu.memory_space<vmem>>
          %get3A_1338 = tpu.memref_squeeze %get3A_1337 : memref<1x80x128xf32, #tpu.memory_space<vmem>> -> memref<80x128xf32, #tpu.memory_space<vmem>>
          %get3A_1339 = arith.index_cast %add3A_1282 : i32 to index
          %get3A_1340 = arith.constant 48 : index
          %get3A_1341 = tpu.vector_load %get3A_1338[%get3A_1339, %get3A_1340] {strides = array<i32>} : memref<80x128xf32, #tpu.memory_space<vmem>>, vector<16xf32>,
          %get3A_1342 = arith.constant 0 : i32
          %get3A_1343 = arith.constant 0 : i32
          %get3A_1344 = tpu.memref_slice %arg9[%scan3A_898, %get3A_1342, %get3A_1343] : memref<2x80x128xf32, #tpu.memory_space<vmem>> -> memref<1x80x128xf32, #tpu.memory_space<vmem>>
          %get3A_1345 = tpu.memref_squeeze %get3A_1344 : memref<1x80x128xf32, #tpu.memory_space<vmem>> -> memref<80x128xf32, #tpu.memory_space<vmem>>
          %get3A_1346 = arith.index_cast %add3A_1282 : i32 to index
          %get3A_1347 = arith.constant 48 : index
          %get3A_1348 = tpu.vector_load %get3A_1345[%get3A_1346, %get3A_1347] {strides = array<i32>} : memref<80x128xf32, #tpu.memory_space<vmem>>, vector<16xf32>,
          %mul3A_1349 = arith.mulf %get3A_1341, %get3A_1348 : vector<16xf32>
          %add3A_1350 = arith.addf %add3A_1318, %mul3A_1349 : vector<16xf32>
          %get3A_1351 = arith.constant 0 : i32
          %get3A_1352 = arith.constant 0 : i32
          %get3A_1353 = tpu.memref_slice %arg8[%scan3A_897, %get3A_1351, %get3A_1352] : memref<2x80x128xf32, #tpu.memory_space<vmem>> -> memref<1x80x128xf32, #tpu.memory_space<vmem>>
          %get3A_1354 = tpu.memref_squeeze %get3A_1353 : memref<1x80x128xf32, #tpu.memory_space<vmem>> -> memref<80x128xf32, #tpu.memory_space<vmem>>
          %get3A_1355 = arith.index_cast %add3A_1282 : i32 to index
          %get3A_1356 = arith.constant 64 : index
          %get3A_1357 = tpu.vector_load %get3A_1354[%get3A_1355, %get3A_1356] {strides = array<i32>} : memref<80x128xf32, #tpu.memory_space<vmem>>, vector<16xf32>,
          %get3A_1358 = arith.constant 0 : i32
          %get3A_1359 = arith.constant 0 : i32
          %get3A_1360 = tpu.memref_slice %arg9[%scan3A_898, %get3A_1358, %get3A_1359] : memref<2x80x128xf32, #tpu.memory_space<vmem>> -> memref<1x80x128xf32, #tpu.memory_space<vmem>>
          %get3A_1361 = tpu.memref_squeeze %get3A_1360 : memref<1x80x128xf32, #tpu.memory_space<vmem>> -> memref<80x128xf32, #tpu.memory_space<vmem>>
          %get3A_1362 = arith.index_cast %add3A_1282 : i32 to index
          %get3A_1363 = arith.constant 64 : index
          %get3A_1364 = tpu.vector_load %get3A_1361[%get3A_1362, %get3A_1363] {strides = array<i32>} : memref<80x128xf32, #tpu.memory_space<vmem>>, vector<16xf32>,
          %mul3A_1365 = arith.mulf %get3A_1357, %get3A_1364 : vector<16xf32>
          %add3A_1366 = arith.addf %add3A_1334, %mul3A_1365 : vector<16xf32>
          %get3A_1367 = arith.constant 0 : i32
          %get3A_1368 = arith.constant 0 : i32
          %get3A_1369 = tpu.memref_slice %arg8[%scan3A_897, %get3A_1367, %get3A_1368] : memref<2x80x128xf32, #tpu.memory_space<vmem>> -> memref<1x80x128xf32, #tpu.memory_space<vmem>>
          %get3A_1370 = tpu.memref_squeeze %get3A_1369 : memref<1x80x128xf32, #tpu.memory_space<vmem>> -> memref<80x128xf32, #tpu.memory_space<vmem>>
          %get3A_1371 = arith.index_cast %add3A_1282 : i32 to index
          %get3A_1372 = arith.constant 80 : index
          %get3A_1373 = tpu.vector_load %get3A_1370[%get3A_1371, %get3A_1372] {strides = array<i32>} : memref<80x128xf32, #tpu.memory_space<vmem>>, vector<16xf32>,
          %get3A_1374 = arith.constant 0 : i32
          %get3A_1375 = arith.constant 0 : i32
          %get3A_1376 = tpu.memref_slice %arg9[%scan3A_898, %get3A_1374, %get3A_1375] : memref<2x80x128xf32, #tpu.memory_space<vmem>> -> memref<1x80x128xf32, #tpu.memory_space<vmem>>
          %get3A_1377 = tpu.memref_squeeze %get3A_1376 : memref<1x80x128xf32, #tpu.memory_space<vmem>> -> memref<80x128xf32, #tpu.memory_space<vmem>>
          %get3A_1378 = arith.index_cast %add3A_1282 : i32 to index
          %get3A_1379 = arith.constant 80 : index
          %get3A_1380 = tpu.vector_load %get3A_1377[%get3A_1378, %get3A_1379] {strides = array<i32>} : memref<80x128xf32, #tpu.memory_space<vmem>>, vector<16xf32>,
          %mul3A_1381 = arith.mulf %get3A_1373, %get3A_1380 : vector<16xf32>
          %add3A_1382 = arith.addf %add3A_1350, %mul3A_1381 : vector<16xf32>
          %get3A_1383 = arith.constant 0 : i32
          %get3A_1384 = arith.constant 0 : i32
          %get3A_1385 = tpu.memref_slice %arg8[%scan3A_897, %get3A_1383, %get3A_1384] : memref<2x80x128xf32, #tpu.memory_space<vmem>> -> memref<1x80x128xf32, #tpu.memory_space<vmem>>
          %get3A_1386 = tpu.memref_squeeze %get3A_1385 : memref<1x80x128xf32, #tpu.memory_space<vmem>> -> memref<80x128xf32, #tpu.memory_space<vmem>>
          %get3A_1387 = arith.index_cast %add3A_1282 : i32 to index
          %get3A_1388 = arith.constant 96 : index
          %get3A_1389 = tpu.vector_load %get3A_1386[%get3A_1387, %get3A_1388] {strides = array<i32>} : memref<80x128xf32, #tpu.memory_space<vmem>>, vector<16xf32>,
          %get3A_1390 = arith.constant 0 : i32
          %get3A_1391 = arith.constant 0 : i32
          %get3A_1392 = tpu.memref_slice %arg9[%scan3A_898, %get3A_1390, %get3A_1391] : memref<2x80x128xf32, #tpu.memory_space<vmem>> -> memref<1x80x128xf32, #tpu.memory_space<vmem>>
          %get3A_1393 = tpu.memref_squeeze %get3A_1392 : memref<1x80x128xf32, #tpu.memory_space<vmem>> -> memref<80x128xf32, #tpu.memory_space<vmem>>
          %get3A_1394 = arith.index_cast %add3A_1282 : i32 to index
          %get3A_1395 = arith.constant 96 : index
          %get3A_1396 = tpu.vector_load %get3A_1393[%get3A_1394, %get3A_1395] {strides = array<i32>} : memref<80x128xf32, #tpu.memory_space<vmem>>, vector<16xf32>,
          %mul3A_1397 = arith.mulf %get3A_1389, %get3A_1396 : vector<16xf32>
          %add3A_1398 = arith.addf %add3A_1366, %mul3A_1397 : vector<16xf32>
          %get3A_1399 = arith.constant 0 : i32
          %get3A_1400 = arith.constant 0 : i32
          %get3A_1401 = tpu.memref_slice %arg8[%scan3A_897, %get3A_1399, %get3A_1400] : memref<2x80x128xf32, #tpu.memory_space<vmem>> -> memref<1x80x128xf32, #tpu.memory_space<vmem>>
          %get3A_1402 = tpu.memref_squeeze %get3A_1401 : memref<1x80x128xf32, #tpu.memory_space<vmem>> -> memref<80x128xf32, #tpu.memory_space<vmem>>
          %get3A_1403 = arith.index_cast %add3A_1282 : i32 to index
          %get3A_1404 = arith.constant 112 : index
          %get3A_1405 = tpu.vector_load %get3A_1402[%get3A_1403, %get3A_1404] {strides = array<i32>} : memref<80x128xf32, #tpu.memory_space<vmem>>, vector<16xf32>,
          %get3A_1406 = arith.constant 0 : i32
          %get3A_1407 = arith.constant 0 : i32
          %get3A_1408 = tpu.memref_slice %arg9[%scan3A_898, %get3A_1406, %get3A_1407] : memref<2x80x128xf32, #tpu.memory_space<vmem>> -> memref<1x80x128xf32, #tpu.memory_space<vmem>>
          %get3A_1409 = tpu.memref_squeeze %get3A_1408 : memref<1x80x128xf32, #tpu.memory_space<vmem>> -> memref<80x128xf32, #tpu.memory_space<vmem>>
          %get3A_1410 = arith.index_cast %add3A_1282 : i32 to index
          %get3A_1411 = arith.constant 112 : index
          %get3A_1412 = tpu.vector_load %get3A_1409[%get3A_1410, %get3A_1411] {strides = array<i32>} : memref<80x128xf32, #tpu.memory_space<vmem>>, vector<16xf32>,
          %mul3A_1413 = arith.mulf %get3A_1405, %get3A_1412 : vector<16xf32>
          %add3A_1414 = arith.addf %add3A_1382, %mul3A_1413 : vector<16xf32>
          %eq3A_1415 = vector.broadcast %scan3A_1279 : i32 to vector<16xi32>
          %eq3A_1416 = arith.cmpi eq, %iota3A_895, %eq3A_1415 : vector<16xi32>
          %add3A_1417 = arith.addf %add3A_1398, %add3A_1414 : vector<16xf32>
          %reduce_sum3A_1418 = arith.constant true
          %reduce_sum3A_1419 = vector.broadcast %reduce_sum3A_1418 : i1 to vector<16xi1>
          %reduce_sum3A_1420 = tpu.scan <sum>, %add3A_1417 masked %reduce_sum3A_1419 : vector<16xf32>, vector<16xi1> -> vector<16xf32>
          %reduce_sum3A_1421 = vector.extract %reduce_sum3A_1420[15] : f32 from vector<16xf32>
          %broadcast_in_dim3A_1422 = vector.broadcast %reduce_sum3A_1421 : f32 to vector<16xf32>
          %select_n3A_1423 = arith.select %eq3A_1416, %broadcast_in_dim3A_1422, %select_n3A : vector<16xi1>, vector<16xf32>
          %scan3A_1424 = arith.constant 2 : i32
          %scan3A_1425 = arith.addi %scan3A_1135, %scan3A_1424 : i32
          %mul3A_1426 = arith.constant 16 : i32
          %mul3A_1427 = arith.muli %scan3A_1120, %mul3A_1426 : i32
          %add3A_1428 = arith.addi %mul3A_1427, %scan3A_1425 : i32
          %broadcast_in_dim3A_1429 = arith.constant 0.000000e+00 : f32
          %broadcast_in_dim3A_1430 = vector.broadcast %broadcast_in_dim3A_1429 : f32 to vector<16xf32>
          %broadcast_in_dim3A_1431 = arith.constant 0.000000e+00 : f32
          %broadcast_in_dim3A_1432 = vector.broadcast %broadcast_in_dim3A_1431 : f32 to vector<16xf32>
          %get3A_1433 = arith.constant 0 : i32
          %get3A_1434 = arith.constant 0 : i32
          %get3A_1435 = tpu.memref_slice %arg8[%scan3A_897, %get3A_1433, %get3A_1434] : memref<2x80x128xf32, #tpu.memory_space<vmem>> -> memref<1x80x128xf32, #tpu.memory_space<vmem>>
          %get3A_1436 = tpu.memref_squeeze %get3A_1435 : memref<1x80x128xf32, #tpu.memory_space<vmem>> -> memref<80x128xf32, #tpu.memory_space<vmem>>
          %get3A_1437 = arith.index_cast %add3A_1428 : i32 to index
          %get3A_1438 = arith.constant 0 : index
          %get3A_1439 = tpu.vector_load %get3A_1436[%get3A_1437, %get3A_1438] {strides = array<i32>} : memref<80x128xf32, #tpu.memory_space<vmem>>, vector<16xf32>,
          %get3A_1440 = arith.constant 0 : i32
          %get3A_1441 = arith.constant 0 : i32
          %get3A_1442 = tpu.memref_slice %arg9[%scan3A_898, %get3A_1440, %get3A_1441] : memref<2x80x128xf32, #tpu.memory_space<vmem>> -> memref<1x80x128xf32, #tpu.memory_space<vmem>>
          %get3A_1443 = tpu.memref_squeeze %get3A_1442 : memref<1x80x128xf32, #tpu.memory_space<vmem>> -> memref<80x128xf32, #tpu.memory_space<vmem>>
          %get3A_1444 = arith.index_cast %add3A_1428 : i32 to index
          %get3A_1445 = arith.constant 0 : index
          %get3A_1446 = tpu.vector_load %get3A_1443[%get3A_1444, %get3A_1445] {strides = array<i32>} : memref<80x128xf32, #tpu.memory_space<vmem>>, vector<16xf32>,
          %mul3A_1447 = arith.mulf %get3A_1439, %get3A_1446 : vector<16xf32>
          %add3A_1448 = arith.addf %broadcast_in_dim3A_1430, %mul3A_1447 : vector<16xf32>
          %get3A_1449 = arith.constant 0 : i32
          %get3A_1450 = arith.constant 0 : i32
          %get3A_1451 = tpu.memref_slice %arg8[%scan3A_897, %get3A_1449, %get3A_1450] : memref<2x80x128xf32, #tpu.memory_space<vmem>> -> memref<1x80x128xf32, #tpu.memory_space<vmem>>
          %get3A_1452 = tpu.memref_squeeze %get3A_1451 : memref<1x80x128xf32, #tpu.memory_space<vmem>> -> memref<80x128xf32, #tpu.memory_space<vmem>>
          %get3A_1453 = arith.index_cast %add3A_1428 : i32 to index
          %get3A_1454 = arith.constant 16 : index
          %get3A_1455 = tpu.vector_load %get3A_1452[%get3A_1453, %get3A_1454] {strides = array<i32>} : memref<80x128xf32, #tpu.memory_space<vmem>>, vector<16xf32>,
          %get3A_1456 = arith.constant 0 : i32
          %get3A_1457 = arith.constant 0 : i32
          %get3A_1458 = tpu.memref_slice %arg9[%scan3A_898, %get3A_1456, %get3A_1457] : memref<2x80x128xf32, #tpu.memory_space<vmem>> -> memref<1x80x128xf32, #tpu.memory_space<vmem>>
          %get3A_1459 = tpu.memref_squeeze %get3A_1458 : memref<1x80x128xf32, #tpu.memory_space<vmem>> -> memref<80x128xf32, #tpu.memory_space<vmem>>
          %get3A_1460 = arith.index_cast %add3A_1428 : i32 to index
          %get3A_1461 = arith.constant 16 : index
          %get3A_1462 = tpu.vector_load %get3A_1459[%get3A_1460, %get3A_1461] {strides = array<i32>} : memref<80x128xf32, #tpu.memory_space<vmem>>, vector<16xf32>,
          %mul3A_1463 = arith.mulf %get3A_1455, %get3A_1462 : vector<16xf32>
          %add3A_1464 = arith.addf %broadcast_in_dim3A_1432, %mul3A_1463 : vector<16xf32>
          %get3A_1465 = arith.constant 0 : i32
          %get3A_1466 = arith.constant 0 : i32
          %get3A_1467 = tpu.memref_slice %arg8[%scan3A_897, %get3A_1465, %get3A_1466] : memref<2x80x128xf32, #tpu.memory_space<vmem>> -> memref<1x80x128xf32, #tpu.memory_space<vmem>>
          %get3A_1468 = tpu.memref_squeeze %get3A_1467 : memref<1x80x128xf32, #tpu.memory_space<vmem>> -> memref<80x128xf32, #tpu.memory_space<vmem>>
          %get3A_1469 = arith.index_cast %add3A_1428 : i32 to index
          %get3A_1470 = arith.constant 32 : index
          %get3A_1471 = tpu.vector_load %get3A_1468[%get3A_1469, %get3A_1470] {strides = array<i32>} : memref<80x128xf32, #tpu.memory_space<vmem>>, vector<16xf32>,
          %get3A_1472 = arith.constant 0 : i32
          %get3A_1473 = arith.constant 0 : i32
          %get3A_1474 = tpu.memref_slice %arg9[%scan3A_898, %get3A_1472, %get3A_1473] : memref<2x80x128xf32, #tpu.memory_space<vmem>> -> memref<1x80x128xf32, #tpu.memory_space<vmem>>
          %get3A_1475 = tpu.memref_squeeze %get3A_1474 : memref<1x80x128xf32, #tpu.memory_space<vmem>> -> memref<80x128xf32, #tpu.memory_space<vmem>>
          %get3A_1476 = arith.index_cast %add3A_1428 : i32 to index
          %get3A_1477 = arith.constant 32 : index
          %get3A_1478 = tpu.vector_load %get3A_1475[%get3A_1476, %get3A_1477] {strides = array<i32>} : memref<80x128xf32, #tpu.memory_space<vmem>>, vector<16xf32>,
          %mul3A_1479 = arith.mulf %get3A_1471, %get3A_1478 : vector<16xf32>
          %add3A_1480 = arith.addf %add3A_1448, %mul3A_1479 : vector<16xf32>
          %get3A_1481 = arith.constant 0 : i32
          %get3A_1482 = arith.constant 0 : i32
          %get3A_1483 = tpu.memref_slice %arg8[%scan3A_897, %get3A_1481, %get3A_1482] : memref<2x80x128xf32, #tpu.memory_space<vmem>> -> memref<1x80x128xf32, #tpu.memory_space<vmem>>
          %get3A_1484 = tpu.memref_squeeze %get3A_1483 : memref<1x80x128xf32, #tpu.memory_space<vmem>> -> memref<80x128xf32, #tpu.memory_space<vmem>>
          %get3A_1485 = arith.index_cast %add3A_1428 : i32 to index
          %get3A_1486 = arith.constant 48 : index
          %get3A_1487 = tpu.vector_load %get3A_1484[%get3A_1485, %get3A_1486] {strides = array<i32>} : memref<80x128xf32, #tpu.memory_space<vmem>>, vector<16xf32>,
          %get3A_1488 = arith.constant 0 : i32
          %get3A_1489 = arith.constant 0 : i32
          %get3A_1490 = tpu.memref_slice %arg9[%scan3A_898, %get3A_1488, %get3A_1489] : memref<2x80x128xf32, #tpu.memory_space<vmem>> -> memref<1x80x128xf32, #tpu.memory_space<vmem>>
          %get3A_1491 = tpu.memref_squeeze %get3A_1490 : memref<1x80x128xf32, #tpu.memory_space<vmem>> -> memref<80x128xf32, #tpu.memory_space<vmem>>
          %get3A_1492 = arith.index_cast %add3A_1428 : i32 to index
          %get3A_1493 = arith.constant 48 : index
          %get3A_1494 = tpu.vector_load %get3A_1491[%get3A_1492, %get3A_1493] {strides = array<i32>} : memref<80x128xf32, #tpu.memory_space<vmem>>, vector<16xf32>,
          %mul3A_1495 = arith.mulf %get3A_1487, %get3A_1494 : vector<16xf32>
          %add3A_1496 = arith.addf %add3A_1464, %mul3A_1495 : vector<16xf32>
          %get3A_1497 = arith.constant 0 : i32
          %get3A_1498 = arith.constant 0 : i32
          %get3A_1499 = tpu.memref_slice %arg8[%scan3A_897, %get3A_1497, %get3A_1498] : memref<2x80x128xf32, #tpu.memory_space<vmem>> -> memref<1x80x128xf32, #tpu.memory_space<vmem>>
          %get3A_1500 = tpu.memref_squeeze %get3A_1499 : memref<1x80x128xf32, #tpu.memory_space<vmem>> -> memref<80x128xf32, #tpu.memory_space<vmem>>
          %get3A_1501 = arith.index_cast %add3A_1428 : i32 to index
          %get3A_1502 = arith.constant 64 : index
          %get3A_1503 = tpu.vector_load %get3A_1500[%get3A_1501, %get3A_1502] {strides = array<i32>} : memref<80x128xf32, #tpu.memory_space<vmem>>, vector<16xf32>,
          %get3A_1504 = arith.constant 0 : i32
          %get3A_1505 = arith.constant 0 : i32
          %get3A_1506 = tpu.memref_slice %arg9[%scan3A_898, %get3A_1504, %get3A_1505] : memref<2x80x128xf32, #tpu.memory_space<vmem>> -> memref<1x80x128xf32, #tpu.memory_space<vmem>>
          %get3A_1507 = tpu.memref_squeeze %get3A_1506 : memref<1x80x128xf32, #tpu.memory_space<vmem>> -> memref<80x128xf32, #tpu.memory_space<vmem>>
          %get3A_1508 = arith.index_cast %add3A_1428 : i32 to index
          %get3A_1509 = arith.constant 64 : index
          %get3A_1510 = tpu.vector_load %get3A_1507[%get3A_1508, %get3A_1509] {strides = array<i32>} : memref<80x128xf32, #tpu.memory_space<vmem>>, vector<16xf32>,
          %mul3A_1511 = arith.mulf %get3A_1503, %get3A_1510 : vector<16xf32>
          %add3A_1512 = arith.addf %add3A_1480, %mul3A_1511 : vector<16xf32>
          %get3A_1513 = arith.constant 0 : i32
          %get3A_1514 = arith.constant 0 : i32
          %get3A_1515 = tpu.memref_slice %arg8[%scan3A_897, %get3A_1513, %get3A_1514] : memref<2x80x128xf32, #tpu.memory_space<vmem>> -> memref<1x80x128xf32, #tpu.memory_space<vmem>>
          %get3A_1516 = tpu.memref_squeeze %get3A_1515 : memref<1x80x128xf32, #tpu.memory_space<vmem>> -> memref<80x128xf32, #tpu.memory_space<vmem>>
          %get3A_1517 = arith.index_cast %add3A_1428 : i32 to index
          %get3A_1518 = arith.constant 80 : index
          %get3A_1519 = tpu.vector_load %get3A_1516[%get3A_1517, %get3A_1518] {strides = array<i32>} : memref<80x128xf32, #tpu.memory_space<vmem>>, vector<16xf32>,
          %get3A_1520 = arith.constant 0 : i32
          %get3A_1521 = arith.constant 0 : i32
          %get3A_1522 = tpu.memref_slice %arg9[%scan3A_898, %get3A_1520, %get3A_1521] : memref<2x80x128xf32, #tpu.memory_space<vmem>> -> memref<1x80x128xf32, #tpu.memory_space<vmem>>
          %get3A_1523 = tpu.memref_squeeze %get3A_1522 : memref<1x80x128xf32, #tpu.memory_space<vmem>> -> memref<80x128xf32, #tpu.memory_space<vmem>>
          %get3A_1524 = arith.index_cast %add3A_1428 : i32 to index
          %get3A_1525 = arith.constant 80 : index
          %get3A_1526 = tpu.vector_load %get3A_1523[%get3A_1524, %get3A_1525] {strides = array<i32>} : memref<80x128xf32, #tpu.memory_space<vmem>>, vector<16xf32>,
          %mul3A_1527 = arith.mulf %get3A_1519, %get3A_1526 : vector<16xf32>
          %add3A_1528 = arith.addf %add3A_1496, %mul3A_1527 : vector<16xf32>
          %get3A_1529 = arith.constant 0 : i32
          %get3A_1530 = arith.constant 0 : i32
          %get3A_1531 = tpu.memref_slice %arg8[%scan3A_897, %get3A_1529, %get3A_1530] : memref<2x80x128xf32, #tpu.memory_space<vmem>> -> memref<1x80x128xf32, #tpu.memory_space<vmem>>
          %get3A_1532 = tpu.memref_squeeze %get3A_1531 : memref<1x80x128xf32, #tpu.memory_space<vmem>> -> memref<80x128xf32, #tpu.memory_space<vmem>>
          %get3A_1533 = arith.index_cast %add3A_1428 : i32 to index
          %get3A_1534 = arith.constant 96 : index
          %get3A_1535 = tpu.vector_load %get3A_1532[%get3A_1533, %get3A_1534] {strides = array<i32>} : memref<80x128xf32, #tpu.memory_space<vmem>>, vector<16xf32>,
          %get3A_1536 = arith.constant 0 : i32
          %get3A_1537 = arith.constant 0 : i32
          %get3A_1538 = tpu.memref_slice %arg9[%scan3A_898, %get3A_1536, %get3A_1537] : memref<2x80x128xf32, #tpu.memory_space<vmem>> -> memref<1x80x128xf32, #tpu.memory_space<vmem>>
          %get3A_1539 = tpu.memref_squeeze %get3A_1538 : memref<1x80x128xf32, #tpu.memory_space<vmem>> -> memref<80x128xf32, #tpu.memory_space<vmem>>
          %get3A_1540 = arith.index_cast %add3A_1428 : i32 to index
          %get3A_1541 = arith.constant 96 : index
          %get3A_1542 = tpu.vector_load %get3A_1539[%get3A_1540, %get3A_1541] {strides = array<i32>} : memref<80x128xf32, #tpu.memory_space<vmem>>, vector<16xf32>,
          %mul3A_1543 = arith.mulf %get3A_1535, %get3A_1542 : vector<16xf32>
          %add3A_1544 = arith.addf %add3A_1512, %mul3A_1543 : vector<16xf32>
          %get3A_1545 = arith.constant 0 : i32
          %get3A_1546 = arith.constant 0 : i32
          %get3A_1547 = tpu.memref_slice %arg8[%scan3A_897, %get3A_1545, %get3A_1546] : memref<2x80x128xf32, #tpu.memory_space<vmem>> -> memref<1x80x128xf32, #tpu.memory_space<vmem>>
          %get3A_1548 = tpu.memref_squeeze %get3A_1547 : memref<1x80x128xf32, #tpu.memory_space<vmem>> -> memref<80x128xf32, #tpu.memory_space<vmem>>
          %get3A_1549 = arith.index_cast %add3A_1428 : i32 to index
          %get3A_1550 = arith.constant 112 : index
          %get3A_1551 = tpu.vector_load %get3A_1548[%get3A_1549, %get3A_1550] {strides = array<i32>} : memref<80x128xf32, #tpu.memory_space<vmem>>, vector<16xf32>,
          %get3A_1552 = arith.constant 0 : i32
          %get3A_1553 = arith.constant 0 : i32
          %get3A_1554 = tpu.memref_slice %arg9[%scan3A_898, %get3A_1552, %get3A_1553] : memref<2x80x128xf32, #tpu.memory_space<vmem>> -> memref<1x80x128xf32, #tpu.memory_space<vmem>>
          %get3A_1555 = tpu.memref_squeeze %get3A_1554 : memref<1x80x128xf32, #tpu.memory_space<vmem>> -> memref<80x128xf32, #tpu.memory_space<vmem>>
          %get3A_1556 = arith.index_cast %add3A_1428 : i32 to index
          %get3A_1557 = arith.constant 112 : index
          %get3A_1558 = tpu.vector_load %get3A_1555[%get3A_1556, %get3A_1557] {strides = array<i32>} : memref<80x128xf32, #tpu.memory_space<vmem>>, vector<16xf32>,
          %mul3A_1559 = arith.mulf %get3A_1551, %get3A_1558 : vector<16xf32>
          %add3A_1560 = arith.addf %add3A_1528, %mul3A_1559 : vector<16xf32>
          %eq3A_1561 = vector.broadcast %scan3A_1425 : i32 to vector<16xi32>
          %eq3A_1562 = arith.cmpi eq, %iota3A_895, %eq3A_1561 : vector<16xi32>
          %add3A_1563 = arith.addf %add3A_1544, %add3A_1560 : vector<16xf32>
          %reduce_sum3A_1564 = arith.constant true
          %reduce_sum3A_1565 = vector.broadcast %reduce_sum3A_1564 : i1 to vector<16xi1>
          %reduce_sum3A_1566 = tpu.scan <sum>, %add3A_1563 masked %reduce_sum3A_1565 : vector<16xf32>, vector<16xi1> -> vector<16xf32>
          %reduce_sum3A_1567 = vector.extract %reduce_sum3A_1566[15] : f32 from vector<16xf32>
          %broadcast_in_dim3A_1568 = vector.broadcast %reduce_sum3A_1567 : f32 to vector<16xf32>
          %select_n3A_1569 = arith.select %eq3A_1562, %broadcast_in_dim3A_1568, %select_n3A_1423 : vector<16xi1>, vector<16xf32>
          %scan3A_1570 = arith.constant 3 : i32
          %scan3A_1571 = arith.addi %scan3A_1135, %scan3A_1570 : i32
          %mul3A_1572 = arith.constant 16 : i32
          %mul3A_1573 = arith.muli %scan3A_1120, %mul3A_1572 : i32
          %add3A_1574 = arith.addi %mul3A_1573, %scan3A_1571 : i32
          %broadcast_in_dim3A_1575 = arith.constant 0.000000e+00 : f32
          %broadcast_in_dim3A_1576 = vector.broadcast %broadcast_in_dim3A_1575 : f32 to vector<16xf32>
          %broadcast_in_dim3A_1577 = arith.constant 0.000000e+00 : f32
          %broadcast_in_dim3A_1578 = vector.broadcast %broadcast_in_dim3A_1577 : f32 to vector<16xf32>
          %get3A_1579 = arith.constant 0 : i32
          %get3A_1580 = arith.constant 0 : i32
          %get3A_1581 = tpu.memref_slice %arg8[%scan3A_897, %get3A_1579, %get3A_1580] : memref<2x80x128xf32, #tpu.memory_space<vmem>> -> memref<1x80x128xf32, #tpu.memory_space<vmem>>
          %get3A_1582 = tpu.memref_squeeze %get3A_1581 : memref<1x80x128xf32, #tpu.memory_space<vmem>> -> memref<80x128xf32, #tpu.memory_space<vmem>>
          %get3A_1583 = arith.index_cast %add3A_1574 : i32 to index
          %get3A_1584 = arith.constant 0 : index
          %get3A_1585 = tpu.vector_load %get3A_1582[%get3A_1583, %get3A_1584] {strides = array<i32>} : memref<80x128xf32, #tpu.memory_space<vmem>>, vector<16xf32>,
          %get3A_1586 = arith.constant 0 : i32
          %get3A_1587 = arith.constant 0 : i32
          %get3A_1588 = tpu.memref_slice %arg9[%scan3A_898, %get3A_1586, %get3A_1587] : memref<2x80x128xf32, #tpu.memory_space<vmem>> -> memref<1x80x128xf32, #tpu.memory_space<vmem>>
          %get3A_1589 = tpu.memref_squeeze %get3A_1588 : memref<1x80x128xf32, #tpu.memory_space<vmem>> -> memref<80x128xf32, #tpu.memory_space<vmem>>
          %get3A_1590 = arith.index_cast %add3A_1574 : i32 to index
          %get3A_1591 = arith.constant 0 : index
          %get3A_1592 = tpu.vector_load %get3A_1589[%get3A_1590, %get3A_1591] {strides = array<i32>} : memref<80x128xf32, #tpu.memory_space<vmem>>, vector<16xf32>,
          %mul3A_1593 = arith.mulf %get3A_1585, %get3A_1592 : vector<16xf32>
          %add3A_1594 = arith.addf %broadcast_in_dim3A_1576, %mul3A_1593 : vector<16xf32>
          %get3A_1595 = arith.constant 0 : i32
          %get3A_1596 = arith.constant 0 : i32
          %get3A_1597 = tpu.memref_slice %arg8[%scan3A_897, %get3A_1595, %get3A_1596] : memref<2x80x128xf32, #tpu.memory_space<vmem>> -> memref<1x80x128xf32, #tpu.memory_space<vmem>>
          %get3A_1598 = tpu.memref_squeeze %get3A_1597 : memref<1x80x128xf32, #tpu.memory_space<vmem>> -> memref<80x128xf32, #tpu.memory_space<vmem>>
          %get3A_1599 = arith.index_cast %add3A_1574 : i32 to index
          %get3A_1600 = arith.constant 16 : index
          %get3A_1601 = tpu.vector_load %get3A_1598[%get3A_1599, %get3A_1600] {strides = array<i32>} : memref<80x128xf32, #tpu.memory_space<vmem>>, vector<16xf32>,
          %get3A_1602 = arith.constant 0 : i32
          %get3A_1603 = arith.constant 0 : i32
          %get3A_1604 = tpu.memref_slice %arg9[%scan3A_898, %get3A_1602, %get3A_1603] : memref<2x80x128xf32, #tpu.memory_space<vmem>> -> memref<1x80x128xf32, #tpu.memory_space<vmem>>
          %get3A_1605 = tpu.memref_squeeze %get3A_1604 : memref<1x80x128xf32, #tpu.memory_space<vmem>> -> memref<80x128xf32, #tpu.memory_space<vmem>>
          %get3A_1606 = arith.index_cast %add3A_1574 : i32 to index
          %get3A_1607 = arith.constant 16 : index
          %get3A_1608 = tpu.vector_load %get3A_1605[%get3A_1606, %get3A_1607] {strides = array<i32>} : memref<80x128xf32, #tpu.memory_space<vmem>>, vector<16xf32>,
          %mul3A_1609 = arith.mulf %get3A_1601, %get3A_1608 : vector<16xf32>
          %add3A_1610 = arith.addf %broadcast_in_dim3A_1578, %mul3A_1609 : vector<16xf32>
          %get3A_1611 = arith.constant 0 : i32
          %get3A_1612 = arith.constant 0 : i32
          %get3A_1613 = tpu.memref_slice %arg8[%scan3A_897, %get3A_1611, %get3A_1612] : memref<2x80x128xf32, #tpu.memory_space<vmem>> -> memref<1x80x128xf32, #tpu.memory_space<vmem>>
          %get3A_1614 = tpu.memref_squeeze %get3A_1613 : memref<1x80x128xf32, #tpu.memory_space<vmem>> -> memref<80x128xf32, #tpu.memory_space<vmem>>
          %get3A_1615 = arith.index_cast %add3A_1574 : i32 to index
          %get3A_1616 = arith.constant 32 : index
          %get3A_1617 = tpu.vector_load %get3A_1614[%get3A_1615, %get3A_1616] {strides = array<i32>} : memref<80x128xf32, #tpu.memory_space<vmem>>, vector<16xf32>,
          %get3A_1618 = arith.constant 0 : i32
          %get3A_1619 = arith.constant 0 : i32
          %get3A_1620 = tpu.memref_slice %arg9[%scan3A_898, %get3A_1618, %get3A_1619] : memref<2x80x128xf32, #tpu.memory_space<vmem>> -> memref<1x80x128xf32, #tpu.memory_space<vmem>>
          %get3A_1621 = tpu.memref_squeeze %get3A_1620 : memref<1x80x128xf32, #tpu.memory_space<vmem>> -> memref<80x128xf32, #tpu.memory_space<vmem>>
          %get3A_1622 = arith.index_cast %add3A_1574 : i32 to index
          %get3A_1623 = arith.constant 32 : index
          %get3A_1624 = tpu.vector_load %get3A_1621[%get3A_1622, %get3A_1623] {strides = array<i32>} : memref<80x128xf32, #tpu.memory_space<vmem>>, vector<16xf32>,
          %mul3A_1625 = arith.mulf %get3A_1617, %get3A_1624 : vector<16xf32>
          %add3A_1626 = arith.addf %add3A_1594, %mul3A_1625 : vector<16xf32>
          %get3A_1627 = arith.constant 0 : i32
          %get3A_1628 = arith.constant 0 : i32
          %get3A_1629 = tpu.memref_slice %arg8[%scan3A_897, %get3A_1627, %get3A_1628] : memref<2x80x128xf32, #tpu.memory_space<vmem>> -> memref<1x80x128xf32, #tpu.memory_space<vmem>>
          %get3A_1630 = tpu.memref_squeeze %get3A_1629 : memref<1x80x128xf32, #tpu.memory_space<vmem>> -> memref<80x128xf32, #tpu.memory_space<vmem>>
          %get3A_1631 = arith.index_cast %add3A_1574 : i32 to index
          %get3A_1632 = arith.constant 48 : index
          %get3A_1633 = tpu.vector_load %get3A_1630[%get3A_1631, %get3A_1632] {strides = array<i32>} : memref<80x128xf32, #tpu.memory_space<vmem>>, vector<16xf32>,
          %get3A_1634 = arith.constant 0 : i32
          %get3A_1635 = arith.constant 0 : i32
          %get3A_1636 = tpu.memref_slice %arg9[%scan3A_898, %get3A_1634, %get3A_1635] : memref<2x80x128xf32, #tpu.memory_space<vmem>> -> memref<1x80x128xf32, #tpu.memory_space<vmem>>
          %get3A_1637 = tpu.memref_squeeze %get3A_1636 : memref<1x80x128xf32, #tpu.memory_space<vmem>> -> memref<80x128xf32, #tpu.memory_space<vmem>>
          %get3A_1638 = arith.index_cast %add3A_1574 : i32 to index
          %get3A_1639 = arith.constant 48 : index
          %get3A_1640 = tpu.vector_load %get3A_1637[%get3A_1638, %get3A_1639] {strides = array<i32>} : memref<80x128xf32, #tpu.memory_space<vmem>>, vector<16xf32>,
          %mul3A_1641 = arith.mulf %get3A_1633, %get3A_1640 : vector<16xf32>
          %add3A_1642 = arith.addf %add3A_1610, %mul3A_1641 : vector<16xf32>
          %get3A_1643 = arith.constant 0 : i32
          %get3A_1644 = arith.constant 0 : i32
          %get3A_1645 = tpu.memref_slice %arg8[%scan3A_897, %get3A_1643, %get3A_1644] : memref<2x80x128xf32, #tpu.memory_space<vmem>> -> memref<1x80x128xf32, #tpu.memory_space<vmem>>
          %get3A_1646 = tpu.memref_squeeze %get3A_1645 : memref<1x80x128xf32, #tpu.memory_space<vmem>> -> memref<80x128xf32, #tpu.memory_space<vmem>>
          %get3A_1647 = arith.index_cast %add3A_1574 : i32 to index
          %get3A_1648 = arith.constant 64 : index
          %get3A_1649 = tpu.vector_load %get3A_1646[%get3A_1647, %get3A_1648] {strides = array<i32>} : memref<80x128xf32, #tpu.memory_space<vmem>>, vector<16xf32>,
          %get3A_1650 = arith.constant 0 : i32
          %get3A_1651 = arith.constant 0 : i32
          %get3A_1652 = tpu.memref_slice %arg9[%scan3A_898, %get3A_1650, %get3A_1651] : memref<2x80x128xf32, #tpu.memory_space<vmem>> -> memref<1x80x128xf32, #tpu.memory_space<vmem>>
          %get3A_1653 = tpu.memref_squeeze %get3A_1652 : memref<1x80x128xf32, #tpu.memory_space<vmem>> -> memref<80x128xf32, #tpu.memory_space<vmem>>
          %get3A_1654 = arith.index_cast %add3A_1574 : i32 to index
          %get3A_1655 = arith.constant 64 : index
          %get3A_1656 = tpu.vector_load %get3A_1653[%get3A_1654, %get3A_1655] {strides = array<i32>} : memref<80x128xf32, #tpu.memory_space<vmem>>, vector<16xf32>,
          %mul3A_1657 = arith.mulf %get3A_1649, %get3A_1656 : vector<16xf32>
          %add3A_1658 = arith.addf %add3A_1626, %mul3A_1657 : vector<16xf32>
          %get3A_1659 = arith.constant 0 : i32
          %get3A_1660 = arith.constant 0 : i32
          %get3A_1661 = tpu.memref_slice %arg8[%scan3A_897, %get3A_1659, %get3A_1660] : memref<2x80x128xf32, #tpu.memory_space<vmem>> -> memref<1x80x128xf32, #tpu.memory_space<vmem>>
          %get3A_1662 = tpu.memref_squeeze %get3A_1661 : memref<1x80x128xf32, #tpu.memory_space<vmem>> -> memref<80x128xf32, #tpu.memory_space<vmem>>
          %get3A_1663 = arith.index_cast %add3A_1574 : i32 to index
          %get3A_1664 = arith.constant 80 : index
          %get3A_1665 = tpu.vector_load %get3A_1662[%get3A_1663, %get3A_1664] {strides = array<i32>} : memref<80x128xf32, #tpu.memory_space<vmem>>, vector<16xf32>,
          %get3A_1666 = arith.constant 0 : i32
          %get3A_1667 = arith.constant 0 : i32
          %get3A_1668 = tpu.memref_slice %arg9[%scan3A_898, %get3A_1666, %get3A_1667] : memref<2x80x128xf32, #tpu.memory_space<vmem>> -> memref<1x80x128xf32, #tpu.memory_space<vmem>>
          %get3A_1669 = tpu.memref_squeeze %get3A_1668 : memref<1x80x128xf32, #tpu.memory_space<vmem>> -> memref<80x128xf32, #tpu.memory_space<vmem>>
          %get3A_1670 = arith.index_cast %add3A_1574 : i32 to index
          %get3A_1671 = arith.constant 80 : index
          %get3A_1672 = tpu.vector_load %get3A_1669[%get3A_1670, %get3A_1671] {strides = array<i32>} : memref<80x128xf32, #tpu.memory_space<vmem>>, vector<16xf32>,
          %mul3A_1673 = arith.mulf %get3A_1665, %get3A_1672 : vector<16xf32>
          %add3A_1674 = arith.addf %add3A_1642, %mul3A_1673 : vector<16xf32>
          %get3A_1675 = arith.constant 0 : i32
          %get3A_1676 = arith.constant 0 : i32
          %get3A_1677 = tpu.memref_slice %arg8[%scan3A_897, %get3A_1675, %get3A_1676] : memref<2x80x128xf32, #tpu.memory_space<vmem>> -> memref<1x80x128xf32, #tpu.memory_space<vmem>>
          %get3A_1678 = tpu.memref_squeeze %get3A_1677 : memref<1x80x128xf32, #tpu.memory_space<vmem>> -> memref<80x128xf32, #tpu.memory_space<vmem>>
          %get3A_1679 = arith.index_cast %add3A_1574 : i32 to index
          %get3A_1680 = arith.constant 96 : index
          %get3A_1681 = tpu.vector_load %get3A_1678[%get3A_1679, %get3A_1680] {strides = array<i32>} : memref<80x128xf32, #tpu.memory_space<vmem>>, vector<16xf32>,
          %get3A_1682 = arith.constant 0 : i32
          %get3A_1683 = arith.constant 0 : i32
          %get3A_1684 = tpu.memref_slice %arg9[%scan3A_898, %get3A_1682, %get3A_1683] : memref<2x80x128xf32, #tpu.memory_space<vmem>> -> memref<1x80x128xf32, #tpu.memory_space<vmem>>
          %get3A_1685 = tpu.memref_squeeze %get3A_1684 : memref<1x80x128xf32, #tpu.memory_space<vmem>> -> memref<80x128xf32, #tpu.memory_space<vmem>>
          %get3A_1686 = arith.index_cast %add3A_1574 : i32 to index
          %get3A_1687 = arith.constant 96 : index
          %get3A_1688 = tpu.vector_load %get3A_1685[%get3A_1686, %get3A_1687] {strides = array<i32>} : memref<80x128xf32, #tpu.memory_space<vmem>>, vector<16xf32>,
          %mul3A_1689 = arith.mulf %get3A_1681, %get3A_1688 : vector<16xf32>
          %add3A_1690 = arith.addf %add3A_1658, %mul3A_1689 : vector<16xf32>
          %get3A_1691 = arith.constant 0 : i32
          %get3A_1692 = arith.constant 0 : i32
          %get3A_1693 = tpu.memref_slice %arg8[%scan3A_897, %get3A_1691, %get3A_1692] : memref<2x80x128xf32, #tpu.memory_space<vmem>> -> memref<1x80x128xf32, #tpu.memory_space<vmem>>
          %get3A_1694 = tpu.memref_squeeze %get3A_1693 : memref<1x80x128xf32, #tpu.memory_space<vmem>> -> memref<80x128xf32, #tpu.memory_space<vmem>>
          %get3A_1695 = arith.index_cast %add3A_1574 : i32 to index
          %get3A_1696 = arith.constant 112 : index
          %get3A_1697 = tpu.vector_load %get3A_1694[%get3A_1695, %get3A_1696] {strides = array<i32>} : memref<80x128xf32, #tpu.memory_space<vmem>>, vector<16xf32>,
          %get3A_1698 = arith.constant 0 : i32
          %get3A_1699 = arith.constant 0 : i32
          %get3A_1700 = tpu.memref_slice %arg9[%scan3A_898, %get3A_1698, %get3A_1699] : memref<2x80x128xf32, #tpu.memory_space<vmem>> -> memref<1x80x128xf32, #tpu.memory_space<vmem>>
          %get3A_1701 = tpu.memref_squeeze %get3A_1700 : memref<1x80x128xf32, #tpu.memory_space<vmem>> -> memref<80x128xf32, #tpu.memory_space<vmem>>
          %get3A_1702 = arith.index_cast %add3A_1574 : i32 to index
          %get3A_1703 = arith.constant 112 : index
          %get3A_1704 = tpu.vector_load %get3A_1701[%get3A_1702, %get3A_1703] {strides = array<i32>} : memref<80x128xf32, #tpu.memory_space<vmem>>, vector<16xf32>,
          %mul3A_1705 = arith.mulf %get3A_1697, %get3A_1704 : vector<16xf32>
          %add3A_1706 = arith.addf %add3A_1674, %mul3A_1705 : vector<16xf32>
          %eq3A_1707 = vector.broadcast %scan3A_1571 : i32 to vector<16xi32>
          %eq3A_1708 = arith.cmpi eq, %iota3A_895, %eq3A_1707 : vector<16xi32>
          %add3A_1709 = arith.addf %add3A_1690, %add3A_1706 : vector<16xf32>
          %reduce_sum3A_1710 = arith.constant true
          %reduce_sum3A_1711 = vector.broadcast %reduce_sum3A_1710 : i1 to vector<16xi1>
          %reduce_sum3A_1712 = tpu.scan <sum>, %add3A_1709 masked %reduce_sum3A_1711 : vector<16xf32>, vector<16xi1> -> vector<16xf32>
          %reduce_sum3A_1713 = vector.extract %reduce_sum3A_1712[15] : f32 from vector<16xf32>
          %broadcast_in_dim3A_1714 = vector.broadcast %reduce_sum3A_1713 : f32 to vector<16xf32>
          %select_n3A_1715 = arith.select %eq3A_1708, %broadcast_in_dim3A_1714, %select_n3A_1569 : vector<16xi1>, vector<16xf32>
          scf.yield %select_n3A_1715 : vector<16xf32>
        }
        %scan3A_1127 = arith.constant 16 : i32
        %mul3A_1128 = arith.constant 16 : i32
        %mul3A_1129 = arith.muli %scan3A_1120, %mul3A_1128 : i32
        %multiple_of3A_1130 = tpu.assume_multiple %mul3A_1129, 16 : i32
        %swap3A = arith.constant 0 : i32
        %swap3A_1131 = tpu.memref_slice %arg10[%scan3A_899, %swap3A] : memref<2x80xf32, #tpu.memory_space<vmem>> -> memref<1x80xf32, #tpu.memory_space<vmem>>
        %swap3A_1132 = tpu.memref_squeeze %swap3A_1131 : memref<1x80xf32, #tpu.memory_space<vmem>> -> memref<80xf32, #tpu.memory_space<vmem>>
        %swap3A_1133 = arith.index_cast %multiple_of3A_1130 : i32 to index
        %swap3A_1134 = tpu.vector_load %swap3A_1132[%swap3A_1133] {strides = array<i32>} : memref<80xf32, #tpu.memory_space<vmem>>, vector<16xf32>,
        tpu.vector_store %swap3A_1132[%swap3A_1133], %scan3A_1126 {strides = array<i32>} : memref<80xf32, #tpu.memory_space<vmem>>, vector<16xf32>,
      }
      %scan3A_904 = arith.constant 5 : i32
      %mul3A_905 = arith.constant 10000 : i32
      %mul3A_906 = arith.muli %add3A, %mul3A_905 : i32
      %mul3A_907 = arith.constant 80 : i32
      %mul3A_908 = arith.muli %add3A_726, %mul3A_907 : i32
      %add3A_909 = arith.addi %mul3A_906, %mul3A_908 : i32
      %multiple_of3A_910 = tpu.assume_multiple %add3A_909, 80 : i32
      %dma_start3A_911 = arith.constant 0 : i32
      %dma_start3A_912 = arith.constant 0 : i32
      %dma_start3A_913 = tpu.memref_slice %arg10[%dma_start3A_911, %dma_start3A_912] : memref<2x80xf32, #tpu.memory_space<vmem>> -> memref<1x80xf32, #tpu.memory_space<vmem>>
      %dma_start3A_914 = tpu.memref_squeeze %dma_start3A_913 : memref<1x80xf32, #tpu.memory_space<vmem>> -> memref<80xf32, #tpu.memory_space<vmem>>
      %dma_start3A_915 = tpu.memref_slice %arg5[%multiple_of3A_910] : memref<320000xf32, #tpu.memory_space<hbm>> -> memref<80xf32, #tpu.memory_space<hbm>>
      %dma_start3A_916 = tpu.memref_slice %arg5[%multiple_of3A_910] : memref<320000xf32, #tpu.memory_space<hbm>> -> memref<80xf32, #tpu.memory_space<hbm>>
      %dma_start3A_917 = arith.constant 0 : i32
      %dma_start3A_918 = tpu.memref_slice %arg10[%dma_start3A_911, %dma_start3A_917] : memref<2x80xf32, #tpu.memory_space<vmem>> -> memref<1x80xf32, #tpu.memory_space<vmem>>
      %dma_start3A_919 = tpu.memref_squeeze %dma_start3A_918 : memref<1x80xf32, #tpu.memory_space<vmem>> -> memref<80xf32, #tpu.memory_space<vmem>>
      tpu.enqueue_dma source(%dma_start3A_919 : memref<80xf32, #tpu.memory_space<vmem>>) target(%dma_start3A_916 : memref<80xf32, #tpu.memory_space<hbm>>) target_semaphore(%arg16 : memref<!tpu.dma_semaphore, #tpu.memory_space<semaphore_mem>>)
      %mul3A_920 = arith.constant 2 : i32
      %mul3A_921 = arith.muli %scan3A_722, %mul3A_920 : i32
      %add3A_922 = arith.constant 1 : i32
      %add3A_923 = arith.addi %mul3A_921, %add3A_922 : i32
      %add3A_924 = arith.constant 2 : i32
      %add3A_925 = arith.addi %add3A_923, %add3A_924 : i32
      %sub3A_926 = arith.constant 1 : i32
      %sub3A_927 = arith.subi %add3A_925, %sub3A_926 : i32
      %lt3A_928 = arith.constant 125 : i32
      %lt3A_929 = arith.cmpi slt, %sub3A_927, %lt3A_928 : i32
      %convert_element_type3A_930 = arith.extui %lt3A_929 : i1 to i32
      %cond3A_931 = arith.constant 0 : i32
      %cond3A_932 = arith.cmpi ne, %convert_element_type3A_930, %cond3A_931 : i32
      scf.if %cond3A_932 {
        %dma_wait3A_1120 = arith.constant 0 : i32
        %dma_wait3A_1121 = arith.constant 0 : i32
        %dma_wait3A_1122 = arith.constant 0 : i32
        %dma_wait3A_1123 = tpu.memref_slice %arg6[%dma_wait3A_1120, %dma_wait3A_1121, %dma_wait3A_1122] : memref<2x5x16xi32, #tpu.memory_space<vmem>> -> memref<1x1x16xi32, #tpu.memory_space<vmem>>
        %dma_wait3A_1124 = tpu.memref_squeeze %dma_wait3A_1123 : memref<1x1x16xi32, #tpu.memory_space<vmem>> -> memref<16xi32, #tpu.memory_space<vmem>>
        %dma_wait3A_1125 = arith.constant 0 : i32
        %dma_wait3A_1126 = tpu.memref_slice %arg3[%dma_wait3A_1125] : memref<320000xi32, #tpu.memory_space<hbm>> -> memref<16xi32, #tpu.memory_space<hbm>>
        %dma_wait3A_1127 = arith.constant 0 : i32
        %dma_wait3A_1128 = tpu.memref_slice %arg6[%dma_wait3A_1120, %dma_wait3A_1121, %dma_wait3A_1127] : memref<2x5x16xi32, #tpu.memory_space<vmem>> -> memref<1x1x16xi32, #tpu.memory_space<vmem>>
        %dma_wait3A_1129 = tpu.memref_squeeze %dma_wait3A_1128 : memref<1x1x16xi32, #tpu.memory_space<vmem>> -> memref<16xi32, #tpu.memory_space<vmem>>
        %dma_wait3A_1130 = arith.constant 0 : i32
        %dma_wait3A_1131 = tpu.memref_slice %arg3[%dma_wait3A_1130] : memref<320000xi32, #tpu.memory_space<hbm>> -> memref<16xi32, #tpu.memory_space<hbm>>
        tpu.wait_dma2 semaphore(%arg12 : memref<!tpu.dma_semaphore, #tpu.memory_space<semaphore_mem>>) src(%dma_wait3A_1131 : memref<16xi32, #tpu.memory_space<hbm>>) dst(%dma_wait3A_1129 : memref<16xi32, #tpu.memory_space<vmem>>)
        %dma_wait3A_1132 = arith.constant 0 : i32
        %dma_wait3A_1133 = arith.constant 0 : i32
        %dma_wait3A_1134 = arith.constant 0 : i32
        %dma_wait3A_1135 = tpu.memref_slice %arg7[%dma_wait3A_1132, %dma_wait3A_1133, %dma_wait3A_1134] : memref<2x5x16xi32, #tpu.memory_space<vmem>> -> memref<1x1x16xi32, #tpu.memory_space<vmem>>
        %dma_wait3A_1136 = tpu.memref_squeeze %dma_wait3A_1135 : memref<1x1x16xi32, #tpu.memory_space<vmem>> -> memref<16xi32, #tpu.memory_space<vmem>>
        %dma_wait3A_1137 = arith.constant 0 : i32
        %dma_wait3A_1138 = tpu.memref_slice %arg4[%dma_wait3A_1137] : memref<320000xi32, #tpu.memory_space<hbm>> -> memref<16xi32, #tpu.memory_space<hbm>>
        %dma_wait3A_1139 = arith.constant 0 : i32
        %dma_wait3A_1140 = tpu.memref_slice %arg7[%dma_wait3A_1132, %dma_wait3A_1133, %dma_wait3A_1139] : memref<2x5x16xi32, #tpu.memory_space<vmem>> -> memref<1x1x16xi32, #tpu.memory_space<vmem>>
        %dma_wait3A_1141 = tpu.memref_squeeze %dma_wait3A_1140 : memref<1x1x16xi32, #tpu.memory_space<vmem>> -> memref<16xi32, #tpu.memory_space<vmem>>
        %dma_wait3A_1142 = arith.constant 0 : i32
        %dma_wait3A_1143 = tpu.memref_slice %arg4[%dma_wait3A_1142] : memref<320000xi32, #tpu.memory_space<hbm>> -> memref<16xi32, #tpu.memory_space<hbm>>
        tpu.wait_dma2 semaphore(%arg12 : memref<!tpu.dma_semaphore, #tpu.memory_space<semaphore_mem>>) src(%dma_wait3A_1143 : memref<16xi32, #tpu.memory_space<hbm>>) dst(%dma_wait3A_1141 : memref<16xi32, #tpu.memory_space<vmem>>)
        %dma_wait3A_1144 = arith.constant 0 : i32
        %dma_wait3A_1145 = arith.constant 1 : i32
        %dma_wait3A_1146 = arith.constant 0 : i32
        %dma_wait3A_1147 = tpu.memref_slice %arg6[%dma_wait3A_1144, %dma_wait3A_1145, %dma_wait3A_1146] : memref<2x5x16xi32, #tpu.memory_space<vmem>> -> memref<1x1x16xi32, #tpu.memory_space<vmem>>
        %dma_wait3A_1148 = tpu.memref_squeeze %dma_wait3A_1147 : memref<1x1x16xi32, #tpu.memory_space<vmem>> -> memref<16xi32, #tpu.memory_space<vmem>>
        %dma_wait3A_1149 = arith.constant 0 : i32
        %dma_wait3A_1150 = tpu.memref_slice %arg3[%dma_wait3A_1149] : memref<320000xi32, #tpu.memory_space<hbm>> -> memref<16xi32, #tpu.memory_space<hbm>>
        %dma_wait3A_1151 = arith.constant 0 : i32
        %dma_wait3A_1152 = tpu.memref_slice %arg6[%dma_wait3A_1144, %dma_wait3A_1145, %dma_wait3A_1151] : memref<2x5x16xi32, #tpu.memory_space<vmem>> -> memref<1x1x16xi32, #tpu.memory_space<vmem>>
        %dma_wait3A_1153 = tpu.memref_squeeze %dma_wait3A_1152 : memref<1x1x16xi32, #tpu.memory_space<vmem>> -> memref<16xi32, #tpu.memory_space<vmem>>
        %dma_wait3A_1154 = arith.constant 0 : i32
        %dma_wait3A_1155 = tpu.memref_slice %arg3[%dma_wait3A_1154] : memref<320000xi32, #tpu.memory_space<hbm>> -> memref<16xi32, #tpu.memory_space<hbm>>
        tpu.wait_dma2 semaphore(%arg12 : memref<!tpu.dma_semaphore, #tpu.memory_space<semaphore_mem>>) src(%dma_wait3A_1155 : memref<16xi32, #tpu.memory_space<hbm>>) dst(%dma_wait3A_1153 : memref<16xi32, #tpu.memory_space<vmem>>)
        %dma_wait3A_1156 = arith.constant 0 : i32
        %dma_wait3A_1157 = arith.constant 1 : i32
        %dma_wait3A_1158 = arith.constant 0 : i32
        %dma_wait3A_1159 = tpu.memref_slice %arg7[%dma_wait3A_1156, %dma_wait3A_1157, %dma_wait3A_1158] : memref<2x5x16xi32, #tpu.memory_space<vmem>> -> memref<1x1x16xi32, #tpu.memory_space<vmem>>
        %dma_wait3A_1160 = tpu.memref_squeeze %dma_wait3A_1159 : memref<1x1x16xi32, #tpu.memory_space<vmem>> -> memref<16xi32, #tpu.memory_space<vmem>>
        %dma_wait3A_1161 = arith.constant 0 : i32
        %dma_wait3A_1162 = tpu.memref_slice %arg4[%dma_wait3A_1161] : memref<320000xi32, #tpu.memory_space<hbm>> -> memref<16xi32, #tpu.memory_space<hbm>>
        %dma_wait3A_1163 = arith.constant 0 : i32
        %dma_wait3A_1164 = tpu.memref_slice %arg7[%dma_wait3A_1156, %dma_wait3A_1157, %dma_wait3A_1163] : memref<2x5x16xi32, #tpu.memory_space<vmem>> -> memref<1x1x16xi32, #tpu.memory_space<vmem>>
        %dma_wait3A_1165 = tpu.memref_squeeze %dma_wait3A_1164 : memref<1x1x16xi32, #tpu.memory_space<vmem>> -> memref<16xi32, #tpu.memory_space<vmem>>
        %dma_wait3A_1166 = arith.constant 0 : i32
        %dma_wait3A_1167 = tpu.memref_slice %arg4[%dma_wait3A_1166] : memref<320000xi32, #tpu.memory_space<hbm>> -> memref<16xi32, #tpu.memory_space<hbm>>
        tpu.wait_dma2 semaphore(%arg12 : memref<!tpu.dma_semaphore, #tpu.memory_space<semaphore_mem>>) src(%dma_wait3A_1167 : memref<16xi32, #tpu.memory_space<hbm>>) dst(%dma_wait3A_1165 : memref<16xi32, #tpu.memory_space<vmem>>)
        %dma_wait3A_1168 = arith.constant 0 : i32
        %dma_wait3A_1169 = arith.constant 2 : i32
        %dma_wait3A_1170 = arith.constant 0 : i32
        %dma_wait3A_1171 = tpu.memref_slice %arg6[%dma_wait3A_1168, %dma_wait3A_1169, %dma_wait3A_1170] : memref<2x5x16xi32, #tpu.memory_space<vmem>> -> memref<1x1x16xi32, #tpu.memory_space<vmem>>
        %dma_wait3A_1172 = tpu.memref_squeeze %dma_wait3A_1171 : memref<1x1x16xi32, #tpu.memory_space<vmem>> -> memref<16xi32, #tpu.memory_space<vmem>>
        %dma_wait3A_1173 = arith.constant 0 : i32
        %dma_wait3A_1174 = tpu.memref_slice %arg3[%dma_wait3A_1173] : memref<320000xi32, #tpu.memory_space<hbm>> -> memref<16xi32, #tpu.memory_space<hbm>>
        %dma_wait3A_1175 = arith.constant 0 : i32
        %dma_wait3A_1176 = tpu.memref_slice %arg6[%dma_wait3A_1168, %dma_wait3A_1169, %dma_wait3A_1175] : memref<2x5x16xi32, #tpu.memory_space<vmem>> -> memref<1x1x16xi32, #tpu.memory_space<vmem>>
        %dma_wait3A_1177 = tpu.memref_squeeze %dma_wait3A_1176 : memref<1x1x16xi32, #tpu.memory_space<vmem>> -> memref<16xi32, #tpu.memory_space<vmem>>
        %dma_wait3A_1178 = arith.constant 0 : i32
        %dma_wait3A_1179 = tpu.memref_slice %arg3[%dma_wait3A_1178] : memref<320000xi32, #tpu.memory_space<hbm>> -> memref<16xi32, #tpu.memory_space<hbm>>
        tpu.wait_dma2 semaphore(%arg12 : memref<!tpu.dma_semaphore, #tpu.memory_space<semaphore_mem>>) src(%dma_wait3A_1179 : memref<16xi32, #tpu.memory_space<hbm>>) dst(%dma_wait3A_1177 : memref<16xi32, #tpu.memory_space<vmem>>)
        %dma_wait3A_1180 = arith.constant 0 : i32
        %dma_wait3A_1181 = arith.constant 2 : i32
        %dma_wait3A_1182 = arith.constant 0 : i32
        %dma_wait3A_1183 = tpu.memref_slice %arg7[%dma_wait3A_1180, %dma_wait3A_1181, %dma_wait3A_1182] : memref<2x5x16xi32, #tpu.memory_space<vmem>> -> memref<1x1x16xi32, #tpu.memory_space<vmem>>
        %dma_wait3A_1184 = tpu.memref_squeeze %dma_wait3A_1183 : memref<1x1x16xi32, #tpu.memory_space<vmem>> -> memref<16xi32, #tpu.memory_space<vmem>>
        %dma_wait3A_1185 = arith.constant 0 : i32
        %dma_wait3A_1186 = tpu.memref_slice %arg4[%dma_wait3A_1185] : memref<320000xi32, #tpu.memory_space<hbm>> -> memref<16xi32, #tpu.memory_space<hbm>>
        %dma_wait3A_1187 = arith.constant 0 : i32
        %dma_wait3A_1188 = tpu.memref_slice %arg7[%dma_wait3A_1180, %dma_wait3A_1181, %dma_wait3A_1187] : memref<2x5x16xi32, #tpu.memory_space<vmem>> -> memref<1x1x16xi32, #tpu.memory_space<vmem>>
        %dma_wait3A_1189 = tpu.memref_squeeze %dma_wait3A_1188 : memref<1x1x16xi32, #tpu.memory_space<vmem>> -> memref<16xi32, #tpu.memory_space<vmem>>
        %dma_wait3A_1190 = arith.constant 0 : i32
        %dma_wait3A_1191 = tpu.memref_slice %arg4[%dma_wait3A_1190] : memref<320000xi32, #tpu.memory_space<hbm>> -> memref<16xi32, #tpu.memory_space<hbm>>
        tpu.wait_dma2 semaphore(%arg12 : memref<!tpu.dma_semaphore, #tpu.memory_space<semaphore_mem>>) src(%dma_wait3A_1191 : memref<16xi32, #tpu.memory_space<hbm>>) dst(%dma_wait3A_1189 : memref<16xi32, #tpu.memory_space<vmem>>)
        %dma_wait3A_1192 = arith.constant 0 : i32
        %dma_wait3A_1193 = arith.constant 3 : i32
        %dma_wait3A_1194 = arith.constant 0 : i32
        %dma_wait3A_1195 = tpu.memref_slice %arg6[%dma_wait3A_1192, %dma_wait3A_1193, %dma_wait3A_1194] : memref<2x5x16xi32, #tpu.memory_space<vmem>> -> memref<1x1x16xi32, #tpu.memory_space<vmem>>
        %dma_wait3A_1196 = tpu.memref_squeeze %dma_wait3A_1195 : memref<1x1x16xi32, #tpu.memory_space<vmem>> -> memref<16xi32, #tpu.memory_space<vmem>>
        %dma_wait3A_1197 = arith.constant 0 : i32
        %dma_wait3A_1198 = tpu.memref_slice %arg3[%dma_wait3A_1197] : memref<320000xi32, #tpu.memory_space<hbm>> -> memref<16xi32, #tpu.memory_space<hbm>>
        %dma_wait3A_1199 = arith.constant 0 : i32
        %dma_wait3A_1200 = tpu.memref_slice %arg6[%dma_wait3A_1192, %dma_wait3A_1193, %dma_wait3A_1199] : memref<2x5x16xi32, #tpu.memory_space<vmem>> -> memref<1x1x16xi32, #tpu.memory_space<vmem>>
        %dma_wait3A_1201 = tpu.memref_squeeze %dma_wait3A_1200 : memref<1x1x16xi32, #tpu.memory_space<vmem>> -> memref<16xi32, #tpu.memory_space<vmem>>
        %dma_wait3A_1202 = arith.constant 0 : i32
        %dma_wait3A_1203 = tpu.memref_slice %arg3[%dma_wait3A_1202] : memref<320000xi32, #tpu.memory_space<hbm>> -> memref<16xi32, #tpu.memory_space<hbm>>
        tpu.wait_dma2 semaphore(%arg12 : memref<!tpu.dma_semaphore, #tpu.memory_space<semaphore_mem>>) src(%dma_wait3A_1203 : memref<16xi32, #tpu.memory_space<hbm>>) dst(%dma_wait3A_1201 : memref<16xi32, #tpu.memory_space<vmem>>)
        %dma_wait3A_1204 = arith.constant 0 : i32
        %dma_wait3A_1205 = arith.constant 3 : i32
        %dma_wait3A_1206 = arith.constant 0 : i32
        %dma_wait3A_1207 = tpu.memref_slice %arg7[%dma_wait3A_1204, %dma_wait3A_1205, %dma_wait3A_1206] : memref<2x5x16xi32, #tpu.memory_space<vmem>> -> memref<1x1x16xi32, #tpu.memory_space<vmem>>
        %dma_wait3A_1208 = tpu.memref_squeeze %dma_wait3A_1207 : memref<1x1x16xi32, #tpu.memory_space<vmem>> -> memref<16xi32, #tpu.memory_space<vmem>>
        %dma_wait3A_1209 = arith.constant 0 : i32
        %dma_wait3A_1210 = tpu.memref_slice %arg4[%dma_wait3A_1209] : memref<320000xi32, #tpu.memory_space<hbm>> -> memref<16xi32, #tpu.memory_space<hbm>>
        %dma_wait3A_1211 = arith.constant 0 : i32
        %dma_wait3A_1212 = tpu.memref_slice %arg7[%dma_wait3A_1204, %dma_wait3A_1205, %dma_wait3A_1211] : memref<2x5x16xi32, #tpu.memory_space<vmem>> -> memref<1x1x16xi32, #tpu.memory_space<vmem>>
        %dma_wait3A_1213 = tpu.memref_squeeze %dma_wait3A_1212 : memref<1x1x16xi32, #tpu.memory_space<vmem>> -> memref<16xi32, #tpu.memory_space<vmem>>
        %dma_wait3A_1214 = arith.constant 0 : i32
        %dma_wait3A_1215 = tpu.memref_slice %arg4[%dma_wait3A_1214] : memref<320000xi32, #tpu.memory_space<hbm>> -> memref<16xi32, #tpu.memory_space<hbm>>
        tpu.wait_dma2 semaphore(%arg12 : memref<!tpu.dma_semaphore, #tpu.memory_space<semaphore_mem>>) src(%dma_wait3A_1215 : memref<16xi32, #tpu.memory_space<hbm>>) dst(%dma_wait3A_1213 : memref<16xi32, #tpu.memory_space<vmem>>)
        %dma_wait3A_1216 = arith.constant 0 : i32
        %dma_wait3A_1217 = arith.constant 4 : i32
        %dma_wait3A_1218 = arith.constant 0 : i32
        %dma_wait3A_1219 = tpu.memref_slice %arg6[%dma_wait3A_1216, %dma_wait3A_1217, %dma_wait3A_1218] : memref<2x5x16xi32, #tpu.memory_space<vmem>> -> memref<1x1x16xi32, #tpu.memory_space<vmem>>
        %dma_wait3A_1220 = tpu.memref_squeeze %dma_wait3A_1219 : memref<1x1x16xi32, #tpu.memory_space<vmem>> -> memref<16xi32, #tpu.memory_space<vmem>>
        %dma_wait3A_1221 = arith.constant 0 : i32
        %dma_wait3A_1222 = tpu.memref_slice %arg3[%dma_wait3A_1221] : memref<320000xi32, #tpu.memory_space<hbm>> -> memref<16xi32, #tpu.memory_space<hbm>>
        %dma_wait3A_1223 = arith.constant 0 : i32
        %dma_wait3A_1224 = tpu.memref_slice %arg6[%dma_wait3A_1216, %dma_wait3A_1217, %dma_wait3A_1223] : memref<2x5x16xi32, #tpu.memory_space<vmem>> -> memref<1x1x16xi32, #tpu.memory_space<vmem>>
        %dma_wait3A_1225 = tpu.memref_squeeze %dma_wait3A_1224 : memref<1x1x16xi32, #tpu.memory_space<vmem>> -> memref<16xi32, #tpu.memory_space<vmem>>
        %dma_wait3A_1226 = arith.constant 0 : i32
        %dma_wait3A_1227 = tpu.memref_slice %arg3[%dma_wait3A_1226] : memref<320000xi32, #tpu.memory_space<hbm>> -> memref<16xi32, #tpu.memory_space<hbm>>
        tpu.wait_dma2 semaphore(%arg12 : memref<!tpu.dma_semaphore, #tpu.memory_space<semaphore_mem>>) src(%dma_wait3A_1227 : memref<16xi32, #tpu.memory_space<hbm>>) dst(%dma_wait3A_1225 : memref<16xi32, #tpu.memory_space<vmem>>)
        %dma_wait3A_1228 = arith.constant 0 : i32
        %dma_wait3A_1229 = arith.constant 4 : i32
        %dma_wait3A_1230 = arith.constant 0 : i32
        %dma_wait3A_1231 = tpu.memref_slice %arg7[%dma_wait3A_1228, %dma_wait3A_1229, %dma_wait3A_1230] : memref<2x5x16xi32, #tpu.memory_space<vmem>> -> memref<1x1x16xi32, #tpu.memory_space<vmem>>
        %dma_wait3A_1232 = tpu.memref_squeeze %dma_wait3A_1231 : memref<1x1x16xi32, #tpu.memory_space<vmem>> -> memref<16xi32, #tpu.memory_space<vmem>>
        %dma_wait3A_1233 = arith.constant 0 : i32
        %dma_wait3A_1234 = tpu.memref_slice %arg4[%dma_wait3A_1233] : memref<320000xi32, #tpu.memory_space<hbm>> -> memref<16xi32, #tpu.memory_space<hbm>>
        %dma_wait3A_1235 = arith.constant 0 : i32
        %dma_wait3A_1236 = tpu.memref_slice %arg7[%dma_wait3A_1228, %dma_wait3A_1229, %dma_wait3A_1235] : memref<2x5x16xi32, #tpu.memory_space<vmem>> -> memref<1x1x16xi32, #tpu.memory_space<vmem>>
        %dma_wait3A_1237 = tpu.memref_squeeze %dma_wait3A_1236 : memref<1x1x16xi32, #tpu.memory_space<vmem>> -> memref<16xi32, #tpu.memory_space<vmem>>
        %dma_wait3A_1238 = arith.constant 0 : i32
        %dma_wait3A_1239 = tpu.memref_slice %arg4[%dma_wait3A_1238] : memref<320000xi32, #tpu.memory_space<hbm>> -> memref<16xi32, #tpu.memory_space<hbm>>
        tpu.wait_dma2 semaphore(%arg12 : memref<!tpu.dma_semaphore, #tpu.memory_space<semaphore_mem>>) src(%dma_wait3A_1239 : memref<16xi32, #tpu.memory_space<hbm>>) dst(%dma_wait3A_1237 : memref<16xi32, #tpu.memory_space<vmem>>)
        %dma_start3A_1240 = arith.constant 0 : i32
        %dma_start3A_1241 = arith.constant 0 : i32
        %dma_start3A_1242 = arith.constant 0 : i32
        %dma_start3A_1243 = arith.constant 0 : i32
        %dma_start3A_1244 = arith.constant 0 : i32
        %dma_start3A_1245 = tpu.memref_slice %arg8[%dma_start3A_1242, %dma_start3A_1243, %dma_start3A_1244] : memref<2x80x128xf32, #tpu.memory_space<vmem>> -> memref<1x16x128xf32, #tpu.memory_space<vmem>>
        %dma_start3A_1246 = tpu.memref_squeeze %dma_start3A_1245 : memref<1x16x128xf32, #tpu.memory_space<vmem>> -> memref<16x128xf32, #tpu.memory_space<vmem>>
        %dma_start3A_1247 = arith.constant 0 : i32
        %dma_start3A_1248 = tpu.memref_slice %arg6[%dma_start3A_1240, %dma_start3A_1241, %dma_start3A_1247] : memref<2x5x16xi32, #tpu.memory_space<vmem>> -> memref<1x1x16xi32, #tpu.memory_space<vmem>>
        %dma_start3A_1249 = tpu.memref_squeeze %dma_start3A_1248 : memref<1x1x16xi32, #tpu.memory_space<vmem>> -> memref<16xi32, #tpu.memory_space<vmem>>
        %dma_start3A_1250 = arith.constant 0 : i32
        %dma_start3A_1251 = arith.constant 0 : i32
        %dma_start3A_1252 = tpu.memref_slice %arg11[%dma_start3A_1250, %dma_start3A_1251] : memref<10000x128xf32, #tpu.memory_space<vmem_shared>> -> memref<10000x128xf32, #tpu.memory_space<vmem_shared>>
        tpu.enqueue_indirect_dma source(%dma_start3A_1252 : memref<10000x128xf32, #tpu.memory_space<vmem_shared>>) target(%dma_start3A_1246 : memref<16x128xf32, #tpu.memory_space<vmem>>) offsets(%dma_start3A_1249 : memref<16xi32, #tpu.memory_space<vmem>>) semaphore(%arg14 : memref<!tpu.dma_semaphore, #tpu.memory_space<semaphore_mem>>)
        %dma_start3A_1253 = arith.constant 0 : i32
        %dma_start3A_1254 = arith.constant 0 : i32
        %dma_start3A_1255 = arith.constant 0 : i32
        %dma_start3A_1256 = arith.constant 0 : i32
        %dma_start3A_1257 = arith.constant 0 : i32
        %dma_start3A_1258 = tpu.memref_slice %arg9[%dma_start3A_1255, %dma_start3A_1256, %dma_start3A_1257] : memref<2x80x128xf32, #tpu.memory_space<vmem>> -> memref<1x16x128xf32, #tpu.memory_space<vmem>>
        %dma_start3A_1259 = tpu.memref_squeeze %dma_start3A_1258 : memref<1x16x128xf32, #tpu.memory_space<vmem>> -> memref<16x128xf32, #tpu.memory_space<vmem>>
        %dma_start3A_1260 = arith.constant 0 : i32
        %dma_start3A_1261 = tpu.memref_slice %arg7[%dma_start3A_1253, %dma_start3A_1254, %dma_start3A_1260] : memref<2x5x16xi32, #tpu.memory_space<vmem>> -> memref<1x1x16xi32, #tpu.memory_space<vmem>>
        %dma_start3A_1262 = tpu.memref_squeeze %dma_start3A_1261 : memref<1x1x16xi32, #tpu.memory_space<vmem>> -> memref<16xi32, #tpu.memory_space<vmem>>
        %dma_start3A_1263 = arith.constant 0 : i32
        %dma_start3A_1264 = arith.constant 0 : i32
        %dma_start3A_1265 = tpu.memref_slice %arg11[%dma_start3A_1263, %dma_start3A_1264] : memref<10000x128xf32, #tpu.memory_space<vmem_shared>> -> memref<10000x128xf32, #tpu.memory_space<vmem_shared>>
        tpu.enqueue_indirect_dma source(%dma_start3A_1265 : memref<10000x128xf32, #tpu.memory_space<vmem_shared>>) target(%dma_start3A_1259 : memref<16x128xf32, #tpu.memory_space<vmem>>) offsets(%dma_start3A_1262 : memref<16xi32, #tpu.memory_space<vmem>>) semaphore(%arg14 : memref<!tpu.dma_semaphore, #tpu.memory_space<semaphore_mem>>)
        %dma_start3A_1266 = arith.constant 0 : i32
        %dma_start3A_1267 = arith.constant 1 : i32
        %dma_start3A_1268 = arith.constant 0 : i32
        %dma_start3A_1269 = arith.constant 16 : i32
        %dma_start3A_1270 = arith.constant 0 : i32
        %dma_start3A_1271 = tpu.memref_slice %arg8[%dma_start3A_1268, %dma_start3A_1269, %dma_start3A_1270] : memref<2x80x128xf32, #tpu.memory_space<vmem>> -> memref<1x16x128xf32, #tpu.memory_space<vmem>>
        %dma_start3A_1272 = tpu.memref_squeeze %dma_start3A_1271 : memref<1x16x128xf32, #tpu.memory_space<vmem>> -> memref<16x128xf32, #tpu.memory_space<vmem>>
        %dma_start3A_1273 = arith.constant 0 : i32
        %dma_start3A_1274 = tpu.memref_slice %arg6[%dma_start3A_1266, %dma_start3A_1267, %dma_start3A_1273] : memref<2x5x16xi32, #tpu.memory_space<vmem>> -> memref<1x1x16xi32, #tpu.memory_space<vmem>>
        %dma_start3A_1275 = tpu.memref_squeeze %dma_start3A_1274 : memref<1x1x16xi32, #tpu.memory_space<vmem>> -> memref<16xi32, #tpu.memory_space<vmem>>
        %dma_start3A_1276 = arith.constant 0 : i32
        %dma_start3A_1277 = arith.constant 0 : i32
        %dma_start3A_1278 = tpu.memref_slice %arg11[%dma_start3A_1276, %dma_start3A_1277] : memref<10000x128xf32, #tpu.memory_space<vmem_shared>> -> memref<10000x128xf32, #tpu.memory_space<vmem_shared>>
        tpu.enqueue_indirect_dma source(%dma_start3A_1278 : memref<10000x128xf32, #tpu.memory_space<vmem_shared>>) target(%dma_start3A_1272 : memref<16x128xf32, #tpu.memory_space<vmem>>) offsets(%dma_start3A_1275 : memref<16xi32, #tpu.memory_space<vmem>>) semaphore(%arg14 : memref<!tpu.dma_semaphore, #tpu.memory_space<semaphore_mem>>)
        %dma_start3A_1279 = arith.constant 0 : i32
        %dma_start3A_1280 = arith.constant 1 : i32
        %dma_start3A_1281 = arith.constant 0 : i32
        %dma_start3A_1282 = arith.constant 16 : i32
        %dma_start3A_1283 = arith.constant 0 : i32
        %dma_start3A_1284 = tpu.memref_slice %arg9[%dma_start3A_1281, %dma_start3A_1282, %dma_start3A_1283] : memref<2x80x128xf32, #tpu.memory_space<vmem>> -> memref<1x16x128xf32, #tpu.memory_space<vmem>>
        %dma_start3A_1285 = tpu.memref_squeeze %dma_start3A_1284 : memref<1x16x128xf32, #tpu.memory_space<vmem>> -> memref<16x128xf32, #tpu.memory_space<vmem>>
        %dma_start3A_1286 = arith.constant 0 : i32
        %dma_start3A_1287 = tpu.memref_slice %arg7[%dma_start3A_1279, %dma_start3A_1280, %dma_start3A_1286] : memref<2x5x16xi32, #tpu.memory_space<vmem>> -> memref<1x1x16xi32, #tpu.memory_space<vmem>>
        %dma_start3A_1288 = tpu.memref_squeeze %dma_start3A_1287 : memref<1x1x16xi32, #tpu.memory_space<vmem>> -> memref<16xi32, #tpu.memory_space<vmem>>
        %dma_start3A_1289 = arith.constant 0 : i32
        %dma_start3A_1290 = arith.constant 0 : i32
        %dma_start3A_1291 = tpu.memref_slice %arg11[%dma_start3A_1289, %dma_start3A_1290] : memref<10000x128xf32, #tpu.memory_space<vmem_shared>> -> memref<10000x128xf32, #tpu.memory_space<vmem_shared>>
        tpu.enqueue_indirect_dma source(%dma_start3A_1291 : memref<10000x128xf32, #tpu.memory_space<vmem_shared>>) target(%dma_start3A_1285 : memref<16x128xf32, #tpu.memory_space<vmem>>) offsets(%dma_start3A_1288 : memref<16xi32, #tpu.memory_space<vmem>>) semaphore(%arg14 : memref<!tpu.dma_semaphore, #tpu.memory_space<semaphore_mem>>)
        %dma_start3A_1292 = arith.constant 0 : i32
        %dma_start3A_1293 = arith.constant 2 : i32
        %dma_start3A_1294 = arith.constant 0 : i32
        %dma_start3A_1295 = arith.constant 32 : i32
        %dma_start3A_1296 = arith.constant 0 : i32
        %dma_start3A_1297 = tpu.memref_slice %arg8[%dma_start3A_1294, %dma_start3A_1295, %dma_start3A_1296] : memref<2x80x128xf32, #tpu.memory_space<vmem>> -> memref<1x16x128xf32, #tpu.memory_space<vmem>>
        %dma_start3A_1298 = tpu.memref_squeeze %dma_start3A_1297 : memref<1x16x128xf32, #tpu.memory_space<vmem>> -> memref<16x128xf32, #tpu.memory_space<vmem>>
        %dma_start3A_1299 = arith.constant 0 : i32
        %dma_start3A_1300 = tpu.memref_slice %arg6[%dma_start3A_1292, %dma_start3A_1293, %dma_start3A_1299] : memref<2x5x16xi32, #tpu.memory_space<vmem>> -> memref<1x1x16xi32, #tpu.memory_space<vmem>>
        %dma_start3A_1301 = tpu.memref_squeeze %dma_start3A_1300 : memref<1x1x16xi32, #tpu.memory_space<vmem>> -> memref<16xi32, #tpu.memory_space<vmem>>
        %dma_start3A_1302 = arith.constant 0 : i32
        %dma_start3A_1303 = arith.constant 0 : i32
        %dma_start3A_1304 = tpu.memref_slice %arg11[%dma_start3A_1302, %dma_start3A_1303] : memref<10000x128xf32, #tpu.memory_space<vmem_shared>> -> memref<10000x128xf32, #tpu.memory_space<vmem_shared>>
        tpu.enqueue_indirect_dma source(%dma_start3A_1304 : memref<10000x128xf32, #tpu.memory_space<vmem_shared>>) target(%dma_start3A_1298 : memref<16x128xf32, #tpu.memory_space<vmem>>) offsets(%dma_start3A_1301 : memref<16xi32, #tpu.memory_space<vmem>>) semaphore(%arg14 : memref<!tpu.dma_semaphore, #tpu.memory_space<semaphore_mem>>)
        %dma_start3A_1305 = arith.constant 0 : i32
        %dma_start3A_1306 = arith.constant 2 : i32
        %dma_start3A_1307 = arith.constant 0 : i32
        %dma_start3A_1308 = arith.constant 32 : i32
        %dma_start3A_1309 = arith.constant 0 : i32
        %dma_start3A_1310 = tpu.memref_slice %arg9[%dma_start3A_1307, %dma_start3A_1308, %dma_start3A_1309] : memref<2x80x128xf32, #tpu.memory_space<vmem>> -> memref<1x16x128xf32, #tpu.memory_space<vmem>>
        %dma_start3A_1311 = tpu.memref_squeeze %dma_start3A_1310 : memref<1x16x128xf32, #tpu.memory_space<vmem>> -> memref<16x128xf32, #tpu.memory_space<vmem>>
        %dma_start3A_1312 = arith.constant 0 : i32
        %dma_start3A_1313 = tpu.memref_slice %arg7[%dma_start3A_1305, %dma_start3A_1306, %dma_start3A_1312] : memref<2x5x16xi32, #tpu.memory_space<vmem>> -> memref<1x1x16xi32, #tpu.memory_space<vmem>>
        %dma_start3A_1314 = tpu.memref_squeeze %dma_start3A_1313 : memref<1x1x16xi32, #tpu.memory_space<vmem>> -> memref<16xi32, #tpu.memory_space<vmem>>
        %dma_start3A_1315 = arith.constant 0 : i32
        %dma_start3A_1316 = arith.constant 0 : i32
        %dma_start3A_1317 = tpu.memref_slice %arg11[%dma_start3A_1315, %dma_start3A_1316] : memref<10000x128xf32, #tpu.memory_space<vmem_shared>> -> memref<10000x128xf32, #tpu.memory_space<vmem_shared>>
        tpu.enqueue_indirect_dma source(%dma_start3A_1317 : memref<10000x128xf32, #tpu.memory_space<vmem_shared>>) target(%dma_start3A_1311 : memref<16x128xf32, #tpu.memory_space<vmem>>) offsets(%dma_start3A_1314 : memref<16xi32, #tpu.memory_space<vmem>>) semaphore(%arg14 : memref<!tpu.dma_semaphore, #tpu.memory_space<semaphore_mem>>)
        %dma_start3A_1318 = arith.constant 0 : i32
        %dma_start3A_1319 = arith.constant 3 : i32
        %dma_start3A_1320 = arith.constant 0 : i32
        %dma_start3A_1321 = arith.constant 48 : i32
        %dma_start3A_1322 = arith.constant 0 : i32
        %dma_start3A_1323 = tpu.memref_slice %arg8[%dma_start3A_1320, %dma_start3A_1321, %dma_start3A_1322] : memref<2x80x128xf32, #tpu.memory_space<vmem>> -> memref<1x16x128xf32, #tpu.memory_space<vmem>>
        %dma_start3A_1324 = tpu.memref_squeeze %dma_start3A_1323 : memref<1x16x128xf32, #tpu.memory_space<vmem>> -> memref<16x128xf32, #tpu.memory_space<vmem>>
        %dma_start3A_1325 = arith.constant 0 : i32
        %dma_start3A_1326 = tpu.memref_slice %arg6[%dma_start3A_1318, %dma_start3A_1319, %dma_start3A_1325] : memref<2x5x16xi32, #tpu.memory_space<vmem>> -> memref<1x1x16xi32, #tpu.memory_space<vmem>>
        %dma_start3A_1327 = tpu.memref_squeeze %dma_start3A_1326 : memref<1x1x16xi32, #tpu.memory_space<vmem>> -> memref<16xi32, #tpu.memory_space<vmem>>
        %dma_start3A_1328 = arith.constant 0 : i32
        %dma_start3A_1329 = arith.constant 0 : i32
        %dma_start3A_1330 = tpu.memref_slice %arg11[%dma_start3A_1328, %dma_start3A_1329] : memref<10000x128xf32, #tpu.memory_space<vmem_shared>> -> memref<10000x128xf32, #tpu.memory_space<vmem_shared>>
        tpu.enqueue_indirect_dma source(%dma_start3A_1330 : memref<10000x128xf32, #tpu.memory_space<vmem_shared>>) target(%dma_start3A_1324 : memref<16x128xf32, #tpu.memory_space<vmem>>) offsets(%dma_start3A_1327 : memref<16xi32, #tpu.memory_space<vmem>>) semaphore(%arg14 : memref<!tpu.dma_semaphore, #tpu.memory_space<semaphore_mem>>)
        %dma_start3A_1331 = arith.constant 0 : i32
        %dma_start3A_1332 = arith.constant 3 : i32
        %dma_start3A_1333 = arith.constant 0 : i32
        %dma_start3A_1334 = arith.constant 48 : i32
        %dma_start3A_1335 = arith.constant 0 : i32
        %dma_start3A_1336 = tpu.memref_slice %arg9[%dma_start3A_1333, %dma_start3A_1334, %dma_start3A_1335] : memref<2x80x128xf32, #tpu.memory_space<vmem>> -> memref<1x16x128xf32, #tpu.memory_space<vmem>>
        %dma_start3A_1337 = tpu.memref_squeeze %dma_start3A_1336 : memref<1x16x128xf32, #tpu.memory_space<vmem>> -> memref<16x128xf32, #tpu.memory_space<vmem>>
        %dma_start3A_1338 = arith.constant 0 : i32
        %dma_start3A_1339 = tpu.memref_slice %arg7[%dma_start3A_1331, %dma_start3A_1332, %dma_start3A_1338] : memref<2x5x16xi32, #tpu.memory_space<vmem>> -> memref<1x1x16xi32, #tpu.memory_space<vmem>>
        %dma_start3A_1340 = tpu.memref_squeeze %dma_start3A_1339 : memref<1x1x16xi32, #tpu.memory_space<vmem>> -> memref<16xi32, #tpu.memory_space<vmem>>
        %dma_start3A_1341 = arith.constant 0 : i32
        %dma_start3A_1342 = arith.constant 0 : i32
        %dma_start3A_1343 = tpu.memref_slice %arg11[%dma_start3A_1341, %dma_start3A_1342] : memref<10000x128xf32, #tpu.memory_space<vmem_shared>> -> memref<10000x128xf32, #tpu.memory_space<vmem_shared>>
        tpu.enqueue_indirect_dma source(%dma_start3A_1343 : memref<10000x128xf32, #tpu.memory_space<vmem_shared>>) target(%dma_start3A_1337 : memref<16x128xf32, #tpu.memory_space<vmem>>) offsets(%dma_start3A_1340 : memref<16xi32, #tpu.memory_space<vmem>>) semaphore(%arg14 : memref<!tpu.dma_semaphore, #tpu.memory_space<semaphore_mem>>)
        %dma_start3A_1344 = arith.constant 0 : i32
        %dma_start3A_1345 = arith.constant 4 : i32
        %dma_start3A_1346 = arith.constant 0 : i32
        %dma_start3A_1347 = arith.constant 64 : i32
        %dma_start3A_1348 = arith.constant 0 : i32
        %dma_start3A_1349 = tpu.memref_slice %arg8[%dma_start3A_1346, %dma_start3A_1347, %dma_start3A_1348] : memref<2x80x128xf32, #tpu.memory_space<vmem>> -> memref<1x16x128xf32, #tpu.memory_space<vmem>>
        %dma_start3A_1350 = tpu.memref_squeeze %dma_start3A_1349 : memref<1x16x128xf32, #tpu.memory_space<vmem>> -> memref<16x128xf32, #tpu.memory_space<vmem>>
        %dma_start3A_1351 = arith.constant 0 : i32
        %dma_start3A_1352 = tpu.memref_slice %arg6[%dma_start3A_1344, %dma_start3A_1345, %dma_start3A_1351] : memref<2x5x16xi32, #tpu.memory_space<vmem>> -> memref<1x1x16xi32, #tpu.memory_space<vmem>>
        %dma_start3A_1353 = tpu.memref_squeeze %dma_start3A_1352 : memref<1x1x16xi32, #tpu.memory_space<vmem>> -> memref<16xi32, #tpu.memory_space<vmem>>
        %dma_start3A_1354 = arith.constant 0 : i32
        %dma_start3A_1355 = arith.constant 0 : i32
        %dma_start3A_1356 = tpu.memref_slice %arg11[%dma_start3A_1354, %dma_start3A_1355] : memref<10000x128xf32, #tpu.memory_space<vmem_shared>> -> memref<10000x128xf32, #tpu.memory_space<vmem_shared>>
        tpu.enqueue_indirect_dma source(%dma_start3A_1356 : memref<10000x128xf32, #tpu.memory_space<vmem_shared>>) target(%dma_start3A_1350 : memref<16x128xf32, #tpu.memory_space<vmem>>) offsets(%dma_start3A_1353 : memref<16xi32, #tpu.memory_space<vmem>>) semaphore(%arg14 : memref<!tpu.dma_semaphore, #tpu.memory_space<semaphore_mem>>)
        %dma_start3A_1357 = arith.constant 0 : i32
        %dma_start3A_1358 = arith.constant 4 : i32
        %dma_start3A_1359 = arith.constant 0 : i32
        %dma_start3A_1360 = arith.constant 64 : i32
        %dma_start3A_1361 = arith.constant 0 : i32
        %dma_start3A_1362 = tpu.memref_slice %arg9[%dma_start3A_1359, %dma_start3A_1360, %dma_start3A_1361] : memref<2x80x128xf32, #tpu.memory_space<vmem>> -> memref<1x16x128xf32, #tpu.memory_space<vmem>>
        %dma_start3A_1363 = tpu.memref_squeeze %dma_start3A_1362 : memref<1x16x128xf32, #tpu.memory_space<vmem>> -> memref<16x128xf32, #tpu.memory_space<vmem>>
        %dma_start3A_1364 = arith.constant 0 : i32
        %dma_start3A_1365 = tpu.memref_slice %arg7[%dma_start3A_1357, %dma_start3A_1358, %dma_start3A_1364] : memref<2x5x16xi32, #tpu.memory_space<vmem>> -> memref<1x1x16xi32, #tpu.memory_space<vmem>>
        %dma_start3A_1366 = tpu.memref_squeeze %dma_start3A_1365 : memref<1x1x16xi32, #tpu.memory_space<vmem>> -> memref<16xi32, #tpu.memory_space<vmem>>
        %dma_start3A_1367 = arith.constant 0 : i32
        %dma_start3A_1368 = arith.constant 0 : i32
        %dma_start3A_1369 = tpu.memref_slice %arg11[%dma_start3A_1367, %dma_start3A_1368] : memref<10000x128xf32, #tpu.memory_space<vmem_shared>> -> memref<10000x128xf32, #tpu.memory_space<vmem_shared>>
        tpu.enqueue_indirect_dma source(%dma_start3A_1369 : memref<10000x128xf32, #tpu.memory_space<vmem_shared>>) target(%dma_start3A_1363 : memref<16x128xf32, #tpu.memory_space<vmem>>) offsets(%dma_start3A_1366 : memref<16xi32, #tpu.memory_space<vmem>>) semaphore(%arg14 : memref<!tpu.dma_semaphore, #tpu.memory_space<semaphore_mem>>)
      } else {
      }
      %dma_wait3A_933 = arith.constant 1 : i32
      %dma_wait3A_934 = arith.constant 0 : i32
      %dma_wait3A_935 = arith.constant 0 : i32
      %dma_wait3A_936 = tpu.memref_slice %arg8[%dma_wait3A_933, %dma_wait3A_934, %dma_wait3A_935] : memref<2x80x128xf32, #tpu.memory_space<vmem>> -> memref<1x16x128xf32, #tpu.memory_space<vmem>>
      %dma_wait3A_937 = tpu.memref_squeeze %dma_wait3A_936 : memref<1x16x128xf32, #tpu.memory_space<vmem>> -> memref<16x128xf32, #tpu.memory_space<vmem>>
      %dma_wait3A_938 = arith.constant 0 : i32
      %dma_wait3A_939 = arith.constant 0 : i32
      %dma_wait3A_940 = tpu.memref_slice %arg2[%dma_wait3A_938, %dma_wait3A_939] : memref<10000x128xf32, #tpu.memory_space<hbm>> -> memref<16x128xf32, #tpu.memory_space<hbm>>
      %dma_wait3A_941 = arith.constant 0 : i32
      %dma_wait3A_942 = arith.constant 0 : i32
      %dma_wait3A_943 = tpu.memref_slice %arg8[%dma_wait3A_933, %dma_wait3A_941, %dma_wait3A_942] : memref<2x80x128xf32, #tpu.memory_space<vmem>> -> memref<1x16x128xf32, #tpu.memory_space<vmem>>
      %dma_wait3A_944 = tpu.memref_squeeze %dma_wait3A_943 : memref<1x16x128xf32, #tpu.memory_space<vmem>> -> memref<16x128xf32, #tpu.memory_space<vmem>>
      %dma_wait3A_945 = arith.constant 0 : i32
      %dma_wait3A_946 = arith.constant 0 : i32
      %dma_wait3A_947 = tpu.memref_slice %arg2[%dma_wait3A_945, %dma_wait3A_946] : memref<10000x128xf32, #tpu.memory_space<hbm>> -> memref<16x128xf32, #tpu.memory_space<hbm>>
      tpu.wait_dma2 semaphore(%arg15 : memref<!tpu.dma_semaphore, #tpu.memory_space<semaphore_mem>>) src(%dma_wait3A_947 : memref<16x128xf32, #tpu.memory_space<hbm>>) dst(%dma_wait3A_944 : memref<16x128xf32, #tpu.memory_space<vmem>>)
      %dma_wait3A_948 = arith.constant 1 : i32
      %dma_wait3A_949 = arith.constant 0 : i32
      %dma_wait3A_950 = arith.constant 0 : i32
      %dma_wait3A_951 = tpu.memref_slice %arg9[%dma_wait3A_948, %dma_wait3A_949, %dma_wait3A_950] : memref<2x80x128xf32, #tpu.memory_space<vmem>> -> memref<1x16x128xf32, #tpu.memory_space<vmem>>
      %dma_wait3A_952 = tpu.memref_squeeze %dma_wait3A_951 : memref<1x16x128xf32, #tpu.memory_space<vmem>> -> memref<16x128xf32, #tpu.memory_space<vmem>>
      %dma_wait3A_953 = arith.constant 0 : i32
      %dma_wait3A_954 = arith.constant 0 : i32
      %dma_wait3A_955 = tpu.memref_slice %arg2[%dma_wait3A_953, %dma_wait3A_954] : memref<10000x128xf32, #tpu.memory_space<hbm>> -> memref<16x128xf32, #tpu.memory_space<hbm>>
      %dma_wait3A_956 = arith.constant 0 : i32
      %dma_wait3A_957 = arith.constant 0 : i32
      %dma_wait3A_958 = tpu.memref_slice %arg9[%dma_wait3A_948, %dma_wait3A_956, %dma_wait3A_957] : memref<2x80x128xf32, #tpu.memory_space<vmem>> -> memref<1x16x128xf32, #tpu.memory_space<vmem>>
      %dma_wait3A_959 = tpu.memref_squeeze %dma_wait3A_958 : memref<1x16x128xf32, #tpu.memory_space<vmem>> -> memref<16x128xf32, #tpu.memory_space<vmem>>
      %dma_wait3A_960 = arith.constant 0 : i32
      %dma_wait3A_961 = arith.constant 0 : i32
      %dma_wait3A_962 = tpu.memref_slice %arg2[%dma_wait3A_960, %dma_wait3A_961] : memref<10000x128xf32, #tpu.memory_space<hbm>> -> memref<16x128xf32, #tpu.memory_space<hbm>>
      tpu.wait_dma2 semaphore(%arg15 : memref<!tpu.dma_semaphore, #tpu.memory_space<semaphore_mem>>) src(%dma_wait3A_962 : memref<16x128xf32, #tpu.memory_space<hbm>>) dst(%dma_wait3A_959 : memref<16x128xf32, #tpu.memory_space<vmem>>)
      %dma_wait3A_963 = arith.constant 1 : i32
      %dma_wait3A_964 = arith.constant 16 : i32
      %dma_wait3A_965 = arith.constant 0 : i32
      %dma_wait3A_966 = tpu.memref_slice %arg8[%dma_wait3A_963, %dma_wait3A_964, %dma_wait3A_965] : memref<2x80x128xf32, #tpu.memory_space<vmem>> -> memref<1x16x128xf32, #tpu.memory_space<vmem>>
      %dma_wait3A_967 = tpu.memref_squeeze %dma_wait3A_966 : memref<1x16x128xf32, #tpu.memory_space<vmem>> -> memref<16x128xf32, #tpu.memory_space<vmem>>
      %dma_wait3A_968 = arith.constant 0 : i32
      %dma_wait3A_969 = arith.constant 0 : i32
      %dma_wait3A_970 = tpu.memref_slice %arg2[%dma_wait3A_968, %dma_wait3A_969] : memref<10000x128xf32, #tpu.memory_space<hbm>> -> memref<16x128xf32, #tpu.memory_space<hbm>>
      %dma_wait3A_971 = arith.constant 16 : i32
      %dma_wait3A_972 = arith.constant 0 : i32
      %dma_wait3A_973 = tpu.memref_slice %arg8[%dma_wait3A_963, %dma_wait3A_971, %dma_wait3A_972] : memref<2x80x128xf32, #tpu.memory_space<vmem>> -> memref<1x16x128xf32, #tpu.memory_space<vmem>>
      %dma_wait3A_974 = tpu.memref_squeeze %dma_wait3A_973 : memref<1x16x128xf32, #tpu.memory_space<vmem>> -> memref<16x128xf32, #tpu.memory_space<vmem>>
      %dma_wait3A_975 = arith.constant 0 : i32
      %dma_wait3A_976 = arith.constant 0 : i32
      %dma_wait3A_977 = tpu.memref_slice %arg2[%dma_wait3A_975, %dma_wait3A_976] : memref<10000x128xf32, #tpu.memory_space<hbm>> -> memref<16x128xf32, #tpu.memory_space<hbm>>
      tpu.wait_dma2 semaphore(%arg15 : memref<!tpu.dma_semaphore, #tpu.memory_space<semaphore_mem>>) src(%dma_wait3A_977 : memref<16x128xf32, #tpu.memory_space<hbm>>) dst(%dma_wait3A_974 : memref<16x128xf32, #tpu.memory_space<vmem>>)
      %dma_wait3A_978 = arith.constant 1 : i32
      %dma_wait3A_979 = arith.constant 16 : i32
      %dma_wait3A_980 = arith.constant 0 : i32
      %dma_wait3A_981 = tpu.memref_slice %arg9[%dma_wait3A_978, %dma_wait3A_979, %dma_wait3A_980] : memref<2x80x128xf32, #tpu.memory_space<vmem>> -> memref<1x16x128xf32, #tpu.memory_space<vmem>>
      %dma_wait3A_982 = tpu.memref_squeeze %dma_wait3A_981 : memref<1x16x128xf32, #tpu.memory_space<vmem>> -> memref<16x128xf32, #tpu.memory_space<vmem>>
      %dma_wait3A_983 = arith.constant 0 : i32
      %dma_wait3A_984 = arith.constant 0 : i32
      %dma_wait3A_985 = tpu.memref_slice %arg2[%dma_wait3A_983, %dma_wait3A_984] : memref<10000x128xf32, #tpu.memory_space<hbm>> -> memref<16x128xf32, #tpu.memory_space<hbm>>
      %dma_wait3A_986 = arith.constant 16 : i32
      %dma_wait3A_987 = arith.constant 0 : i32
      %dma_wait3A_988 = tpu.memref_slice %arg9[%dma_wait3A_978, %dma_wait3A_986, %dma_wait3A_987] : memref<2x80x128xf32, #tpu.memory_space<vmem>> -> memref<1x16x128xf32, #tpu.memory_space<vmem>>
      %dma_wait3A_989 = tpu.memref_squeeze %dma_wait3A_988 : memref<1x16x128xf32, #tpu.memory_space<vmem>> -> memref<16x128xf32, #tpu.memory_space<vmem>>
      %dma_wait3A_990 = arith.constant 0 : i32
      %dma_wait3A_991 = arith.constant 0 : i32
      %dma_wait3A_992 = tpu.memref_slice %arg2[%dma_wait3A_990, %dma_wait3A_991] : memref<10000x128xf32, #tpu.memory_space<hbm>> -> memref<16x128xf32, #tpu.memory_space<hbm>>
      tpu.wait_dma2 semaphore(%arg15 : memref<!tpu.dma_semaphore, #tpu.memory_space<semaphore_mem>>) src(%dma_wait3A_992 : memref<16x128xf32, #tpu.memory_space<hbm>>) dst(%dma_wait3A_989 : memref<16x128xf32, #tpu.memory_space<vmem>>)
      %dma_wait3A_993 = arith.constant 1 : i32
      %dma_wait3A_994 = arith.constant 32 : i32
      %dma_wait3A_995 = arith.constant 0 : i32
      %dma_wait3A_996 = tpu.memref_slice %arg8[%dma_wait3A_993, %dma_wait3A_994, %dma_wait3A_995] : memref<2x80x128xf32, #tpu.memory_space<vmem>> -> memref<1x16x128xf32, #tpu.memory_space<vmem>>
      %dma_wait3A_997 = tpu.memref_squeeze %dma_wait3A_996 : memref<1x16x128xf32, #tpu.memory_space<vmem>> -> memref<16x128xf32, #tpu.memory_space<vmem>>
      %dma_wait3A_998 = arith.constant 0 : i32
      %dma_wait3A_999 = arith.constant 0 : i32
      %dma_wait3A_1000 = tpu.memref_slice %arg2[%dma_wait3A_998, %dma_wait3A_999] : memref<10000x128xf32, #tpu.memory_space<hbm>> -> memref<16x128xf32, #tpu.memory_space<hbm>>
      %dma_wait3A_1001 = arith.constant 32 : i32
      %dma_wait3A_1002 = arith.constant 0 : i32
      %dma_wait3A_1003 = tpu.memref_slice %arg8[%dma_wait3A_993, %dma_wait3A_1001, %dma_wait3A_1002] : memref<2x80x128xf32, #tpu.memory_space<vmem>> -> memref<1x16x128xf32, #tpu.memory_space<vmem>>
      %dma_wait3A_1004 = tpu.memref_squeeze %dma_wait3A_1003 : memref<1x16x128xf32, #tpu.memory_space<vmem>> -> memref<16x128xf32, #tpu.memory_space<vmem>>
      %dma_wait3A_1005 = arith.constant 0 : i32
      %dma_wait3A_1006 = arith.constant 0 : i32
      %dma_wait3A_1007 = tpu.memref_slice %arg2[%dma_wait3A_1005, %dma_wait3A_1006] : memref<10000x128xf32, #tpu.memory_space<hbm>> -> memref<16x128xf32, #tpu.memory_space<hbm>>
      tpu.wait_dma2 semaphore(%arg15 : memref<!tpu.dma_semaphore, #tpu.memory_space<semaphore_mem>>) src(%dma_wait3A_1007 : memref<16x128xf32, #tpu.memory_space<hbm>>) dst(%dma_wait3A_1004 : memref<16x128xf32, #tpu.memory_space<vmem>>)
      %dma_wait3A_1008 = arith.constant 1 : i32
      %dma_wait3A_1009 = arith.constant 32 : i32
      %dma_wait3A_1010 = arith.constant 0 : i32
      %dma_wait3A_1011 = tpu.memref_slice %arg9[%dma_wait3A_1008, %dma_wait3A_1009, %dma_wait3A_1010] : memref<2x80x128xf32, #tpu.memory_space<vmem>> -> memref<1x16x128xf32, #tpu.memory_space<vmem>>
      %dma_wait3A_1012 = tpu.memref_squeeze %dma_wait3A_1011 : memref<1x16x128xf32, #tpu.memory_space<vmem>> -> memref<16x128xf32, #tpu.memory_space<vmem>>
      %dma_wait3A_1013 = arith.constant 0 : i32
      %dma_wait3A_1014 = arith.constant 0 : i32
      %dma_wait3A_1015 = tpu.memref_slice %arg2[%dma_wait3A_1013, %dma_wait3A_1014] : memref<10000x128xf32, #tpu.memory_space<hbm>> -> memref<16x128xf32, #tpu.memory_space<hbm>>
      %dma_wait3A_1016 = arith.constant 32 : i32
      %dma_wait3A_1017 = arith.constant 0 : i32
      %dma_wait3A_1018 = tpu.memref_slice %arg9[%dma_wait3A_1008, %dma_wait3A_1016, %dma_wait3A_1017] : memref<2x80x128xf32, #tpu.memory_space<vmem>> -> memref<1x16x128xf32, #tpu.memory_space<vmem>>
      %dma_wait3A_1019 = tpu.memref_squeeze %dma_wait3A_1018 : memref<1x16x128xf32, #tpu.memory_space<vmem>> -> memref<16x128xf32, #tpu.memory_space<vmem>>
      %dma_wait3A_1020 = arith.constant 0 : i32
      %dma_wait3A_1021 = arith.constant 0 : i32
      %dma_wait3A_1022 = tpu.memref_slice %arg2[%dma_wait3A_1020, %dma_wait3A_1021] : memref<10000x128xf32, #tpu.memory_space<hbm>> -> memref<16x128xf32, #tpu.memory_space<hbm>>
      tpu.wait_dma2 semaphore(%arg15 : memref<!tpu.dma_semaphore, #tpu.memory_space<semaphore_mem>>) src(%dma_wait3A_1022 : memref<16x128xf32, #tpu.memory_space<hbm>>) dst(%dma_wait3A_1019 : memref<16x128xf32, #tpu.memory_space<vmem>>)
      %dma_wait3A_1023 = arith.constant 1 : i32
      %dma_wait3A_1024 = arith.constant 48 : i32
      %dma_wait3A_1025 = arith.constant 0 : i32
      %dma_wait3A_1026 = tpu.memref_slice %arg8[%dma_wait3A_1023, %dma_wait3A_1024, %dma_wait3A_1025] : memref<2x80x128xf32, #tpu.memory_space<vmem>> -> memref<1x16x128xf32, #tpu.memory_space<vmem>>
      %dma_wait3A_1027 = tpu.memref_squeeze %dma_wait3A_1026 : memref<1x16x128xf32, #tpu.memory_space<vmem>> -> memref<16x128xf32, #tpu.memory_space<vmem>>
      %dma_wait3A_1028 = arith.constant 0 : i32
      %dma_wait3A_1029 = arith.constant 0 : i32
      %dma_wait3A_1030 = tpu.memref_slice %arg2[%dma_wait3A_1028, %dma_wait3A_1029] : memref<10000x128xf32, #tpu.memory_space<hbm>> -> memref<16x128xf32, #tpu.memory_space<hbm>>
      %dma_wait3A_1031 = arith.constant 48 : i32
      %dma_wait3A_1032 = arith.constant 0 : i32
      %dma_wait3A_1033 = tpu.memref_slice %arg8[%dma_wait3A_1023, %dma_wait3A_1031, %dma_wait3A_1032] : memref<2x80x128xf32, #tpu.memory_space<vmem>> -> memref<1x16x128xf32, #tpu.memory_space<vmem>>
      %dma_wait3A_1034 = tpu.memref_squeeze %dma_wait3A_1033 : memref<1x16x128xf32, #tpu.memory_space<vmem>> -> memref<16x128xf32, #tpu.memory_space<vmem>>
      %dma_wait3A_1035 = arith.constant 0 : i32
      %dma_wait3A_1036 = arith.constant 0 : i32
      %dma_wait3A_1037 = tpu.memref_slice %arg2[%dma_wait3A_1035, %dma_wait3A_1036] : memref<10000x128xf32, #tpu.memory_space<hbm>> -> memref<16x128xf32, #tpu.memory_space<hbm>>
      tpu.wait_dma2 semaphore(%arg15 : memref<!tpu.dma_semaphore, #tpu.memory_space<semaphore_mem>>) src(%dma_wait3A_1037 : memref<16x128xf32, #tpu.memory_space<hbm>>) dst(%dma_wait3A_1034 : memref<16x128xf32, #tpu.memory_space<vmem>>)
      %dma_wait3A_1038 = arith.constant 1 : i32
      %dma_wait3A_1039 = arith.constant 48 : i32
      %dma_wait3A_1040 = arith.constant 0 : i32
      %dma_wait3A_1041 = tpu.memref_slice %arg9[%dma_wait3A_1038, %dma_wait3A_1039, %dma_wait3A_1040] : memref<2x80x128xf32, #tpu.memory_space<vmem>> -> memref<1x16x128xf32, #tpu.memory_space<vmem>>
      %dma_wait3A_1042 = tpu.memref_squeeze %dma_wait3A_1041 : memref<1x16x128xf32, #tpu.memory_space<vmem>> -> memref<16x128xf32, #tpu.memory_space<vmem>>
      %dma_wait3A_1043 = arith.constant 0 : i32
      %dma_wait3A_1044 = arith.constant 0 : i32
      %dma_wait3A_1045 = tpu.memref_slice %arg2[%dma_wait3A_1043, %dma_wait3A_1044] : memref<10000x128xf32, #tpu.memory_space<hbm>> -> memref<16x128xf32, #tpu.memory_space<hbm>>
      %dma_wait3A_1046 = arith.constant 48 : i32
      %dma_wait3A_1047 = arith.constant 0 : i32
      %dma_wait3A_1048 = tpu.memref_slice %arg9[%dma_wait3A_1038, %dma_wait3A_1046, %dma_wait3A_1047] : memref<2x80x128xf32, #tpu.memory_space<vmem>> -> memref<1x16x128xf32, #tpu.memory_space<vmem>>
      %dma_wait3A_1049 = tpu.memref_squeeze %dma_wait3A_1048 : memref<1x16x128xf32, #tpu.memory_space<vmem>> -> memref<16x128xf32, #tpu.memory_space<vmem>>
      %dma_wait3A_1050 = arith.constant 0 : i32
      %dma_wait3A_1051 = arith.constant 0 : i32
      %dma_wait3A_1052 = tpu.memref_slice %arg2[%dma_wait3A_1050, %dma_wait3A_1051] : memref<10000x128xf32, #tpu.memory_space<hbm>> -> memref<16x128xf32, #tpu.memory_space<hbm>>
      tpu.wait_dma2 semaphore(%arg15 : memref<!tpu.dma_semaphore, #tpu.memory_space<semaphore_mem>>) src(%dma_wait3A_1052 : memref<16x128xf32, #tpu.memory_space<hbm>>) dst(%dma_wait3A_1049 : memref<16x128xf32, #tpu.memory_space<vmem>>)
      %dma_wait3A_1053 = arith.constant 1 : i32
      %dma_wait3A_1054 = arith.constant 64 : i32
      %dma_wait3A_1055 = arith.constant 0 : i32
      %dma_wait3A_1056 = tpu.memref_slice %arg8[%dma_wait3A_1053, %dma_wait3A_1054, %dma_wait3A_1055] : memref<2x80x128xf32, #tpu.memory_space<vmem>> -> memref<1x16x128xf32, #tpu.memory_space<vmem>>
      %dma_wait3A_1057 = tpu.memref_squeeze %dma_wait3A_1056 : memref<1x16x128xf32, #tpu.memory_space<vmem>> -> memref<16x128xf32, #tpu.memory_space<vmem>>
      %dma_wait3A_1058 = arith.constant 0 : i32
      %dma_wait3A_1059 = arith.constant 0 : i32
      %dma_wait3A_1060 = tpu.memref_slice %arg2[%dma_wait3A_1058, %dma_wait3A_1059] : memref<10000x128xf32, #tpu.memory_space<hbm>> -> memref<16x128xf32, #tpu.memory_space<hbm>>
      %dma_wait3A_1061 = arith.constant 64 : i32
      %dma_wait3A_1062 = arith.constant 0 : i32
      %dma_wait3A_1063 = tpu.memref_slice %arg8[%dma_wait3A_1053, %dma_wait3A_1061, %dma_wait3A_1062] : memref<2x80x128xf32, #tpu.memory_space<vmem>> -> memref<1x16x128xf32, #tpu.memory_space<vmem>>
      %dma_wait3A_1064 = tpu.memref_squeeze %dma_wait3A_1063 : memref<1x16x128xf32, #tpu.memory_space<vmem>> -> memref<16x128xf32, #tpu.memory_space<vmem>>
      %dma_wait3A_1065 = arith.constant 0 : i32
      %dma_wait3A_1066 = arith.constant 0 : i32
      %dma_wait3A_1067 = tpu.memref_slice %arg2[%dma_wait3A_1065, %dma_wait3A_1066] : memref<10000x128xf32, #tpu.memory_space<hbm>> -> memref<16x128xf32, #tpu.memory_space<hbm>>
      tpu.wait_dma2 semaphore(%arg15 : memref<!tpu.dma_semaphore, #tpu.memory_space<semaphore_mem>>) src(%dma_wait3A_1067 : memref<16x128xf32, #tpu.memory_space<hbm>>) dst(%dma_wait3A_1064 : memref<16x128xf32, #tpu.memory_space<vmem>>)
      %dma_wait3A_1068 = arith.constant 1 : i32
      %dma_wait3A_1069 = arith.constant 64 : i32
      %dma_wait3A_1070 = arith.constant 0 : i32
      %dma_wait3A_1071 = tpu.memref_slice %arg9[%dma_wait3A_1068, %dma_wait3A_1069, %dma_wait3A_1070] : memref<2x80x128xf32, #tpu.memory_space<vmem>> -> memref<1x16x128xf32, #tpu.memory_space<vmem>>
      %dma_wait3A_1072 = tpu.memref_squeeze %dma_wait3A_1071 : memref<1x16x128xf32, #tpu.memory_space<vmem>> -> memref<16x128xf32, #tpu.memory_space<vmem>>
      %dma_wait3A_1073 = arith.constant 0 : i32
      %dma_wait3A_1074 = arith.constant 0 : i32
      %dma_wait3A_1075 = tpu.memref_slice %arg2[%dma_wait3A_1073, %dma_wait3A_1074] : memref<10000x128xf32, #tpu.memory_space<hbm>> -> memref<16x128xf32, #tpu.memory_space<hbm>>
      %dma_wait3A_1076 = arith.constant 64 : i32
      %dma_wait3A_1077 = arith.constant 0 : i32
      %dma_wait3A_1078 = tpu.memref_slice %arg9[%dma_wait3A_1068, %dma_wait3A_1076, %dma_wait3A_1077] : memref<2x80x128xf32, #tpu.memory_space<vmem>> -> memref<1x16x128xf32, #tpu.memory_space<vmem>>
      %dma_wait3A_1079 = tpu.memref_squeeze %dma_wait3A_1078 : memref<1x16x128xf32, #tpu.memory_space<vmem>> -> memref<16x128xf32, #tpu.memory_space<vmem>>
      %dma_wait3A_1080 = arith.constant 0 : i32
      %dma_wait3A_1081 = arith.constant 0 : i32
      %dma_wait3A_1082 = tpu.memref_slice %arg2[%dma_wait3A_1080, %dma_wait3A_1081] : memref<10000x128xf32, #tpu.memory_space<hbm>> -> memref<16x128xf32, #tpu.memory_space<hbm>>
      tpu.wait_dma2 semaphore(%arg15 : memref<!tpu.dma_semaphore, #tpu.memory_space<semaphore_mem>>) src(%dma_wait3A_1082 : memref<16x128xf32, #tpu.memory_space<hbm>>) dst(%dma_wait3A_1079 : memref<16x128xf32, #tpu.memory_space<vmem>>)
      %add3A_1083 = arith.constant 2 : i32
      %add3A_1084 = arith.addi %add3A_923, %add3A_1083 : i32
      %lt3A_1085 = arith.constant 125 : i32
      %lt3A_1086 = arith.cmpi slt, %add3A_1084, %lt3A_1085 : i32
      %convert_element_type3A_1087 = arith.extui %lt3A_1086 : i1 to i32
      %cond3A_1088 = arith.constant 0 : i32
      %cond3A_1089 = arith.cmpi ne, %convert_element_type3A_1087, %cond3A_1088 : i32
      scf.if %cond3A_1089 {
        %add3A_1120 = arith.constant 2 : i32
        %add3A_1121 = arith.addi %add3A_923, %add3A_1120 : i32
        %mul3A_1122 = arith.constant 10000 : i32
        %mul3A_1123 = arith.muli %add3A, %mul3A_1122 : i32
        %mul3A_1124 = arith.constant 80 : i32
        %mul3A_1125 = arith.muli %add3A_1121, %mul3A_1124 : i32
        %add3A_1126 = arith.addi %mul3A_1123, %mul3A_1125 : i32
        %multiple_of3A_1127 = tpu.assume_multiple %add3A_1126, 80 : i32
        %add3A_1128 = arith.constant 0 : i32
        %add3A_1129 = arith.addi %multiple_of3A_1127, %add3A_1128 : i32
        %dma_start3A_1130 = arith.constant 1 : i32
        %dma_start3A_1131 = arith.constant 0 : i32
        %dma_start3A_1132 = arith.constant 0 : i32
        %dma_start3A_1133 = tpu.memref_slice %arg6[%dma_start3A_1130, %dma_start3A_1131, %dma_start3A_1132] : memref<2x5x16xi32, #tpu.memory_space<vmem>> -> memref<1x1x16xi32, #tpu.memory_space<vmem>>
        %dma_start3A_1134 = tpu.memref_squeeze %dma_start3A_1133 : memref<1x1x16xi32, #tpu.memory_space<vmem>> -> memref<16xi32, #tpu.memory_space<vmem>>
        %dma_start3A_1135 = tpu.memref_slice %arg3[%add3A_1129] : memref<320000xi32, #tpu.memory_space<hbm>> -> memref<16xi32, #tpu.memory_space<hbm>>
        %dma_start3A_1136 = arith.constant 0 : i32
        %dma_start3A_1137 = tpu.memref_slice %arg6[%dma_start3A_1130, %dma_start3A_1131, %dma_start3A_1136] : memref<2x5x16xi32, #tpu.memory_space<vmem>> -> memref<1x1x16xi32, #tpu.memory_space<vmem>>
        %dma_start3A_1138 = tpu.memref_squeeze %dma_start3A_1137 : memref<1x1x16xi32, #tpu.memory_space<vmem>> -> memref<16xi32, #tpu.memory_space<vmem>>
        %dma_start3A_1139 = tpu.memref_slice %arg3[%add3A_1129] : memref<320000xi32, #tpu.memory_space<hbm>> -> memref<16xi32, #tpu.memory_space<hbm>>
        tpu.enqueue_dma source(%dma_start3A_1139 : memref<16xi32, #tpu.memory_space<hbm>>) target(%dma_start3A_1138 : memref<16xi32, #tpu.memory_space<vmem>>) target_semaphore(%arg13 : memref<!tpu.dma_semaphore, #tpu.memory_space<semaphore_mem>>)
        %add3A_1140 = arith.constant 0 : i32
        %add3A_1141 = arith.addi %multiple_of3A_1127, %add3A_1140 : i32
        %dma_start3A_1142 = arith.constant 1 : i32
        %dma_start3A_1143 = arith.constant 0 : i32
        %dma_start3A_1144 = arith.constant 0 : i32
        %dma_start3A_1145 = tpu.memref_slice %arg7[%dma_start3A_1142, %dma_start3A_1143, %dma_start3A_1144] : memref<2x5x16xi32, #tpu.memory_space<vmem>> -> memref<1x1x16xi32, #tpu.memory_space<vmem>>
        %dma_start3A_1146 = tpu.memref_squeeze %dma_start3A_1145 : memref<1x1x16xi32, #tpu.memory_space<vmem>> -> memref<16xi32, #tpu.memory_space<vmem>>
        %dma_start3A_1147 = tpu.memref_slice %arg4[%add3A_1141] : memref<320000xi32, #tpu.memory_space<hbm>> -> memref<16xi32, #tpu.memory_space<hbm>>
        %dma_start3A_1148 = arith.constant 0 : i32
        %dma_start3A_1149 = tpu.memref_slice %arg7[%dma_start3A_1142, %dma_start3A_1143, %dma_start3A_1148] : memref<2x5x16xi32, #tpu.memory_space<vmem>> -> memref<1x1x16xi32, #tpu.memory_space<vmem>>
        %dma_start3A_1150 = tpu.memref_squeeze %dma_start3A_1149 : memref<1x1x16xi32, #tpu.memory_space<vmem>> -> memref<16xi32, #tpu.memory_space<vmem>>
        %dma_start3A_1151 = tpu.memref_slice %arg4[%add3A_1141] : memref<320000xi32, #tpu.memory_space<hbm>> -> memref<16xi32, #tpu.memory_space<hbm>>
        tpu.enqueue_dma source(%dma_start3A_1151 : memref<16xi32, #tpu.memory_space<hbm>>) target(%dma_start3A_1150 : memref<16xi32, #tpu.memory_space<vmem>>) target_semaphore(%arg13 : memref<!tpu.dma_semaphore, #tpu.memory_space<semaphore_mem>>)
        %add3A_1152 = arith.constant 16 : i32
        %add3A_1153 = arith.addi %multiple_of3A_1127, %add3A_1152 : i32
        %dma_start3A_1154 = arith.constant 1 : i32
        %dma_start3A_1155 = arith.constant 1 : i32
        %dma_start3A_1156 = arith.constant 0 : i32
        %dma_start3A_1157 = tpu.memref_slice %arg6[%dma_start3A_1154, %dma_start3A_1155, %dma_start3A_1156] : memref<2x5x16xi32, #tpu.memory_space<vmem>> -> memref<1x1x16xi32, #tpu.memory_space<vmem>>
        %dma_start3A_1158 = tpu.memref_squeeze %dma_start3A_1157 : memref<1x1x16xi32, #tpu.memory_space<vmem>> -> memref<16xi32, #tpu.memory_space<vmem>>
        %dma_start3A_1159 = tpu.memref_slice %arg3[%add3A_1153] : memref<320000xi32, #tpu.memory_space<hbm>> -> memref<16xi32, #tpu.memory_space<hbm>>
        %dma_start3A_1160 = arith.constant 0 : i32
        %dma_start3A_1161 = tpu.memref_slice %arg6[%dma_start3A_1154, %dma_start3A_1155, %dma_start3A_1160] : memref<2x5x16xi32, #tpu.memory_space<vmem>> -> memref<1x1x16xi32, #tpu.memory_space<vmem>>
        %dma_start3A_1162 = tpu.memref_squeeze %dma_start3A_1161 : memref<1x1x16xi32, #tpu.memory_space<vmem>> -> memref<16xi32, #tpu.memory_space<vmem>>
        %dma_start3A_1163 = tpu.memref_slice %arg3[%add3A_1153] : memref<320000xi32, #tpu.memory_space<hbm>> -> memref<16xi32, #tpu.memory_space<hbm>>
        tpu.enqueue_dma source(%dma_start3A_1163 : memref<16xi32, #tpu.memory_space<hbm>>) target(%dma_start3A_1162 : memref<16xi32, #tpu.memory_space<vmem>>) target_semaphore(%arg13 : memref<!tpu.dma_semaphore, #tpu.memory_space<semaphore_mem>>)
        %add3A_1164 = arith.constant 16 : i32
        %add3A_1165 = arith.addi %multiple_of3A_1127, %add3A_1164 : i32
        %dma_start3A_1166 = arith.constant 1 : i32
        %dma_start3A_1167 = arith.constant 1 : i32
        %dma_start3A_1168 = arith.constant 0 : i32
        %dma_start3A_1169 = tpu.memref_slice %arg7[%dma_start3A_1166, %dma_start3A_1167, %dma_start3A_1168] : memref<2x5x16xi32, #tpu.memory_space<vmem>> -> memref<1x1x16xi32, #tpu.memory_space<vmem>>
        %dma_start3A_1170 = tpu.memref_squeeze %dma_start3A_1169 : memref<1x1x16xi32, #tpu.memory_space<vmem>> -> memref<16xi32, #tpu.memory_space<vmem>>
        %dma_start3A_1171 = tpu.memref_slice %arg4[%add3A_1165] : memref<320000xi32, #tpu.memory_space<hbm>> -> memref<16xi32, #tpu.memory_space<hbm>>
        %dma_start3A_1172 = arith.constant 0 : i32
        %dma_start3A_1173 = tpu.memref_slice %arg7[%dma_start3A_1166, %dma_start3A_1167, %dma_start3A_1172] : memref<2x5x16xi32, #tpu.memory_space<vmem>> -> memref<1x1x16xi32, #tpu.memory_space<vmem>>
        %dma_start3A_1174 = tpu.memref_squeeze %dma_start3A_1173 : memref<1x1x16xi32, #tpu.memory_space<vmem>> -> memref<16xi32, #tpu.memory_space<vmem>>
        %dma_start3A_1175 = tpu.memref_slice %arg4[%add3A_1165] : memref<320000xi32, #tpu.memory_space<hbm>> -> memref<16xi32, #tpu.memory_space<hbm>>
        tpu.enqueue_dma source(%dma_start3A_1175 : memref<16xi32, #tpu.memory_space<hbm>>) target(%dma_start3A_1174 : memref<16xi32, #tpu.memory_space<vmem>>) target_semaphore(%arg13 : memref<!tpu.dma_semaphore, #tpu.memory_space<semaphore_mem>>)
        %add3A_1176 = arith.constant 32 : i32
        %add3A_1177 = arith.addi %multiple_of3A_1127, %add3A_1176 : i32
        %dma_start3A_1178 = arith.constant 1 : i32
        %dma_start3A_1179 = arith.constant 2 : i32
        %dma_start3A_1180 = arith.constant 0 : i32
        %dma_start3A_1181 = tpu.memref_slice %arg6[%dma_start3A_1178, %dma_start3A_1179, %dma_start3A_1180] : memref<2x5x16xi32, #tpu.memory_space<vmem>> -> memref<1x1x16xi32, #tpu.memory_space<vmem>>
        %dma_start3A_1182 = tpu.memref_squeeze %dma_start3A_1181 : memref<1x1x16xi32, #tpu.memory_space<vmem>> -> memref<16xi32, #tpu.memory_space<vmem>>
        %dma_start3A_1183 = tpu.memref_slice %arg3[%add3A_1177] : memref<320000xi32, #tpu.memory_space<hbm>> -> memref<16xi32, #tpu.memory_space<hbm>>
        %dma_start3A_1184 = arith.constant 0 : i32
        %dma_start3A_1185 = tpu.memref_slice %arg6[%dma_start3A_1178, %dma_start3A_1179, %dma_start3A_1184] : memref<2x5x16xi32, #tpu.memory_space<vmem>> -> memref<1x1x16xi32, #tpu.memory_space<vmem>>
        %dma_start3A_1186 = tpu.memref_squeeze %dma_start3A_1185 : memref<1x1x16xi32, #tpu.memory_space<vmem>> -> memref<16xi32, #tpu.memory_space<vmem>>
        %dma_start3A_1187 = tpu.memref_slice %arg3[%add3A_1177] : memref<320000xi32, #tpu.memory_space<hbm>> -> memref<16xi32, #tpu.memory_space<hbm>>
        tpu.enqueue_dma source(%dma_start3A_1187 : memref<16xi32, #tpu.memory_space<hbm>>) target(%dma_start3A_1186 : memref<16xi32, #tpu.memory_space<vmem>>) target_semaphore(%arg13 : memref<!tpu.dma_semaphore, #tpu.memory_space<semaphore_mem>>)
        %add3A_1188 = arith.constant 32 : i32
        %add3A_1189 = arith.addi %multiple_of3A_1127, %add3A_1188 : i32
        %dma_start3A_1190 = arith.constant 1 : i32
        %dma_start3A_1191 = arith.constant 2 : i32
        %dma_start3A_1192 = arith.constant 0 : i32
        %dma_start3A_1193 = tpu.memref_slice %arg7[%dma_start3A_1190, %dma_start3A_1191, %dma_start3A_1192] : memref<2x5x16xi32, #tpu.memory_space<vmem>> -> memref<1x1x16xi32, #tpu.memory_space<vmem>>
        %dma_start3A_1194 = tpu.memref_squeeze %dma_start3A_1193 : memref<1x1x16xi32, #tpu.memory_space<vmem>> -> memref<16xi32, #tpu.memory_space<vmem>>
        %dma_start3A_1195 = tpu.memref_slice %arg4[%add3A_1189] : memref<320000xi32, #tpu.memory_space<hbm>> -> memref<16xi32, #tpu.memory_space<hbm>>
        %dma_start3A_1196 = arith.constant 0 : i32
        %dma_start3A_1197 = tpu.memref_slice %arg7[%dma_start3A_1190, %dma_start3A_1191, %dma_start3A_1196] : memref<2x5x16xi32, #tpu.memory_space<vmem>> -> memref<1x1x16xi32, #tpu.memory_space<vmem>>
        %dma_start3A_1198 = tpu.memref_squeeze %dma_start3A_1197 : memref<1x1x16xi32, #tpu.memory_space<vmem>> -> memref<16xi32, #tpu.memory_space<vmem>>
        %dma_start3A_1199 = tpu.memref_slice %arg4[%add3A_1189] : memref<320000xi32, #tpu.memory_space<hbm>> -> memref<16xi32, #tpu.memory_space<hbm>>
        tpu.enqueue_dma source(%dma_start3A_1199 : memref<16xi32, #tpu.memory_space<hbm>>) target(%dma_start3A_1198 : memref<16xi32, #tpu.memory_space<vmem>>) target_semaphore(%arg13 : memref<!tpu.dma_semaphore, #tpu.memory_space<semaphore_mem>>)
        %add3A_1200 = arith.constant 48 : i32
        %add3A_1201 = arith.addi %multiple_of3A_1127, %add3A_1200 : i32
        %dma_start3A_1202 = arith.constant 1 : i32
        %dma_start3A_1203 = arith.constant 3 : i32
        %dma_start3A_1204 = arith.constant 0 : i32
        %dma_start3A_1205 = tpu.memref_slice %arg6[%dma_start3A_1202, %dma_start3A_1203, %dma_start3A_1204] : memref<2x5x16xi32, #tpu.memory_space<vmem>> -> memref<1x1x16xi32, #tpu.memory_space<vmem>>
        %dma_start3A_1206 = tpu.memref_squeeze %dma_start3A_1205 : memref<1x1x16xi32, #tpu.memory_space<vmem>> -> memref<16xi32, #tpu.memory_space<vmem>>
        %dma_start3A_1207 = tpu.memref_slice %arg3[%add3A_1201] : memref<320000xi32, #tpu.memory_space<hbm>> -> memref<16xi32, #tpu.memory_space<hbm>>
        %dma_start3A_1208 = arith.constant 0 : i32
        %dma_start3A_1209 = tpu.memref_slice %arg6[%dma_start3A_1202, %dma_start3A_1203, %dma_start3A_1208] : memref<2x5x16xi32, #tpu.memory_space<vmem>> -> memref<1x1x16xi32, #tpu.memory_space<vmem>>
        %dma_start3A_1210 = tpu.memref_squeeze %dma_start3A_1209 : memref<1x1x16xi32, #tpu.memory_space<vmem>> -> memref<16xi32, #tpu.memory_space<vmem>>
        %dma_start3A_1211 = tpu.memref_slice %arg3[%add3A_1201] : memref<320000xi32, #tpu.memory_space<hbm>> -> memref<16xi32, #tpu.memory_space<hbm>>
        tpu.enqueue_dma source(%dma_start3A_1211 : memref<16xi32, #tpu.memory_space<hbm>>) target(%dma_start3A_1210 : memref<16xi32, #tpu.memory_space<vmem>>) target_semaphore(%arg13 : memref<!tpu.dma_semaphore, #tpu.memory_space<semaphore_mem>>)
        %add3A_1212 = arith.constant 48 : i32
        %add3A_1213 = arith.addi %multiple_of3A_1127, %add3A_1212 : i32
        %dma_start3A_1214 = arith.constant 1 : i32
        %dma_start3A_1215 = arith.constant 3 : i32
        %dma_start3A_1216 = arith.constant 0 : i32
        %dma_start3A_1217 = tpu.memref_slice %arg7[%dma_start3A_1214, %dma_start3A_1215, %dma_start3A_1216] : memref<2x5x16xi32, #tpu.memory_space<vmem>> -> memref<1x1x16xi32, #tpu.memory_space<vmem>>
        %dma_start3A_1218 = tpu.memref_squeeze %dma_start3A_1217 : memref<1x1x16xi32, #tpu.memory_space<vmem>> -> memref<16xi32, #tpu.memory_space<vmem>>
        %dma_start3A_1219 = tpu.memref_slice %arg4[%add3A_1213] : memref<320000xi32, #tpu.memory_space<hbm>> -> memref<16xi32, #tpu.memory_space<hbm>>
        %dma_start3A_1220 = arith.constant 0 : i32
        %dma_start3A_1221 = tpu.memref_slice %arg7[%dma_start3A_1214, %dma_start3A_1215, %dma_start3A_1220] : memref<2x5x16xi32, #tpu.memory_space<vmem>> -> memref<1x1x16xi32, #tpu.memory_space<vmem>>
        %dma_start3A_1222 = tpu.memref_squeeze %dma_start3A_1221 : memref<1x1x16xi32, #tpu.memory_space<vmem>> -> memref<16xi32, #tpu.memory_space<vmem>>
        %dma_start3A_1223 = tpu.memref_slice %arg4[%add3A_1213] : memref<320000xi32, #tpu.memory_space<hbm>> -> memref<16xi32, #tpu.memory_space<hbm>>
        tpu.enqueue_dma source(%dma_start3A_1223 : memref<16xi32, #tpu.memory_space<hbm>>) target(%dma_start3A_1222 : memref<16xi32, #tpu.memory_space<vmem>>) target_semaphore(%arg13 : memref<!tpu.dma_semaphore, #tpu.memory_space<semaphore_mem>>)
        %add3A_1224 = arith.constant 64 : i32
        %add3A_1225 = arith.addi %multiple_of3A_1127, %add3A_1224 : i32
        %dma_start3A_1226 = arith.constant 1 : i32
        %dma_start3A_1227 = arith.constant 4 : i32
        %dma_start3A_1228 = arith.constant 0 : i32
        %dma_start3A_1229 = tpu.memref_slice %arg6[%dma_start3A_1226, %dma_start3A_1227, %dma_start3A_1228] : memref<2x5x16xi32, #tpu.memory_space<vmem>> -> memref<1x1x16xi32, #tpu.memory_space<vmem>>
        %dma_start3A_1230 = tpu.memref_squeeze %dma_start3A_1229 : memref<1x1x16xi32, #tpu.memory_space<vmem>> -> memref<16xi32, #tpu.memory_space<vmem>>
        %dma_start3A_1231 = tpu.memref_slice %arg3[%add3A_1225] : memref<320000xi32, #tpu.memory_space<hbm>> -> memref<16xi32, #tpu.memory_space<hbm>>
        %dma_start3A_1232 = arith.constant 0 : i32
        %dma_start3A_1233 = tpu.memref_slice %arg6[%dma_start3A_1226, %dma_start3A_1227, %dma_start3A_1232] : memref<2x5x16xi32, #tpu.memory_space<vmem>> -> memref<1x1x16xi32, #tpu.memory_space<vmem>>
        %dma_start3A_1234 = tpu.memref_squeeze %dma_start3A_1233 : memref<1x1x16xi32, #tpu.memory_space<vmem>> -> memref<16xi32, #tpu.memory_space<vmem>>
        %dma_start3A_1235 = tpu.memref_slice %arg3[%add3A_1225] : memref<320000xi32, #tpu.memory_space<hbm>> -> memref<16xi32, #tpu.memory_space<hbm>>
        tpu.enqueue_dma source(%dma_start3A_1235 : memref<16xi32, #tpu.memory_space<hbm>>) target(%dma_start3A_1234 : memref<16xi32, #tpu.memory_space<vmem>>) target_semaphore(%arg13 : memref<!tpu.dma_semaphore, #tpu.memory_space<semaphore_mem>>)
        %add3A_1236 = arith.constant 64 : i32
        %add3A_1237 = arith.addi %multiple_of3A_1127, %add3A_1236 : i32
        %dma_start3A_1238 = arith.constant 1 : i32
        %dma_start3A_1239 = arith.constant 4 : i32
        %dma_start3A_1240 = arith.constant 0 : i32
        %dma_start3A_1241 = tpu.memref_slice %arg7[%dma_start3A_1238, %dma_start3A_1239, %dma_start3A_1240] : memref<2x5x16xi32, #tpu.memory_space<vmem>> -> memref<1x1x16xi32, #tpu.memory_space<vmem>>
        %dma_start3A_1242 = tpu.memref_squeeze %dma_start3A_1241 : memref<1x1x16xi32, #tpu.memory_space<vmem>> -> memref<16xi32, #tpu.memory_space<vmem>>
        %dma_start3A_1243 = tpu.memref_slice %arg4[%add3A_1237] : memref<320000xi32, #tpu.memory_space<hbm>> -> memref<16xi32, #tpu.memory_space<hbm>>
        %dma_start3A_1244 = arith.constant 0 : i32
        %dma_start3A_1245 = tpu.memref_slice %arg7[%dma_start3A_1238, %dma_start3A_1239, %dma_start3A_1244] : memref<2x5x16xi32, #tpu.memory_space<vmem>> -> memref<1x1x16xi32, #tpu.memory_space<vmem>>
        %dma_start3A_1246 = tpu.memref_squeeze %dma_start3A_1245 : memref<1x1x16xi32, #tpu.memory_space<vmem>> -> memref<16xi32, #tpu.memory_space<vmem>>
        %dma_start3A_1247 = tpu.memref_slice %arg4[%add3A_1237] : memref<320000xi32, #tpu.memory_space<hbm>> -> memref<16xi32, #tpu.memory_space<hbm>>
        tpu.enqueue_dma source(%dma_start3A_1247 : memref<16xi32, #tpu.memory_space<hbm>>) target(%dma_start3A_1246 : memref<16xi32, #tpu.memory_space<vmem>>) target_semaphore(%arg13 : memref<!tpu.dma_semaphore, #tpu.memory_space<semaphore_mem>>)
      } else {
      }
      %ge3A_1090 = arith.constant 2 : i32
      %ge3A_1091 = arith.cmpi sge, %add3A_923, %ge3A_1090 : i32
      %convert_element_type3A_1092 = arith.extui %ge3A_1091 : i1 to i32
      %cond3A_1093 = arith.constant 0 : i32
      %cond3A_1094 = arith.cmpi ne, %convert_element_type3A_1092, %cond3A_1093 : i32
      scf.if %cond3A_1094 {
        %dma_wait3A_1120 = arith.constant 1 : i32
        %dma_wait3A_1121 = arith.constant 0 : i32
        %dma_wait3A_1122 = tpu.memref_slice %arg10[%dma_wait3A_1120, %dma_wait3A_1121] : memref<2x80xf32, #tpu.memory_space<vmem>> -> memref<1x80xf32, #tpu.memory_space<vmem>>
        %dma_wait3A_1123 = tpu.memref_squeeze %dma_wait3A_1122 : memref<1x80xf32, #tpu.memory_space<vmem>> -> memref<80xf32, #tpu.memory_space<vmem>>
        %dma_wait3A_1124 = arith.constant 0 : i32
        %dma_wait3A_1125 = tpu.memref_slice %arg5[%dma_wait3A_1124] : memref<320000xf32, #tpu.memory_space<hbm>> -> memref<80xf32, #tpu.memory_space<hbm>>
        %dma_wait3A_1126 = arith.constant 0 : i32
        %dma_wait3A_1127 = tpu.memref_slice %arg5[%dma_wait3A_1126] : memref<320000xf32, #tpu.memory_space<hbm>> -> memref<80xf32, #tpu.memory_space<hbm>>
        %dma_wait3A_1128 = arith.constant 0 : i32
        %dma_wait3A_1129 = tpu.memref_slice %arg10[%dma_wait3A_1120, %dma_wait3A_1128] : memref<2x80xf32, #tpu.memory_space<vmem>> -> memref<1x80xf32, #tpu.memory_space<vmem>>
        %dma_wait3A_1130 = tpu.memref_squeeze %dma_wait3A_1129 : memref<1x80xf32, #tpu.memory_space<vmem>> -> memref<80xf32, #tpu.memory_space<vmem>>
        tpu.wait_dma2 semaphore(%arg17 : memref<!tpu.dma_semaphore, #tpu.memory_space<semaphore_mem>>) src(%dma_wait3A_1130 : memref<80xf32, #tpu.memory_space<vmem>>) dst(%dma_wait3A_1127 : memref<80xf32, #tpu.memory_space<hbm>>)
      } else {
      }
      %iota3A_1095 = tpu.iota {dimensions = array<i32: 0>} : vector<16xi32>
      %scan3A_1096 = arith.constant 0 : i32
      %scan3A_1097 = arith.constant 1 : i32
      %scan3A_1098 = arith.constant 1 : i32
      %scan3A_1099 = arith.constant 1 : i32
      %scan3A_1100 = arith.constant 0 : i32
      %scan3A_1101 = arith.constant 5 : i32
      %scan3A_1102 = arith.addi %scan3A_1100, %scan3A_1101 : i32
      %scan3A_1103 = arith.constant 1 : i32
      scf.for %scan3A_1120 = %scan3A_1100 to %scan3A_1102 step %scan3A_1103  : i32 {
        %broadcast_in_dim3A = arith.constant 0.000000e+00 : f32
        %broadcast_in_dim3A_1121 = vector.broadcast %broadcast_in_dim3A : f32 to vector<16xf32>
        %scan3A_1122 = arith.constant 0 : i32
        %scan3A_1123 = arith.constant 16 : i32
        %scan3A_1124 = arith.addi %scan3A_1122, %scan3A_1123 : i32
        %scan3A_1125 = arith.constant 4 : i32
        %scan3A_1126 = scf.for %scan3A_1135 = %scan3A_1122 to %scan3A_1124 step %scan3A_1125 iter_args(%scan3A_1136 = %broadcast_in_dim3A_1121) -> (vector<16xf32>)  : i32 {
          %mul3A_1137 = arith.constant 16 : i32
          %mul3A_1138 = arith.muli %scan3A_1120, %mul3A_1137 : i32
          %add3A_1139 = arith.addi %mul3A_1138, %scan3A_1135 : i32
          %broadcast_in_dim3A_1140 = arith.constant 0.000000e+00 : f32
          %broadcast_in_dim3A_1141 = vector.broadcast %broadcast_in_dim3A_1140 : f32 to vector<16xf32>
          %broadcast_in_dim3A_1142 = arith.constant 0.000000e+00 : f32
          %broadcast_in_dim3A_1143 = vector.broadcast %broadcast_in_dim3A_1142 : f32 to vector<16xf32>
          %get3A = arith.constant 0 : i32
          %get3A_1144 = arith.constant 0 : i32
          %get3A_1145 = tpu.memref_slice %arg8[%scan3A_1097, %get3A, %get3A_1144] : memref<2x80x128xf32, #tpu.memory_space<vmem>> -> memref<1x80x128xf32, #tpu.memory_space<vmem>>
          %get3A_1146 = tpu.memref_squeeze %get3A_1145 : memref<1x80x128xf32, #tpu.memory_space<vmem>> -> memref<80x128xf32, #tpu.memory_space<vmem>>
          %get3A_1147 = arith.index_cast %add3A_1139 : i32 to index
          %get3A_1148 = arith.constant 0 : index
          %get3A_1149 = tpu.vector_load %get3A_1146[%get3A_1147, %get3A_1148] {strides = array<i32>} : memref<80x128xf32, #tpu.memory_space<vmem>>, vector<16xf32>,
          %get3A_1150 = arith.constant 0 : i32
          %get3A_1151 = arith.constant 0 : i32
          %get3A_1152 = tpu.memref_slice %arg9[%scan3A_1098, %get3A_1150, %get3A_1151] : memref<2x80x128xf32, #tpu.memory_space<vmem>> -> memref<1x80x128xf32, #tpu.memory_space<vmem>>
          %get3A_1153 = tpu.memref_squeeze %get3A_1152 : memref<1x80x128xf32, #tpu.memory_space<vmem>> -> memref<80x128xf32, #tpu.memory_space<vmem>>
          %get3A_1154 = arith.index_cast %add3A_1139 : i32 to index
          %get3A_1155 = arith.constant 0 : index
          %get3A_1156 = tpu.vector_load %get3A_1153[%get3A_1154, %get3A_1155] {strides = array<i32>} : memref<80x128xf32, #tpu.memory_space<vmem>>, vector<16xf32>,
          %mul3A_1157 = arith.mulf %get3A_1149, %get3A_1156 : vector<16xf32>
          %add3A_1158 = arith.addf %broadcast_in_dim3A_1141, %mul3A_1157 : vector<16xf32>
          %get3A_1159 = arith.constant 0 : i32
          %get3A_1160 = arith.constant 0 : i32
          %get3A_1161 = tpu.memref_slice %arg8[%scan3A_1097, %get3A_1159, %get3A_1160] : memref<2x80x128xf32, #tpu.memory_space<vmem>> -> memref<1x80x128xf32, #tpu.memory_space<vmem>>
          %get3A_1162 = tpu.memref_squeeze %get3A_1161 : memref<1x80x128xf32, #tpu.memory_space<vmem>> -> memref<80x128xf32, #tpu.memory_space<vmem>>
          %get3A_1163 = arith.index_cast %add3A_1139 : i32 to index
          %get3A_1164 = arith.constant 16 : index
          %get3A_1165 = tpu.vector_load %get3A_1162[%get3A_1163, %get3A_1164] {strides = array<i32>} : memref<80x128xf32, #tpu.memory_space<vmem>>, vector<16xf32>,
          %get3A_1166 = arith.constant 0 : i32
          %get3A_1167 = arith.constant 0 : i32
          %get3A_1168 = tpu.memref_slice %arg9[%scan3A_1098, %get3A_1166, %get3A_1167] : memref<2x80x128xf32, #tpu.memory_space<vmem>> -> memref<1x80x128xf32, #tpu.memory_space<vmem>>
          %get3A_1169 = tpu.memref_squeeze %get3A_1168 : memref<1x80x128xf32, #tpu.memory_space<vmem>> -> memref<80x128xf32, #tpu.memory_space<vmem>>
          %get3A_1170 = arith.index_cast %add3A_1139 : i32 to index
          %get3A_1171 = arith.constant 16 : index
          %get3A_1172 = tpu.vector_load %get3A_1169[%get3A_1170, %get3A_1171] {strides = array<i32>} : memref<80x128xf32, #tpu.memory_space<vmem>>, vector<16xf32>,
          %mul3A_1173 = arith.mulf %get3A_1165, %get3A_1172 : vector<16xf32>
          %add3A_1174 = arith.addf %broadcast_in_dim3A_1143, %mul3A_1173 : vector<16xf32>
          %get3A_1175 = arith.constant 0 : i32
          %get3A_1176 = arith.constant 0 : i32
          %get3A_1177 = tpu.memref_slice %arg8[%scan3A_1097, %get3A_1175, %get3A_1176] : memref<2x80x128xf32, #tpu.memory_space<vmem>> -> memref<1x80x128xf32, #tpu.memory_space<vmem>>
          %get3A_1178 = tpu.memref_squeeze %get3A_1177 : memref<1x80x128xf32, #tpu.memory_space<vmem>> -> memref<80x128xf32, #tpu.memory_space<vmem>>
          %get3A_1179 = arith.index_cast %add3A_1139 : i32 to index
          %get3A_1180 = arith.constant 32 : index
          %get3A_1181 = tpu.vector_load %get3A_1178[%get3A_1179, %get3A_1180] {strides = array<i32>} : memref<80x128xf32, #tpu.memory_space<vmem>>, vector<16xf32>,
          %get3A_1182 = arith.constant 0 : i32
          %get3A_1183 = arith.constant 0 : i32
          %get3A_1184 = tpu.memref_slice %arg9[%scan3A_1098, %get3A_1182, %get3A_1183] : memref<2x80x128xf32, #tpu.memory_space<vmem>> -> memref<1x80x128xf32, #tpu.memory_space<vmem>>
          %get3A_1185 = tpu.memref_squeeze %get3A_1184 : memref<1x80x128xf32, #tpu.memory_space<vmem>> -> memref<80x128xf32, #tpu.memory_space<vmem>>
          %get3A_1186 = arith.index_cast %add3A_1139 : i32 to index
          %get3A_1187 = arith.constant 32 : index
          %get3A_1188 = tpu.vector_load %get3A_1185[%get3A_1186, %get3A_1187] {strides = array<i32>} : memref<80x128xf32, #tpu.memory_space<vmem>>, vector<16xf32>,
          %mul3A_1189 = arith.mulf %get3A_1181, %get3A_1188 : vector<16xf32>
          %add3A_1190 = arith.addf %add3A_1158, %mul3A_1189 : vector<16xf32>
          %get3A_1191 = arith.constant 0 : i32
          %get3A_1192 = arith.constant 0 : i32
          %get3A_1193 = tpu.memref_slice %arg8[%scan3A_1097, %get3A_1191, %get3A_1192] : memref<2x80x128xf32, #tpu.memory_space<vmem>> -> memref<1x80x128xf32, #tpu.memory_space<vmem>>
          %get3A_1194 = tpu.memref_squeeze %get3A_1193 : memref<1x80x128xf32, #tpu.memory_space<vmem>> -> memref<80x128xf32, #tpu.memory_space<vmem>>
          %get3A_1195 = arith.index_cast %add3A_1139 : i32 to index
          %get3A_1196 = arith.constant 48 : index
          %get3A_1197 = tpu.vector_load %get3A_1194[%get3A_1195, %get3A_1196] {strides = array<i32>} : memref<80x128xf32, #tpu.memory_space<vmem>>, vector<16xf32>,
          %get3A_1198 = arith.constant 0 : i32
          %get3A_1199 = arith.constant 0 : i32
          %get3A_1200 = tpu.memref_slice %arg9[%scan3A_1098, %get3A_1198, %get3A_1199] : memref<2x80x128xf32, #tpu.memory_space<vmem>> -> memref<1x80x128xf32, #tpu.memory_space<vmem>>
          %get3A_1201 = tpu.memref_squeeze %get3A_1200 : memref<1x80x128xf32, #tpu.memory_space<vmem>> -> memref<80x128xf32, #tpu.memory_space<vmem>>
          %get3A_1202 = arith.index_cast %add3A_1139 : i32 to index
          %get3A_1203 = arith.constant 48 : index
          %get3A_1204 = tpu.vector_load %get3A_1201[%get3A_1202, %get3A_1203] {strides = array<i32>} : memref<80x128xf32, #tpu.memory_space<vmem>>, vector<16xf32>,
          %mul3A_1205 = arith.mulf %get3A_1197, %get3A_1204 : vector<16xf32>
          %add3A_1206 = arith.addf %add3A_1174, %mul3A_1205 : vector<16xf32>
          %get3A_1207 = arith.constant 0 : i32
          %get3A_1208 = arith.constant 0 : i32
          %get3A_1209 = tpu.memref_slice %arg8[%scan3A_1097, %get3A_1207, %get3A_1208] : memref<2x80x128xf32, #tpu.memory_space<vmem>> -> memref<1x80x128xf32, #tpu.memory_space<vmem>>
          %get3A_1210 = tpu.memref_squeeze %get3A_1209 : memref<1x80x128xf32, #tpu.memory_space<vmem>> -> memref<80x128xf32, #tpu.memory_space<vmem>>
          %get3A_1211 = arith.index_cast %add3A_1139 : i32 to index
          %get3A_1212 = arith.constant 64 : index
          %get3A_1213 = tpu.vector_load %get3A_1210[%get3A_1211, %get3A_1212] {strides = array<i32>} : memref<80x128xf32, #tpu.memory_space<vmem>>, vector<16xf32>,
          %get3A_1214 = arith.constant 0 : i32
          %get3A_1215 = arith.constant 0 : i32
          %get3A_1216 = tpu.memref_slice %arg9[%scan3A_1098, %get3A_1214, %get3A_1215] : memref<2x80x128xf32, #tpu.memory_space<vmem>> -> memref<1x80x128xf32, #tpu.memory_space<vmem>>
          %get3A_1217 = tpu.memref_squeeze %get3A_1216 : memref<1x80x128xf32, #tpu.memory_space<vmem>> -> memref<80x128xf32, #tpu.memory_space<vmem>>
          %get3A_1218 = arith.index_cast %add3A_1139 : i32 to index
          %get3A_1219 = arith.constant 64 : index
          %get3A_1220 = tpu.vector_load %get3A_1217[%get3A_1218, %get3A_1219] {strides = array<i32>} : memref<80x128xf32, #tpu.memory_space<vmem>>, vector<16xf32>,
          %mul3A_1221 = arith.mulf %get3A_1213, %get3A_1220 : vector<16xf32>
          %add3A_1222 = arith.addf %add3A_1190, %mul3A_1221 : vector<16xf32>
          %get3A_1223 = arith.constant 0 : i32
          %get3A_1224 = arith.constant 0 : i32
          %get3A_1225 = tpu.memref_slice %arg8[%scan3A_1097, %get3A_1223, %get3A_1224] : memref<2x80x128xf32, #tpu.memory_space<vmem>> -> memref<1x80x128xf32, #tpu.memory_space<vmem>>
          %get3A_1226 = tpu.memref_squeeze %get3A_1225 : memref<1x80x128xf32, #tpu.memory_space<vmem>> -> memref<80x128xf32, #tpu.memory_space<vmem>>
          %get3A_1227 = arith.index_cast %add3A_1139 : i32 to index
          %get3A_1228 = arith.constant 80 : index
          %get3A_1229 = tpu.vector_load %get3A_1226[%get3A_1227, %get3A_1228] {strides = array<i32>} : memref<80x128xf32, #tpu.memory_space<vmem>>, vector<16xf32>,
          %get3A_1230 = arith.constant 0 : i32
          %get3A_1231 = arith.constant 0 : i32
          %get3A_1232 = tpu.memref_slice %arg9[%scan3A_1098, %get3A_1230, %get3A_1231] : memref<2x80x128xf32, #tpu.memory_space<vmem>> -> memref<1x80x128xf32, #tpu.memory_space<vmem>>
          %get3A_1233 = tpu.memref_squeeze %get3A_1232 : memref<1x80x128xf32, #tpu.memory_space<vmem>> -> memref<80x128xf32, #tpu.memory_space<vmem>>
          %get3A_1234 = arith.index_cast %add3A_1139 : i32 to index
          %get3A_1235 = arith.constant 80 : index
          %get3A_1236 = tpu.vector_load %get3A_1233[%get3A_1234, %get3A_1235] {strides = array<i32>} : memref<80x128xf32, #tpu.memory_space<vmem>>, vector<16xf32>,
          %mul3A_1237 = arith.mulf %get3A_1229, %get3A_1236 : vector<16xf32>
          %add3A_1238 = arith.addf %add3A_1206, %mul3A_1237 : vector<16xf32>
          %get3A_1239 = arith.constant 0 : i32
          %get3A_1240 = arith.constant 0 : i32
          %get3A_1241 = tpu.memref_slice %arg8[%scan3A_1097, %get3A_1239, %get3A_1240] : memref<2x80x128xf32, #tpu.memory_space<vmem>> -> memref<1x80x128xf32, #tpu.memory_space<vmem>>
          %get3A_1242 = tpu.memref_squeeze %get3A_1241 : memref<1x80x128xf32, #tpu.memory_space<vmem>> -> memref<80x128xf32, #tpu.memory_space<vmem>>
          %get3A_1243 = arith.index_cast %add3A_1139 : i32 to index
          %get3A_1244 = arith.constant 96 : index
          %get3A_1245 = tpu.vector_load %get3A_1242[%get3A_1243, %get3A_1244] {strides = array<i32>} : memref<80x128xf32, #tpu.memory_space<vmem>>, vector<16xf32>,
          %get3A_1246 = arith.constant 0 : i32
          %get3A_1247 = arith.constant 0 : i32
          %get3A_1248 = tpu.memref_slice %arg9[%scan3A_1098, %get3A_1246, %get3A_1247] : memref<2x80x128xf32, #tpu.memory_space<vmem>> -> memref<1x80x128xf32, #tpu.memory_space<vmem>>
          %get3A_1249 = tpu.memref_squeeze %get3A_1248 : memref<1x80x128xf32, #tpu.memory_space<vmem>> -> memref<80x128xf32, #tpu.memory_space<vmem>>
          %get3A_1250 = arith.index_cast %add3A_1139 : i32 to index
          %get3A_1251 = arith.constant 96 : index
          %get3A_1252 = tpu.vector_load %get3A_1249[%get3A_1250, %get3A_1251] {strides = array<i32>} : memref<80x128xf32, #tpu.memory_space<vmem>>, vector<16xf32>,
          %mul3A_1253 = arith.mulf %get3A_1245, %get3A_1252 : vector<16xf32>
          %add3A_1254 = arith.addf %add3A_1222, %mul3A_1253 : vector<16xf32>
          %get3A_1255 = arith.constant 0 : i32
          %get3A_1256 = arith.constant 0 : i32
          %get3A_1257 = tpu.memref_slice %arg8[%scan3A_1097, %get3A_1255, %get3A_1256] : memref<2x80x128xf32, #tpu.memory_space<vmem>> -> memref<1x80x128xf32, #tpu.memory_space<vmem>>
          %get3A_1258 = tpu.memref_squeeze %get3A_1257 : memref<1x80x128xf32, #tpu.memory_space<vmem>> -> memref<80x128xf32, #tpu.memory_space<vmem>>
          %get3A_1259 = arith.index_cast %add3A_1139 : i32 to index
          %get3A_1260 = arith.constant 112 : index
          %get3A_1261 = tpu.vector_load %get3A_1258[%get3A_1259, %get3A_1260] {strides = array<i32>} : memref<80x128xf32, #tpu.memory_space<vmem>>, vector<16xf32>,
          %get3A_1262 = arith.constant 0 : i32
          %get3A_1263 = arith.constant 0 : i32
          %get3A_1264 = tpu.memref_slice %arg9[%scan3A_1098, %get3A_1262, %get3A_1263] : memref<2x80x128xf32, #tpu.memory_space<vmem>> -> memref<1x80x128xf32, #tpu.memory_space<vmem>>
          %get3A_1265 = tpu.memref_squeeze %get3A_1264 : memref<1x80x128xf32, #tpu.memory_space<vmem>> -> memref<80x128xf32, #tpu.memory_space<vmem>>
          %get3A_1266 = arith.index_cast %add3A_1139 : i32 to index
          %get3A_1267 = arith.constant 112 : index
          %get3A_1268 = tpu.vector_load %get3A_1265[%get3A_1266, %get3A_1267] {strides = array<i32>} : memref<80x128xf32, #tpu.memory_space<vmem>>, vector<16xf32>,
          %mul3A_1269 = arith.mulf %get3A_1261, %get3A_1268 : vector<16xf32>
          %add3A_1270 = arith.addf %add3A_1238, %mul3A_1269 : vector<16xf32>
          %eq3A_1271 = vector.broadcast %scan3A_1135 : i32 to vector<16xi32>
          %eq3A_1272 = arith.cmpi eq, %iota3A_1095, %eq3A_1271 : vector<16xi32>
          %add3A_1273 = arith.addf %add3A_1254, %add3A_1270 : vector<16xf32>
          %reduce_sum3A = arith.constant true
          %reduce_sum3A_1274 = vector.broadcast %reduce_sum3A : i1 to vector<16xi1>
          %reduce_sum3A_1275 = tpu.scan <sum>, %add3A_1273 masked %reduce_sum3A_1274 : vector<16xf32>, vector<16xi1> -> vector<16xf32>
          %reduce_sum3A_1276 = vector.extract %reduce_sum3A_1275[15] : f32 from vector<16xf32>
          %broadcast_in_dim3A_1277 = vector.broadcast %reduce_sum3A_1276 : f32 to vector<16xf32>
          %select_n3A = arith.select %eq3A_1272, %broadcast_in_dim3A_1277, %scan3A_1136 : vector<16xi1>, vector<16xf32>
          %scan3A_1278 = arith.constant 1 : i32
          %scan3A_1279 = arith.addi %scan3A_1135, %scan3A_1278 : i32
          %mul3A_1280 = arith.constant 16 : i32
          %mul3A_1281 = arith.muli %scan3A_1120, %mul3A_1280 : i32
          %add3A_1282 = arith.addi %mul3A_1281, %scan3A_1279 : i32
          %broadcast_in_dim3A_1283 = arith.constant 0.000000e+00 : f32
          %broadcast_in_dim3A_1284 = vector.broadcast %broadcast_in_dim3A_1283 : f32 to vector<16xf32>
          %broadcast_in_dim3A_1285 = arith.constant 0.000000e+00 : f32
          %broadcast_in_dim3A_1286 = vector.broadcast %broadcast_in_dim3A_1285 : f32 to vector<16xf32>
          %get3A_1287 = arith.constant 0 : i32
          %get3A_1288 = arith.constant 0 : i32
          %get3A_1289 = tpu.memref_slice %arg8[%scan3A_1097, %get3A_1287, %get3A_1288] : memref<2x80x128xf32, #tpu.memory_space<vmem>> -> memref<1x80x128xf32, #tpu.memory_space<vmem>>
          %get3A_1290 = tpu.memref_squeeze %get3A_1289 : memref<1x80x128xf32, #tpu.memory_space<vmem>> -> memref<80x128xf32, #tpu.memory_space<vmem>>
          %get3A_1291 = arith.index_cast %add3A_1282 : i32 to index
          %get3A_1292 = arith.constant 0 : index
          %get3A_1293 = tpu.vector_load %get3A_1290[%get3A_1291, %get3A_1292] {strides = array<i32>} : memref<80x128xf32, #tpu.memory_space<vmem>>, vector<16xf32>,
          %get3A_1294 = arith.constant 0 : i32
          %get3A_1295 = arith.constant 0 : i32
          %get3A_1296 = tpu.memref_slice %arg9[%scan3A_1098, %get3A_1294, %get3A_1295] : memref<2x80x128xf32, #tpu.memory_space<vmem>> -> memref<1x80x128xf32, #tpu.memory_space<vmem>>
          %get3A_1297 = tpu.memref_squeeze %get3A_1296 : memref<1x80x128xf32, #tpu.memory_space<vmem>> -> memref<80x128xf32, #tpu.memory_space<vmem>>
          %get3A_1298 = arith.index_cast %add3A_1282 : i32 to index
          %get3A_1299 = arith.constant 0 : index
          %get3A_1300 = tpu.vector_load %get3A_1297[%get3A_1298, %get3A_1299] {strides = array<i32>} : memref<80x128xf32, #tpu.memory_space<vmem>>, vector<16xf32>,
          %mul3A_1301 = arith.mulf %get3A_1293, %get3A_1300 : vector<16xf32>
          %add3A_1302 = arith.addf %broadcast_in_dim3A_1284, %mul3A_1301 : vector<16xf32>
          %get3A_1303 = arith.constant 0 : i32
          %get3A_1304 = arith.constant 0 : i32
          %get3A_1305 = tpu.memref_slice %arg8[%scan3A_1097, %get3A_1303, %get3A_1304] : memref<2x80x128xf32, #tpu.memory_space<vmem>> -> memref<1x80x128xf32, #tpu.memory_space<vmem>>
          %get3A_1306 = tpu.memref_squeeze %get3A_1305 : memref<1x80x128xf32, #tpu.memory_space<vmem>> -> memref<80x128xf32, #tpu.memory_space<vmem>>
          %get3A_1307 = arith.index_cast %add3A_1282 : i32 to index
          %get3A_1308 = arith.constant 16 : index
          %get3A_1309 = tpu.vector_load %get3A_1306[%get3A_1307, %get3A_1308] {strides = array<i32>} : memref<80x128xf32, #tpu.memory_space<vmem>>, vector<16xf32>,
          %get3A_1310 = arith.constant 0 : i32
          %get3A_1311 = arith.constant 0 : i32
          %get3A_1312 = tpu.memref_slice %arg9[%scan3A_1098, %get3A_1310, %get3A_1311] : memref<2x80x128xf32, #tpu.memory_space<vmem>> -> memref<1x80x128xf32, #tpu.memory_space<vmem>>
          %get3A_1313 = tpu.memref_squeeze %get3A_1312 : memref<1x80x128xf32, #tpu.memory_space<vmem>> -> memref<80x128xf32, #tpu.memory_space<vmem>>
          %get3A_1314 = arith.index_cast %add3A_1282 : i32 to index
          %get3A_1315 = arith.constant 16 : index
          %get3A_1316 = tpu.vector_load %get3A_1313[%get3A_1314, %get3A_1315] {strides = array<i32>} : memref<80x128xf32, #tpu.memory_space<vmem>>, vector<16xf32>,
          %mul3A_1317 = arith.mulf %get3A_1309, %get3A_1316 : vector<16xf32>
          %add3A_1318 = arith.addf %broadcast_in_dim3A_1286, %mul3A_1317 : vector<16xf32>
          %get3A_1319 = arith.constant 0 : i32
          %get3A_1320 = arith.constant 0 : i32
          %get3A_1321 = tpu.memref_slice %arg8[%scan3A_1097, %get3A_1319, %get3A_1320] : memref<2x80x128xf32, #tpu.memory_space<vmem>> -> memref<1x80x128xf32, #tpu.memory_space<vmem>>
          %get3A_1322 = tpu.memref_squeeze %get3A_1321 : memref<1x80x128xf32, #tpu.memory_space<vmem>> -> memref<80x128xf32, #tpu.memory_space<vmem>>
          %get3A_1323 = arith.index_cast %add3A_1282 : i32 to index
          %get3A_1324 = arith.constant 32 : index
          %get3A_1325 = tpu.vector_load %get3A_1322[%get3A_1323, %get3A_1324] {strides = array<i32>} : memref<80x128xf32, #tpu.memory_space<vmem>>, vector<16xf32>,
          %get3A_1326 = arith.constant 0 : i32
          %get3A_1327 = arith.constant 0 : i32
          %get3A_1328 = tpu.memref_slice %arg9[%scan3A_1098, %get3A_1326, %get3A_1327] : memref<2x80x128xf32, #tpu.memory_space<vmem>> -> memref<1x80x128xf32, #tpu.memory_space<vmem>>
          %get3A_1329 = tpu.memref_squeeze %get3A_1328 : memref<1x80x128xf32, #tpu.memory_space<vmem>> -> memref<80x128xf32, #tpu.memory_space<vmem>>
          %get3A_1330 = arith.index_cast %add3A_1282 : i32 to index
          %get3A_1331 = arith.constant 32 : index
          %get3A_1332 = tpu.vector_load %get3A_1329[%get3A_1330, %get3A_1331] {strides = array<i32>} : memref<80x128xf32, #tpu.memory_space<vmem>>, vector<16xf32>,
          %mul3A_1333 = arith.mulf %get3A_1325, %get3A_1332 : vector<16xf32>
          %add3A_1334 = arith.addf %add3A_1302, %mul3A_1333 : vector<16xf32>
          %get3A_1335 = arith.constant 0 : i32
          %get3A_1336 = arith.constant 0 : i32
          %get3A_1337 = tpu.memref_slice %arg8[%scan3A_1097, %get3A_1335, %get3A_1336] : memref<2x80x128xf32, #tpu.memory_space<vmem>> -> memref<1x80x128xf32, #tpu.memory_space<vmem>>
          %get3A_1338 = tpu.memref_squeeze %get3A_1337 : memref<1x80x128xf32, #tpu.memory_space<vmem>> -> memref<80x128xf32, #tpu.memory_space<vmem>>
          %get3A_1339 = arith.index_cast %add3A_1282 : i32 to index
          %get3A_1340 = arith.constant 48 : index
          %get3A_1341 = tpu.vector_load %get3A_1338[%get3A_1339, %get3A_1340] {strides = array<i32>} : memref<80x128xf32, #tpu.memory_space<vmem>>, vector<16xf32>,
          %get3A_1342 = arith.constant 0 : i32
          %get3A_1343 = arith.constant 0 : i32
          %get3A_1344 = tpu.memref_slice %arg9[%scan3A_1098, %get3A_1342, %get3A_1343] : memref<2x80x128xf32, #tpu.memory_space<vmem>> -> memref<1x80x128xf32, #tpu.memory_space<vmem>>
          %get3A_1345 = tpu.memref_squeeze %get3A_1344 : memref<1x80x128xf32, #tpu.memory_space<vmem>> -> memref<80x128xf32, #tpu.memory_space<vmem>>
          %get3A_1346 = arith.index_cast %add3A_1282 : i32 to index
          %get3A_1347 = arith.constant 48 : index
          %get3A_1348 = tpu.vector_load %get3A_1345[%get3A_1346, %get3A_1347] {strides = array<i32>} : memref<80x128xf32, #tpu.memory_space<vmem>>, vector<16xf32>,
          %mul3A_1349 = arith.mulf %get3A_1341, %get3A_1348 : vector<16xf32>
          %add3A_1350 = arith.addf %add3A_1318, %mul3A_1349 : vector<16xf32>
          %get3A_1351 = arith.constant 0 : i32
          %get3A_1352 = arith.constant 0 : i32
          %get3A_1353 = tpu.memref_slice %arg8[%scan3A_1097, %get3A_1351, %get3A_1352] : memref<2x80x128xf32, #tpu.memory_space<vmem>> -> memref<1x80x128xf32, #tpu.memory_space<vmem>>
          %get3A_1354 = tpu.memref_squeeze %get3A_1353 : memref<1x80x128xf32, #tpu.memory_space<vmem>> -> memref<80x128xf32, #tpu.memory_space<vmem>>
          %get3A_1355 = arith.index_cast %add3A_1282 : i32 to index
          %get3A_1356 = arith.constant 64 : index
          %get3A_1357 = tpu.vector_load %get3A_1354[%get3A_1355, %get3A_1356] {strides = array<i32>} : memref<80x128xf32, #tpu.memory_space<vmem>>, vector<16xf32>,
          %get3A_1358 = arith.constant 0 : i32
          %get3A_1359 = arith.constant 0 : i32
          %get3A_1360 = tpu.memref_slice %arg9[%scan3A_1098, %get3A_1358, %get3A_1359] : memref<2x80x128xf32, #tpu.memory_space<vmem>> -> memref<1x80x128xf32, #tpu.memory_space<vmem>>
          %get3A_1361 = tpu.memref_squeeze %get3A_1360 : memref<1x80x128xf32, #tpu.memory_space<vmem>> -> memref<80x128xf32, #tpu.memory_space<vmem>>
          %get3A_1362 = arith.index_cast %add3A_1282 : i32 to index
          %get3A_1363 = arith.constant 64 : index
          %get3A_1364 = tpu.vector_load %get3A_1361[%get3A_1362, %get3A_1363] {strides = array<i32>} : memref<80x128xf32, #tpu.memory_space<vmem>>, vector<16xf32>,
          %mul3A_1365 = arith.mulf %get3A_1357, %get3A_1364 : vector<16xf32>
          %add3A_1366 = arith.addf %add3A_1334, %mul3A_1365 : vector<16xf32>
          %get3A_1367 = arith.constant 0 : i32
          %get3A_1368 = arith.constant 0 : i32
          %get3A_1369 = tpu.memref_slice %arg8[%scan3A_1097, %get3A_1367, %get3A_1368] : memref<2x80x128xf32, #tpu.memory_space<vmem>> -> memref<1x80x128xf32, #tpu.memory_space<vmem>>
          %get3A_1370 = tpu.memref_squeeze %get3A_1369 : memref<1x80x128xf32, #tpu.memory_space<vmem>> -> memref<80x128xf32, #tpu.memory_space<vmem>>
          %get3A_1371 = arith.index_cast %add3A_1282 : i32 to index
          %get3A_1372 = arith.constant 80 : index
          %get3A_1373 = tpu.vector_load %get3A_1370[%get3A_1371, %get3A_1372] {strides = array<i32>} : memref<80x128xf32, #tpu.memory_space<vmem>>, vector<16xf32>,
          %get3A_1374 = arith.constant 0 : i32
          %get3A_1375 = arith.constant 0 : i32
          %get3A_1376 = tpu.memref_slice %arg9[%scan3A_1098, %get3A_1374, %get3A_1375] : memref<2x80x128xf32, #tpu.memory_space<vmem>> -> memref<1x80x128xf32, #tpu.memory_space<vmem>>
          %get3A_1377 = tpu.memref_squeeze %get3A_1376 : memref<1x80x128xf32, #tpu.memory_space<vmem>> -> memref<80x128xf32, #tpu.memory_space<vmem>>
          %get3A_1378 = arith.index_cast %add3A_1282 : i32 to index
          %get3A_1379 = arith.constant 80 : index
          %get3A_1380 = tpu.vector_load %get3A_1377[%get3A_1378, %get3A_1379] {strides = array<i32>} : memref<80x128xf32, #tpu.memory_space<vmem>>, vector<16xf32>,
          %mul3A_1381 = arith.mulf %get3A_1373, %get3A_1380 : vector<16xf32>
          %add3A_1382 = arith.addf %add3A_1350, %mul3A_1381 : vector<16xf32>
          %get3A_1383 = arith.constant 0 : i32
          %get3A_1384 = arith.constant 0 : i32
          %get3A_1385 = tpu.memref_slice %arg8[%scan3A_1097, %get3A_1383, %get3A_1384] : memref<2x80x128xf32, #tpu.memory_space<vmem>> -> memref<1x80x128xf32, #tpu.memory_space<vmem>>
          %get3A_1386 = tpu.memref_squeeze %get3A_1385 : memref<1x80x128xf32, #tpu.memory_space<vmem>> -> memref<80x128xf32, #tpu.memory_space<vmem>>
          %get3A_1387 = arith.index_cast %add3A_1282 : i32 to index
          %get3A_1388 = arith.constant 96 : index
          %get3A_1389 = tpu.vector_load %get3A_1386[%get3A_1387, %get3A_1388] {strides = array<i32>} : memref<80x128xf32, #tpu.memory_space<vmem>>, vector<16xf32>,
          %get3A_1390 = arith.constant 0 : i32
          %get3A_1391 = arith.constant 0 : i32
          %get3A_1392 = tpu.memref_slice %arg9[%scan3A_1098, %get3A_1390, %get3A_1391] : memref<2x80x128xf32, #tpu.memory_space<vmem>> -> memref<1x80x128xf32, #tpu.memory_space<vmem>>
          %get3A_1393 = tpu.memref_squeeze %get3A_1392 : memref<1x80x128xf32, #tpu.memory_space<vmem>> -> memref<80x128xf32, #tpu.memory_space<vmem>>
          %get3A_1394 = arith.index_cast %add3A_1282 : i32 to index
          %get3A_1395 = arith.constant 96 : index
          %get3A_1396 = tpu.vector_load %get3A_1393[%get3A_1394, %get3A_1395] {strides = array<i32>} : memref<80x128xf32, #tpu.memory_space<vmem>>, vector<16xf32>,
          %mul3A_1397 = arith.mulf %get3A_1389, %get3A_1396 : vector<16xf32>
          %add3A_1398 = arith.addf %add3A_1366, %mul3A_1397 : vector<16xf32>
          %get3A_1399 = arith.constant 0 : i32
          %get3A_1400 = arith.constant 0 : i32
          %get3A_1401 = tpu.memref_slice %arg8[%scan3A_1097, %get3A_1399, %get3A_1400] : memref<2x80x128xf32, #tpu.memory_space<vmem>> -> memref<1x80x128xf32, #tpu.memory_space<vmem>>
          %get3A_1402 = tpu.memref_squeeze %get3A_1401 : memref<1x80x128xf32, #tpu.memory_space<vmem>> -> memref<80x128xf32, #tpu.memory_space<vmem>>
          %get3A_1403 = arith.index_cast %add3A_1282 : i32 to index
          %get3A_1404 = arith.constant 112 : index
          %get3A_1405 = tpu.vector_load %get3A_1402[%get3A_1403, %get3A_1404] {strides = array<i32>} : memref<80x128xf32, #tpu.memory_space<vmem>>, vector<16xf32>,
          %get3A_1406 = arith.constant 0 : i32
          %get3A_1407 = arith.constant 0 : i32
          %get3A_1408 = tpu.memref_slice %arg9[%scan3A_1098, %get3A_1406, %get3A_1407] : memref<2x80x128xf32, #tpu.memory_space<vmem>> -> memref<1x80x128xf32, #tpu.memory_space<vmem>>
          %get3A_1409 = tpu.memref_squeeze %get3A_1408 : memref<1x80x128xf32, #tpu.memory_space<vmem>> -> memref<80x128xf32, #tpu.memory_space<vmem>>
          %get3A_1410 = arith.index_cast %add3A_1282 : i32 to index
          %get3A_1411 = arith.constant 112 : index
          %get3A_1412 = tpu.vector_load %get3A_1409[%get3A_1410, %get3A_1411] {strides = array<i32>} : memref<80x128xf32, #tpu.memory_space<vmem>>, vector<16xf32>,
          %mul3A_1413 = arith.mulf %get3A_1405, %get3A_1412 : vector<16xf32>
          %add3A_1414 = arith.addf %add3A_1382, %mul3A_1413 : vector<16xf32>
          %eq3A_1415 = vector.broadcast %scan3A_1279 : i32 to vector<16xi32>
          %eq3A_1416 = arith.cmpi eq, %iota3A_1095, %eq3A_1415 : vector<16xi32>
          %add3A_1417 = arith.addf %add3A_1398, %add3A_1414 : vector<16xf32>
          %reduce_sum3A_1418 = arith.constant true
          %reduce_sum3A_1419 = vector.broadcast %reduce_sum3A_1418 : i1 to vector<16xi1>
          %reduce_sum3A_1420 = tpu.scan <sum>, %add3A_1417 masked %reduce_sum3A_1419 : vector<16xf32>, vector<16xi1> -> vector<16xf32>
          %reduce_sum3A_1421 = vector.extract %reduce_sum3A_1420[15] : f32 from vector<16xf32>
          %broadcast_in_dim3A_1422 = vector.broadcast %reduce_sum3A_1421 : f32 to vector<16xf32>
          %select_n3A_1423 = arith.select %eq3A_1416, %broadcast_in_dim3A_1422, %select_n3A : vector<16xi1>, vector<16xf32>
          %scan3A_1424 = arith.constant 2 : i32
          %scan3A_1425 = arith.addi %scan3A_1135, %scan3A_1424 : i32
          %mul3A_1426 = arith.constant 16 : i32
          %mul3A_1427 = arith.muli %scan3A_1120, %mul3A_1426 : i32
          %add3A_1428 = arith.addi %mul3A_1427, %scan3A_1425 : i32
          %broadcast_in_dim3A_1429 = arith.constant 0.000000e+00 : f32
          %broadcast_in_dim3A_1430 = vector.broadcast %broadcast_in_dim3A_1429 : f32 to vector<16xf32>
          %broadcast_in_dim3A_1431 = arith.constant 0.000000e+00 : f32
          %broadcast_in_dim3A_1432 = vector.broadcast %broadcast_in_dim3A_1431 : f32 to vector<16xf32>
          %get3A_1433 = arith.constant 0 : i32
          %get3A_1434 = arith.constant 0 : i32
          %get3A_1435 = tpu.memref_slice %arg8[%scan3A_1097, %get3A_1433, %get3A_1434] : memref<2x80x128xf32, #tpu.memory_space<vmem>> -> memref<1x80x128xf32, #tpu.memory_space<vmem>>
          %get3A_1436 = tpu.memref_squeeze %get3A_1435 : memref<1x80x128xf32, #tpu.memory_space<vmem>> -> memref<80x128xf32, #tpu.memory_space<vmem>>
          %get3A_1437 = arith.index_cast %add3A_1428 : i32 to index
          %get3A_1438 = arith.constant 0 : index
          %get3A_1439 = tpu.vector_load %get3A_1436[%get3A_1437, %get3A_1438] {strides = array<i32>} : memref<80x128xf32, #tpu.memory_space<vmem>>, vector<16xf32>,
          %get3A_1440 = arith.constant 0 : i32
          %get3A_1441 = arith.constant 0 : i32
          %get3A_1442 = tpu.memref_slice %arg9[%scan3A_1098, %get3A_1440, %get3A_1441] : memref<2x80x128xf32, #tpu.memory_space<vmem>> -> memref<1x80x128xf32, #tpu.memory_space<vmem>>
          %get3A_1443 = tpu.memref_squeeze %get3A_1442 : memref<1x80x128xf32, #tpu.memory_space<vmem>> -> memref<80x128xf32, #tpu.memory_space<vmem>>
          %get3A_1444 = arith.index_cast %add3A_1428 : i32 to index
          %get3A_1445 = arith.constant 0 : index
          %get3A_1446 = tpu.vector_load %get3A_1443[%get3A_1444, %get3A_1445] {strides = array<i32>} : memref<80x128xf32, #tpu.memory_space<vmem>>, vector<16xf32>,
          %mul3A_1447 = arith.mulf %get3A_1439, %get3A_1446 : vector<16xf32>
          %add3A_1448 = arith.addf %broadcast_in_dim3A_1430, %mul3A_1447 : vector<16xf32>
          %get3A_1449 = arith.constant 0 : i32
          %get3A_1450 = arith.constant 0 : i32
          %get3A_1451 = tpu.memref_slice %arg8[%scan3A_1097, %get3A_1449, %get3A_1450] : memref<2x80x128xf32, #tpu.memory_space<vmem>> -> memref<1x80x128xf32, #tpu.memory_space<vmem>>
          %get3A_1452 = tpu.memref_squeeze %get3A_1451 : memref<1x80x128xf32, #tpu.memory_space<vmem>> -> memref<80x128xf32, #tpu.memory_space<vmem>>
          %get3A_1453 = arith.index_cast %add3A_1428 : i32 to index
          %get3A_1454 = arith.constant 16 : index
          %get3A_1455 = tpu.vector_load %get3A_1452[%get3A_1453, %get3A_1454] {strides = array<i32>} : memref<80x128xf32, #tpu.memory_space<vmem>>, vector<16xf32>,
          %get3A_1456 = arith.constant 0 : i32
          %get3A_1457 = arith.constant 0 : i32
          %get3A_1458 = tpu.memref_slice %arg9[%scan3A_1098, %get3A_1456, %get3A_1457] : memref<2x80x128xf32, #tpu.memory_space<vmem>> -> memref<1x80x128xf32, #tpu.memory_space<vmem>>
          %get3A_1459 = tpu.memref_squeeze %get3A_1458 : memref<1x80x128xf32, #tpu.memory_space<vmem>> -> memref<80x128xf32, #tpu.memory_space<vmem>>
          %get3A_1460 = arith.index_cast %add3A_1428 : i32 to index
          %get3A_1461 = arith.constant 16 : index
          %get3A_1462 = tpu.vector_load %get3A_1459[%get3A_1460, %get3A_1461] {strides = array<i32>} : memref<80x128xf32, #tpu.memory_space<vmem>>, vector<16xf32>,
          %mul3A_1463 = arith.mulf %get3A_1455, %get3A_1462 : vector<16xf32>
          %add3A_1464 = arith.addf %broadcast_in_dim3A_1432, %mul3A_1463 : vector<16xf32>
          %get3A_1465 = arith.constant 0 : i32
          %get3A_1466 = arith.constant 0 : i32
          %get3A_1467 = tpu.memref_slice %arg8[%scan3A_1097, %get3A_1465, %get3A_1466] : memref<2x80x128xf32, #tpu.memory_space<vmem>> -> memref<1x80x128xf32, #tpu.memory_space<vmem>>
          %get3A_1468 = tpu.memref_squeeze %get3A_1467 : memref<1x80x128xf32, #tpu.memory_space<vmem>> -> memref<80x128xf32, #tpu.memory_space<vmem>>
          %get3A_1469 = arith.index_cast %add3A_1428 : i32 to index
          %get3A_1470 = arith.constant 32 : index
          %get3A_1471 = tpu.vector_load %get3A_1468[%get3A_1469, %get3A_1470] {strides = array<i32>} : memref<80x128xf32, #tpu.memory_space<vmem>>, vector<16xf32>,
          %get3A_1472 = arith.constant 0 : i32
          %get3A_1473 = arith.constant 0 : i32
          %get3A_1474 = tpu.memref_slice %arg9[%scan3A_1098, %get3A_1472, %get3A_1473] : memref<2x80x128xf32, #tpu.memory_space<vmem>> -> memref<1x80x128xf32, #tpu.memory_space<vmem>>
          %get3A_1475 = tpu.memref_squeeze %get3A_1474 : memref<1x80x128xf32, #tpu.memory_space<vmem>> -> memref<80x128xf32, #tpu.memory_space<vmem>>
          %get3A_1476 = arith.index_cast %add3A_1428 : i32 to index
          %get3A_1477 = arith.constant 32 : index
          %get3A_1478 = tpu.vector_load %get3A_1475[%get3A_1476, %get3A_1477] {strides = array<i32>} : memref<80x128xf32, #tpu.memory_space<vmem>>, vector<16xf32>,
          %mul3A_1479 = arith.mulf %get3A_1471, %get3A_1478 : vector<16xf32>
          %add3A_1480 = arith.addf %add3A_1448, %mul3A_1479 : vector<16xf32>
          %get3A_1481 = arith.constant 0 : i32
          %get3A_1482 = arith.constant 0 : i32
          %get3A_1483 = tpu.memref_slice %arg8[%scan3A_1097, %get3A_1481, %get3A_1482] : memref<2x80x128xf32, #tpu.memory_space<vmem>> -> memref<1x80x128xf32, #tpu.memory_space<vmem>>
          %get3A_1484 = tpu.memref_squeeze %get3A_1483 : memref<1x80x128xf32, #tpu.memory_space<vmem>> -> memref<80x128xf32, #tpu.memory_space<vmem>>
          %get3A_1485 = arith.index_cast %add3A_1428 : i32 to index
          %get3A_1486 = arith.constant 48 : index
          %get3A_1487 = tpu.vector_load %get3A_1484[%get3A_1485, %get3A_1486] {strides = array<i32>} : memref<80x128xf32, #tpu.memory_space<vmem>>, vector<16xf32>,
          %get3A_1488 = arith.constant 0 : i32
          %get3A_1489 = arith.constant 0 : i32
          %get3A_1490 = tpu.memref_slice %arg9[%scan3A_1098, %get3A_1488, %get3A_1489] : memref<2x80x128xf32, #tpu.memory_space<vmem>> -> memref<1x80x128xf32, #tpu.memory_space<vmem>>
          %get3A_1491 = tpu.memref_squeeze %get3A_1490 : memref<1x80x128xf32, #tpu.memory_space<vmem>> -> memref<80x128xf32, #tpu.memory_space<vmem>>
          %get3A_1492 = arith.index_cast %add3A_1428 : i32 to index
          %get3A_1493 = arith.constant 48 : index
          %get3A_1494 = tpu.vector_load %get3A_1491[%get3A_1492, %get3A_1493] {strides = array<i32>} : memref<80x128xf32, #tpu.memory_space<vmem>>, vector<16xf32>,
          %mul3A_1495 = arith.mulf %get3A_1487, %get3A_1494 : vector<16xf32>
          %add3A_1496 = arith.addf %add3A_1464, %mul3A_1495 : vector<16xf32>
          %get3A_1497 = arith.constant 0 : i32
          %get3A_1498 = arith.constant 0 : i32
          %get3A_1499 = tpu.memref_slice %arg8[%scan3A_1097, %get3A_1497, %get3A_1498] : memref<2x80x128xf32, #tpu.memory_space<vmem>> -> memref<1x80x128xf32, #tpu.memory_space<vmem>>
          %get3A_1500 = tpu.memref_squeeze %get3A_1499 : memref<1x80x128xf32, #tpu.memory_space<vmem>> -> memref<80x128xf32, #tpu.memory_space<vmem>>
          %get3A_1501 = arith.index_cast %add3A_1428 : i32 to index
          %get3A_1502 = arith.constant 64 : index
          %get3A_1503 = tpu.vector_load %get3A_1500[%get3A_1501, %get3A_1502] {strides = array<i32>} : memref<80x128xf32, #tpu.memory_space<vmem>>, vector<16xf32>,
          %get3A_1504 = arith.constant 0 : i32
          %get3A_1505 = arith.constant 0 : i32
          %get3A_1506 = tpu.memref_slice %arg9[%scan3A_1098, %get3A_1504, %get3A_1505] : memref<2x80x128xf32, #tpu.memory_space<vmem>> -> memref<1x80x128xf32, #tpu.memory_space<vmem>>
          %get3A_1507 = tpu.memref_squeeze %get3A_1506 : memref<1x80x128xf32, #tpu.memory_space<vmem>> -> memref<80x128xf32, #tpu.memory_space<vmem>>
          %get3A_1508 = arith.index_cast %add3A_1428 : i32 to index
          %get3A_1509 = arith.constant 64 : index
          %get3A_1510 = tpu.vector_load %get3A_1507[%get3A_1508, %get3A_1509] {strides = array<i32>} : memref<80x128xf32, #tpu.memory_space<vmem>>, vector<16xf32>,
          %mul3A_1511 = arith.mulf %get3A_1503, %get3A_1510 : vector<16xf32>
          %add3A_1512 = arith.addf %add3A_1480, %mul3A_1511 : vector<16xf32>
          %get3A_1513 = arith.constant 0 : i32
          %get3A_1514 = arith.constant 0 : i32
          %get3A_1515 = tpu.memref_slice %arg8[%scan3A_1097, %get3A_1513, %get3A_1514] : memref<2x80x128xf32, #tpu.memory_space<vmem>> -> memref<1x80x128xf32, #tpu.memory_space<vmem>>
          %get3A_1516 = tpu.memref_squeeze %get3A_1515 : memref<1x80x128xf32, #tpu.memory_space<vmem>> -> memref<80x128xf32, #tpu.memory_space<vmem>>
          %get3A_1517 = arith.index_cast %add3A_1428 : i32 to index
          %get3A_1518 = arith.constant 80 : index
          %get3A_1519 = tpu.vector_load %get3A_1516[%get3A_1517, %get3A_1518] {strides = array<i32>} : memref<80x128xf32, #tpu.memory_space<vmem>>, vector<16xf32>,
          %get3A_1520 = arith.constant 0 : i32
          %get3A_1521 = arith.constant 0 : i32
          %get3A_1522 = tpu.memref_slice %arg9[%scan3A_1098, %get3A_1520, %get3A_1521] : memref<2x80x128xf32, #tpu.memory_space<vmem>> -> memref<1x80x128xf32, #tpu.memory_space<vmem>>
          %get3A_1523 = tpu.memref_squeeze %get3A_1522 : memref<1x80x128xf32, #tpu.memory_space<vmem>> -> memref<80x128xf32, #tpu.memory_space<vmem>>
          %get3A_1524 = arith.index_cast %add3A_1428 : i32 to index
          %get3A_1525 = arith.constant 80 : index
          %get3A_1526 = tpu.vector_load %get3A_1523[%get3A_1524, %get3A_1525] {strides = array<i32>} : memref<80x128xf32, #tpu.memory_space<vmem>>, vector<16xf32>,
          %mul3A_1527 = arith.mulf %get3A_1519, %get3A_1526 : vector<16xf32>
          %add3A_1528 = arith.addf %add3A_1496, %mul3A_1527 : vector<16xf32>
          %get3A_1529 = arith.constant 0 : i32
          %get3A_1530 = arith.constant 0 : i32
          %get3A_1531 = tpu.memref_slice %arg8[%scan3A_1097, %get3A_1529, %get3A_1530] : memref<2x80x128xf32, #tpu.memory_space<vmem>> -> memref<1x80x128xf32, #tpu.memory_space<vmem>>
          %get3A_1532 = tpu.memref_squeeze %get3A_1531 : memref<1x80x128xf32, #tpu.memory_space<vmem>> -> memref<80x128xf32, #tpu.memory_space<vmem>>
          %get3A_1533 = arith.index_cast %add3A_1428 : i32 to index
          %get3A_1534 = arith.constant 96 : index
          %get3A_1535 = tpu.vector_load %get3A_1532[%get3A_1533, %get3A_1534] {strides = array<i32>} : memref<80x128xf32, #tpu.memory_space<vmem>>, vector<16xf32>,
          %get3A_1536 = arith.constant 0 : i32
          %get3A_1537 = arith.constant 0 : i32
          %get3A_1538 = tpu.memref_slice %arg9[%scan3A_1098, %get3A_1536, %get3A_1537] : memref<2x80x128xf32, #tpu.memory_space<vmem>> -> memref<1x80x128xf32, #tpu.memory_space<vmem>>
          %get3A_1539 = tpu.memref_squeeze %get3A_1538 : memref<1x80x128xf32, #tpu.memory_space<vmem>> -> memref<80x128xf32, #tpu.memory_space<vmem>>
          %get3A_1540 = arith.index_cast %add3A_1428 : i32 to index
          %get3A_1541 = arith.constant 96 : index
          %get3A_1542 = tpu.vector_load %get3A_1539[%get3A_1540, %get3A_1541] {strides = array<i32>} : memref<80x128xf32, #tpu.memory_space<vmem>>, vector<16xf32>,
          %mul3A_1543 = arith.mulf %get3A_1535, %get3A_1542 : vector<16xf32>
          %add3A_1544 = arith.addf %add3A_1512, %mul3A_1543 : vector<16xf32>
          %get3A_1545 = arith.constant 0 : i32
          %get3A_1546 = arith.constant 0 : i32
          %get3A_1547 = tpu.memref_slice %arg8[%scan3A_1097, %get3A_1545, %get3A_1546] : memref<2x80x128xf32, #tpu.memory_space<vmem>> -> memref<1x80x128xf32, #tpu.memory_space<vmem>>
          %get3A_1548 = tpu.memref_squeeze %get3A_1547 : memref<1x80x128xf32, #tpu.memory_space<vmem>> -> memref<80x128xf32, #tpu.memory_space<vmem>>
          %get3A_1549 = arith.index_cast %add3A_1428 : i32 to index
          %get3A_1550 = arith.constant 112 : index
          %get3A_1551 = tpu.vector_load %get3A_1548[%get3A_1549, %get3A_1550] {strides = array<i32>} : memref<80x128xf32, #tpu.memory_space<vmem>>, vector<16xf32>,
          %get3A_1552 = arith.constant 0 : i32
          %get3A_1553 = arith.constant 0 : i32
          %get3A_1554 = tpu.memref_slice %arg9[%scan3A_1098, %get3A_1552, %get3A_1553] : memref<2x80x128xf32, #tpu.memory_space<vmem>> -> memref<1x80x128xf32, #tpu.memory_space<vmem>>
          %get3A_1555 = tpu.memref_squeeze %get3A_1554 : memref<1x80x128xf32, #tpu.memory_space<vmem>> -> memref<80x128xf32, #tpu.memory_space<vmem>>
          %get3A_1556 = arith.index_cast %add3A_1428 : i32 to index
          %get3A_1557 = arith.constant 112 : index
          %get3A_1558 = tpu.vector_load %get3A_1555[%get3A_1556, %get3A_1557] {strides = array<i32>} : memref<80x128xf32, #tpu.memory_space<vmem>>, vector<16xf32>,
          %mul3A_1559 = arith.mulf %get3A_1551, %get3A_1558 : vector<16xf32>
          %add3A_1560 = arith.addf %add3A_1528, %mul3A_1559 : vector<16xf32>
          %eq3A_1561 = vector.broadcast %scan3A_1425 : i32 to vector<16xi32>
          %eq3A_1562 = arith.cmpi eq, %iota3A_1095, %eq3A_1561 : vector<16xi32>
          %add3A_1563 = arith.addf %add3A_1544, %add3A_1560 : vector<16xf32>
          %reduce_sum3A_1564 = arith.constant true
          %reduce_sum3A_1565 = vector.broadcast %reduce_sum3A_1564 : i1 to vector<16xi1>
          %reduce_sum3A_1566 = tpu.scan <sum>, %add3A_1563 masked %reduce_sum3A_1565 : vector<16xf32>, vector<16xi1> -> vector<16xf32>
          %reduce_sum3A_1567 = vector.extract %reduce_sum3A_1566[15] : f32 from vector<16xf32>
          %broadcast_in_dim3A_1568 = vector.broadcast %reduce_sum3A_1567 : f32 to vector<16xf32>
          %select_n3A_1569 = arith.select %eq3A_1562, %broadcast_in_dim3A_1568, %select_n3A_1423 : vector<16xi1>, vector<16xf32>
          %scan3A_1570 = arith.constant 3 : i32
          %scan3A_1571 = arith.addi %scan3A_1135, %scan3A_1570 : i32
          %mul3A_1572 = arith.constant 16 : i32
          %mul3A_1573 = arith.muli %scan3A_1120, %mul3A_1572 : i32
          %add3A_1574 = arith.addi %mul3A_1573, %scan3A_1571 : i32
          %broadcast_in_dim3A_1575 = arith.constant 0.000000e+00 : f32
          %broadcast_in_dim3A_1576 = vector.broadcast %broadcast_in_dim3A_1575 : f32 to vector<16xf32>
          %broadcast_in_dim3A_1577 = arith.constant 0.000000e+00 : f32
          %broadcast_in_dim3A_1578 = vector.broadcast %broadcast_in_dim3A_1577 : f32 to vector<16xf32>
          %get3A_1579 = arith.constant 0 : i32
          %get3A_1580 = arith.constant 0 : i32
          %get3A_1581 = tpu.memref_slice %arg8[%scan3A_1097, %get3A_1579, %get3A_1580] : memref<2x80x128xf32, #tpu.memory_space<vmem>> -> memref<1x80x128xf32, #tpu.memory_space<vmem>>
          %get3A_1582 = tpu.memref_squeeze %get3A_1581 : memref<1x80x128xf32, #tpu.memory_space<vmem>> -> memref<80x128xf32, #tpu.memory_space<vmem>>
          %get3A_1583 = arith.index_cast %add3A_1574 : i32 to index
          %get3A_1584 = arith.constant 0 : index
          %get3A_1585 = tpu.vector_load %get3A_1582[%get3A_1583, %get3A_1584] {strides = array<i32>} : memref<80x128xf32, #tpu.memory_space<vmem>>, vector<16xf32>,
          %get3A_1586 = arith.constant 0 : i32
          %get3A_1587 = arith.constant 0 : i32
          %get3A_1588 = tpu.memref_slice %arg9[%scan3A_1098, %get3A_1586, %get3A_1587] : memref<2x80x128xf32, #tpu.memory_space<vmem>> -> memref<1x80x128xf32, #tpu.memory_space<vmem>>
          %get3A_1589 = tpu.memref_squeeze %get3A_1588 : memref<1x80x128xf32, #tpu.memory_space<vmem>> -> memref<80x128xf32, #tpu.memory_space<vmem>>
          %get3A_1590 = arith.index_cast %add3A_1574 : i32 to index
          %get3A_1591 = arith.constant 0 : index
          %get3A_1592 = tpu.vector_load %get3A_1589[%get3A_1590, %get3A_1591] {strides = array<i32>} : memref<80x128xf32, #tpu.memory_space<vmem>>, vector<16xf32>,
          %mul3A_1593 = arith.mulf %get3A_1585, %get3A_1592 : vector<16xf32>
          %add3A_1594 = arith.addf %broadcast_in_dim3A_1576, %mul3A_1593 : vector<16xf32>
          %get3A_1595 = arith.constant 0 : i32
          %get3A_1596 = arith.constant 0 : i32
          %get3A_1597 = tpu.memref_slice %arg8[%scan3A_1097, %get3A_1595, %get3A_1596] : memref<2x80x128xf32, #tpu.memory_space<vmem>> -> memref<1x80x128xf32, #tpu.memory_space<vmem>>
          %get3A_1598 = tpu.memref_squeeze %get3A_1597 : memref<1x80x128xf32, #tpu.memory_space<vmem>> -> memref<80x128xf32, #tpu.memory_space<vmem>>
          %get3A_1599 = arith.index_cast %add3A_1574 : i32 to index
          %get3A_1600 = arith.constant 16 : index
          %get3A_1601 = tpu.vector_load %get3A_1598[%get3A_1599, %get3A_1600] {strides = array<i32>} : memref<80x128xf32, #tpu.memory_space<vmem>>, vector<16xf32>,
          %get3A_1602 = arith.constant 0 : i32
          %get3A_1603 = arith.constant 0 : i32
          %get3A_1604 = tpu.memref_slice %arg9[%scan3A_1098, %get3A_1602, %get3A_1603] : memref<2x80x128xf32, #tpu.memory_space<vmem>> -> memref<1x80x128xf32, #tpu.memory_space<vmem>>
          %get3A_1605 = tpu.memref_squeeze %get3A_1604 : memref<1x80x128xf32, #tpu.memory_space<vmem>> -> memref<80x128xf32, #tpu.memory_space<vmem>>
          %get3A_1606 = arith.index_cast %add3A_1574 : i32 to index
          %get3A_1607 = arith.constant 16 : index
          %get3A_1608 = tpu.vector_load %get3A_1605[%get3A_1606, %get3A_1607] {strides = array<i32>} : memref<80x128xf32, #tpu.memory_space<vmem>>, vector<16xf32>,
          %mul3A_1609 = arith.mulf %get3A_1601, %get3A_1608 : vector<16xf32>
          %add3A_1610 = arith.addf %broadcast_in_dim3A_1578, %mul3A_1609 : vector<16xf32>
          %get3A_1611 = arith.constant 0 : i32
          %get3A_1612 = arith.constant 0 : i32
          %get3A_1613 = tpu.memref_slice %arg8[%scan3A_1097, %get3A_1611, %get3A_1612] : memref<2x80x128xf32, #tpu.memory_space<vmem>> -> memref<1x80x128xf32, #tpu.memory_space<vmem>>
          %get3A_1614 = tpu.memref_squeeze %get3A_1613 : memref<1x80x128xf32, #tpu.memory_space<vmem>> -> memref<80x128xf32, #tpu.memory_space<vmem>>
          %get3A_1615 = arith.index_cast %add3A_1574 : i32 to index
          %get3A_1616 = arith.constant 32 : index
          %get3A_1617 = tpu.vector_load %get3A_1614[%get3A_1615, %get3A_1616] {strides = array<i32>} : memref<80x128xf32, #tpu.memory_space<vmem>>, vector<16xf32>,
          %get3A_1618 = arith.constant 0 : i32
          %get3A_1619 = arith.constant 0 : i32
          %get3A_1620 = tpu.memref_slice %arg9[%scan3A_1098, %get3A_1618, %get3A_1619] : memref<2x80x128xf32, #tpu.memory_space<vmem>> -> memref<1x80x128xf32, #tpu.memory_space<vmem>>
          %get3A_1621 = tpu.memref_squeeze %get3A_1620 : memref<1x80x128xf32, #tpu.memory_space<vmem>> -> memref<80x128xf32, #tpu.memory_space<vmem>>
          %get3A_1622 = arith.index_cast %add3A_1574 : i32 to index
          %get3A_1623 = arith.constant 32 : index
          %get3A_1624 = tpu.vector_load %get3A_1621[%get3A_1622, %get3A_1623] {strides = array<i32>} : memref<80x128xf32, #tpu.memory_space<vmem>>, vector<16xf32>,
          %mul3A_1625 = arith.mulf %get3A_1617, %get3A_1624 : vector<16xf32>
          %add3A_1626 = arith.addf %add3A_1594, %mul3A_1625 : vector<16xf32>
          %get3A_1627 = arith.constant 0 : i32
          %get3A_1628 = arith.constant 0 : i32
          %get3A_1629 = tpu.memref_slice %arg8[%scan3A_1097, %get3A_1627, %get3A_1628] : memref<2x80x128xf32, #tpu.memory_space<vmem>> -> memref<1x80x128xf32, #tpu.memory_space<vmem>>
          %get3A_1630 = tpu.memref_squeeze %get3A_1629 : memref<1x80x128xf32, #tpu.memory_space<vmem>> -> memref<80x128xf32, #tpu.memory_space<vmem>>
          %get3A_1631 = arith.index_cast %add3A_1574 : i32 to index
          %get3A_1632 = arith.constant 48 : index
          %get3A_1633 = tpu.vector_load %get3A_1630[%get3A_1631, %get3A_1632] {strides = array<i32>} : memref<80x128xf32, #tpu.memory_space<vmem>>, vector<16xf32>,
          %get3A_1634 = arith.constant 0 : i32
          %get3A_1635 = arith.constant 0 : i32
          %get3A_1636 = tpu.memref_slice %arg9[%scan3A_1098, %get3A_1634, %get3A_1635] : memref<2x80x128xf32, #tpu.memory_space<vmem>> -> memref<1x80x128xf32, #tpu.memory_space<vmem>>
          %get3A_1637 = tpu.memref_squeeze %get3A_1636 : memref<1x80x128xf32, #tpu.memory_space<vmem>> -> memref<80x128xf32, #tpu.memory_space<vmem>>
          %get3A_1638 = arith.index_cast %add3A_1574 : i32 to index
          %get3A_1639 = arith.constant 48 : index
          %get3A_1640 = tpu.vector_load %get3A_1637[%get3A_1638, %get3A_1639] {strides = array<i32>} : memref<80x128xf32, #tpu.memory_space<vmem>>, vector<16xf32>,
          %mul3A_1641 = arith.mulf %get3A_1633, %get3A_1640 : vector<16xf32>
          %add3A_1642 = arith.addf %add3A_1610, %mul3A_1641 : vector<16xf32>
          %get3A_1643 = arith.constant 0 : i32
          %get3A_1644 = arith.constant 0 : i32
          %get3A_1645 = tpu.memref_slice %arg8[%scan3A_1097, %get3A_1643, %get3A_1644] : memref<2x80x128xf32, #tpu.memory_space<vmem>> -> memref<1x80x128xf32, #tpu.memory_space<vmem>>
          %get3A_1646 = tpu.memref_squeeze %get3A_1645 : memref<1x80x128xf32, #tpu.memory_space<vmem>> -> memref<80x128xf32, #tpu.memory_space<vmem>>
          %get3A_1647 = arith.index_cast %add3A_1574 : i32 to index
          %get3A_1648 = arith.constant 64 : index
          %get3A_1649 = tpu.vector_load %get3A_1646[%get3A_1647, %get3A_1648] {strides = array<i32>} : memref<80x128xf32, #tpu.memory_space<vmem>>, vector<16xf32>,
          %get3A_1650 = arith.constant 0 : i32
          %get3A_1651 = arith.constant 0 : i32
          %get3A_1652 = tpu.memref_slice %arg9[%scan3A_1098, %get3A_1650, %get3A_1651] : memref<2x80x128xf32, #tpu.memory_space<vmem>> -> memref<1x80x128xf32, #tpu.memory_space<vmem>>
          %get3A_1653 = tpu.memref_squeeze %get3A_1652 : memref<1x80x128xf32, #tpu.memory_space<vmem>> -> memref<80x128xf32, #tpu.memory_space<vmem>>
          %get3A_1654 = arith.index_cast %add3A_1574 : i32 to index
          %get3A_1655 = arith.constant 64 : index
          %get3A_1656 = tpu.vector_load %get3A_1653[%get3A_1654, %get3A_1655] {strides = array<i32>} : memref<80x128xf32, #tpu.memory_space<vmem>>, vector<16xf32>,
          %mul3A_1657 = arith.mulf %get3A_1649, %get3A_1656 : vector<16xf32>
          %add3A_1658 = arith.addf %add3A_1626, %mul3A_1657 : vector<16xf32>
          %get3A_1659 = arith.constant 0 : i32
          %get3A_1660 = arith.constant 0 : i32
          %get3A_1661 = tpu.memref_slice %arg8[%scan3A_1097, %get3A_1659, %get3A_1660] : memref<2x80x128xf32, #tpu.memory_space<vmem>> -> memref<1x80x128xf32, #tpu.memory_space<vmem>>
          %get3A_1662 = tpu.memref_squeeze %get3A_1661 : memref<1x80x128xf32, #tpu.memory_space<vmem>> -> memref<80x128xf32, #tpu.memory_space<vmem>>
          %get3A_1663 = arith.index_cast %add3A_1574 : i32 to index
          %get3A_1664 = arith.constant 80 : index
          %get3A_1665 = tpu.vector_load %get3A_1662[%get3A_1663, %get3A_1664] {strides = array<i32>} : memref<80x128xf32, #tpu.memory_space<vmem>>, vector<16xf32>,
          %get3A_1666 = arith.constant 0 : i32
          %get3A_1667 = arith.constant 0 : i32
          %get3A_1668 = tpu.memref_slice %arg9[%scan3A_1098, %get3A_1666, %get3A_1667] : memref<2x80x128xf32, #tpu.memory_space<vmem>> -> memref<1x80x128xf32, #tpu.memory_space<vmem>>
          %get3A_1669 = tpu.memref_squeeze %get3A_1668 : memref<1x80x128xf32, #tpu.memory_space<vmem>> -> memref<80x128xf32, #tpu.memory_space<vmem>>
          %get3A_1670 = arith.index_cast %add3A_1574 : i32 to index
          %get3A_1671 = arith.constant 80 : index
          %get3A_1672 = tpu.vector_load %get3A_1669[%get3A_1670, %get3A_1671] {strides = array<i32>} : memref<80x128xf32, #tpu.memory_space<vmem>>, vector<16xf32>,
          %mul3A_1673 = arith.mulf %get3A_1665, %get3A_1672 : vector<16xf32>
          %add3A_1674 = arith.addf %add3A_1642, %mul3A_1673 : vector<16xf32>
          %get3A_1675 = arith.constant 0 : i32
          %get3A_1676 = arith.constant 0 : i32
          %get3A_1677 = tpu.memref_slice %arg8[%scan3A_1097, %get3A_1675, %get3A_1676] : memref<2x80x128xf32, #tpu.memory_space<vmem>> -> memref<1x80x128xf32, #tpu.memory_space<vmem>>
          %get3A_1678 = tpu.memref_squeeze %get3A_1677 : memref<1x80x128xf32, #tpu.memory_space<vmem>> -> memref<80x128xf32, #tpu.memory_space<vmem>>
          %get3A_1679 = arith.index_cast %add3A_1574 : i32 to index
          %get3A_1680 = arith.constant 96 : index
          %get3A_1681 = tpu.vector_load %get3A_1678[%get3A_1679, %get3A_1680] {strides = array<i32>} : memref<80x128xf32, #tpu.memory_space<vmem>>, vector<16xf32>,
          %get3A_1682 = arith.constant 0 : i32
          %get3A_1683 = arith.constant 0 : i32
          %get3A_1684 = tpu.memref_slice %arg9[%scan3A_1098, %get3A_1682, %get3A_1683] : memref<2x80x128xf32, #tpu.memory_space<vmem>> -> memref<1x80x128xf32, #tpu.memory_space<vmem>>
          %get3A_1685 = tpu.memref_squeeze %get3A_1684 : memref<1x80x128xf32, #tpu.memory_space<vmem>> -> memref<80x128xf32, #tpu.memory_space<vmem>>
          %get3A_1686 = arith.index_cast %add3A_1574 : i32 to index
          %get3A_1687 = arith.constant 96 : index
          %get3A_1688 = tpu.vector_load %get3A_1685[%get3A_1686, %get3A_1687] {strides = array<i32>} : memref<80x128xf32, #tpu.memory_space<vmem>>, vector<16xf32>,
          %mul3A_1689 = arith.mulf %get3A_1681, %get3A_1688 : vector<16xf32>
          %add3A_1690 = arith.addf %add3A_1658, %mul3A_1689 : vector<16xf32>
          %get3A_1691 = arith.constant 0 : i32
          %get3A_1692 = arith.constant 0 : i32
          %get3A_1693 = tpu.memref_slice %arg8[%scan3A_1097, %get3A_1691, %get3A_1692] : memref<2x80x128xf32, #tpu.memory_space<vmem>> -> memref<1x80x128xf32, #tpu.memory_space<vmem>>
          %get3A_1694 = tpu.memref_squeeze %get3A_1693 : memref<1x80x128xf32, #tpu.memory_space<vmem>> -> memref<80x128xf32, #tpu.memory_space<vmem>>
          %get3A_1695 = arith.index_cast %add3A_1574 : i32 to index
          %get3A_1696 = arith.constant 112 : index
          %get3A_1697 = tpu.vector_load %get3A_1694[%get3A_1695, %get3A_1696] {strides = array<i32>} : memref<80x128xf32, #tpu.memory_space<vmem>>, vector<16xf32>,
          %get3A_1698 = arith.constant 0 : i32
          %get3A_1699 = arith.constant 0 : i32
          %get3A_1700 = tpu.memref_slice %arg9[%scan3A_1098, %get3A_1698, %get3A_1699] : memref<2x80x128xf32, #tpu.memory_space<vmem>> -> memref<1x80x128xf32, #tpu.memory_space<vmem>>
          %get3A_1701 = tpu.memref_squeeze %get3A_1700 : memref<1x80x128xf32, #tpu.memory_space<vmem>> -> memref<80x128xf32, #tpu.memory_space<vmem>>
          %get3A_1702 = arith.index_cast %add3A_1574 : i32 to index
          %get3A_1703 = arith.constant 112 : index
          %get3A_1704 = tpu.vector_load %get3A_1701[%get3A_1702, %get3A_1703] {strides = array<i32>} : memref<80x128xf32, #tpu.memory_space<vmem>>, vector<16xf32>,
          %mul3A_1705 = arith.mulf %get3A_1697, %get3A_1704 : vector<16xf32>
          %add3A_1706 = arith.addf %add3A_1674, %mul3A_1705 : vector<16xf32>
          %eq3A_1707 = vector.broadcast %scan3A_1571 : i32 to vector<16xi32>
          %eq3A_1708 = arith.cmpi eq, %iota3A_1095, %eq3A_1707 : vector<16xi32>
          %add3A_1709 = arith.addf %add3A_1690, %add3A_1706 : vector<16xf32>
          %reduce_sum3A_1710 = arith.constant true
          %reduce_sum3A_1711 = vector.broadcast %reduce_sum3A_1710 : i1 to vector<16xi1>
          %reduce_sum3A_1712 = tpu.scan <sum>, %add3A_1709 masked %reduce_sum3A_1711 : vector<16xf32>, vector<16xi1> -> vector<16xf32>
          %reduce_sum3A_1713 = vector.extract %reduce_sum3A_1712[15] : f32 from vector<16xf32>
          %broadcast_in_dim3A_1714 = vector.broadcast %reduce_sum3A_1713 : f32 to vector<16xf32>
          %select_n3A_1715 = arith.select %eq3A_1708, %broadcast_in_dim3A_1714, %select_n3A_1569 : vector<16xi1>, vector<16xf32>
          scf.yield %select_n3A_1715 : vector<16xf32>
        }
        %scan3A_1127 = arith.constant 16 : i32
        %mul3A_1128 = arith.constant 16 : i32
        %mul3A_1129 = arith.muli %scan3A_1120, %mul3A_1128 : i32
        %multiple_of3A_1130 = tpu.assume_multiple %mul3A_1129, 16 : i32
        %swap3A = arith.constant 0 : i32
        %swap3A_1131 = tpu.memref_slice %arg10[%scan3A_1099, %swap3A] : memref<2x80xf32, #tpu.memory_space<vmem>> -> memref<1x80xf32, #tpu.memory_space<vmem>>
        %swap3A_1132 = tpu.memref_squeeze %swap3A_1131 : memref<1x80xf32, #tpu.memory_space<vmem>> -> memref<80xf32, #tpu.memory_space<vmem>>
        %swap3A_1133 = arith.index_cast %multiple_of3A_1130 : i32 to index
        %swap3A_1134 = tpu.vector_load %swap3A_1132[%swap3A_1133] {strides = array<i32>} : memref<80xf32, #tpu.memory_space<vmem>>, vector<16xf32>,
        tpu.vector_store %swap3A_1132[%swap3A_1133], %scan3A_1126 {strides = array<i32>} : memref<80xf32, #tpu.memory_space<vmem>>, vector<16xf32>,
      }
      %scan3A_1104 = arith.constant 5 : i32
      %mul3A_1105 = arith.constant 10000 : i32
      %mul3A_1106 = arith.muli %add3A, %mul3A_1105 : i32
      %mul3A_1107 = arith.constant 80 : i32
      %mul3A_1108 = arith.muli %add3A_923, %mul3A_1107 : i32
      %add3A_1109 = arith.addi %mul3A_1106, %mul3A_1108 : i32
      %multiple_of3A_1110 = tpu.assume_multiple %add3A_1109, 80 : i32
      %dma_start3A_1111 = arith.constant 1 : i32
      %dma_start3A_1112 = arith.constant 0 : i32
      %dma_start3A_1113 = tpu.memref_slice %arg10[%dma_start3A_1111, %dma_start3A_1112] : memref<2x80xf32, #tpu.memory_space<vmem>> -> memref<1x80xf32, #tpu.memory_space<vmem>>
      %dma_start3A_1114 = tpu.memref_squeeze %dma_start3A_1113 : memref<1x80xf32, #tpu.memory_space<vmem>> -> memref<80xf32, #tpu.memory_space<vmem>>
      %dma_start3A_1115 = tpu.memref_slice %arg5[%multiple_of3A_1110] : memref<320000xf32, #tpu.memory_space<hbm>> -> memref<80xf32, #tpu.memory_space<hbm>>
      %dma_start3A_1116 = tpu.memref_slice %arg5[%multiple_of3A_1110] : memref<320000xf32, #tpu.memory_space<hbm>> -> memref<80xf32, #tpu.memory_space<hbm>>
      %dma_start3A_1117 = arith.constant 0 : i32
      %dma_start3A_1118 = tpu.memref_slice %arg10[%dma_start3A_1111, %dma_start3A_1117] : memref<2x80xf32, #tpu.memory_space<vmem>> -> memref<1x80xf32, #tpu.memory_space<vmem>>
      %dma_start3A_1119 = tpu.memref_squeeze %dma_start3A_1118 : memref<1x80xf32, #tpu.memory_space<vmem>> -> memref<80xf32, #tpu.memory_space<vmem>>
      tpu.enqueue_dma source(%dma_start3A_1119 : memref<80xf32, #tpu.memory_space<vmem>>) target(%dma_start3A_1116 : memref<80xf32, #tpu.memory_space<hbm>>) target_semaphore(%arg17 : memref<!tpu.dma_semaphore, #tpu.memory_space<semaphore_mem>>)
    }
    %scan3A_515 = arith.constant 62 : i32
    %dma_wait3A_516 = arith.constant 0 : i32
    %dma_wait3A_517 = arith.constant 0 : i32
    %dma_wait3A_518 = arith.constant 0 : i32
    %dma_wait3A_519 = tpu.memref_slice %arg8[%dma_wait3A_516, %dma_wait3A_517, %dma_wait3A_518] : memref<2x80x128xf32, #tpu.memory_space<vmem>> -> memref<1x16x128xf32, #tpu.memory_space<vmem>>
    %dma_wait3A_520 = tpu.memref_squeeze %dma_wait3A_519 : memref<1x16x128xf32, #tpu.memory_space<vmem>> -> memref<16x128xf32, #tpu.memory_space<vmem>>
    %dma_wait3A_521 = arith.constant 0 : i32
    %dma_wait3A_522 = arith.constant 0 : i32
    %dma_wait3A_523 = tpu.memref_slice %arg2[%dma_wait3A_521, %dma_wait3A_522] : memref<10000x128xf32, #tpu.memory_space<hbm>> -> memref<16x128xf32, #tpu.memory_space<hbm>>
    %dma_wait3A_524 = arith.constant 0 : i32
    %dma_wait3A_525 = arith.constant 0 : i32
    %dma_wait3A_526 = tpu.memref_slice %arg8[%dma_wait3A_516, %dma_wait3A_524, %dma_wait3A_525] : memref<2x80x128xf32, #tpu.memory_space<vmem>> -> memref<1x16x128xf32, #tpu.memory_space<vmem>>
    %dma_wait3A_527 = tpu.memref_squeeze %dma_wait3A_526 : memref<1x16x128xf32, #tpu.memory_space<vmem>> -> memref<16x128xf32, #tpu.memory_space<vmem>>
    %dma_wait3A_528 = arith.constant 0 : i32
    %dma_wait3A_529 = arith.constant 0 : i32
    %dma_wait3A_530 = tpu.memref_slice %arg2[%dma_wait3A_528, %dma_wait3A_529] : memref<10000x128xf32, #tpu.memory_space<hbm>> -> memref<16x128xf32, #tpu.memory_space<hbm>>
    tpu.wait_dma2 semaphore(%arg14 : memref<!tpu.dma_semaphore, #tpu.memory_space<semaphore_mem>>) src(%dma_wait3A_530 : memref<16x128xf32, #tpu.memory_space<hbm>>) dst(%dma_wait3A_527 : memref<16x128xf32, #tpu.memory_space<vmem>>)
    %dma_wait3A_531 = arith.constant 0 : i32
    %dma_wait3A_532 = arith.constant 0 : i32
    %dma_wait3A_533 = arith.constant 0 : i32
    %dma_wait3A_534 = tpu.memref_slice %arg9[%dma_wait3A_531, %dma_wait3A_532, %dma_wait3A_533] : memref<2x80x128xf32, #tpu.memory_space<vmem>> -> memref<1x16x128xf32, #tpu.memory_space<vmem>>
    %dma_wait3A_535 = tpu.memref_squeeze %dma_wait3A_534 : memref<1x16x128xf32, #tpu.memory_space<vmem>> -> memref<16x128xf32, #tpu.memory_space<vmem>>
    %dma_wait3A_536 = arith.constant 0 : i32
    %dma_wait3A_537 = arith.constant 0 : i32
    %dma_wait3A_538 = tpu.memref_slice %arg2[%dma_wait3A_536, %dma_wait3A_537] : memref<10000x128xf32, #tpu.memory_space<hbm>> -> memref<16x128xf32, #tpu.memory_space<hbm>>
    %dma_wait3A_539 = arith.constant 0 : i32
    %dma_wait3A_540 = arith.constant 0 : i32
    %dma_wait3A_541 = tpu.memref_slice %arg9[%dma_wait3A_531, %dma_wait3A_539, %dma_wait3A_540] : memref<2x80x128xf32, #tpu.memory_space<vmem>> -> memref<1x16x128xf32, #tpu.memory_space<vmem>>
    %dma_wait3A_542 = tpu.memref_squeeze %dma_wait3A_541 : memref<1x16x128xf32, #tpu.memory_space<vmem>> -> memref<16x128xf32, #tpu.memory_space<vmem>>
    %dma_wait3A_543 = arith.constant 0 : i32
    %dma_wait3A_544 = arith.constant 0 : i32
    %dma_wait3A_545 = tpu.memref_slice %arg2[%dma_wait3A_543, %dma_wait3A_544] : memref<10000x128xf32, #tpu.memory_space<hbm>> -> memref<16x128xf32, #tpu.memory_space<hbm>>
    tpu.wait_dma2 semaphore(%arg14 : memref<!tpu.dma_semaphore, #tpu.memory_space<semaphore_mem>>) src(%dma_wait3A_545 : memref<16x128xf32, #tpu.memory_space<hbm>>) dst(%dma_wait3A_542 : memref<16x128xf32, #tpu.memory_space<vmem>>)
    %dma_wait3A_546 = arith.constant 0 : i32
    %dma_wait3A_547 = arith.constant 16 : i32
    %dma_wait3A_548 = arith.constant 0 : i32
    %dma_wait3A_549 = tpu.memref_slice %arg8[%dma_wait3A_546, %dma_wait3A_547, %dma_wait3A_548] : memref<2x80x128xf32, #tpu.memory_space<vmem>> -> memref<1x16x128xf32, #tpu.memory_space<vmem>>
    %dma_wait3A_550 = tpu.memref_squeeze %dma_wait3A_549 : memref<1x16x128xf32, #tpu.memory_space<vmem>> -> memref<16x128xf32, #tpu.memory_space<vmem>>
    %dma_wait3A_551 = arith.constant 0 : i32
    %dma_wait3A_552 = arith.constant 0 : i32
    %dma_wait3A_553 = tpu.memref_slice %arg2[%dma_wait3A_551, %dma_wait3A_552] : memref<10000x128xf32, #tpu.memory_space<hbm>> -> memref<16x128xf32, #tpu.memory_space<hbm>>
    %dma_wait3A_554 = arith.constant 16 : i32
    %dma_wait3A_555 = arith.constant 0 : i32
    %dma_wait3A_556 = tpu.memref_slice %arg8[%dma_wait3A_546, %dma_wait3A_554, %dma_wait3A_555] : memref<2x80x128xf32, #tpu.memory_space<vmem>> -> memref<1x16x128xf32, #tpu.memory_space<vmem>>
    %dma_wait3A_557 = tpu.memref_squeeze %dma_wait3A_556 : memref<1x16x128xf32, #tpu.memory_space<vmem>> -> memref<16x128xf32, #tpu.memory_space<vmem>>
    %dma_wait3A_558 = arith.constant 0 : i32
    %dma_wait3A_559 = arith.constant 0 : i32
    %dma_wait3A_560 = tpu.memref_slice %arg2[%dma_wait3A_558, %dma_wait3A_559] : memref<10000x128xf32, #tpu.memory_space<hbm>> -> memref<16x128xf32, #tpu.memory_space<hbm>>
    tpu.wait_dma2 semaphore(%arg14 : memref<!tpu.dma_semaphore, #tpu.memory_space<semaphore_mem>>) src(%dma_wait3A_560 : memref<16x128xf32, #tpu.memory_space<hbm>>) dst(%dma_wait3A_557 : memref<16x128xf32, #tpu.memory_space<vmem>>)
    %dma_wait3A_561 = arith.constant 0 : i32
    %dma_wait3A_562 = arith.constant 16 : i32
    %dma_wait3A_563 = arith.constant 0 : i32
    %dma_wait3A_564 = tpu.memref_slice %arg9[%dma_wait3A_561, %dma_wait3A_562, %dma_wait3A_563] : memref<2x80x128xf32, #tpu.memory_space<vmem>> -> memref<1x16x128xf32, #tpu.memory_space<vmem>>
    %dma_wait3A_565 = tpu.memref_squeeze %dma_wait3A_564 : memref<1x16x128xf32, #tpu.memory_space<vmem>> -> memref<16x128xf32, #tpu.memory_space<vmem>>
    %dma_wait3A_566 = arith.constant 0 : i32
    %dma_wait3A_567 = arith.constant 0 : i32
    %dma_wait3A_568 = tpu.memref_slice %arg2[%dma_wait3A_566, %dma_wait3A_567] : memref<10000x128xf32, #tpu.memory_space<hbm>> -> memref<16x128xf32, #tpu.memory_space<hbm>>
    %dma_wait3A_569 = arith.constant 16 : i32
    %dma_wait3A_570 = arith.constant 0 : i32
    %dma_wait3A_571 = tpu.memref_slice %arg9[%dma_wait3A_561, %dma_wait3A_569, %dma_wait3A_570] : memref<2x80x128xf32, #tpu.memory_space<vmem>> -> memref<1x16x128xf32, #tpu.memory_space<vmem>>
    %dma_wait3A_572 = tpu.memref_squeeze %dma_wait3A_571 : memref<1x16x128xf32, #tpu.memory_space<vmem>> -> memref<16x128xf32, #tpu.memory_space<vmem>>
    %dma_wait3A_573 = arith.constant 0 : i32
    %dma_wait3A_574 = arith.constant 0 : i32
    %dma_wait3A_575 = tpu.memref_slice %arg2[%dma_wait3A_573, %dma_wait3A_574] : memref<10000x128xf32, #tpu.memory_space<hbm>> -> memref<16x128xf32, #tpu.memory_space<hbm>>
    tpu.wait_dma2 semaphore(%arg14 : memref<!tpu.dma_semaphore, #tpu.memory_space<semaphore_mem>>) src(%dma_wait3A_575 : memref<16x128xf32, #tpu.memory_space<hbm>>) dst(%dma_wait3A_572 : memref<16x128xf32, #tpu.memory_space<vmem>>)
    %dma_wait3A_576 = arith.constant 0 : i32
    %dma_wait3A_577 = arith.constant 32 : i32
    %dma_wait3A_578 = arith.constant 0 : i32
    %dma_wait3A_579 = tpu.memref_slice %arg8[%dma_wait3A_576, %dma_wait3A_577, %dma_wait3A_578] : memref<2x80x128xf32, #tpu.memory_space<vmem>> -> memref<1x16x128xf32, #tpu.memory_space<vmem>>
    %dma_wait3A_580 = tpu.memref_squeeze %dma_wait3A_579 : memref<1x16x128xf32, #tpu.memory_space<vmem>> -> memref<16x128xf32, #tpu.memory_space<vmem>>
    %dma_wait3A_581 = arith.constant 0 : i32
    %dma_wait3A_582 = arith.constant 0 : i32
    %dma_wait3A_583 = tpu.memref_slice %arg2[%dma_wait3A_581, %dma_wait3A_582] : memref<10000x128xf32, #tpu.memory_space<hbm>> -> memref<16x128xf32, #tpu.memory_space<hbm>>
    %dma_wait3A_584 = arith.constant 32 : i32
    %dma_wait3A_585 = arith.constant 0 : i32
    %dma_wait3A_586 = tpu.memref_slice %arg8[%dma_wait3A_576, %dma_wait3A_584, %dma_wait3A_585] : memref<2x80x128xf32, #tpu.memory_space<vmem>> -> memref<1x16x128xf32, #tpu.memory_space<vmem>>
    %dma_wait3A_587 = tpu.memref_squeeze %dma_wait3A_586 : memref<1x16x128xf32, #tpu.memory_space<vmem>> -> memref<16x128xf32, #tpu.memory_space<vmem>>
    %dma_wait3A_588 = arith.constant 0 : i32
    %dma_wait3A_589 = arith.constant 0 : i32
    %dma_wait3A_590 = tpu.memref_slice %arg2[%dma_wait3A_588, %dma_wait3A_589] : memref<10000x128xf32, #tpu.memory_space<hbm>> -> memref<16x128xf32, #tpu.memory_space<hbm>>
    tpu.wait_dma2 semaphore(%arg14 : memref<!tpu.dma_semaphore, #tpu.memory_space<semaphore_mem>>) src(%dma_wait3A_590 : memref<16x128xf32, #tpu.memory_space<hbm>>) dst(%dma_wait3A_587 : memref<16x128xf32, #tpu.memory_space<vmem>>)
    %dma_wait3A_591 = arith.constant 0 : i32
    %dma_wait3A_592 = arith.constant 32 : i32
    %dma_wait3A_593 = arith.constant 0 : i32
    %dma_wait3A_594 = tpu.memref_slice %arg9[%dma_wait3A_591, %dma_wait3A_592, %dma_wait3A_593] : memref<2x80x128xf32, #tpu.memory_space<vmem>> -> memref<1x16x128xf32, #tpu.memory_space<vmem>>
    %dma_wait3A_595 = tpu.memref_squeeze %dma_wait3A_594 : memref<1x16x128xf32, #tpu.memory_space<vmem>> -> memref<16x128xf32, #tpu.memory_space<vmem>>
    %dma_wait3A_596 = arith.constant 0 : i32
    %dma_wait3A_597 = arith.constant 0 : i32
    %dma_wait3A_598 = tpu.memref_slice %arg2[%dma_wait3A_596, %dma_wait3A_597] : memref<10000x128xf32, #tpu.memory_space<hbm>> -> memref<16x128xf32, #tpu.memory_space<hbm>>
    %dma_wait3A_599 = arith.constant 32 : i32
    %dma_wait3A_600 = arith.constant 0 : i32
    %dma_wait3A_601 = tpu.memref_slice %arg9[%dma_wait3A_591, %dma_wait3A_599, %dma_wait3A_600] : memref<2x80x128xf32, #tpu.memory_space<vmem>> -> memref<1x16x128xf32, #tpu.memory_space<vmem>>
    %dma_wait3A_602 = tpu.memref_squeeze %dma_wait3A_601 : memref<1x16x128xf32, #tpu.memory_space<vmem>> -> memref<16x128xf32, #tpu.memory_space<vmem>>
    %dma_wait3A_603 = arith.constant 0 : i32
    %dma_wait3A_604 = arith.constant 0 : i32
    %dma_wait3A_605 = tpu.memref_slice %arg2[%dma_wait3A_603, %dma_wait3A_604] : memref<10000x128xf32, #tpu.memory_space<hbm>> -> memref<16x128xf32, #tpu.memory_space<hbm>>
    tpu.wait_dma2 semaphore(%arg14 : memref<!tpu.dma_semaphore, #tpu.memory_space<semaphore_mem>>) src(%dma_wait3A_605 : memref<16x128xf32, #tpu.memory_space<hbm>>) dst(%dma_wait3A_602 : memref<16x128xf32, #tpu.memory_space<vmem>>)
    %dma_wait3A_606 = arith.constant 0 : i32
    %dma_wait3A_607 = arith.constant 48 : i32
    %dma_wait3A_608 = arith.constant 0 : i32
    %dma_wait3A_609 = tpu.memref_slice %arg8[%dma_wait3A_606, %dma_wait3A_607, %dma_wait3A_608] : memref<2x80x128xf32, #tpu.memory_space<vmem>> -> memref<1x16x128xf32, #tpu.memory_space<vmem>>
    %dma_wait3A_610 = tpu.memref_squeeze %dma_wait3A_609 : memref<1x16x128xf32, #tpu.memory_space<vmem>> -> memref<16x128xf32, #tpu.memory_space<vmem>>
    %dma_wait3A_611 = arith.constant 0 : i32
    %dma_wait3A_612 = arith.constant 0 : i32
    %dma_wait3A_613 = tpu.memref_slice %arg2[%dma_wait3A_611, %dma_wait3A_612] : memref<10000x128xf32, #tpu.memory_space<hbm>> -> memref<16x128xf32, #tpu.memory_space<hbm>>
    %dma_wait3A_614 = arith.constant 48 : i32
    %dma_wait3A_615 = arith.constant 0 : i32
    %dma_wait3A_616 = tpu.memref_slice %arg8[%dma_wait3A_606, %dma_wait3A_614, %dma_wait3A_615] : memref<2x80x128xf32, #tpu.memory_space<vmem>> -> memref<1x16x128xf32, #tpu.memory_space<vmem>>
    %dma_wait3A_617 = tpu.memref_squeeze %dma_wait3A_616 : memref<1x16x128xf32, #tpu.memory_space<vmem>> -> memref<16x128xf32, #tpu.memory_space<vmem>>
    %dma_wait3A_618 = arith.constant 0 : i32
    %dma_wait3A_619 = arith.constant 0 : i32
    %dma_wait3A_620 = tpu.memref_slice %arg2[%dma_wait3A_618, %dma_wait3A_619] : memref<10000x128xf32, #tpu.memory_space<hbm>> -> memref<16x128xf32, #tpu.memory_space<hbm>>
    tpu.wait_dma2 semaphore(%arg14 : memref<!tpu.dma_semaphore, #tpu.memory_space<semaphore_mem>>) src(%dma_wait3A_620 : memref<16x128xf32, #tpu.memory_space<hbm>>) dst(%dma_wait3A_617 : memref<16x128xf32, #tpu.memory_space<vmem>>)
    %dma_wait3A_621 = arith.constant 0 : i32
    %dma_wait3A_622 = arith.constant 48 : i32
    %dma_wait3A_623 = arith.constant 0 : i32
    %dma_wait3A_624 = tpu.memref_slice %arg9[%dma_wait3A_621, %dma_wait3A_622, %dma_wait3A_623] : memref<2x80x128xf32, #tpu.memory_space<vmem>> -> memref<1x16x128xf32, #tpu.memory_space<vmem>>
    %dma_wait3A_625 = tpu.memref_squeeze %dma_wait3A_624 : memref<1x16x128xf32, #tpu.memory_space<vmem>> -> memref<16x128xf32, #tpu.memory_space<vmem>>
    %dma_wait3A_626 = arith.constant 0 : i32
    %dma_wait3A_627 = arith.constant 0 : i32
    %dma_wait3A_628 = tpu.memref_slice %arg2[%dma_wait3A_626, %dma_wait3A_627] : memref<10000x128xf32, #tpu.memory_space<hbm>> -> memref<16x128xf32, #tpu.memory_space<hbm>>
    %dma_wait3A_629 = arith.constant 48 : i32
    %dma_wait3A_630 = arith.constant 0 : i32
    %dma_wait3A_631 = tpu.memref_slice %arg9[%dma_wait3A_621, %dma_wait3A_629, %dma_wait3A_630] : memref<2x80x128xf32, #tpu.memory_space<vmem>> -> memref<1x16x128xf32, #tpu.memory_space<vmem>>
    %dma_wait3A_632 = tpu.memref_squeeze %dma_wait3A_631 : memref<1x16x128xf32, #tpu.memory_space<vmem>> -> memref<16x128xf32, #tpu.memory_space<vmem>>
    %dma_wait3A_633 = arith.constant 0 : i32
    %dma_wait3A_634 = arith.constant 0 : i32
    %dma_wait3A_635 = tpu.memref_slice %arg2[%dma_wait3A_633, %dma_wait3A_634] : memref<10000x128xf32, #tpu.memory_space<hbm>> -> memref<16x128xf32, #tpu.memory_space<hbm>>
    tpu.wait_dma2 semaphore(%arg14 : memref<!tpu.dma_semaphore, #tpu.memory_space<semaphore_mem>>) src(%dma_wait3A_635 : memref<16x128xf32, #tpu.memory_space<hbm>>) dst(%dma_wait3A_632 : memref<16x128xf32, #tpu.memory_space<vmem>>)
    %dma_wait3A_636 = arith.constant 0 : i32
    %dma_wait3A_637 = arith.constant 64 : i32
    %dma_wait3A_638 = arith.constant 0 : i32
    %dma_wait3A_639 = tpu.memref_slice %arg8[%dma_wait3A_636, %dma_wait3A_637, %dma_wait3A_638] : memref<2x80x128xf32, #tpu.memory_space<vmem>> -> memref<1x16x128xf32, #tpu.memory_space<vmem>>
    %dma_wait3A_640 = tpu.memref_squeeze %dma_wait3A_639 : memref<1x16x128xf32, #tpu.memory_space<vmem>> -> memref<16x128xf32, #tpu.memory_space<vmem>>
    %dma_wait3A_641 = arith.constant 0 : i32
    %dma_wait3A_642 = arith.constant 0 : i32
    %dma_wait3A_643 = tpu.memref_slice %arg2[%dma_wait3A_641, %dma_wait3A_642] : memref<10000x128xf32, #tpu.memory_space<hbm>> -> memref<16x128xf32, #tpu.memory_space<hbm>>
    %dma_wait3A_644 = arith.constant 64 : i32
    %dma_wait3A_645 = arith.constant 0 : i32
    %dma_wait3A_646 = tpu.memref_slice %arg8[%dma_wait3A_636, %dma_wait3A_644, %dma_wait3A_645] : memref<2x80x128xf32, #tpu.memory_space<vmem>> -> memref<1x16x128xf32, #tpu.memory_space<vmem>>
    %dma_wait3A_647 = tpu.memref_squeeze %dma_wait3A_646 : memref<1x16x128xf32, #tpu.memory_space<vmem>> -> memref<16x128xf32, #tpu.memory_space<vmem>>
    %dma_wait3A_648 = arith.constant 0 : i32
    %dma_wait3A_649 = arith.constant 0 : i32
    %dma_wait3A_650 = tpu.memref_slice %arg2[%dma_wait3A_648, %dma_wait3A_649] : memref<10000x128xf32, #tpu.memory_space<hbm>> -> memref<16x128xf32, #tpu.memory_space<hbm>>
    tpu.wait_dma2 semaphore(%arg14 : memref<!tpu.dma_semaphore, #tpu.memory_space<semaphore_mem>>) src(%dma_wait3A_650 : memref<16x128xf32, #tpu.memory_space<hbm>>) dst(%dma_wait3A_647 : memref<16x128xf32, #tpu.memory_space<vmem>>)
    %dma_wait3A_651 = arith.constant 0 : i32
    %dma_wait3A_652 = arith.constant 64 : i32
    %dma_wait3A_653 = arith.constant 0 : i32
    %dma_wait3A_654 = tpu.memref_slice %arg9[%dma_wait3A_651, %dma_wait3A_652, %dma_wait3A_653] : memref<2x80x128xf32, #tpu.memory_space<vmem>> -> memref<1x16x128xf32, #tpu.memory_space<vmem>>
    %dma_wait3A_655 = tpu.memref_squeeze %dma_wait3A_654 : memref<1x16x128xf32, #tpu.memory_space<vmem>> -> memref<16x128xf32, #tpu.memory_space<vmem>>
    %dma_wait3A_656 = arith.constant 0 : i32
    %dma_wait3A_657 = arith.constant 0 : i32
    %dma_wait3A_658 = tpu.memref_slice %arg2[%dma_wait3A_656, %dma_wait3A_657] : memref<10000x128xf32, #tpu.memory_space<hbm>> -> memref<16x128xf32, #tpu.memory_space<hbm>>
    %dma_wait3A_659 = arith.constant 64 : i32
    %dma_wait3A_660 = arith.constant 0 : i32
    %dma_wait3A_661 = tpu.memref_slice %arg9[%dma_wait3A_651, %dma_wait3A_659, %dma_wait3A_660] : memref<2x80x128xf32, #tpu.memory_space<vmem>> -> memref<1x16x128xf32, #tpu.memory_space<vmem>>
    %dma_wait3A_662 = tpu.memref_squeeze %dma_wait3A_661 : memref<1x16x128xf32, #tpu.memory_space<vmem>> -> memref<16x128xf32, #tpu.memory_space<vmem>>
    %dma_wait3A_663 = arith.constant 0 : i32
    %dma_wait3A_664 = arith.constant 0 : i32
    %dma_wait3A_665 = tpu.memref_slice %arg2[%dma_wait3A_663, %dma_wait3A_664] : memref<10000x128xf32, #tpu.memory_space<hbm>> -> memref<16x128xf32, #tpu.memory_space<hbm>>
    tpu.wait_dma2 semaphore(%arg14 : memref<!tpu.dma_semaphore, #tpu.memory_space<semaphore_mem>>) src(%dma_wait3A_665 : memref<16x128xf32, #tpu.memory_space<hbm>>) dst(%dma_wait3A_662 : memref<16x128xf32, #tpu.memory_space<vmem>>)
    %dma_wait3A_666 = arith.constant 0 : i32
    %dma_wait3A_667 = arith.constant 0 : i32
    %dma_wait3A_668 = tpu.memref_slice %arg10[%dma_wait3A_666, %dma_wait3A_667] : memref<2x80xf32, #tpu.memory_space<vmem>> -> memref<1x80xf32, #tpu.memory_space<vmem>>
    %dma_wait3A_669 = tpu.memref_squeeze %dma_wait3A_668 : memref<1x80xf32, #tpu.memory_space<vmem>> -> memref<80xf32, #tpu.memory_space<vmem>>
    %dma_wait3A_670 = arith.constant 0 : i32
    %dma_wait3A_671 = tpu.memref_slice %arg5[%dma_wait3A_670] : memref<320000xf32, #tpu.memory_space<hbm>> -> memref<80xf32, #tpu.memory_space<hbm>>
    %dma_wait3A_672 = arith.constant 0 : i32
    %dma_wait3A_673 = tpu.memref_slice %arg5[%dma_wait3A_672] : memref<320000xf32, #tpu.memory_space<hbm>> -> memref<80xf32, #tpu.memory_space<hbm>>
    %dma_wait3A_674 = arith.constant 0 : i32
    %dma_wait3A_675 = tpu.memref_slice %arg10[%dma_wait3A_666, %dma_wait3A_674] : memref<2x80xf32, #tpu.memory_space<vmem>> -> memref<1x80xf32, #tpu.memory_space<vmem>>
    %dma_wait3A_676 = tpu.memref_squeeze %dma_wait3A_675 : memref<1x80xf32, #tpu.memory_space<vmem>> -> memref<80xf32, #tpu.memory_space<vmem>>
    tpu.wait_dma2 semaphore(%arg16 : memref<!tpu.dma_semaphore, #tpu.memory_space<semaphore_mem>>) src(%dma_wait3A_676 : memref<80xf32, #tpu.memory_space<vmem>>) dst(%dma_wait3A_673 : memref<80xf32, #tpu.memory_space<hbm>>)
    %iota3A = tpu.iota {dimensions = array<i32: 0>} : vector<16xi32>
    %scan3A_677 = arith.constant 0 : i32
    %scan3A_678 = arith.constant 0 : i32
    %scan3A_679 = arith.constant 0 : i32
    %scan3A_680 = arith.constant 0 : i32
    %scan3A_681 = arith.constant 0 : i32
    %scan3A_682 = arith.constant 5 : i32
    %scan3A_683 = arith.addi %scan3A_681, %scan3A_682 : i32
    %scan3A_684 = arith.constant 1 : i32
    scf.for %scan3A_722 = %scan3A_681 to %scan3A_683 step %scan3A_684  : i32 {
      %broadcast_in_dim3A = arith.constant 0.000000e+00 : f32
      %broadcast_in_dim3A_723 = vector.broadcast %broadcast_in_dim3A : f32 to vector<16xf32>
      %scan3A_724 = arith.constant 0 : i32
      %scan3A_725 = arith.constant 16 : i32
      %scan3A_726 = arith.addi %scan3A_724, %scan3A_725 : i32
      %scan3A_727 = arith.constant 4 : i32
      %scan3A_728 = scf.for %scan3A_737 = %scan3A_724 to %scan3A_726 step %scan3A_727 iter_args(%scan3A_738 = %broadcast_in_dim3A_723) -> (vector<16xf32>)  : i32 {
        %mul3A_739 = arith.constant 16 : i32
        %mul3A_740 = arith.muli %scan3A_722, %mul3A_739 : i32
        %add3A_741 = arith.addi %mul3A_740, %scan3A_737 : i32
        %broadcast_in_dim3A_742 = arith.constant 0.000000e+00 : f32
        %broadcast_in_dim3A_743 = vector.broadcast %broadcast_in_dim3A_742 : f32 to vector<16xf32>
        %broadcast_in_dim3A_744 = arith.constant 0.000000e+00 : f32
        %broadcast_in_dim3A_745 = vector.broadcast %broadcast_in_dim3A_744 : f32 to vector<16xf32>
        %get3A = arith.constant 0 : i32
        %get3A_746 = arith.constant 0 : i32
        %get3A_747 = tpu.memref_slice %arg8[%scan3A_678, %get3A, %get3A_746] : memref<2x80x128xf32, #tpu.memory_space<vmem>> -> memref<1x80x128xf32, #tpu.memory_space<vmem>>
        %get3A_748 = tpu.memref_squeeze %get3A_747 : memref<1x80x128xf32, #tpu.memory_space<vmem>> -> memref<80x128xf32, #tpu.memory_space<vmem>>
        %get3A_749 = arith.index_cast %add3A_741 : i32 to index
        %get3A_750 = arith.constant 0 : index
        %get3A_751 = tpu.vector_load %get3A_748[%get3A_749, %get3A_750] {strides = array<i32>} : memref<80x128xf32, #tpu.memory_space<vmem>>, vector<16xf32>,
        %get3A_752 = arith.constant 0 : i32
        %get3A_753 = arith.constant 0 : i32
        %get3A_754 = tpu.memref_slice %arg9[%scan3A_679, %get3A_752, %get3A_753] : memref<2x80x128xf32, #tpu.memory_space<vmem>> -> memref<1x80x128xf32, #tpu.memory_space<vmem>>
        %get3A_755 = tpu.memref_squeeze %get3A_754 : memref<1x80x128xf32, #tpu.memory_space<vmem>> -> memref<80x128xf32, #tpu.memory_space<vmem>>
        %get3A_756 = arith.index_cast %add3A_741 : i32 to index
        %get3A_757 = arith.constant 0 : index
        %get3A_758 = tpu.vector_load %get3A_755[%get3A_756, %get3A_757] {strides = array<i32>} : memref<80x128xf32, #tpu.memory_space<vmem>>, vector<16xf32>,
        %mul3A_759 = arith.mulf %get3A_751, %get3A_758 : vector<16xf32>
        %add3A_760 = arith.addf %broadcast_in_dim3A_743, %mul3A_759 : vector<16xf32>
        %get3A_761 = arith.constant 0 : i32
        %get3A_762 = arith.constant 0 : i32
        %get3A_763 = tpu.memref_slice %arg8[%scan3A_678, %get3A_761, %get3A_762] : memref<2x80x128xf32, #tpu.memory_space<vmem>> -> memref<1x80x128xf32, #tpu.memory_space<vmem>>
        %get3A_764 = tpu.memref_squeeze %get3A_763 : memref<1x80x128xf32, #tpu.memory_space<vmem>> -> memref<80x128xf32, #tpu.memory_space<vmem>>
        %get3A_765 = arith.index_cast %add3A_741 : i32 to index
        %get3A_766 = arith.constant 16 : index
        %get3A_767 = tpu.vector_load %get3A_764[%get3A_765, %get3A_766] {strides = array<i32>} : memref<80x128xf32, #tpu.memory_space<vmem>>, vector<16xf32>,
        %get3A_768 = arith.constant 0 : i32
        %get3A_769 = arith.constant 0 : i32
        %get3A_770 = tpu.memref_slice %arg9[%scan3A_679, %get3A_768, %get3A_769] : memref<2x80x128xf32, #tpu.memory_space<vmem>> -> memref<1x80x128xf32, #tpu.memory_space<vmem>>
        %get3A_771 = tpu.memref_squeeze %get3A_770 : memref<1x80x128xf32, #tpu.memory_space<vmem>> -> memref<80x128xf32, #tpu.memory_space<vmem>>
        %get3A_772 = arith.index_cast %add3A_741 : i32 to index
        %get3A_773 = arith.constant 16 : index
        %get3A_774 = tpu.vector_load %get3A_771[%get3A_772, %get3A_773] {strides = array<i32>} : memref<80x128xf32, #tpu.memory_space<vmem>>, vector<16xf32>,
        %mul3A_775 = arith.mulf %get3A_767, %get3A_774 : vector<16xf32>
        %add3A_776 = arith.addf %broadcast_in_dim3A_745, %mul3A_775 : vector<16xf32>
        %get3A_777 = arith.constant 0 : i32
        %get3A_778 = arith.constant 0 : i32
        %get3A_779 = tpu.memref_slice %arg8[%scan3A_678, %get3A_777, %get3A_778] : memref<2x80x128xf32, #tpu.memory_space<vmem>> -> memref<1x80x128xf32, #tpu.memory_space<vmem>>
        %get3A_780 = tpu.memref_squeeze %get3A_779 : memref<1x80x128xf32, #tpu.memory_space<vmem>> -> memref<80x128xf32, #tpu.memory_space<vmem>>
        %get3A_781 = arith.index_cast %add3A_741 : i32 to index
        %get3A_782 = arith.constant 32 : index
        %get3A_783 = tpu.vector_load %get3A_780[%get3A_781, %get3A_782] {strides = array<i32>} : memref<80x128xf32, #tpu.memory_space<vmem>>, vector<16xf32>,
        %get3A_784 = arith.constant 0 : i32
        %get3A_785 = arith.constant 0 : i32
        %get3A_786 = tpu.memref_slice %arg9[%scan3A_679, %get3A_784, %get3A_785] : memref<2x80x128xf32, #tpu.memory_space<vmem>> -> memref<1x80x128xf32, #tpu.memory_space<vmem>>
        %get3A_787 = tpu.memref_squeeze %get3A_786 : memref<1x80x128xf32, #tpu.memory_space<vmem>> -> memref<80x128xf32, #tpu.memory_space<vmem>>
        %get3A_788 = arith.index_cast %add3A_741 : i32 to index
        %get3A_789 = arith.constant 32 : index
        %get3A_790 = tpu.vector_load %get3A_787[%get3A_788, %get3A_789] {strides = array<i32>} : memref<80x128xf32, #tpu.memory_space<vmem>>, vector<16xf32>,
        %mul3A_791 = arith.mulf %get3A_783, %get3A_790 : vector<16xf32>
        %add3A_792 = arith.addf %add3A_760, %mul3A_791 : vector<16xf32>
        %get3A_793 = arith.constant 0 : i32
        %get3A_794 = arith.constant 0 : i32
        %get3A_795 = tpu.memref_slice %arg8[%scan3A_678, %get3A_793, %get3A_794] : memref<2x80x128xf32, #tpu.memory_space<vmem>> -> memref<1x80x128xf32, #tpu.memory_space<vmem>>
        %get3A_796 = tpu.memref_squeeze %get3A_795 : memref<1x80x128xf32, #tpu.memory_space<vmem>> -> memref<80x128xf32, #tpu.memory_space<vmem>>
        %get3A_797 = arith.index_cast %add3A_741 : i32 to index
        %get3A_798 = arith.constant 48 : index
        %get3A_799 = tpu.vector_load %get3A_796[%get3A_797, %get3A_798] {strides = array<i32>} : memref<80x128xf32, #tpu.memory_space<vmem>>, vector<16xf32>,
        %get3A_800 = arith.constant 0 : i32
        %get3A_801 = arith.constant 0 : i32
        %get3A_802 = tpu.memref_slice %arg9[%scan3A_679, %get3A_800, %get3A_801] : memref<2x80x128xf32, #tpu.memory_space<vmem>> -> memref<1x80x128xf32, #tpu.memory_space<vmem>>
        %get3A_803 = tpu.memref_squeeze %get3A_802 : memref<1x80x128xf32, #tpu.memory_space<vmem>> -> memref<80x128xf32, #tpu.memory_space<vmem>>
        %get3A_804 = arith.index_cast %add3A_741 : i32 to index
        %get3A_805 = arith.constant 48 : index
        %get3A_806 = tpu.vector_load %get3A_803[%get3A_804, %get3A_805] {strides = array<i32>} : memref<80x128xf32, #tpu.memory_space<vmem>>, vector<16xf32>,
        %mul3A_807 = arith.mulf %get3A_799, %get3A_806 : vector<16xf32>
        %add3A_808 = arith.addf %add3A_776, %mul3A_807 : vector<16xf32>
        %get3A_809 = arith.constant 0 : i32
        %get3A_810 = arith.constant 0 : i32
        %get3A_811 = tpu.memref_slice %arg8[%scan3A_678, %get3A_809, %get3A_810] : memref<2x80x128xf32, #tpu.memory_space<vmem>> -> memref<1x80x128xf32, #tpu.memory_space<vmem>>
        %get3A_812 = tpu.memref_squeeze %get3A_811 : memref<1x80x128xf32, #tpu.memory_space<vmem>> -> memref<80x128xf32, #tpu.memory_space<vmem>>
        %get3A_813 = arith.index_cast %add3A_741 : i32 to index
        %get3A_814 = arith.constant 64 : index
        %get3A_815 = tpu.vector_load %get3A_812[%get3A_813, %get3A_814] {strides = array<i32>} : memref<80x128xf32, #tpu.memory_space<vmem>>, vector<16xf32>,
        %get3A_816 = arith.constant 0 : i32
        %get3A_817 = arith.constant 0 : i32
        %get3A_818 = tpu.memref_slice %arg9[%scan3A_679, %get3A_816, %get3A_817] : memref<2x80x128xf32, #tpu.memory_space<vmem>> -> memref<1x80x128xf32, #tpu.memory_space<vmem>>
        %get3A_819 = tpu.memref_squeeze %get3A_818 : memref<1x80x128xf32, #tpu.memory_space<vmem>> -> memref<80x128xf32, #tpu.memory_space<vmem>>
        %get3A_820 = arith.index_cast %add3A_741 : i32 to index
        %get3A_821 = arith.constant 64 : index
        %get3A_822 = tpu.vector_load %get3A_819[%get3A_820, %get3A_821] {strides = array<i32>} : memref<80x128xf32, #tpu.memory_space<vmem>>, vector<16xf32>,
        %mul3A_823 = arith.mulf %get3A_815, %get3A_822 : vector<16xf32>
        %add3A_824 = arith.addf %add3A_792, %mul3A_823 : vector<16xf32>
        %get3A_825 = arith.constant 0 : i32
        %get3A_826 = arith.constant 0 : i32
        %get3A_827 = tpu.memref_slice %arg8[%scan3A_678, %get3A_825, %get3A_826] : memref<2x80x128xf32, #tpu.memory_space<vmem>> -> memref<1x80x128xf32, #tpu.memory_space<vmem>>
        %get3A_828 = tpu.memref_squeeze %get3A_827 : memref<1x80x128xf32, #tpu.memory_space<vmem>> -> memref<80x128xf32, #tpu.memory_space<vmem>>
        %get3A_829 = arith.index_cast %add3A_741 : i32 to index
        %get3A_830 = arith.constant 80 : index
        %get3A_831 = tpu.vector_load %get3A_828[%get3A_829, %get3A_830] {strides = array<i32>} : memref<80x128xf32, #tpu.memory_space<vmem>>, vector<16xf32>,
        %get3A_832 = arith.constant 0 : i32
        %get3A_833 = arith.constant 0 : i32
        %get3A_834 = tpu.memref_slice %arg9[%scan3A_679, %get3A_832, %get3A_833] : memref<2x80x128xf32, #tpu.memory_space<vmem>> -> memref<1x80x128xf32, #tpu.memory_space<vmem>>
        %get3A_835 = tpu.memref_squeeze %get3A_834 : memref<1x80x128xf32, #tpu.memory_space<vmem>> -> memref<80x128xf32, #tpu.memory_space<vmem>>
        %get3A_836 = arith.index_cast %add3A_741 : i32 to index
        %get3A_837 = arith.constant 80 : index
        %get3A_838 = tpu.vector_load %get3A_835[%get3A_836, %get3A_837] {strides = array<i32>} : memref<80x128xf32, #tpu.memory_space<vmem>>, vector<16xf32>,
        %mul3A_839 = arith.mulf %get3A_831, %get3A_838 : vector<16xf32>
        %add3A_840 = arith.addf %add3A_808, %mul3A_839 : vector<16xf32>
        %get3A_841 = arith.constant 0 : i32
        %get3A_842 = arith.constant 0 : i32
        %get3A_843 = tpu.memref_slice %arg8[%scan3A_678, %get3A_841, %get3A_842] : memref<2x80x128xf32, #tpu.memory_space<vmem>> -> memref<1x80x128xf32, #tpu.memory_space<vmem>>
        %get3A_844 = tpu.memref_squeeze %get3A_843 : memref<1x80x128xf32, #tpu.memory_space<vmem>> -> memref<80x128xf32, #tpu.memory_space<vmem>>
        %get3A_845 = arith.index_cast %add3A_741 : i32 to index
        %get3A_846 = arith.constant 96 : index
        %get3A_847 = tpu.vector_load %get3A_844[%get3A_845, %get3A_846] {strides = array<i32>} : memref<80x128xf32, #tpu.memory_space<vmem>>, vector<16xf32>,
        %get3A_848 = arith.constant 0 : i32
        %get3A_849 = arith.constant 0 : i32
        %get3A_850 = tpu.memref_slice %arg9[%scan3A_679, %get3A_848, %get3A_849] : memref<2x80x128xf32, #tpu.memory_space<vmem>> -> memref<1x80x128xf32, #tpu.memory_space<vmem>>
        %get3A_851 = tpu.memref_squeeze %get3A_850 : memref<1x80x128xf32, #tpu.memory_space<vmem>> -> memref<80x128xf32, #tpu.memory_space<vmem>>
        %get3A_852 = arith.index_cast %add3A_741 : i32 to index
        %get3A_853 = arith.constant 96 : index
        %get3A_854 = tpu.vector_load %get3A_851[%get3A_852, %get3A_853] {strides = array<i32>} : memref<80x128xf32, #tpu.memory_space<vmem>>, vector<16xf32>,
        %mul3A_855 = arith.mulf %get3A_847, %get3A_854 : vector<16xf32>
        %add3A_856 = arith.addf %add3A_824, %mul3A_855 : vector<16xf32>
        %get3A_857 = arith.constant 0 : i32
        %get3A_858 = arith.constant 0 : i32
        %get3A_859 = tpu.memref_slice %arg8[%scan3A_678, %get3A_857, %get3A_858] : memref<2x80x128xf32, #tpu.memory_space<vmem>> -> memref<1x80x128xf32, #tpu.memory_space<vmem>>
        %get3A_860 = tpu.memref_squeeze %get3A_859 : memref<1x80x128xf32, #tpu.memory_space<vmem>> -> memref<80x128xf32, #tpu.memory_space<vmem>>
        %get3A_861 = arith.index_cast %add3A_741 : i32 to index
        %get3A_862 = arith.constant 112 : index
        %get3A_863 = tpu.vector_load %get3A_860[%get3A_861, %get3A_862] {strides = array<i32>} : memref<80x128xf32, #tpu.memory_space<vmem>>, vector<16xf32>,
        %get3A_864 = arith.constant 0 : i32
        %get3A_865 = arith.constant 0 : i32
        %get3A_866 = tpu.memref_slice %arg9[%scan3A_679, %get3A_864, %get3A_865] : memref<2x80x128xf32, #tpu.memory_space<vmem>> -> memref<1x80x128xf32, #tpu.memory_space<vmem>>
        %get3A_867 = tpu.memref_squeeze %get3A_866 : memref<1x80x128xf32, #tpu.memory_space<vmem>> -> memref<80x128xf32, #tpu.memory_space<vmem>>
        %get3A_868 = arith.index_cast %add3A_741 : i32 to index
        %get3A_869 = arith.constant 112 : index
        %get3A_870 = tpu.vector_load %get3A_867[%get3A_868, %get3A_869] {strides = array<i32>} : memref<80x128xf32, #tpu.memory_space<vmem>>, vector<16xf32>,
        %mul3A_871 = arith.mulf %get3A_863, %get3A_870 : vector<16xf32>
        %add3A_872 = arith.addf %add3A_840, %mul3A_871 : vector<16xf32>
        %eq3A_873 = vector.broadcast %scan3A_737 : i32 to vector<16xi32>
        %eq3A_874 = arith.cmpi eq, %iota3A, %eq3A_873 : vector<16xi32>
        %add3A_875 = arith.addf %add3A_856, %add3A_872 : vector<16xf32>
        %reduce_sum3A = arith.constant true
        %reduce_sum3A_876 = vector.broadcast %reduce_sum3A : i1 to vector<16xi1>
        %reduce_sum3A_877 = tpu.scan <sum>, %add3A_875 masked %reduce_sum3A_876 : vector<16xf32>, vector<16xi1> -> vector<16xf32>
        %reduce_sum3A_878 = vector.extract %reduce_sum3A_877[15] : f32 from vector<16xf32>
        %broadcast_in_dim3A_879 = vector.broadcast %reduce_sum3A_878 : f32 to vector<16xf32>
        %select_n3A = arith.select %eq3A_874, %broadcast_in_dim3A_879, %scan3A_738 : vector<16xi1>, vector<16xf32>
        %scan3A_880 = arith.constant 1 : i32
        %scan3A_881 = arith.addi %scan3A_737, %scan3A_880 : i32
        %mul3A_882 = arith.constant 16 : i32
        %mul3A_883 = arith.muli %scan3A_722, %mul3A_882 : i32
        %add3A_884 = arith.addi %mul3A_883, %scan3A_881 : i32
        %broadcast_in_dim3A_885 = arith.constant 0.000000e+00 : f32
        %broadcast_in_dim3A_886 = vector.broadcast %broadcast_in_dim3A_885 : f32 to vector<16xf32>
        %broadcast_in_dim3A_887 = arith.constant 0.000000e+00 : f32
        %broadcast_in_dim3A_888 = vector.broadcast %broadcast_in_dim3A_887 : f32 to vector<16xf32>
        %get3A_889 = arith.constant 0 : i32
        %get3A_890 = arith.constant 0 : i32
        %get3A_891 = tpu.memref_slice %arg8[%scan3A_678, %get3A_889, %get3A_890] : memref<2x80x128xf32, #tpu.memory_space<vmem>> -> memref<1x80x128xf32, #tpu.memory_space<vmem>>
        %get3A_892 = tpu.memref_squeeze %get3A_891 : memref<1x80x128xf32, #tpu.memory_space<vmem>> -> memref<80x128xf32, #tpu.memory_space<vmem>>
        %get3A_893 = arith.index_cast %add3A_884 : i32 to index
        %get3A_894 = arith.constant 0 : index
        %get3A_895 = tpu.vector_load %get3A_892[%get3A_893, %get3A_894] {strides = array<i32>} : memref<80x128xf32, #tpu.memory_space<vmem>>, vector<16xf32>,
        %get3A_896 = arith.constant 0 : i32
        %get3A_897 = arith.constant 0 : i32
        %get3A_898 = tpu.memref_slice %arg9[%scan3A_679, %get3A_896, %get3A_897] : memref<2x80x128xf32, #tpu.memory_space<vmem>> -> memref<1x80x128xf32, #tpu.memory_space<vmem>>
        %get3A_899 = tpu.memref_squeeze %get3A_898 : memref<1x80x128xf32, #tpu.memory_space<vmem>> -> memref<80x128xf32, #tpu.memory_space<vmem>>
        %get3A_900 = arith.index_cast %add3A_884 : i32 to index
        %get3A_901 = arith.constant 0 : index
        %get3A_902 = tpu.vector_load %get3A_899[%get3A_900, %get3A_901] {strides = array<i32>} : memref<80x128xf32, #tpu.memory_space<vmem>>, vector<16xf32>,
        %mul3A_903 = arith.mulf %get3A_895, %get3A_902 : vector<16xf32>
        %add3A_904 = arith.addf %broadcast_in_dim3A_886, %mul3A_903 : vector<16xf32>
        %get3A_905 = arith.constant 0 : i32
        %get3A_906 = arith.constant 0 : i32
        %get3A_907 = tpu.memref_slice %arg8[%scan3A_678, %get3A_905, %get3A_906] : memref<2x80x128xf32, #tpu.memory_space<vmem>> -> memref<1x80x128xf32, #tpu.memory_space<vmem>>
        %get3A_908 = tpu.memref_squeeze %get3A_907 : memref<1x80x128xf32, #tpu.memory_space<vmem>> -> memref<80x128xf32, #tpu.memory_space<vmem>>
        %get3A_909 = arith.index_cast %add3A_884 : i32 to index
        %get3A_910 = arith.constant 16 : index
        %get3A_911 = tpu.vector_load %get3A_908[%get3A_909, %get3A_910] {strides = array<i32>} : memref<80x128xf32, #tpu.memory_space<vmem>>, vector<16xf32>,
        %get3A_912 = arith.constant 0 : i32
        %get3A_913 = arith.constant 0 : i32
        %get3A_914 = tpu.memref_slice %arg9[%scan3A_679, %get3A_912, %get3A_913] : memref<2x80x128xf32, #tpu.memory_space<vmem>> -> memref<1x80x128xf32, #tpu.memory_space<vmem>>
        %get3A_915 = tpu.memref_squeeze %get3A_914 : memref<1x80x128xf32, #tpu.memory_space<vmem>> -> memref<80x128xf32, #tpu.memory_space<vmem>>
        %get3A_916 = arith.index_cast %add3A_884 : i32 to index
        %get3A_917 = arith.constant 16 : index
        %get3A_918 = tpu.vector_load %get3A_915[%get3A_916, %get3A_917] {strides = array<i32>} : memref<80x128xf32, #tpu.memory_space<vmem>>, vector<16xf32>,
        %mul3A_919 = arith.mulf %get3A_911, %get3A_918 : vector<16xf32>
        %add3A_920 = arith.addf %broadcast_in_dim3A_888, %mul3A_919 : vector<16xf32>
        %get3A_921 = arith.constant 0 : i32
        %get3A_922 = arith.constant 0 : i32
        %get3A_923 = tpu.memref_slice %arg8[%scan3A_678, %get3A_921, %get3A_922] : memref<2x80x128xf32, #tpu.memory_space<vmem>> -> memref<1x80x128xf32, #tpu.memory_space<vmem>>
        %get3A_924 = tpu.memref_squeeze %get3A_923 : memref<1x80x128xf32, #tpu.memory_space<vmem>> -> memref<80x128xf32, #tpu.memory_space<vmem>>
        %get3A_925 = arith.index_cast %add3A_884 : i32 to index
        %get3A_926 = arith.constant 32 : index
        %get3A_927 = tpu.vector_load %get3A_924[%get3A_925, %get3A_926] {strides = array<i32>} : memref<80x128xf32, #tpu.memory_space<vmem>>, vector<16xf32>,
        %get3A_928 = arith.constant 0 : i32
        %get3A_929 = arith.constant 0 : i32
        %get3A_930 = tpu.memref_slice %arg9[%scan3A_679, %get3A_928, %get3A_929] : memref<2x80x128xf32, #tpu.memory_space<vmem>> -> memref<1x80x128xf32, #tpu.memory_space<vmem>>
        %get3A_931 = tpu.memref_squeeze %get3A_930 : memref<1x80x128xf32, #tpu.memory_space<vmem>> -> memref<80x128xf32, #tpu.memory_space<vmem>>
        %get3A_932 = arith.index_cast %add3A_884 : i32 to index
        %get3A_933 = arith.constant 32 : index
        %get3A_934 = tpu.vector_load %get3A_931[%get3A_932, %get3A_933] {strides = array<i32>} : memref<80x128xf32, #tpu.memory_space<vmem>>, vector<16xf32>,
        %mul3A_935 = arith.mulf %get3A_927, %get3A_934 : vector<16xf32>
        %add3A_936 = arith.addf %add3A_904, %mul3A_935 : vector<16xf32>
        %get3A_937 = arith.constant 0 : i32
        %get3A_938 = arith.constant 0 : i32
        %get3A_939 = tpu.memref_slice %arg8[%scan3A_678, %get3A_937, %get3A_938] : memref<2x80x128xf32, #tpu.memory_space<vmem>> -> memref<1x80x128xf32, #tpu.memory_space<vmem>>
        %get3A_940 = tpu.memref_squeeze %get3A_939 : memref<1x80x128xf32, #tpu.memory_space<vmem>> -> memref<80x128xf32, #tpu.memory_space<vmem>>
        %get3A_941 = arith.index_cast %add3A_884 : i32 to index
        %get3A_942 = arith.constant 48 : index
        %get3A_943 = tpu.vector_load %get3A_940[%get3A_941, %get3A_942] {strides = array<i32>} : memref<80x128xf32, #tpu.memory_space<vmem>>, vector<16xf32>,
        %get3A_944 = arith.constant 0 : i32
        %get3A_945 = arith.constant 0 : i32
        %get3A_946 = tpu.memref_slice %arg9[%scan3A_679, %get3A_944, %get3A_945] : memref<2x80x128xf32, #tpu.memory_space<vmem>> -> memref<1x80x128xf32, #tpu.memory_space<vmem>>
        %get3A_947 = tpu.memref_squeeze %get3A_946 : memref<1x80x128xf32, #tpu.memory_space<vmem>> -> memref<80x128xf32, #tpu.memory_space<vmem>>
        %get3A_948 = arith.index_cast %add3A_884 : i32 to index
        %get3A_949 = arith.constant 48 : index
        %get3A_950 = tpu.vector_load %get3A_947[%get3A_948, %get3A_949] {strides = array<i32>} : memref<80x128xf32, #tpu.memory_space<vmem>>, vector<16xf32>,
        %mul3A_951 = arith.mulf %get3A_943, %get3A_950 : vector<16xf32>
        %add3A_952 = arith.addf %add3A_920, %mul3A_951 : vector<16xf32>
        %get3A_953 = arith.constant 0 : i32
        %get3A_954 = arith.constant 0 : i32
        %get3A_955 = tpu.memref_slice %arg8[%scan3A_678, %get3A_953, %get3A_954] : memref<2x80x128xf32, #tpu.memory_space<vmem>> -> memref<1x80x128xf32, #tpu.memory_space<vmem>>
        %get3A_956 = tpu.memref_squeeze %get3A_955 : memref<1x80x128xf32, #tpu.memory_space<vmem>> -> memref<80x128xf32, #tpu.memory_space<vmem>>
        %get3A_957 = arith.index_cast %add3A_884 : i32 to index
        %get3A_958 = arith.constant 64 : index
        %get3A_959 = tpu.vector_load %get3A_956[%get3A_957, %get3A_958] {strides = array<i32>} : memref<80x128xf32, #tpu.memory_space<vmem>>, vector<16xf32>,
        %get3A_960 = arith.constant 0 : i32
        %get3A_961 = arith.constant 0 : i32
        %get3A_962 = tpu.memref_slice %arg9[%scan3A_679, %get3A_960, %get3A_961] : memref<2x80x128xf32, #tpu.memory_space<vmem>> -> memref<1x80x128xf32, #tpu.memory_space<vmem>>
        %get3A_963 = tpu.memref_squeeze %get3A_962 : memref<1x80x128xf32, #tpu.memory_space<vmem>> -> memref<80x128xf32, #tpu.memory_space<vmem>>
        %get3A_964 = arith.index_cast %add3A_884 : i32 to index
        %get3A_965 = arith.constant 64 : index
        %get3A_966 = tpu.vector_load %get3A_963[%get3A_964, %get3A_965] {strides = array<i32>} : memref<80x128xf32, #tpu.memory_space<vmem>>, vector<16xf32>,
        %mul3A_967 = arith.mulf %get3A_959, %get3A_966 : vector<16xf32>
        %add3A_968 = arith.addf %add3A_936, %mul3A_967 : vector<16xf32>
        %get3A_969 = arith.constant 0 : i32
        %get3A_970 = arith.constant 0 : i32
        %get3A_971 = tpu.memref_slice %arg8[%scan3A_678, %get3A_969, %get3A_970] : memref<2x80x128xf32, #tpu.memory_space<vmem>> -> memref<1x80x128xf32, #tpu.memory_space<vmem>>
        %get3A_972 = tpu.memref_squeeze %get3A_971 : memref<1x80x128xf32, #tpu.memory_space<vmem>> -> memref<80x128xf32, #tpu.memory_space<vmem>>
        %get3A_973 = arith.index_cast %add3A_884 : i32 to index
        %get3A_974 = arith.constant 80 : index
        %get3A_975 = tpu.vector_load %get3A_972[%get3A_973, %get3A_974] {strides = array<i32>} : memref<80x128xf32, #tpu.memory_space<vmem>>, vector<16xf32>,
        %get3A_976 = arith.constant 0 : i32
        %get3A_977 = arith.constant 0 : i32
        %get3A_978 = tpu.memref_slice %arg9[%scan3A_679, %get3A_976, %get3A_977] : memref<2x80x128xf32, #tpu.memory_space<vmem>> -> memref<1x80x128xf32, #tpu.memory_space<vmem>>
        %get3A_979 = tpu.memref_squeeze %get3A_978 : memref<1x80x128xf32, #tpu.memory_space<vmem>> -> memref<80x128xf32, #tpu.memory_space<vmem>>
        %get3A_980 = arith.index_cast %add3A_884 : i32 to index
        %get3A_981 = arith.constant 80 : index
        %get3A_982 = tpu.vector_load %get3A_979[%get3A_980, %get3A_981] {strides = array<i32>} : memref<80x128xf32, #tpu.memory_space<vmem>>, vector<16xf32>,
        %mul3A_983 = arith.mulf %get3A_975, %get3A_982 : vector<16xf32>
        %add3A_984 = arith.addf %add3A_952, %mul3A_983 : vector<16xf32>
        %get3A_985 = arith.constant 0 : i32
        %get3A_986 = arith.constant 0 : i32
        %get3A_987 = tpu.memref_slice %arg8[%scan3A_678, %get3A_985, %get3A_986] : memref<2x80x128xf32, #tpu.memory_space<vmem>> -> memref<1x80x128xf32, #tpu.memory_space<vmem>>
        %get3A_988 = tpu.memref_squeeze %get3A_987 : memref<1x80x128xf32, #tpu.memory_space<vmem>> -> memref<80x128xf32, #tpu.memory_space<vmem>>
        %get3A_989 = arith.index_cast %add3A_884 : i32 to index
        %get3A_990 = arith.constant 96 : index
        %get3A_991 = tpu.vector_load %get3A_988[%get3A_989, %get3A_990] {strides = array<i32>} : memref<80x128xf32, #tpu.memory_space<vmem>>, vector<16xf32>,
        %get3A_992 = arith.constant 0 : i32
        %get3A_993 = arith.constant 0 : i32
        %get3A_994 = tpu.memref_slice %arg9[%scan3A_679, %get3A_992, %get3A_993] : memref<2x80x128xf32, #tpu.memory_space<vmem>> -> memref<1x80x128xf32, #tpu.memory_space<vmem>>
        %get3A_995 = tpu.memref_squeeze %get3A_994 : memref<1x80x128xf32, #tpu.memory_space<vmem>> -> memref<80x128xf32, #tpu.memory_space<vmem>>
        %get3A_996 = arith.index_cast %add3A_884 : i32 to index
        %get3A_997 = arith.constant 96 : index
        %get3A_998 = tpu.vector_load %get3A_995[%get3A_996, %get3A_997] {strides = array<i32>} : memref<80x128xf32, #tpu.memory_space<vmem>>, vector<16xf32>,
        %mul3A_999 = arith.mulf %get3A_991, %get3A_998 : vector<16xf32>
        %add3A_1000 = arith.addf %add3A_968, %mul3A_999 : vector<16xf32>
        %get3A_1001 = arith.constant 0 : i32
        %get3A_1002 = arith.constant 0 : i32
        %get3A_1003 = tpu.memref_slice %arg8[%scan3A_678, %get3A_1001, %get3A_1002] : memref<2x80x128xf32, #tpu.memory_space<vmem>> -> memref<1x80x128xf32, #tpu.memory_space<vmem>>
        %get3A_1004 = tpu.memref_squeeze %get3A_1003 : memref<1x80x128xf32, #tpu.memory_space<vmem>> -> memref<80x128xf32, #tpu.memory_space<vmem>>
        %get3A_1005 = arith.index_cast %add3A_884 : i32 to index
        %get3A_1006 = arith.constant 112 : index
        %get3A_1007 = tpu.vector_load %get3A_1004[%get3A_1005, %get3A_1006] {strides = array<i32>} : memref<80x128xf32, #tpu.memory_space<vmem>>, vector<16xf32>,
        %get3A_1008 = arith.constant 0 : i32
        %get3A_1009 = arith.constant 0 : i32
        %get3A_1010 = tpu.memref_slice %arg9[%scan3A_679, %get3A_1008, %get3A_1009] : memref<2x80x128xf32, #tpu.memory_space<vmem>> -> memref<1x80x128xf32, #tpu.memory_space<vmem>>
        %get3A_1011 = tpu.memref_squeeze %get3A_1010 : memref<1x80x128xf32, #tpu.memory_space<vmem>> -> memref<80x128xf32, #tpu.memory_space<vmem>>
        %get3A_1012 = arith.index_cast %add3A_884 : i32 to index
        %get3A_1013 = arith.constant 112 : index
        %get3A_1014 = tpu.vector_load %get3A_1011[%get3A_1012, %get3A_1013] {strides = array<i32>} : memref<80x128xf32, #tpu.memory_space<vmem>>, vector<16xf32>,
        %mul3A_1015 = arith.mulf %get3A_1007, %get3A_1014 : vector<16xf32>
        %add3A_1016 = arith.addf %add3A_984, %mul3A_1015 : vector<16xf32>
        %eq3A_1017 = vector.broadcast %scan3A_881 : i32 to vector<16xi32>
        %eq3A_1018 = arith.cmpi eq, %iota3A, %eq3A_1017 : vector<16xi32>
        %add3A_1019 = arith.addf %add3A_1000, %add3A_1016 : vector<16xf32>
        %reduce_sum3A_1020 = arith.constant true
        %reduce_sum3A_1021 = vector.broadcast %reduce_sum3A_1020 : i1 to vector<16xi1>
        %reduce_sum3A_1022 = tpu.scan <sum>, %add3A_1019 masked %reduce_sum3A_1021 : vector<16xf32>, vector<16xi1> -> vector<16xf32>
        %reduce_sum3A_1023 = vector.extract %reduce_sum3A_1022[15] : f32 from vector<16xf32>
        %broadcast_in_dim3A_1024 = vector.broadcast %reduce_sum3A_1023 : f32 to vector<16xf32>
        %select_n3A_1025 = arith.select %eq3A_1018, %broadcast_in_dim3A_1024, %select_n3A : vector<16xi1>, vector<16xf32>
        %scan3A_1026 = arith.constant 2 : i32
        %scan3A_1027 = arith.addi %scan3A_737, %scan3A_1026 : i32
        %mul3A_1028 = arith.constant 16 : i32
        %mul3A_1029 = arith.muli %scan3A_722, %mul3A_1028 : i32
        %add3A_1030 = arith.addi %mul3A_1029, %scan3A_1027 : i32
        %broadcast_in_dim3A_1031 = arith.constant 0.000000e+00 : f32
        %broadcast_in_dim3A_1032 = vector.broadcast %broadcast_in_dim3A_1031 : f32 to vector<16xf32>
        %broadcast_in_dim3A_1033 = arith.constant 0.000000e+00 : f32
        %broadcast_in_dim3A_1034 = vector.broadcast %broadcast_in_dim3A_1033 : f32 to vector<16xf32>
        %get3A_1035 = arith.constant 0 : i32
        %get3A_1036 = arith.constant 0 : i32
        %get3A_1037 = tpu.memref_slice %arg8[%scan3A_678, %get3A_1035, %get3A_1036] : memref<2x80x128xf32, #tpu.memory_space<vmem>> -> memref<1x80x128xf32, #tpu.memory_space<vmem>>
        %get3A_1038 = tpu.memref_squeeze %get3A_1037 : memref<1x80x128xf32, #tpu.memory_space<vmem>> -> memref<80x128xf32, #tpu.memory_space<vmem>>
        %get3A_1039 = arith.index_cast %add3A_1030 : i32 to index
        %get3A_1040 = arith.constant 0 : index
        %get3A_1041 = tpu.vector_load %get3A_1038[%get3A_1039, %get3A_1040] {strides = array<i32>} : memref<80x128xf32, #tpu.memory_space<vmem>>, vector<16xf32>,
        %get3A_1042 = arith.constant 0 : i32
        %get3A_1043 = arith.constant 0 : i32
        %get3A_1044 = tpu.memref_slice %arg9[%scan3A_679, %get3A_1042, %get3A_1043] : memref<2x80x128xf32, #tpu.memory_space<vmem>> -> memref<1x80x128xf32, #tpu.memory_space<vmem>>
        %get3A_1045 = tpu.memref_squeeze %get3A_1044 : memref<1x80x128xf32, #tpu.memory_space<vmem>> -> memref<80x128xf32, #tpu.memory_space<vmem>>
        %get3A_1046 = arith.index_cast %add3A_1030 : i32 to index
        %get3A_1047 = arith.constant 0 : index
        %get3A_1048 = tpu.vector_load %get3A_1045[%get3A_1046, %get3A_1047] {strides = array<i32>} : memref<80x128xf32, #tpu.memory_space<vmem>>, vector<16xf32>,
        %mul3A_1049 = arith.mulf %get3A_1041, %get3A_1048 : vector<16xf32>
        %add3A_1050 = arith.addf %broadcast_in_dim3A_1032, %mul3A_1049 : vector<16xf32>
        %get3A_1051 = arith.constant 0 : i32
        %get3A_1052 = arith.constant 0 : i32
        %get3A_1053 = tpu.memref_slice %arg8[%scan3A_678, %get3A_1051, %get3A_1052] : memref<2x80x128xf32, #tpu.memory_space<vmem>> -> memref<1x80x128xf32, #tpu.memory_space<vmem>>
        %get3A_1054 = tpu.memref_squeeze %get3A_1053 : memref<1x80x128xf32, #tpu.memory_space<vmem>> -> memref<80x128xf32, #tpu.memory_space<vmem>>
        %get3A_1055 = arith.index_cast %add3A_1030 : i32 to index
        %get3A_1056 = arith.constant 16 : index
        %get3A_1057 = tpu.vector_load %get3A_1054[%get3A_1055, %get3A_1056] {strides = array<i32>} : memref<80x128xf32, #tpu.memory_space<vmem>>, vector<16xf32>,
        %get3A_1058 = arith.constant 0 : i32
        %get3A_1059 = arith.constant 0 : i32
        %get3A_1060 = tpu.memref_slice %arg9[%scan3A_679, %get3A_1058, %get3A_1059] : memref<2x80x128xf32, #tpu.memory_space<vmem>> -> memref<1x80x128xf32, #tpu.memory_space<vmem>>
        %get3A_1061 = tpu.memref_squeeze %get3A_1060 : memref<1x80x128xf32, #tpu.memory_space<vmem>> -> memref<80x128xf32, #tpu.memory_space<vmem>>
        %get3A_1062 = arith.index_cast %add3A_1030 : i32 to index
        %get3A_1063 = arith.constant 16 : index
        %get3A_1064 = tpu.vector_load %get3A_1061[%get3A_1062, %get3A_1063] {strides = array<i32>} : memref<80x128xf32, #tpu.memory_space<vmem>>, vector<16xf32>,
        %mul3A_1065 = arith.mulf %get3A_1057, %get3A_1064 : vector<16xf32>
        %add3A_1066 = arith.addf %broadcast_in_dim3A_1034, %mul3A_1065 : vector<16xf32>
        %get3A_1067 = arith.constant 0 : i32
        %get3A_1068 = arith.constant 0 : i32
        %get3A_1069 = tpu.memref_slice %arg8[%scan3A_678, %get3A_1067, %get3A_1068] : memref<2x80x128xf32, #tpu.memory_space<vmem>> -> memref<1x80x128xf32, #tpu.memory_space<vmem>>
        %get3A_1070 = tpu.memref_squeeze %get3A_1069 : memref<1x80x128xf32, #tpu.memory_space<vmem>> -> memref<80x128xf32, #tpu.memory_space<vmem>>
        %get3A_1071 = arith.index_cast %add3A_1030 : i32 to index
        %get3A_1072 = arith.constant 32 : index
        %get3A_1073 = tpu.vector_load %get3A_1070[%get3A_1071, %get3A_1072] {strides = array<i32>} : memref<80x128xf32, #tpu.memory_space<vmem>>, vector<16xf32>,
        %get3A_1074 = arith.constant 0 : i32
        %get3A_1075 = arith.constant 0 : i32
        %get3A_1076 = tpu.memref_slice %arg9[%scan3A_679, %get3A_1074, %get3A_1075] : memref<2x80x128xf32, #tpu.memory_space<vmem>> -> memref<1x80x128xf32, #tpu.memory_space<vmem>>
        %get3A_1077 = tpu.memref_squeeze %get3A_1076 : memref<1x80x128xf32, #tpu.memory_space<vmem>> -> memref<80x128xf32, #tpu.memory_space<vmem>>
        %get3A_1078 = arith.index_cast %add3A_1030 : i32 to index
        %get3A_1079 = arith.constant 32 : index
        %get3A_1080 = tpu.vector_load %get3A_1077[%get3A_1078, %get3A_1079] {strides = array<i32>} : memref<80x128xf32, #tpu.memory_space<vmem>>, vector<16xf32>,
        %mul3A_1081 = arith.mulf %get3A_1073, %get3A_1080 : vector<16xf32>
        %add3A_1082 = arith.addf %add3A_1050, %mul3A_1081 : vector<16xf32>
        %get3A_1083 = arith.constant 0 : i32
        %get3A_1084 = arith.constant 0 : i32
        %get3A_1085 = tpu.memref_slice %arg8[%scan3A_678, %get3A_1083, %get3A_1084] : memref<2x80x128xf32, #tpu.memory_space<vmem>> -> memref<1x80x128xf32, #tpu.memory_space<vmem>>
        %get3A_1086 = tpu.memref_squeeze %get3A_1085 : memref<1x80x128xf32, #tpu.memory_space<vmem>> -> memref<80x128xf32, #tpu.memory_space<vmem>>
        %get3A_1087 = arith.index_cast %add3A_1030 : i32 to index
        %get3A_1088 = arith.constant 48 : index
        %get3A_1089 = tpu.vector_load %get3A_1086[%get3A_1087, %get3A_1088] {strides = array<i32>} : memref<80x128xf32, #tpu.memory_space<vmem>>, vector<16xf32>,
        %get3A_1090 = arith.constant 0 : i32
        %get3A_1091 = arith.constant 0 : i32
        %get3A_1092 = tpu.memref_slice %arg9[%scan3A_679, %get3A_1090, %get3A_1091] : memref<2x80x128xf32, #tpu.memory_space<vmem>> -> memref<1x80x128xf32, #tpu.memory_space<vmem>>
        %get3A_1093 = tpu.memref_squeeze %get3A_1092 : memref<1x80x128xf32, #tpu.memory_space<vmem>> -> memref<80x128xf32, #tpu.memory_space<vmem>>
        %get3A_1094 = arith.index_cast %add3A_1030 : i32 to index
        %get3A_1095 = arith.constant 48 : index
        %get3A_1096 = tpu.vector_load %get3A_1093[%get3A_1094, %get3A_1095] {strides = array<i32>} : memref<80x128xf32, #tpu.memory_space<vmem>>, vector<16xf32>,
        %mul3A_1097 = arith.mulf %get3A_1089, %get3A_1096 : vector<16xf32>
        %add3A_1098 = arith.addf %add3A_1066, %mul3A_1097 : vector<16xf32>
        %get3A_1099 = arith.constant 0 : i32
        %get3A_1100 = arith.constant 0 : i32
        %get3A_1101 = tpu.memref_slice %arg8[%scan3A_678, %get3A_1099, %get3A_1100] : memref<2x80x128xf32, #tpu.memory_space<vmem>> -> memref<1x80x128xf32, #tpu.memory_space<vmem>>
        %get3A_1102 = tpu.memref_squeeze %get3A_1101 : memref<1x80x128xf32, #tpu.memory_space<vmem>> -> memref<80x128xf32, #tpu.memory_space<vmem>>
        %get3A_1103 = arith.index_cast %add3A_1030 : i32 to index
        %get3A_1104 = arith.constant 64 : index
        %get3A_1105 = tpu.vector_load %get3A_1102[%get3A_1103, %get3A_1104] {strides = array<i32>} : memref<80x128xf32, #tpu.memory_space<vmem>>, vector<16xf32>,
        %get3A_1106 = arith.constant 0 : i32
        %get3A_1107 = arith.constant 0 : i32
        %get3A_1108 = tpu.memref_slice %arg9[%scan3A_679, %get3A_1106, %get3A_1107] : memref<2x80x128xf32, #tpu.memory_space<vmem>> -> memref<1x80x128xf32, #tpu.memory_space<vmem>>
        %get3A_1109 = tpu.memref_squeeze %get3A_1108 : memref<1x80x128xf32, #tpu.memory_space<vmem>> -> memref<80x128xf32, #tpu.memory_space<vmem>>
        %get3A_1110 = arith.index_cast %add3A_1030 : i32 to index
        %get3A_1111 = arith.constant 64 : index
        %get3A_1112 = tpu.vector_load %get3A_1109[%get3A_1110, %get3A_1111] {strides = array<i32>} : memref<80x128xf32, #tpu.memory_space<vmem>>, vector<16xf32>,
        %mul3A_1113 = arith.mulf %get3A_1105, %get3A_1112 : vector<16xf32>
        %add3A_1114 = arith.addf %add3A_1082, %mul3A_1113 : vector<16xf32>
        %get3A_1115 = arith.constant 0 : i32
        %get3A_1116 = arith.constant 0 : i32
        %get3A_1117 = tpu.memref_slice %arg8[%scan3A_678, %get3A_1115, %get3A_1116] : memref<2x80x128xf32, #tpu.memory_space<vmem>> -> memref<1x80x128xf32, #tpu.memory_space<vmem>>
        %get3A_1118 = tpu.memref_squeeze %get3A_1117 : memref<1x80x128xf32, #tpu.memory_space<vmem>> -> memref<80x128xf32, #tpu.memory_space<vmem>>
        %get3A_1119 = arith.index_cast %add3A_1030 : i32 to index
        %get3A_1120 = arith.constant 80 : index
        %get3A_1121 = tpu.vector_load %get3A_1118[%get3A_1119, %get3A_1120] {strides = array<i32>} : memref<80x128xf32, #tpu.memory_space<vmem>>, vector<16xf32>,
        %get3A_1122 = arith.constant 0 : i32
        %get3A_1123 = arith.constant 0 : i32
        %get3A_1124 = tpu.memref_slice %arg9[%scan3A_679, %get3A_1122, %get3A_1123] : memref<2x80x128xf32, #tpu.memory_space<vmem>> -> memref<1x80x128xf32, #tpu.memory_space<vmem>>
        %get3A_1125 = tpu.memref_squeeze %get3A_1124 : memref<1x80x128xf32, #tpu.memory_space<vmem>> -> memref<80x128xf32, #tpu.memory_space<vmem>>
        %get3A_1126 = arith.index_cast %add3A_1030 : i32 to index
        %get3A_1127 = arith.constant 80 : index
        %get3A_1128 = tpu.vector_load %get3A_1125[%get3A_1126, %get3A_1127] {strides = array<i32>} : memref<80x128xf32, #tpu.memory_space<vmem>>, vector<16xf32>,
        %mul3A_1129 = arith.mulf %get3A_1121, %get3A_1128 : vector<16xf32>
        %add3A_1130 = arith.addf %add3A_1098, %mul3A_1129 : vector<16xf32>
        %get3A_1131 = arith.constant 0 : i32
        %get3A_1132 = arith.constant 0 : i32
        %get3A_1133 = tpu.memref_slice %arg8[%scan3A_678, %get3A_1131, %get3A_1132] : memref<2x80x128xf32, #tpu.memory_space<vmem>> -> memref<1x80x128xf32, #tpu.memory_space<vmem>>
        %get3A_1134 = tpu.memref_squeeze %get3A_1133 : memref<1x80x128xf32, #tpu.memory_space<vmem>> -> memref<80x128xf32, #tpu.memory_space<vmem>>
        %get3A_1135 = arith.index_cast %add3A_1030 : i32 to index
        %get3A_1136 = arith.constant 96 : index
        %get3A_1137 = tpu.vector_load %get3A_1134[%get3A_1135, %get3A_1136] {strides = array<i32>} : memref<80x128xf32, #tpu.memory_space<vmem>>, vector<16xf32>,
        %get3A_1138 = arith.constant 0 : i32
        %get3A_1139 = arith.constant 0 : i32
        %get3A_1140 = tpu.memref_slice %arg9[%scan3A_679, %get3A_1138, %get3A_1139] : memref<2x80x128xf32, #tpu.memory_space<vmem>> -> memref<1x80x128xf32, #tpu.memory_space<vmem>>
        %get3A_1141 = tpu.memref_squeeze %get3A_1140 : memref<1x80x128xf32, #tpu.memory_space<vmem>> -> memref<80x128xf32, #tpu.memory_space<vmem>>
        %get3A_1142 = arith.index_cast %add3A_1030 : i32 to index
        %get3A_1143 = arith.constant 96 : index
        %get3A_1144 = tpu.vector_load %get3A_1141[%get3A_1142, %get3A_1143] {strides = array<i32>} : memref<80x128xf32, #tpu.memory_space<vmem>>, vector<16xf32>,
        %mul3A_1145 = arith.mulf %get3A_1137, %get3A_1144 : vector<16xf32>
        %add3A_1146 = arith.addf %add3A_1114, %mul3A_1145 : vector<16xf32>
        %get3A_1147 = arith.constant 0 : i32
        %get3A_1148 = arith.constant 0 : i32
        %get3A_1149 = tpu.memref_slice %arg8[%scan3A_678, %get3A_1147, %get3A_1148] : memref<2x80x128xf32, #tpu.memory_space<vmem>> -> memref<1x80x128xf32, #tpu.memory_space<vmem>>
        %get3A_1150 = tpu.memref_squeeze %get3A_1149 : memref<1x80x128xf32, #tpu.memory_space<vmem>> -> memref<80x128xf32, #tpu.memory_space<vmem>>
        %get3A_1151 = arith.index_cast %add3A_1030 : i32 to index
        %get3A_1152 = arith.constant 112 : index
        %get3A_1153 = tpu.vector_load %get3A_1150[%get3A_1151, %get3A_1152] {strides = array<i32>} : memref<80x128xf32, #tpu.memory_space<vmem>>, vector<16xf32>,
        %get3A_1154 = arith.constant 0 : i32
        %get3A_1155 = arith.constant 0 : i32
        %get3A_1156 = tpu.memref_slice %arg9[%scan3A_679, %get3A_1154, %get3A_1155] : memref<2x80x128xf32, #tpu.memory_space<vmem>> -> memref<1x80x128xf32, #tpu.memory_space<vmem>>
        %get3A_1157 = tpu.memref_squeeze %get3A_1156 : memref<1x80x128xf32, #tpu.memory_space<vmem>> -> memref<80x128xf32, #tpu.memory_space<vmem>>
        %get3A_1158 = arith.index_cast %add3A_1030 : i32 to index
        %get3A_1159 = arith.constant 112 : index
        %get3A_1160 = tpu.vector_load %get3A_1157[%get3A_1158, %get3A_1159] {strides = array<i32>} : memref<80x128xf32, #tpu.memory_space<vmem>>, vector<16xf32>,
        %mul3A_1161 = arith.mulf %get3A_1153, %get3A_1160 : vector<16xf32>
        %add3A_1162 = arith.addf %add3A_1130, %mul3A_1161 : vector<16xf32>
        %eq3A_1163 = vector.broadcast %scan3A_1027 : i32 to vector<16xi32>
        %eq3A_1164 = arith.cmpi eq, %iota3A, %eq3A_1163 : vector<16xi32>
        %add3A_1165 = arith.addf %add3A_1146, %add3A_1162 : vector<16xf32>
        %reduce_sum3A_1166 = arith.constant true
        %reduce_sum3A_1167 = vector.broadcast %reduce_sum3A_1166 : i1 to vector<16xi1>
        %reduce_sum3A_1168 = tpu.scan <sum>, %add3A_1165 masked %reduce_sum3A_1167 : vector<16xf32>, vector<16xi1> -> vector<16xf32>
        %reduce_sum3A_1169 = vector.extract %reduce_sum3A_1168[15] : f32 from vector<16xf32>
        %broadcast_in_dim3A_1170 = vector.broadcast %reduce_sum3A_1169 : f32 to vector<16xf32>
        %select_n3A_1171 = arith.select %eq3A_1164, %broadcast_in_dim3A_1170, %select_n3A_1025 : vector<16xi1>, vector<16xf32>
        %scan3A_1172 = arith.constant 3 : i32
        %scan3A_1173 = arith.addi %scan3A_737, %scan3A_1172 : i32
        %mul3A_1174 = arith.constant 16 : i32
        %mul3A_1175 = arith.muli %scan3A_722, %mul3A_1174 : i32
        %add3A_1176 = arith.addi %mul3A_1175, %scan3A_1173 : i32
        %broadcast_in_dim3A_1177 = arith.constant 0.000000e+00 : f32
        %broadcast_in_dim3A_1178 = vector.broadcast %broadcast_in_dim3A_1177 : f32 to vector<16xf32>
        %broadcast_in_dim3A_1179 = arith.constant 0.000000e+00 : f32
        %broadcast_in_dim3A_1180 = vector.broadcast %broadcast_in_dim3A_1179 : f32 to vector<16xf32>
        %get3A_1181 = arith.constant 0 : i32
        %get3A_1182 = arith.constant 0 : i32
        %get3A_1183 = tpu.memref_slice %arg8[%scan3A_678, %get3A_1181, %get3A_1182] : memref<2x80x128xf32, #tpu.memory_space<vmem>> -> memref<1x80x128xf32, #tpu.memory_space<vmem>>
        %get3A_1184 = tpu.memref_squeeze %get3A_1183 : memref<1x80x128xf32, #tpu.memory_space<vmem>> -> memref<80x128xf32, #tpu.memory_space<vmem>>
        %get3A_1185 = arith.index_cast %add3A_1176 : i32 to index
        %get3A_1186 = arith.constant 0 : index
        %get3A_1187 = tpu.vector_load %get3A_1184[%get3A_1185, %get3A_1186] {strides = array<i32>} : memref<80x128xf32, #tpu.memory_space<vmem>>, vector<16xf32>,
        %get3A_1188 = arith.constant 0 : i32
        %get3A_1189 = arith.constant 0 : i32
        %get3A_1190 = tpu.memref_slice %arg9[%scan3A_679, %get3A_1188, %get3A_1189] : memref<2x80x128xf32, #tpu.memory_space<vmem>> -> memref<1x80x128xf32, #tpu.memory_space<vmem>>
        %get3A_1191 = tpu.memref_squeeze %get3A_1190 : memref<1x80x128xf32, #tpu.memory_space<vmem>> -> memref<80x128xf32, #tpu.memory_space<vmem>>
        %get3A_1192 = arith.index_cast %add3A_1176 : i32 to index
        %get3A_1193 = arith.constant 0 : index
        %get3A_1194 = tpu.vector_load %get3A_1191[%get3A_1192, %get3A_1193] {strides = array<i32>} : memref<80x128xf32, #tpu.memory_space<vmem>>, vector<16xf32>,
        %mul3A_1195 = arith.mulf %get3A_1187, %get3A_1194 : vector<16xf32>
        %add3A_1196 = arith.addf %broadcast_in_dim3A_1178, %mul3A_1195 : vector<16xf32>
        %get3A_1197 = arith.constant 0 : i32
        %get3A_1198 = arith.constant 0 : i32
        %get3A_1199 = tpu.memref_slice %arg8[%scan3A_678, %get3A_1197, %get3A_1198] : memref<2x80x128xf32, #tpu.memory_space<vmem>> -> memref<1x80x128xf32, #tpu.memory_space<vmem>>
        %get3A_1200 = tpu.memref_squeeze %get3A_1199 : memref<1x80x128xf32, #tpu.memory_space<vmem>> -> memref<80x128xf32, #tpu.memory_space<vmem>>
        %get3A_1201 = arith.index_cast %add3A_1176 : i32 to index
        %get3A_1202 = arith.constant 16 : index
        %get3A_1203 = tpu.vector_load %get3A_1200[%get3A_1201, %get3A_1202] {strides = array<i32>} : memref<80x128xf32, #tpu.memory_space<vmem>>, vector<16xf32>,
        %get3A_1204 = arith.constant 0 : i32
        %get3A_1205 = arith.constant 0 : i32
        %get3A_1206 = tpu.memref_slice %arg9[%scan3A_679, %get3A_1204, %get3A_1205] : memref<2x80x128xf32, #tpu.memory_space<vmem>> -> memref<1x80x128xf32, #tpu.memory_space<vmem>>
        %get3A_1207 = tpu.memref_squeeze %get3A_1206 : memref<1x80x128xf32, #tpu.memory_space<vmem>> -> memref<80x128xf32, #tpu.memory_space<vmem>>
        %get3A_1208 = arith.index_cast %add3A_1176 : i32 to index
        %get3A_1209 = arith.constant 16 : index
        %get3A_1210 = tpu.vector_load %get3A_1207[%get3A_1208, %get3A_1209] {strides = array<i32>} : memref<80x128xf32, #tpu.memory_space<vmem>>, vector<16xf32>,
        %mul3A_1211 = arith.mulf %get3A_1203, %get3A_1210 : vector<16xf32>
        %add3A_1212 = arith.addf %broadcast_in_dim3A_1180, %mul3A_1211 : vector<16xf32>
        %get3A_1213 = arith.constant 0 : i32
        %get3A_1214 = arith.constant 0 : i32
        %get3A_1215 = tpu.memref_slice %arg8[%scan3A_678, %get3A_1213, %get3A_1214] : memref<2x80x128xf32, #tpu.memory_space<vmem>> -> memref<1x80x128xf32, #tpu.memory_space<vmem>>
        %get3A_1216 = tpu.memref_squeeze %get3A_1215 : memref<1x80x128xf32, #tpu.memory_space<vmem>> -> memref<80x128xf32, #tpu.memory_space<vmem>>
        %get3A_1217 = arith.index_cast %add3A_1176 : i32 to index
        %get3A_1218 = arith.constant 32 : index
        %get3A_1219 = tpu.vector_load %get3A_1216[%get3A_1217, %get3A_1218] {strides = array<i32>} : memref<80x128xf32, #tpu.memory_space<vmem>>, vector<16xf32>,
        %get3A_1220 = arith.constant 0 : i32
        %get3A_1221 = arith.constant 0 : i32
        %get3A_1222 = tpu.memref_slice %arg9[%scan3A_679, %get3A_1220, %get3A_1221] : memref<2x80x128xf32, #tpu.memory_space<vmem>> -> memref<1x80x128xf32, #tpu.memory_space<vmem>>
        %get3A_1223 = tpu.memref_squeeze %get3A_1222 : memref<1x80x128xf32, #tpu.memory_space<vmem>> -> memref<80x128xf32, #tpu.memory_space<vmem>>
        %get3A_1224 = arith.index_cast %add3A_1176 : i32 to index
        %get3A_1225 = arith.constant 32 : index
        %get3A_1226 = tpu.vector_load %get3A_1223[%get3A_1224, %get3A_1225] {strides = array<i32>} : memref<80x128xf32, #tpu.memory_space<vmem>>, vector<16xf32>,
        %mul3A_1227 = arith.mulf %get3A_1219, %get3A_1226 : vector<16xf32>
        %add3A_1228 = arith.addf %add3A_1196, %mul3A_1227 : vector<16xf32>
        %get3A_1229 = arith.constant 0 : i32
        %get3A_1230 = arith.constant 0 : i32
        %get3A_1231 = tpu.memref_slice %arg8[%scan3A_678, %get3A_1229, %get3A_1230] : memref<2x80x128xf32, #tpu.memory_space<vmem>> -> memref<1x80x128xf32, #tpu.memory_space<vmem>>
        %get3A_1232 = tpu.memref_squeeze %get3A_1231 : memref<1x80x128xf32, #tpu.memory_space<vmem>> -> memref<80x128xf32, #tpu.memory_space<vmem>>
        %get3A_1233 = arith.index_cast %add3A_1176 : i32 to index
        %get3A_1234 = arith.constant 48 : index
        %get3A_1235 = tpu.vector_load %get3A_1232[%get3A_1233, %get3A_1234] {strides = array<i32>} : memref<80x128xf32, #tpu.memory_space<vmem>>, vector<16xf32>,
        %get3A_1236 = arith.constant 0 : i32
        %get3A_1237 = arith.constant 0 : i32
        %get3A_1238 = tpu.memref_slice %arg9[%scan3A_679, %get3A_1236, %get3A_1237] : memref<2x80x128xf32, #tpu.memory_space<vmem>> -> memref<1x80x128xf32, #tpu.memory_space<vmem>>
        %get3A_1239 = tpu.memref_squeeze %get3A_1238 : memref<1x80x128xf32, #tpu.memory_space<vmem>> -> memref<80x128xf32, #tpu.memory_space<vmem>>
        %get3A_1240 = arith.index_cast %add3A_1176 : i32 to index
        %get3A_1241 = arith.constant 48 : index
        %get3A_1242 = tpu.vector_load %get3A_1239[%get3A_1240, %get3A_1241] {strides = array<i32>} : memref<80x128xf32, #tpu.memory_space<vmem>>, vector<16xf32>,
        %mul3A_1243 = arith.mulf %get3A_1235, %get3A_1242 : vector<16xf32>
        %add3A_1244 = arith.addf %add3A_1212, %mul3A_1243 : vector<16xf32>
        %get3A_1245 = arith.constant 0 : i32
        %get3A_1246 = arith.constant 0 : i32
        %get3A_1247 = tpu.memref_slice %arg8[%scan3A_678, %get3A_1245, %get3A_1246] : memref<2x80x128xf32, #tpu.memory_space<vmem>> -> memref<1x80x128xf32, #tpu.memory_space<vmem>>
        %get3A_1248 = tpu.memref_squeeze %get3A_1247 : memref<1x80x128xf32, #tpu.memory_space<vmem>> -> memref<80x128xf32, #tpu.memory_space<vmem>>
        %get3A_1249 = arith.index_cast %add3A_1176 : i32 to index
        %get3A_1250 = arith.constant 64 : index
        %get3A_1251 = tpu.vector_load %get3A_1248[%get3A_1249, %get3A_1250] {strides = array<i32>} : memref<80x128xf32, #tpu.memory_space<vmem>>, vector<16xf32>,
        %get3A_1252 = arith.constant 0 : i32
        %get3A_1253 = arith.constant 0 : i32
        %get3A_1254 = tpu.memref_slice %arg9[%scan3A_679, %get3A_1252, %get3A_1253] : memref<2x80x128xf32, #tpu.memory_space<vmem>> -> memref<1x80x128xf32, #tpu.memory_space<vmem>>
        %get3A_1255 = tpu.memref_squeeze %get3A_1254 : memref<1x80x128xf32, #tpu.memory_space<vmem>> -> memref<80x128xf32, #tpu.memory_space<vmem>>
        %get3A_1256 = arith.index_cast %add3A_1176 : i32 to index
        %get3A_1257 = arith.constant 64 : index
        %get3A_1258 = tpu.vector_load %get3A_1255[%get3A_1256, %get3A_1257] {strides = array<i32>} : memref<80x128xf32, #tpu.memory_space<vmem>>, vector<16xf32>,
        %mul3A_1259 = arith.mulf %get3A_1251, %get3A_1258 : vector<16xf32>
        %add3A_1260 = arith.addf %add3A_1228, %mul3A_1259 : vector<16xf32>
        %get3A_1261 = arith.constant 0 : i32
        %get3A_1262 = arith.constant 0 : i32
        %get3A_1263 = tpu.memref_slice %arg8[%scan3A_678, %get3A_1261, %get3A_1262] : memref<2x80x128xf32, #tpu.memory_space<vmem>> -> memref<1x80x128xf32, #tpu.memory_space<vmem>>
        %get3A_1264 = tpu.memref_squeeze %get3A_1263 : memref<1x80x128xf32, #tpu.memory_space<vmem>> -> memref<80x128xf32, #tpu.memory_space<vmem>>
        %get3A_1265 = arith.index_cast %add3A_1176 : i32 to index
        %get3A_1266 = arith.constant 80 : index
        %get3A_1267 = tpu.vector_load %get3A_1264[%get3A_1265, %get3A_1266] {strides = array<i32>} : memref<80x128xf32, #tpu.memory_space<vmem>>, vector<16xf32>,
        %get3A_1268 = arith.constant 0 : i32
        %get3A_1269 = arith.constant 0 : i32
        %get3A_1270 = tpu.memref_slice %arg9[%scan3A_679, %get3A_1268, %get3A_1269] : memref<2x80x128xf32, #tpu.memory_space<vmem>> -> memref<1x80x128xf32, #tpu.memory_space<vmem>>
        %get3A_1271 = tpu.memref_squeeze %get3A_1270 : memref<1x80x128xf32, #tpu.memory_space<vmem>> -> memref<80x128xf32, #tpu.memory_space<vmem>>
        %get3A_1272 = arith.index_cast %add3A_1176 : i32 to index
        %get3A_1273 = arith.constant 80 : index
        %get3A_1274 = tpu.vector_load %get3A_1271[%get3A_1272, %get3A_1273] {strides = array<i32>} : memref<80x128xf32, #tpu.memory_space<vmem>>, vector<16xf32>,
        %mul3A_1275 = arith.mulf %get3A_1267, %get3A_1274 : vector<16xf32>
        %add3A_1276 = arith.addf %add3A_1244, %mul3A_1275 : vector<16xf32>
        %get3A_1277 = arith.constant 0 : i32
        %get3A_1278 = arith.constant 0 : i32
        %get3A_1279 = tpu.memref_slice %arg8[%scan3A_678, %get3A_1277, %get3A_1278] : memref<2x80x128xf32, #tpu.memory_space<vmem>> -> memref<1x80x128xf32, #tpu.memory_space<vmem>>
        %get3A_1280 = tpu.memref_squeeze %get3A_1279 : memref<1x80x128xf32, #tpu.memory_space<vmem>> -> memref<80x128xf32, #tpu.memory_space<vmem>>
        %get3A_1281 = arith.index_cast %add3A_1176 : i32 to index
        %get3A_1282 = arith.constant 96 : index
        %get3A_1283 = tpu.vector_load %get3A_1280[%get3A_1281, %get3A_1282] {strides = array<i32>} : memref<80x128xf32, #tpu.memory_space<vmem>>, vector<16xf32>,
        %get3A_1284 = arith.constant 0 : i32
        %get3A_1285 = arith.constant 0 : i32
        %get3A_1286 = tpu.memref_slice %arg9[%scan3A_679, %get3A_1284, %get3A_1285] : memref<2x80x128xf32, #tpu.memory_space<vmem>> -> memref<1x80x128xf32, #tpu.memory_space<vmem>>
        %get3A_1287 = tpu.memref_squeeze %get3A_1286 : memref<1x80x128xf32, #tpu.memory_space<vmem>> -> memref<80x128xf32, #tpu.memory_space<vmem>>
        %get3A_1288 = arith.index_cast %add3A_1176 : i32 to index
        %get3A_1289 = arith.constant 96 : index
        %get3A_1290 = tpu.vector_load %get3A_1287[%get3A_1288, %get3A_1289] {strides = array<i32>} : memref<80x128xf32, #tpu.memory_space<vmem>>, vector<16xf32>,
        %mul3A_1291 = arith.mulf %get3A_1283, %get3A_1290 : vector<16xf32>
        %add3A_1292 = arith.addf %add3A_1260, %mul3A_1291 : vector<16xf32>
        %get3A_1293 = arith.constant 0 : i32
        %get3A_1294 = arith.constant 0 : i32
        %get3A_1295 = tpu.memref_slice %arg8[%scan3A_678, %get3A_1293, %get3A_1294] : memref<2x80x128xf32, #tpu.memory_space<vmem>> -> memref<1x80x128xf32, #tpu.memory_space<vmem>>
        %get3A_1296 = tpu.memref_squeeze %get3A_1295 : memref<1x80x128xf32, #tpu.memory_space<vmem>> -> memref<80x128xf32, #tpu.memory_space<vmem>>
        %get3A_1297 = arith.index_cast %add3A_1176 : i32 to index
        %get3A_1298 = arith.constant 112 : index
        %get3A_1299 = tpu.vector_load %get3A_1296[%get3A_1297, %get3A_1298] {strides = array<i32>} : memref<80x128xf32, #tpu.memory_space<vmem>>, vector<16xf32>,
        %get3A_1300 = arith.constant 0 : i32
        %get3A_1301 = arith.constant 0 : i32
        %get3A_1302 = tpu.memref_slice %arg9[%scan3A_679, %get3A_1300, %get3A_1301] : memref<2x80x128xf32, #tpu.memory_space<vmem>> -> memref<1x80x128xf32, #tpu.memory_space<vmem>>
        %get3A_1303 = tpu.memref_squeeze %get3A_1302 : memref<1x80x128xf32, #tpu.memory_space<vmem>> -> memref<80x128xf32, #tpu.memory_space<vmem>>
        %get3A_1304 = arith.index_cast %add3A_1176 : i32 to index
        %get3A_1305 = arith.constant 112 : index
        %get3A_1306 = tpu.vector_load %get3A_1303[%get3A_1304, %get3A_1305] {strides = array<i32>} : memref<80x128xf32, #tpu.memory_space<vmem>>, vector<16xf32>,
        %mul3A_1307 = arith.mulf %get3A_1299, %get3A_1306 : vector<16xf32>
        %add3A_1308 = arith.addf %add3A_1276, %mul3A_1307 : vector<16xf32>
        %eq3A_1309 = vector.broadcast %scan3A_1173 : i32 to vector<16xi32>
        %eq3A_1310 = arith.cmpi eq, %iota3A, %eq3A_1309 : vector<16xi32>
        %add3A_1311 = arith.addf %add3A_1292, %add3A_1308 : vector<16xf32>
        %reduce_sum3A_1312 = arith.constant true
        %reduce_sum3A_1313 = vector.broadcast %reduce_sum3A_1312 : i1 to vector<16xi1>
        %reduce_sum3A_1314 = tpu.scan <sum>, %add3A_1311 masked %reduce_sum3A_1313 : vector<16xf32>, vector<16xi1> -> vector<16xf32>
        %reduce_sum3A_1315 = vector.extract %reduce_sum3A_1314[15] : f32 from vector<16xf32>
        %broadcast_in_dim3A_1316 = vector.broadcast %reduce_sum3A_1315 : f32 to vector<16xf32>
        %select_n3A_1317 = arith.select %eq3A_1310, %broadcast_in_dim3A_1316, %select_n3A_1171 : vector<16xi1>, vector<16xf32>
        scf.yield %select_n3A_1317 : vector<16xf32>
      }
      %scan3A_729 = arith.constant 16 : i32
      %mul3A_730 = arith.constant 16 : i32
      %mul3A_731 = arith.muli %scan3A_722, %mul3A_730 : i32
      %multiple_of3A_732 = tpu.assume_multiple %mul3A_731, 16 : i32
      %swap3A = arith.constant 0 : i32
      %swap3A_733 = tpu.memref_slice %arg10[%scan3A_680, %swap3A] : memref<2x80xf32, #tpu.memory_space<vmem>> -> memref<1x80xf32, #tpu.memory_space<vmem>>
      %swap3A_734 = tpu.memref_squeeze %swap3A_733 : memref<1x80xf32, #tpu.memory_space<vmem>> -> memref<80xf32, #tpu.memory_space<vmem>>
      %swap3A_735 = arith.index_cast %multiple_of3A_732 : i32 to index
      %swap3A_736 = tpu.vector_load %swap3A_734[%swap3A_735] {strides = array<i32>} : memref<80xf32, #tpu.memory_space<vmem>>, vector<16xf32>,
      tpu.vector_store %swap3A_734[%swap3A_735], %scan3A_728 {strides = array<i32>} : memref<80xf32, #tpu.memory_space<vmem>>, vector<16xf32>,
    }
    %scan3A_685 = arith.constant 5 : i32
    %mul3A_686 = arith.constant 10000 : i32
    %mul3A_687 = arith.muli %add3A, %mul3A_686 : i32
    %add3A_688 = arith.constant 9920 : i32
    %add3A_689 = arith.addi %mul3A_687, %add3A_688 : i32
    %multiple_of3A_690 = tpu.assume_multiple %add3A_689, 80 : i32
    %dma_start3A_691 = arith.constant 0 : i32
    %dma_start3A_692 = arith.constant 0 : i32
    %dma_start3A_693 = tpu.memref_slice %arg10[%dma_start3A_691, %dma_start3A_692] : memref<2x80xf32, #tpu.memory_space<vmem>> -> memref<1x80xf32, #tpu.memory_space<vmem>>
    %dma_start3A_694 = tpu.memref_squeeze %dma_start3A_693 : memref<1x80xf32, #tpu.memory_space<vmem>> -> memref<80xf32, #tpu.memory_space<vmem>>
    %dma_start3A_695 = tpu.memref_slice %arg5[%multiple_of3A_690] : memref<320000xf32, #tpu.memory_space<hbm>> -> memref<80xf32, #tpu.memory_space<hbm>>
    %dma_start3A_696 = tpu.memref_slice %arg5[%multiple_of3A_690] : memref<320000xf32, #tpu.memory_space<hbm>> -> memref<80xf32, #tpu.memory_space<hbm>>
    %dma_start3A_697 = arith.constant 0 : i32
    %dma_start3A_698 = tpu.memref_slice %arg10[%dma_start3A_691, %dma_start3A_697] : memref<2x80xf32, #tpu.memory_space<vmem>> -> memref<1x80xf32, #tpu.memory_space<vmem>>
    %dma_start3A_699 = tpu.memref_squeeze %dma_start3A_698 : memref<1x80xf32, #tpu.memory_space<vmem>> -> memref<80xf32, #tpu.memory_space<vmem>>
    tpu.enqueue_dma source(%dma_start3A_699 : memref<80xf32, #tpu.memory_space<vmem>>) target(%dma_start3A_696 : memref<80xf32, #tpu.memory_space<hbm>>) target_semaphore(%arg16 : memref<!tpu.dma_semaphore, #tpu.memory_space<semaphore_mem>>)
    %dma_wait3A_700 = arith.constant 0 : i32
    %dma_wait3A_701 = arith.constant 0 : i32
    %dma_wait3A_702 = tpu.memref_slice %arg10[%dma_wait3A_700, %dma_wait3A_701] : memref<2x80xf32, #tpu.memory_space<vmem>> -> memref<1x80xf32, #tpu.memory_space<vmem>>
    %dma_wait3A_703 = tpu.memref_squeeze %dma_wait3A_702 : memref<1x80xf32, #tpu.memory_space<vmem>> -> memref<80xf32, #tpu.memory_space<vmem>>
    %dma_wait3A_704 = arith.constant 0 : i32
    %dma_wait3A_705 = tpu.memref_slice %arg5[%dma_wait3A_704] : memref<320000xf32, #tpu.memory_space<hbm>> -> memref<80xf32, #tpu.memory_space<hbm>>
    %dma_wait3A_706 = arith.constant 0 : i32
    %dma_wait3A_707 = tpu.memref_slice %arg5[%dma_wait3A_706] : memref<320000xf32, #tpu.memory_space<hbm>> -> memref<80xf32, #tpu.memory_space<hbm>>
    %dma_wait3A_708 = arith.constant 0 : i32
    %dma_wait3A_709 = tpu.memref_slice %arg10[%dma_wait3A_700, %dma_wait3A_708] : memref<2x80xf32, #tpu.memory_space<vmem>> -> memref<1x80xf32, #tpu.memory_space<vmem>>
    %dma_wait3A_710 = tpu.memref_squeeze %dma_wait3A_709 : memref<1x80xf32, #tpu.memory_space<vmem>> -> memref<80xf32, #tpu.memory_space<vmem>>
    tpu.wait_dma2 semaphore(%arg16 : memref<!tpu.dma_semaphore, #tpu.memory_space<semaphore_mem>>) src(%dma_wait3A_710 : memref<80xf32, #tpu.memory_space<vmem>>) dst(%dma_wait3A_707 : memref<80xf32, #tpu.memory_space<hbm>>)
    %dma_wait3A_711 = arith.constant 1 : i32
    %dma_wait3A_712 = arith.constant 0 : i32
    %dma_wait3A_713 = tpu.memref_slice %arg10[%dma_wait3A_711, %dma_wait3A_712] : memref<2x80xf32, #tpu.memory_space<vmem>> -> memref<1x80xf32, #tpu.memory_space<vmem>>
    %dma_wait3A_714 = tpu.memref_squeeze %dma_wait3A_713 : memref<1x80xf32, #tpu.memory_space<vmem>> -> memref<80xf32, #tpu.memory_space<vmem>>
    %dma_wait3A_715 = arith.constant 0 : i32
    %dma_wait3A_716 = tpu.memref_slice %arg5[%dma_wait3A_715] : memref<320000xf32, #tpu.memory_space<hbm>> -> memref<80xf32, #tpu.memory_space<hbm>>
    %dma_wait3A_717 = arith.constant 0 : i32
    %dma_wait3A_718 = tpu.memref_slice %arg5[%dma_wait3A_717] : memref<320000xf32, #tpu.memory_space<hbm>> -> memref<80xf32, #tpu.memory_space<hbm>>
    %dma_wait3A_719 = arith.constant 0 : i32
    %dma_wait3A_720 = tpu.memref_slice %arg10[%dma_wait3A_711, %dma_wait3A_719] : memref<2x80xf32, #tpu.memory_space<vmem>> -> memref<1x80xf32, #tpu.memory_space<vmem>>
    %dma_wait3A_721 = tpu.memref_squeeze %dma_wait3A_720 : memref<1x80xf32, #tpu.memory_space<vmem>> -> memref<80xf32, #tpu.memory_space<vmem>>
    tpu.wait_dma2 semaphore(%arg17 : memref<!tpu.dma_semaphore, #tpu.memory_space<semaphore_mem>>) src(%dma_wait3A_721 : memref<80xf32, #tpu.memory_space<vmem>>) dst(%dma_wait3A_718 : memref<80xf32, #tpu.memory_space<hbm>>)
    return
  }
}

</mosaic_0001>

<sc_bundles>
// kernel: kernel.3.cloned.1.call-start
scs
__scs_entry_jumppad:
0x0: {  	(pc) =	sbr.rel $0x88, $3  }
0x1: {  	(tag) =	ssettag $0x0;
	lr =	simm.s32 $0x1  }
0x2: {  	[smem:$0x3F9F] =	sst lr;
	_ =	strace $0xD0000000  }
0x3: {  	_ = 	snop  }
0x4: {  	_ = 	snop  }
0x5: {  	_ = 	snop  }
0x6: {  	_ = 	snop  }
0x7: {  	_ = 	snop  }
__scs_overlays_trampoline_lowered:
0x8: {  	[smem:$0x3FAE] =	sst s0  }
0x9: {  	[smem:$0x3FAF] =	sst s1  }
0xa: {  	[smem:$0x3FB0] =	sst s2  }
0xb: {  	[smem:$0x3FB1] =	sst s3  }
0xc: {  	[smem:$0x3FB2] =	sst s4  }
0xd: {  	[smem:$0x3FB3] =	sst s5  }
0xe: {  	[smem:$0x3FB4] =	sst s6  }
0xf: {  	[smem:$0x3FB5] =	sst s7  }
0x10: {  	[smem:$0x3FB6] =	sst s8  }
0x11: {  	[smem:$0x3FB7] =	sst s9;
	s0 =	simm.s32 @!p0 $0x0  }
0x12: {  	s1 =	sld [smem:$0x3F9D];
	s0 =	simm.s32 @p0 $0x1  }
0x13: {  	[smem:$0x3FB8] =	sst s0;
	s0 =	simm.s32 @!p1 $0x0  }
0x14: {  	s2 =	sld [smem:$0x3F9C];
	s0 =	simm.s32 @p1 $0x1  }
0x15: {  	[smem:$0x3FB9] =	sst s0;
	s0 =	simm.s32 @!p2 $0x0  }
0x16: {  	s3 =	sld [smem:$0x3FDB];
	s0 =	simm.s32 @p2 $0x1  }
0x17: {  	s4 =	simm.s32 $0x1BF5;
	[smem:$0x3FBB] =	sst s0  }
0x18: {  	s0 =	sld [smem:$0x3F9E];
	_ =	swait.ge [sflag:s4], $0x0  }
0x19: {  	s7 =	sld [smem:$0x3F9F]  }
0x1a: {  	s8 =	sadd.s32 $0xFFFFE003, lr  }
0x1b: {  	s9 =	sadd.s32 $0xFFFFFEF7, lr;
	s5 =	simm.s32 $0xFFFFFFFF;
	p2 =	slt.u32 s8, $0xFFFFF086  }
0x1c: {  	p1 =	slt.u32 s9, $0xF7A;
	s5 =	simm.s32 @!p2 $0x0  }
0x1d: {  	s5 =	simm.s32 @p1 $0x1;
	p0 =	seq.s32 s7, s2  }
0x1e: {  	s7 =	smul.u32 @!p0 $0xF7A, s2;
	p2 =	seq.s32 @!p0 s5, $0x0  }
0x1f: {  	s9 =	smul.u32 $0xF7A, s1;
	s8 =	simm.s32 @!p0 $0x1BF5;
	p2 =	por !p2, p0  }
0x20: {  	[sflag:s8] =	ssyncset.s32 @!p0 $0xFFFFF086;
	s6 =	sadd.s32 @!p0 s3, s7;
	s7 =	simm.s32 @!p0 $0x108  }
0x21: {  	s3 =	sadd.s32 s3, s9;
	s6 =	sadd.s32 @!p0 $0x88, s6;
	s7 =	simm.s32 @p2 $0x1082  }
0x22: {  	[simem:s7], [sflag:s8] =	dma.local @!p0 [hbm:s6], $0xF7A  }
0x23: {  	s9 =	sor.u32 $0xD0000000, s2;
	s6 =	simm.s32 $0x108;
	_ =	swait.ge @!p0 [sflag:s8], $0x0  }
0x24: {  	s3 =	sadd.s32 $0x88, s3;
	s6 =	simm.s32 @!p1 $0x1082;
	[sflag:s4] =	ssyncset.s32 $0xFFFFF086  }
0x25: {  	[simem:s6], [sflag:s4] =	dma.local [hbm:s3], $0xF7A  }
0x26: {  	[smem:$0x3F9F] =	sst s1;
	(tag) =	ssettag s2;
	_ =	strace s9  }
0x27: {  	s1 =	sld [smem:$0x3FAF]  }
0x28: {  	s2 =	sld [smem:$0x3FB0]  }
0x29: {  	s4 =	sld [smem:$0x3FB2]  }
0x2a: {  	p0 =	seq.s32 s5, $0x0;
	s5 =	sld [smem:$0x3FB3]  }
0x2b: {  	s6 =	sld [smem:$0x3FB4]  }
0x2c: {  	s7 =	sld [smem:$0x3FB5]  }
0x2d: {  	s3 =	simm.s32 $0x108;
	s8 =	sld [smem:$0x3FB6]  }
0x2e: {  	s3 =	simm.s32 @!p0 $0x1082;
	s9 =	sld [smem:$0x3FB7]  }
0x2f: {  	lr =	sadd.s32 s0, s3;
	s0 =	sld [smem:$0x3FAE]  }
0x30: {  	s3 =	sld [smem:$0x3FB1]  }
0x31: {  	[smem:$0x3FBA] =	sst s10  }
0x32: {  	s10 =	sld [smem:$0x3FB8];
	_ =	sdelay $0x3  }
0x33: {  	p0 =	seq.s32 s10, $0x1;
	s10 =	sld [smem:$0x3FBA];
	_ =	sdelay $0x3  }
0x34: {  	[smem:$0x3FBA] =	sst s10  }
0x35: {  	s10 =	sld [smem:$0x3FB9];
	_ =	sdelay $0x3  }
0x36: {  	p1 =	seq.s32 s10, $0x1;
	s10 =	sld [smem:$0x3FBA];
	_ =	sdelay $0x3  }
0x37: {  	[smem:$0x3FBA] =	sst s10  }
0x38: {  	s10 =	sld [smem:$0x3FBB]  }
0x39: {  	_ = 	snop;
	(pc) =	sbr.ind lr, $3  }
0x3a: {  	_ = 	snop  }
0x3b: {  	_ = 	snop  }
0x3c: {  	p2 =	seq.s32 s10, $0x1;
	s10 =	sld [smem:$0x3FBA]  }
0x3d: {  	_ =	shalt  }
0x3e: {  	_ =	shalt  }
0x3f: {  	_ =	shalt  }
0x40: {  	_ =	shalt  }
0x41: {  	_ =	shalt  }
0x42: {  	_ =	shalt  }
0x43: {  	_ =	shalt  }
0x44: {  	_ =	shalt  }
0x45: {  	_ =	shalt  }
0x46: {  	_ =	shalt  }
0x47: {  	_ =	shalt  }
0x48: {  	_ =	shalt  }
0x49: {  	_ =	shalt  }
0x4a: {  	_ =	shalt  }
0x4b: {  	_ =	shalt  }
0x4c: {  	_ =	shalt  }
0x4d: {  	_ =	shalt  }
0x4e: {  	_ =	shalt  }
0x4f: {  	_ =	shalt  }
0x50: {  	_ =	shalt  }
0x51: {  	_ =	shalt  }
0x52: {  	_ =	shalt  }
0x53: {  	_ =	shalt  }
0x54: {  	_ =	shalt  }
0x55: {  	_ =	shalt  }
0x56: {  	_ =	shalt  }
0x57: {  	_ =	shalt  }
0x58: {  	_ =	shalt  }
0x59: {  	_ =	shalt  }
0x5a: {  	_ =	shalt  }
0x5b: {  	_ =	shalt  }
0x5c: {  	_ =	shalt  }
0x5d: {  	_ =	shalt  }
0x5e: {  	_ =	shalt  }
0x5f: {  	_ =	shalt  }
0x60: {  	_ =	shalt  }
0x61: {  	_ =	shalt  }
0x62: {  	_ =	shalt  }
0x63: {  	_ =	shalt  }
0x64: {  	_ =	shalt  }
0x65: {  	_ =	shalt  }
0x66: {  	_ =	shalt  }
0x67: {  	_ =	shalt  }
0x68: {  	_ =	shalt  }
0x69: {  	_ =	shalt  }
0x6a: {  	_ =	shalt  }
0x6b: {  	_ =	shalt  }
0x6c: {  	_ =	shalt  }
0x6d: {  	_ =	shalt  }
0x6e: {  	_ =	shalt  }
0x6f: {  	_ =	shalt  }
0x70: {  	_ =	shalt  }
0x71: {  	_ =	shalt  }
0x72: {  	_ =	shalt  }
0x73: {  	_ =	shalt  }
0x74: {  	_ =	shalt  }
0x75: {  	_ =	shalt  }
0x76: {  	_ =	shalt  }
0x77: {  	_ =	shalt  }
0x78: {  	_ =	shalt  }
0x79: {  	_ =	shalt  }
0x7a: {  	_ =	shalt  }
0x7b: {  	_ =	shalt  }
0x7c: {  	_ =	shalt  }
0x7d: {  	_ =	shalt  }
0x7e: {  	_ =	shalt  }
0x7f: {  	_ =	shalt  }
0x80: {  	_ =	shalt  }
0x81: {  	_ =	shalt  }
0x82: {  	_ =	shalt  }
0x83: {  	_ =	shalt  }
0x84: {  	_ =	shalt  }
0x85: {  	_ =	shalt  }
0x86: {  	_ =	shalt  }
0x87: {  	_ =	shalt  }
.Lfunc_end0:
.L_simem_size_0:
called_computation_lowered:
.L_overlay_start_0:
0x88: {  	s2 =	sld [smem:$0x3FD9]  }
0x89: {  	s3 =	sld [smem:$0x3FFE];
	_ =	sdelay $0x1  }
0x8a: {  	s1 =	srdreg.scid  }
0x8b: {  	s0 =	sand.u32 $0x1, s1  }
0x8c: {  	s17 =	sshll.u32 s0, $0xA;
	s2 =	sadd.s32 s3, s2  }
0x8d: {  	s2 =	sadd.s32 s2, s17  }
0x8e: {  	[smem:$0x3FC6] =	sst s2  }
0x8f: {  	_ = 	snop  }
0x90: {  	s2 =	sld [smem:$0x3FC9];
	(tm) =	ssettm $0x1  }
0x91: {  	s18 =	sld [smem:$0x3FFB];
	_ =	sdelay $0x3  }
0x92: {  	_ =	strace s18  }
0x93: {  	s3 =	sld [smem:$0x3FFC];
	_ =	sdelay $0x3  }
0x94: {  	_ =	strace s3  }
0x95: {  	s3 =	sld [smem:$0x3FFD];
	_ =	sdelay $0x3  }
0x96: {  	_ =	strace s3  }
0x97: {  	_ =	strace $0x8FFFFFFF  }
0x98: {  	s19 =	sld [smem:$0x3FDB];
	_ =	sdelay $0x1  }
0x99: {  	s4 =	simm.s32 $_scs_section_size  }
0x9a: {  	s5 =	simm.s32 $_size__tile_overlayer_lowered;
	s6 =	simm.s32 $_tile_overlayer_lowered  }
0x9b: {  	s22 =	simm.s32 $0x1BFF;
	s21 =	sshll.u32 s6, $0x1;
	s3 =	sadd.s32 s4, s19  }
0x9c: {  	s7 =	simm.s32 $0x0;
	s20 =	sshll.u32 s5, $0x1;
	s5 =	sadd.s32 s21, s3  }
0x9d: {  	[timem:s7], [sflag:s22] =	dma.local [hbm:s5], s20  }
0x9e: {  	_ =	swait.ge [sflag:s22], s20  }
0x9f: {  	s4 =	ssub.s32 $0x0, s20;
	[sflag:s22] =	ssyncset.done $0x0  }
0xa0: {  	[sflag:s22] =	ssyncadd.s32 s4;
	_ =	sdelay $0x1  }
0xa1: {  	s23 =	simm.s32 $0x1B8B  }
0xa2: {  	_ =	swait.ge [sflag:s23], $0x1  }
0xa3: {  	[sflag:s23] =	ssyncset.done $0x0  }
0xa4: {  	s25 =	simm.s32 $0x1B8E;
	s24 =	sld [smem:$0x3FFE];
	[sflag:s23] =	ssyncadd.s32 $0xFFFFFFFF  }
0xa5: {  	s26 =	simm.s32 $execute0_lowered;
	[smem:$0x3FD2] =	sst s25  }
0xa6: {  	s5 =	sshll.u32 s26, $0x1;
	_ =	strace $0x80000046;
	[dreg:$0x1] =	wrdreg $0xFFFFFFFF  }
0xa7: {  	s28 =	simm.s32 $_size_execute0_lowered;
	s3 =	sadd.s32 s3, s5;
	[dreg:$0x0] =	wrdreg $0x0  }
0xa8: {  	s5 =	sshll.u32 s28, $0x1;
	[dreg:$0x2] =	wrdreg s3  }
0xa9: {  	[dreg:$0x3] =	wrdreg s5  }
0xaa: {  	[dreg:$0x4] =	wrdreg $0xC0  }
0xab: {  	_ =	task [dreg:s7], $0x5FFFF  }
0xac: {  	[dreg:$0x1] =	wrdreg $0xFFFFFFFF  }
0xad: {  	[dreg:$0x0] =	wrdreg $0x60  }
0xae: {  	[dreg:$0x2] =	wrdreg s2  }
0xaf: {  	[dreg:$0x3] =	wrdreg s24  }
0xb0: {  	[dreg:$0x4] =	wrdreg $0xB1000  }
0xb1: {  	[dreg:$0x5] =	wrdreg $0x9  }
0xb2: {  	_ =	task.clear_ibuf [dreg:s7], $0x6FFFF;
	_ =	strace $0x90000046  }
0xb3: {  	s29 =	simm.s32 $0x9;
	_ =	strace $0x80000048  }
0xb4: {  	_ =	swait.ge [sflag:s29], $0x1  }
0xb5: {  	[sflag:s29] =	ssyncadd.s32 $0xFFFFFFFF  }
0xb6: {  	_ =	strace $0x90000048  }
0xb7: {  	_ =	sfence  }
0xb8: {  	s30 =	sld [smem:$0x0];
	_ =	sdelay $0x2  }
0xb9: {  	s31 =	sshll.u32 s1, $0xD;
	s1 =	sshrl.u32 s1, $0x2  }
0xba: {  	s3 =	sand.u32 $0x4000, s31;
	s1 =	sadd.s32 s1, s30  }
0xbb: {  	s0 =	sor.u32 s3, s0;
	s1 =	sshll.u32 s1, $0x11  }
0xbc: {  	s0 =	sor.u32 s1, s0  }
0xbd: {  	s0 =	sadd.s32 $0x8F2B, s0  }
0xbe: {  	[sflag:s0] =	ssyncadd.remote.s32 $0x1  }
0xbf: {  	_ =	sfence.sel $0xFFFF  }
0xc0: {  	[dreg:$0x0] =	wrdreg $0xFFFFFFFF;
	(pc) =	sbr.abs _section_cstart, $3  }
0xc1: {  	[dreg:$0x1] =	wrdreg $0xFFFFFFFF  }
0xc2: {  	_ =	task.clear_ibuf [dreg:s7], $0x2FFFF;
	_ =	strace $0x9FFFFFFF  }
0xc3: {  	(tm) =	ssettm $0x7FFFFFFF  }
tec
execute0_lowered:
.L_overlay_start_1:
0x0: {  	(tag) =	ssettag $0x1  }
0x1: {  	s0 =	rddreg [dreg:$0x0]  }
0x2: {  	s1 =	rddreg [dreg:$0x1]  }
0x3: {  	s2 =	rddreg [dreg:$0x2]  }
0x4: {  	s3 =	simm.s32 $0x0;
	s4 =	srdreg.scid;
	s5 =	stileid.u32  }
0x5: {  	[smem:$0x7FF] =	sst s3;
	s4 =	sand.u32 $0x1, s4;
	s8 =	smul.u32 $0x4E000, s5  }
0x6: {  	s6 =	sshll.u32 s5, $0x1;
	s19 =	smul.u32 $0x2700, s5;
	s20 =	sshll.u32 s5, $0x6  }
0x7: {  	_ =	strace $0x80000047;
	s7 =	ssub.s32 $0x2, s4;
	s6 =	sor.u32 s4, s6  }
0x8: {  	s4 =	sadd.s32 $0x9E00, s1;
	s21 =	sor.u32 $0x1C07, s20;
	s11 =	smul.u32 $0x2710, s6  }
0x9: {  	s18 =	sshrl.u32 s8, $0x2;
	s8 =	sadd.s32 s0, s19;
	[dreg:$0x6] =	wrdreg s21  }
0xa: {  	s9 =	sshrl.u32 s7, $0x1;
	s0 =	sadd.s32 $0x27000, s0;
	[dreg:$0x5] =	wrdreg s8  }
0xb: {  	s6 =	ssub.s32 s7, s9;
	[dreg:$0x7] =	wrdreg s0;
	s10 =	sshrl.u32 s11, $0x3  }
0xc: {  	s9 =	sadd.s32 $0x50, s11;
	[dreg:$0x4] =	wrdreg s11;
	s22 =	sadd.s32 $0x2, s10  }
0xd: {  	[dreg:$0xf] =	wrdreg s9;
	s23 =	sadd.s32 s4, s22  }
0xe: {  	s24 =	sadd.s32 $0x4, s10;
	s8 =	sadd.s32 s1, s22;
	[dreg:$0x8] =	wrdreg s23  }
0xf: {  	s25 =	sadd.s32 s4, s24;
	[dreg:$0x9] =	wrdreg s8  }
0x10: {  	s26 =	sadd.s32 $0x6, s10;
	s0 =	sadd.s32 s1, s24;
	[dreg:$0xa] =	wrdreg s25  }
0x11: {  	s30 =	sadd.s32 $0x8, s10;
	s28 =	sadd.s32 s4, s26;
	[dreg:$0xb] =	wrdreg s0  }
0x12: {  	s12 =	sshrl.u32 s9, $0x3;
	s31 =	sadd.s32 s4, s30;
	[dreg:$0xc] =	wrdreg s28  }
0x13: {  	s13 =	sadd.s32 $0xC, s10;
	s14 =	sadd.s32 s4, s12;
	[dreg:$0xe] =	wrdreg s31  }
0x14: {  	s7 =	sadd.s32 s18, s2;
	s15 =	sadd.s32 s4, s13;
	[dreg:$0x11] =	wrdreg s14  }
0x15: {  	s17 =	sadd.s32 $0xE, s10;
	s16 =	sadd.s32 s1, s13;
	[dreg:$0x13] =	wrdreg s15  }
0x16: {  	s19 =	sadd.s32 $0x10, s10;
	s18 =	sadd.s32 s4, s17;
	[dreg:$0x14] =	wrdreg s16  }
0x17: {  	s21 =	sadd.s32 $0x12, s10;
	s20 =	sadd.s32 s4, s19;
	[dreg:$0x15] =	wrdreg s18  }
0x18: {  	s22 =	sadd.s32 s4, s21;
	[dreg:$0x17] =	wrdreg s20  }
0x19: {  	p0 =	sne.s32 s5, $0x0;
	s24 =	sadd.s32 s1, s10;
	[dreg:$0x19] =	wrdreg s22  }
0x1a: {  	s29 =	sadd.s32 $0x13C00, s1;
	s8 =	sadd.s32 s1, s26;
	[dreg:$0x1c] =	wrdreg s24  }
0x1b: {  	s13 =	simm.s32 $0x880;
	s0 =	sadd.s32 s1, s30;
	[dreg:$0xd] =	wrdreg s8  }
0x1c: {  	s23 =	sadd.s32 s4, s10;
	s25 =	sadd.s32 s29, s10;
	[dreg:$0x10] =	wrdreg s0  }
0x1d: {  	s26 =	smax.u32 s6, $0x1;
	s28 =	sshrl.u32 s7, $0x3;
	[dreg:$0x1b] =	wrdreg s23  }
0x1e: {  	s30 =	sadd.s32 $0xA0, s11;
	s31 =	sadd.s32 $0xF0, s11;
	[dreg:$0x1e] =	wrdreg s26  }
0x1f: {  	s11 =	simm.s32 $0x800;
	s14 =	simm.s32 $0x100;
	[dreg:$0x1f] =	wrdreg s28  }
0x20: {  	s15 =	simm.s32 $0x900;
	s18 =	simm.s32 $0x980;
	[smem:$0x7FC] =	sst s30  }
0x21: {  	s20 =	simm.s32 $0xA00;
	s0 =	sadd.s32 s1, s12;
	[smem:$0x7FD] =	sst s31  }
0x22: {  	s7 =	simm.s32 $0x1;
	[dreg:$0x12] =	wrdreg s0;
	s0 =	sadd.s32 s1, s17  }
0x23: {  	s6 =	simm.s32 $0x3;
	[dreg:$0x16] =	wrdreg s0;
	s0 =	sadd.s32 s1, s19  }
0x24: {  	s22 =	simm.s32 $0x4;
	[dreg:$0x18] =	wrdreg s0;
	s0 =	sadd.s32 s1, s21  }
0x25: {  	s10 =	simm.s32 $0x0;
	[dreg:$0x1a] =	wrdreg s0;
	s0 =	sadd.s32 $0x4D8, s25  }
0x26: {  	s12 =	simm.s32 $0x80;
	[dreg:$0x1d] =	wrdreg s0;
	s0 =	sadd.s32 $0x138000, s2  }
0x27: {  	s8 =	simm.s32 $0x10;
	s17 =	simm.s32 $0x180;
	s0 =	sshrl.u32 @!p0 s0, $0x3  }
0x28: {  	v0 =	vlaneseq.u32;
	s19 =	simm.s32 $0x200;
	[smem:$0x7FB] =	sst s0;
	s0 =	simm.s32 $0x2  }
.LBB2_1:
0x29: {  	[smem:$0x7FA] =	sst s10  }
0x2a: {  	s5 =	rddreg [dreg:$0x5]  }
0x2b: {  	s9 =	rddreg [dreg:$0x6]  }
0x2c: {  	s31 =	rddreg [dreg:$0x1f]  }
0x2d: {  	[spmem:s31], [sflag:s9] =	dma.local [hbm:s5], $0x2700  }
0x2e: {  	s10 =	sld [smem:$0x7FB];
	_ =	sdelay $0x1  }
0x2f: {  	s5 =	simm.s32 @!p0 $0x1C08;
	s9 =	rddreg [dreg:$0x7]  }
0x30: {  	[spmem:s10], [sflag:s5] =	dma.local @!p0 [hbm:s9], $0x100  }
0x31: {  	s5 =	simm.s32 @!p0 $0x8  }
0x32: {  	_ =	swait.ge @!p0 [sflag:s5], $0x100  }
0x33: {  	[sflag:s5] =	ssyncset.done @!p0 $0x0  }
0x34: {  	s16 =	rddreg [dreg:$0x1b];
	[sflag:s5] =	ssyncadd.s32 @!p0 $0xFFFFFF00  }
0x35: {  	[tilespmem:s3], [sflag:$0x1] =	stream.linear.gather [hbm4b:s16+s3], $0x10, $0x38;
	[tilespmem:$0x1E980] =	vst v63  }
0x36: {  	s21 =	rddreg [dreg:$0x1c]  }
0x37: {  	[tilespmem:s11], [sflag:$0x1] =	stream.linear.gather [hbm4b:s21+s3], $0x10, $0x38;
	[tilespmem:$0x1E980] =	vst v63  }
0x38: {  	s23 =	rddreg [dreg:$0x8]  }
0x39: {  	[tilespmem:s12], [sflag:$0x1] =	stream.linear.gather [hbm4b:s23+s3], $0x10, $0x38;
	[tilespmem:$0x1E980] =	vst v63  }
0x3a: {  	s24 =	rddreg [dreg:$0x9]  }
0x3b: {  	[tilespmem:s13], [sflag:$0x1] =	stream.linear.gather [hbm4b:s24+s3], $0x10, $0x38;
	[tilespmem:$0x1E980] =	vst v63  }
0x3c: {  	s25 =	rddreg [dreg:$0xa]  }
0x3d: {  	[tilespmem:s14], [sflag:$0x1] =	stream.linear.gather [hbm4b:s25+s3], $0x10, $0x38;
	[tilespmem:$0x1E980] =	vst v63  }
0x3e: {  	s26 =	rddreg [dreg:$0xb]  }
0x3f: {  	[tilespmem:s15], [sflag:$0x1] =	stream.linear.gather [hbm4b:s26+s3], $0x10, $0x38;
	[tilespmem:$0x1E980] =	vst v63  }
0x40: {  	s28 =	rddreg [dreg:$0xc]  }
0x41: {  	[tilespmem:s17], [sflag:$0x1] =	stream.linear.gather [hbm4b:s28+s3], $0x10, $0x38;
	[tilespmem:$0x1E980] =	vst v63  }
0x42: {  	s30 =	rddreg [dreg:$0xd]  }
0x43: {  	[tilespmem:s18], [sflag:$0x1] =	stream.linear.gather [hbm4b:s30+s3], $0x10, $0x38;
	[tilespmem:$0x1E980] =	vst v63  }
0x44: {  	s31 =	rddreg [dreg:$0xe]  }
0x45: {  	[tilespmem:s19], [sflag:$0x1] =	stream.linear.gather [hbm4b:s31+s3], $0x10, $0x38;
	[tilespmem:$0x1E980] =	vst v63  }
0x46: {  	s9 =	rddreg [dreg:$0x10]  }
0x47: {  	[tilespmem:s20], [sflag:$0x1] =	stream.linear.gather [hbm4b:s9+s3], $0x10, $0x38;
	[tilespmem:$0x1E980] =	vst v63  }
0x48: {  	s10 =	rddreg [dreg:$0x11];
	s16 =	simm.s32 $0x400  }
0x49: {  	[tilespmem:s16], [sflag:$0x2] =	stream.linear.gather [hbm4b:s10+s3], $0x10, $0x38;
	[tilespmem:$0x1E980] =	vst v63  }
0x4a: {  	s21 =	rddreg [dreg:$0x12];
	s23 =	simm.s32 $0xC00  }
0x4b: {  	[tilespmem:s23], [sflag:$0x2] =	stream.linear.gather [hbm4b:s21+s3], $0x10, $0x38;
	[tilespmem:$0x1E980] =	vst v63  }
0x4c: {  	s24 =	rddreg [dreg:$0x13];
	s25 =	simm.s32 $0x480  }
0x4d: {  	[tilespmem:s25], [sflag:$0x2] =	stream.linear.gather [hbm4b:s24+s3], $0x10, $0x38;
	[tilespmem:$0x1E980] =	vst v63  }
0x4e: {  	s26 =	rddreg [dreg:$0x14];
	s28 =	simm.s32 $0xC80  }
0x4f: {  	[tilespmem:s28], [sflag:$0x2] =	stream.linear.gather [hbm4b:s26+s3], $0x10, $0x38;
	[tilespmem:$0x1E980] =	vst v63  }
0x50: {  	s30 =	rddreg [dreg:$0x15];
	s31 =	simm.s32 $0x500  }
0x51: {  	[tilespmem:s31], [sflag:$0x2] =	stream.linear.gather [hbm4b:s30+s3], $0x10, $0x38;
	[tilespmem:$0x1E980] =	vst v63  }
0x52: {  	s10 =	rddreg [dreg:$0x16];
	s16 =	simm.s32 $0xD00  }
0x53: {  	[tilespmem:s16], [sflag:$0x2] =	stream.linear.gather [hbm4b:s10+s3], $0x10, $0x38;
	[tilespmem:$0x1E980] =	vst v63  }
0x54: {  	s21 =	rddreg [dreg:$0x17];
	s23 =	simm.s32 $0x580  }
0x55: {  	[tilespmem:s23], [sflag:$0x2] =	stream.linear.gather [hbm4b:s21+s3], $0x10, $0x38;
	[tilespmem:$0x1E980] =	vst v63  }
0x56: {  	s24 =	rddreg [dreg:$0x18];
	s25 =	simm.s32 $0xD80  }
0x57: {  	[tilespmem:s25], [sflag:$0x2] =	stream.linear.gather [hbm4b:s24+s3], $0x10, $0x38;
	[tilespmem:$0x1E980] =	vst v63  }
0x58: {  	s26 =	rddreg [dreg:$0x19];
	s28 =	simm.s32 $0x600  }
0x59: {  	[tilespmem:s28], [sflag:$0x2] =	stream.linear.gather [hbm4b:s26+s3], $0x10, $0x38;
	[tilespmem:$0x1E980] =	vst v63  }
0x5a: {  	s9 =	simm.s32 $0x7;
	s30 =	rddreg [dreg:$0x1a];
	s31 =	simm.s32 $0xE00  }
0x5b: {  	[tilespmem:s31], [sflag:$0x2] =	stream.linear.gather [hbm4b:s30+s3], $0x10, $0x38;
	[tilespmem:$0x1E980] =	vst v63  }
0x5c: {  	_ =	swait.ge [sflag:s9], $0x2700  }
0x5d: {  	[sflag:s9] =	ssyncset.done $0x0  }
0x5e: {  	[sflag:s9] =	ssyncadd.s32 $0xFFFFD900  }
0x5f: {  	[bflag:$0x0] =	sbarrier.arrive $0xFFFF  }
0x60: {  	_ =	swait.ge [sflag:s7], $0x10  }
0x61: {  	[sflag:s7] =	ssyncset.done $0x0  }
0x62: {  	[sflag:s7] =	ssyncadd.s32 $0xFFFFFFF0  }
0x63: {  	_ =	swait.ge [sflag:s7], $0x10  }
0x64: {  	[sflag:s7] =	ssyncset.done $0x0  }
0x65: {  	[sflag:s7] =	ssyncadd.s32 $0xFFFFFFF0  }
0x66: {  	_ =	swait.ge [sflag:s7], $0x10  }
0x67: {  	[sflag:s7] =	ssyncset.done $0x0  }
0x68: {  	[sflag:s7] =	ssyncadd.s32 $0xFFFFFFF0  }
0x69: {  	_ =	swait.ge [sflag:s7], $0x10  }
0x6a: {  	[sflag:s7] =	ssyncset.done $0x0  }
0x6b: {  	[sflag:s7] =	ssyncadd.s32 $0xFFFFFFF0  }
0x6c: {  	_ =	swait.ge [sflag:s7], $0x10  }
0x6d: {  	[sflag:s7] =	ssyncset.done $0x0  }
0x6e: {  	[sflag:s7] =	ssyncadd.s32 $0xFFFFFFF0  }
0x6f: {  	_ =	swait.ge [sflag:s7], $0x10  }
0x70: {  	[sflag:s7] =	ssyncset.done $0x0  }
0x71: {  	[sflag:s7] =	ssyncadd.s32 $0xFFFFFFF0  }
0x72: {  	_ =	swait.ge [sflag:s7], $0x10  }
0x73: {  	[sflag:s7] =	ssyncset.done $0x0  }
0x74: {  	[sflag:s7] =	ssyncadd.s32 $0xFFFFFFF0  }
0x75: {  	_ =	swait.ge [sflag:s7], $0x10  }
0x76: {  	[sflag:s7] =	ssyncset.done $0x0  }
0x77: {  	[sflag:s7] =	ssyncadd.s32 $0xFFFFFFF0  }
0x78: {  	_ =	swait.ge [sflag:s7], $0x10  }
0x79: {  	[sflag:s7] =	ssyncset.done $0x0  }
0x7a: {  	[sflag:s7] =	ssyncadd.s32 $0xFFFFFFF0  }
0x7b: {  	_ =	swait.ge [sflag:s7], $0x10  }
0x7c: {  	[sflag:s7] =	ssyncset.done $0x0  }
0x7d: {  	s10 =	simm.s32 $0x1000;
	[sflag:s7] =	ssyncadd.s32 $0xFFFFFFF0  }
0x7e: {  	[tilespmem:s10], [sflag:$0x3] =	stream.indirect.gather [spmem:s2], $0x80, s3, s8, $0xb8;
	[tilespmem:$0x1E980] =	vst v63  }
0x7f: {  	s16 =	simm.s32 $0x6000  }
0x80: {  	[tilespmem:s16], [sflag:$0x3] =	stream.indirect.gather [spmem:s2], $0x80, s11, s8, $0xb8;
	[tilespmem:$0x1E980] =	vst v63  }
0x81: {  	s21 =	simm.s32 $0x1800  }
0x82: {  	[tilespmem:s21], [sflag:$0x3] =	stream.indirect.gather [spmem:s2], $0x80, s12, s8, $0xb8;
	[tilespmem:$0x1E980] =	vst v63  }
0x83: {  	s23 =	simm.s32 $0x6800  }
0x84: {  	[tilespmem:s23], [sflag:$0x3] =	stream.indirect.gather [spmem:s2], $0x80, s13, s8, $0xb8;
	[tilespmem:$0x1E980] =	vst v63  }
0x85: {  	s24 =	simm.s32 $0x2000  }
0x86: {  	[tilespmem:s24], [sflag:$0x3] =	stream.indirect.gather [spmem:s2], $0x80, s14, s8, $0xb8;
	[tilespmem:$0x1E980] =	vst v63  }
0x87: {  	s25 =	simm.s32 $0x7000  }
0x88: {  	[tilespmem:s25], [sflag:$0x3] =	stream.indirect.gather [spmem:s2], $0x80, s15, s8, $0xb8;
	[tilespmem:$0x1E980] =	vst v63  }
0x89: {  	s26 =	simm.s32 $0x2800  }
0x8a: {  	[tilespmem:s26], [sflag:$0x3] =	stream.indirect.gather [spmem:s2], $0x80, s17, s8, $0xb8;
	[tilespmem:$0x1E980] =	vst v63  }
0x8b: {  	s28 =	simm.s32 $0x7800  }
0x8c: {  	[tilespmem:s28], [sflag:$0x3] =	stream.indirect.gather [spmem:s2], $0x80, s18, s8, $0xb8;
	[tilespmem:$0x1E980] =	vst v63  }
0x8d: {  	s30 =	simm.s32 $0x3000  }
0x8e: {  	[tilespmem:s30], [sflag:$0x3] =	stream.indirect.gather [spmem:s2], $0x80, s19, s8, $0xb8;
	[tilespmem:$0x1E980] =	vst v63  }
0x8f: {  	s31 =	simm.s32 $0x8000;
	s24 =	simm.s32 $0x0  }
0x90: {  	[tilespmem:s31], [sflag:$0x3] =	stream.indirect.gather [spmem:s2], $0x80, s20, s8, $0xb8;
	[tilespmem:$0x1E980] =	vst v63  }
.LBB2_2:
0x91: {  	_ =	swait.ge [sflag:s0], $0x10  }
0x92: {  	[sflag:s0] =	ssyncset.done $0x0  }
0x93: {  	[sflag:s0] =	ssyncadd.s32 $0xFFFFFFF0  }
0x94: {  	_ =	swait.ge [sflag:s0], $0x10  }
0x95: {  	[sflag:s0] =	ssyncset.done $0x0  }
0x96: {  	[sflag:s0] =	ssyncadd.s32 $0xFFFFFFF0  }
0x97: {  	_ =	swait.ge [sflag:s0], $0x10  }
0x98: {  	[sflag:s0] =	ssyncset.done $0x0  }
0x99: {  	[sflag:s0] =	ssyncadd.s32 $0xFFFFFFF0  }
0x9a: {  	_ =	swait.ge [sflag:s0], $0x10  }
0x9b: {  	[sflag:s0] =	ssyncset.done $0x0  }
0x9c: {  	[sflag:s0] =	ssyncadd.s32 $0xFFFFFFF0  }
0x9d: {  	_ =	swait.ge [sflag:s0], $0x10  }
0x9e: {  	[sflag:s0] =	ssyncset.done $0x0  }
0x9f: {  	[sflag:s0] =	ssyncadd.s32 $0xFFFFFFF0  }
0xa0: {  	_ =	swait.ge [sflag:s0], $0x10  }
0xa1: {  	[sflag:s0] =	ssyncset.done $0x0  }
0xa2: {  	[sflag:s0] =	ssyncadd.s32 $0xFFFFFFF0  }
0xa3: {  	_ =	swait.ge [sflag:s0], $0x10  }
0xa4: {  	[sflag:s0] =	ssyncset.done $0x0  }
0xa5: {  	[sflag:s0] =	ssyncadd.s32 $0xFFFFFFF0  }
0xa6: {  	_ =	swait.ge [sflag:s0], $0x10  }
0xa7: {  	[sflag:s0] =	ssyncset.done $0x0  }
0xa8: {  	[sflag:s0] =	ssyncadd.s32 $0xFFFFFFF0  }
0xa9: {  	_ =	swait.ge [sflag:s0], $0x10  }
0xaa: {  	[sflag:s0] =	ssyncset.done $0x0  }
0xab: {  	[sflag:s0] =	ssyncadd.s32 $0xFFFFFFF0  }
0xac: {  	_ =	swait.ge [sflag:s0], $0x10  }
0xad: {  	[sflag:s0] =	ssyncset.done $0x0  }
0xae: {  	s5 =	simm.s32 $0x400;
	s9 =	simm.s32 $0x3800;
	[sflag:s0] =	ssyncadd.s32 $0xFFFFFFF0  }
0xaf: {  	[tilespmem:s9], [sflag:$0x4] =	stream.indirect.gather [spmem:s2], $0x80, s5, s8, $0xb8;
	[tilespmem:$0x1E980] =	vst v63  }
0xb0: {  	s10 =	simm.s32 $0x8800;
	s9 =	simm.s32 $0xC00  }
0xb1: {  	[tilespmem:s10], [sflag:$0x4] =	stream.indirect.gather [spmem:s2], $0x80, s9, s8, $0xb8;
	[tilespmem:$0x1E980] =	vst v63  }
0xb2: {  	s16 =	simm.s32 $0x480;
	s21 =	simm.s32 $0x4000  }
0xb3: {  	[tilespmem:s21], [sflag:$0x4] =	stream.indirect.gather [spmem:s2], $0x80, s16, s8, $0xb8;
	[tilespmem:$0x1E980] =	vst v63  }
0xb4: {  	s23 =	simm.s32 $0xC80;
	s25 =	simm.s32 $0x9000  }
0xb5: {  	[tilespmem:s25], [sflag:$0x4] =	stream.indirect.gather [spmem:s2], $0x80, s23, s8, $0xb8;
	[tilespmem:$0x1E980] =	vst v63  }
0xb6: {  	s26 =	simm.s32 $0x500;
	s28 =	simm.s32 $0x4800  }
0xb7: {  	[tilespmem:s28], [sflag:$0x4] =	stream.indirect.gather [spmem:s2], $0x80, s26, s8, $0xb8;
	[tilespmem:$0x1E980] =	vst v63  }
0xb8: {  	s30 =	simm.s32 $0xD00;
	s31 =	simm.s32 $0x9800  }
0xb9: {  	[tilespmem:s31], [sflag:$0x4] =	stream.indirect.gather [spmem:s2], $0x80, s30, s8, $0xb8;
	[tilespmem:$0x1E980] =	vst v63  }
0xba: {  	s10 =	simm.s32 $0x580;
	s16 =	simm.s32 $0x5000  }
0xbb: {  	[tilespmem:s16], [sflag:$0x4] =	stream.indirect.gather [spmem:s2], $0x80, s10, s8, $0xb8;
	[tilespmem:$0x1E980] =	vst v63  }
0xbc: {  	s21 =	simm.s32 $0xD80;
	s23 =	simm.s32 $0xA000  }
0xbd: {  	[tilespmem:s23], [sflag:$0x4] =	stream.indirect.gather [spmem:s2], $0x80, s21, s8, $0xb8;
	[tilespmem:$0x1E980] =	vst v63  }
0xbe: {  	s25 =	simm.s32 $0x600;
	s26 =	simm.s32 $0x5800  }
0xbf: {  	[tilespmem:s26], [sflag:$0x4] =	stream.indirect.gather [spmem:s2], $0x80, s25, s8, $0xb8;
	[tilespmem:$0x1E980] =	vst v63  }
0xc0: {  	s28 =	simm.s32 $0xE00;
	s30 =	simm.s32 $0xA800  }
0xc1: {  	[tilespmem:s30], [sflag:$0x4] =	stream.indirect.gather [spmem:s2], $0x80, s28, s8, $0xb8;
	[tilespmem:$0x1E980] =	vst v63  }
0xc2: {  	_ =	swait.ge [sflag:s6], $0x800  }
0xc3: {  	[sflag:s6] =	ssyncset.done $0x0  }
0xc4: {  	[sflag:s6] =	ssyncadd.s32 $0xFFFFF800  }
0xc5: {  	_ =	swait.ge [sflag:s6], $0x800  }
0xc6: {  	[sflag:s6] =	ssyncset.done $0x0  }
0xc7: {  	[sflag:s6] =	ssyncadd.s32 $0xFFFFF800  }
0xc8: {  	_ =	swait.ge [sflag:s6], $0x800  }
0xc9: {  	[sflag:s6] =	ssyncset.done $0x0  }
0xca: {  	[sflag:s6] =	ssyncadd.s32 $0xFFFFF800  }
0xcb: {  	_ =	swait.ge [sflag:s6], $0x800  }
0xcc: {  	[sflag:s6] =	ssyncset.done $0x0  }
0xcd: {  	[sflag:s6] =	ssyncadd.s32 $0xFFFFF800  }
0xce: {  	_ =	swait.ge [sflag:s6], $0x800  }
0xcf: {  	[sflag:s6] =	ssyncset.done $0x0  }
0xd0: {  	[sflag:s6] =	ssyncadd.s32 $0xFFFFF800  }
0xd1: {  	_ =	swait.ge [sflag:s6], $0x800  }
0xd2: {  	[sflag:s6] =	ssyncset.done $0x0  }
0xd3: {  	[sflag:s6] =	ssyncadd.s32 $0xFFFFF800  }
0xd4: {  	_ =	swait.ge [sflag:s6], $0x800  }
0xd5: {  	[sflag:s6] =	ssyncset.done $0x0  }
0xd6: {  	[sflag:s6] =	ssyncadd.s32 $0xFFFFF800  }
0xd7: {  	_ =	swait.ge [sflag:s6], $0x800  }
0xd8: {  	[sflag:s6] =	ssyncset.done $0x0  }
0xd9: {  	[sflag:s6] =	ssyncadd.s32 $0xFFFFF800  }
0xda: {  	_ =	swait.ge [sflag:s6], $0x800  }
0xdb: {  	[sflag:s6] =	ssyncset.done $0x0  }
0xdc: {  	[sflag:s6] =	ssyncadd.s32 $0xFFFFF800  }
0xdd: {  	_ =	swait.ge [sflag:s6], $0x800  }
0xde: {  	s31 =	sld [smem:$0x7FC]  }
0xdf: {  	s25 =	smul.u32 $0xA0, s24;
	_ =	sdelay $0x1  }
0xe0: {  	s5 =	sadd.s32 s25, s31  }
0xe1: {  	[sflag:s6] =	ssyncset.done $0x0;
	s5 =	sshrl.u32 s5, $0x3  }
0xe2: {  	[sflag:s6] =	ssyncadd.s32 $0xFFFFF800;
	s16 =	sadd.s32 s4, s5  }
0xe3: {  	[tilespmem:s3], [sflag:$0x1] =	stream.linear.gather [hbm4b:s16+s3], $0x10, $0x38;
	[tilespmem:$0x1E980] =	vst v63  }
0xe4: {  	s9 =	sadd.s32 s1, s5;
	s10 =	sadd.s32 $0x2, s5  }
0xe5: {  	[tilespmem:s11], [sflag:$0x1] =	stream.linear.gather [hbm4b:s9+s3], $0x10, $0x38;
	[tilespmem:$0x1E980] =	vst v63  }
0xe6: {  	s21 =	sadd.s32 s4, s10  }
0xe7: {  	[tilespmem:s12], [sflag:$0x1] =	stream.linear.gather [hbm4b:s21+s3], $0x10, $0x38;
	[tilespmem:$0x1E980] =	vst v63  }
0xe8: {  	s23 =	sadd.s32 $0x4, s5;
	s16 =	sadd.s32 s1, s10  }
0xe9: {  	[tilespmem:s13], [sflag:$0x1] =	stream.linear.gather [hbm4b:s16+s3], $0x10, $0x38;
	[tilespmem:$0x1E980] =	vst v63  }
0xea: {  	s26 =	sadd.s32 s4, s23  }
0xeb: {  	[tilespmem:s14], [sflag:$0x1] =	stream.linear.gather [hbm4b:s26+s3], $0x10, $0x38;
	[tilespmem:$0x1E980] =	vst v63  }
0xec: {  	s28 =	sadd.s32 $0x6, s5;
	s16 =	sadd.s32 s1, s23  }
0xed: {  	[tilespmem:s15], [sflag:$0x1] =	stream.linear.gather [hbm4b:s16+s3], $0x10, $0x38;
	[tilespmem:$0x1E980] =	vst v63  }
0xee: {  	s30 =	sadd.s32 s4, s28  }
0xef: {  	[tilespmem:s17], [sflag:$0x1] =	stream.linear.gather [hbm4b:s30+s3], $0x10, $0x38;
	[tilespmem:$0x1E980] =	vst v63  }
0xf0: {  	s5 =	sadd.s32 $0x8, s5;
	s16 =	sadd.s32 s1, s28  }
0xf1: {  	[tilespmem:s18], [sflag:$0x1] =	stream.linear.gather [hbm4b:s16+s3], $0x10, $0x38;
	[tilespmem:$0x1E980] =	vst v63  }
0xf2: {  	s31 =	sadd.s32 s4, s5  }
0xf3: {  	[tilespmem:s19], [sflag:$0x1] =	stream.linear.gather [hbm4b:s31+s3], $0x10, $0x38;
	[tilespmem:$0x1E980] =	vst v63  }
0xf4: {  	p1 =	seq.s32 s24, $0x0;
	s5 =	sadd.s32 s1, s5  }
0xf5: {  	[tilespmem:s20], [sflag:$0x1] =	stream.linear.gather [hbm4b:s5+s3], $0x10, $0x38;
	[tilespmem:$0x1E980] =	vst v63  }
0xf6: {  	s5 =	simm.s32 @!p1 $0x5  }
0xf7: {  	_ =	swait.ge @!p1 [sflag:s5], $0x50  }
0xf8: {  	s21 =	simm.s32 $0x6100;
	[sflag:s5] =	ssyncset.done @!p1 $0x0  }
0xf9: {  	s26 =	simm.s32 $0x0;
	[sflag:s5] =	ssyncadd.s32 @!p1 $0xFFFFFFB0;
	s5 =	simm.s32 $0x1100  }
.LBB2_3:
0xfa: {  	v1 =	vld [tilespmem:s5+$0xE0]  }
0xfb: {  	v2 =	vld [tilespmem:s21+$0xE0]  }
0xfc: {  	v4 =	vld [tilespmem:s5+$0x60]  }
0xfd: {  	v12 =	vld [tilespmem:s21+$0x60]  }
0xfe: {  	v13 =	vld [tilespmem:s5+$0x70]  }
0xff: {  	v14 =	vld [tilespmem:s21+$0x70]  }
0x100: {  	v15 =	vld [tilespmem:s5+$0xFFFFFFE0]  }
0x101: {  	v22 =	vld [tilespmem:s21+$0xFFFFFFE0]  }
0x102: {  	v23 =	vld [tilespmem:s5+$0xFFFFFFF0]  }
0x103: {  	v24 =	vld [tilespmem:s21+$0xFFFFFFF0]  }
0x104: {  	v25 =	vld [tilespmem:s5+$0xC0]  }
0x105: {  	v26 =	vld [tilespmem:s21+$0xC0]  }
0x106: {  	v3 =	vld [tilespmem:s5+$0xD0]  }
0x107: {  	v27 =	vld [tilespmem:s5+$0xFFFFFF60]  }
0x108: {  	v28 =	vld [tilespmem:s21+$0xFFFFFF60]  }
0x109: {  	v5 =	vld [tilespmem:s5+$0xFFFFFF70]  }
0x10a: {  	v29 =	vld [tilespmem:s5+$0x40]  }
0x10b: {  	v30 =	vld [tilespmem:s21+$0x40]  }
0x10c: {  	v31 =	vld [tilespmem:s5+$0x50]  }
0x10d: {  	v32 =	vld [tilespmem:s21+$0x50]  }
0x10e: {  	v8 =	vld [tilespmem:s5+$0xFFFFFFC0]  }
0x10f: {  	v11 =	vld [tilespmem:s21+$0xFFFFFFC0]  }
0x110: {  	v7 =	vld [tilespmem:s5+$0xFFFFFFD0]  }
0x111: {  	v9 =	vld [tilespmem:s21+$0xFFFFFFD0]  }
0x112: {  	v33 =	vld [tilespmem:s5+$0xA0]  }
0x113: {  	v34 =	vld [tilespmem:s21+$0xA0]  }
0x114: {  	v6 =	vld [tilespmem:s5+$0xB0]  }
0x115: {  	v10 =	vld [tilespmem:s5+$0xFFFFFF40]  }
0x116: {  	v35 =	vld [tilespmem:s5+$0x20]  }
0x117: {  	v36 =	vld [tilespmem:s21+$0x20]  }
0x118: {  	v19 =	vld [tilespmem:s5+$0x30]  }
0x119: {  	v21 =	vld [tilespmem:s21+$0x30]  }
0x11a: {  	v16 =	vld [tilespmem:s5+$0xFFFFFFA0]  }
0x11b: {  	v20 =	vld [tilespmem:s21+$0xFFFFFFA0]  }
0x11c: {  	v37 =	vld [tilespmem:s5+$0x80]  }
0x11d: {  	v38 =	vld [tilespmem:s21+$0x80]  }
0x11e: {  	v39 =	vld [tilespmem:s5+$0x90]  }
0x11f: {  	v40 =	vld [tilespmem:s21+$0x90]  }
0x120: {  	v41 =	vld [tilespmem:s5+$0x0]  }
0x121: {  	v42 =	vld [tilespmem:s21+$0x0]  }
0x122: {  	v43 =	vld [tilespmem:s5+$0x10]  }
0x123: {  	v44 =	vld [tilespmem:s21+$0x10]  }
0x124: {  	v45 =	vld [tilespmem:s5+$0xFFFFFF80]  }
0x125: {  	v46 =	vld [tilespmem:s21+$0xFFFFFF80]  }
0x126: {  	v47 =	vld [tilespmem:s5+$0xFFFFFF90]  }
0x127: {  	v48 =	vld [tilespmem:s21+$0xFFFFFF90];
	v17 =	vmul.f32 v12, v4;
	v18 =	vmul.f32 v14, v13  }
0x128: {  	v49 =	vld [tilespmem:s5+$0xFFFFFF00];
	v14 =	vmul.f32 v22, v15;
	v15 =	vmul.f32 v24, v23  }
0x129: {  	v50 =	vld [tilespmem:s21+$0xFFFFFF10];
	v13 =	vmul.f32 v28, v27;
	v12 =	vmul.f32 v26, v25  }
0x12a: {  	v22 =	vld [tilespmem:s21+$0xFFFFFF00];
	v23 =	vmul.f32 v30, v29;
	v24 =	vmul.f32 v32, v31  }
0x12b: {  	v26 =	vld [tilespmem:s5+$0xFFFFFF10];
	v27 =	vmul.f32 v36, v35;
	v25 =	vmul.f32 v34, v33  }
0x12c: {  	v28 =	vld [tilespmem:s5+$0xFFFFFFB0];
	v31 =	vmul.f32 v38, v37;
	v61 =	vmul.f32 v40, v39  }
0x12d: {  	v29 =	vld [tilespmem:s21+$0xFFFFFFB0];
	v62 =	vmul.f32 v42, v41;
	v63 =	vmul.f32 v44, v43  }
0x12e: {  	v4 =	vimm.f32 $0.0e+00;
	v30 =	vld [tilespmem:s5+$0xFFFFFF20];
	v36 =	vmul.f32 v46, v45;
	v31 =	vadd.f32 $0.0e+00, v31  }
0x12f: {  	s16 =	simm.s32 $0x4;
	v37 =	vmul.f32 v48, v47;
	v32 =	vld [tilespmem:s21+$0xFFFFFF20];
	v34 =	vadd.f32 $0.0e+00, v62;
	v35 =	vadd.f32 $0.0e+00, v63  }
0x130: {  	s30 =	smov.u32 s5;
	s28 =	smov.u32 s21;
	s31 =	simm.s32 $0x0;
	v33 =	vmul.f32 v22, v49;
	v22 =	vadd.f32 $0.0e+00, v61;
	v38 =	vmul.f32 v50, v26;
	v26 =	vld [tilespmem:s21+$0xFFFFFF40]  }
.LBB2_4:
0x131: {  	p1 =	slt.u32 s16, $0xC;
	v39 =	vld [tilespmem:s30+$0xFFFFFF30];
	v36 =	vadd.f32 $0.0e+00, v36;
	v37 =	vadd.f32 $0.0e+00, v37;
	v19 =	vmul.f32 v21, v19  }
0x132: {  	v21 =	vadd.f32 $0.0e+00, v33;
	v16 =	vmul.f32 v20, v16;
	v33 =	vadd.f32 $0.0e+00, v38;
	v38 =	vld [tilespmem:s28+$0xFFFFFF30]  }
0x133: {  	v28 =	vmul.f32 v29, v28;
	v27 =	vadd.f32 v27, v34;
	v20 =	vld [tilespmem:s30+$0xFFFFFF50];
	v19 =	vadd.f32 v19, v35  }
0x134: {  	v25 =	vadd.f32 v25, v31;
	v16 =	vadd.f32 v16, v36;
	v29 =	vmul.f32 v32, v30;
	v30 =	vld [tilespmem:s28+$0xFFFFFF50]  }
0x135: {  	v8 =	vmul.f32 v11, v8;
	v11 =	vadd.f32 v23, v27;
	v19 =	vadd.f32 v24, v19;
	v23 =	vld [tilespmem:s28+$0xB0]  }
0x136: {  	v7 =	vmul.f32 v9, v7;
	v27 =	vadd.f32 v28, v37;
	v21 =	vadd.f32 v29, v21;
	v24 =	vld [tilespmem:s28+$0xFFFFFF70]  }
0x137: {  	v11 =	vadd.f32 v17, v11;
	v9 =	vmul.f32 v38, v39;
	v17 =	vadd.f32 v18, v19;
	v18 =	vld [tilespmem:s28+$0xD0]  }
0x138: {  	v10 =	vmul.f32 v26, v10;
	v8 =	vadd.f32 v8, v16;
	v7 =	vadd.f32 v7, v27;
	v16 =	vld [tilespmem:s30+$0xF0]  }
0x139: {  	s30 =	sadd.s32 $0x200, s30;
	v9 =	vadd.f32 v9, v33;
	v19 =	vmul.f32 v30, v20;
	v11 =	vadd.f32 v17, v11;
	v17 =	vld [tilespmem:s28+$0xF0]  }
0x13a: {  	v8 =	vadd.f32 v14, v8;
	v7 =	vadd.f32 v15, v7;
	s28 =	sadd.s32 $0x200, s28;
	v20 =	vld [tilespmem:s30+$0xE0];
	v6 =	vmul.f32 v23, v6  }
0x13b: {  	v10 =	vadd.f32 v10, v21;
	v15 =	vld [tilespmem:s28+$0xE0];
	v9 =	vadd.f32 v19, v9;
	v5 =	vmul.f32 v24, v5;
	(xrf2) =	vadd.scan.msk.f32 $0xffff, v11  }
0x13c: {  	v7 =	vadd.f32 v7, v8;
	v14 =	vld [tilespmem:s30+$0x60];
	v6 =	vadd.f32 v6, v22;
	v3 =	vmul.f32 v18, v3  }
0x13d: {  	v8 =	vadd.f32 v13, v10;
	v10 =	vmul.f32 v2, v1;
	v18 =	vld [tilespmem:s28+$0x60];
	v5 =	vadd.f32 v5, v9  }
0x13e: {  	v9 =	vadd.f32 v12, v25;
	v13 =	vld [tilespmem:s30+$0x70];
	v3 =	vadd.f32 v3, v6;
	v6 =	vmul.f32 v17, v16;
	(xrf2) =	vadd.scan.msk.f32 $0xffff, v7  }
0x13f: {  	v12 =	vld [tilespmem:s28+$0x70];
	v5 =	vadd.f32 v5, v8;
	v1 =	vmov v20  }
0x140: {  	v7 =	vadd.f32 v10, v9;
	v22 =	vld [tilespmem:s30+$0xFFFFFFE0];
	v3 =	vadd.f32 v6, v3;
	v2 =	vmov v15  }
0x141: {  	v15 =	vld [tilespmem:s28+$0xFFFFFFE0];
	(xrf2) =	vadd.scan.msk.f32 $0xffff, v5  }
0x142: {  	v23 =	vld [tilespmem:s30+$0xFFFFFFF0];
	v3 =	vadd.f32 v3, v7  }
0x143: {  	v24 =	vld [tilespmem:s28+$0xFFFFFFF0]  }
0x144: {  	v25 =	vld [tilespmem:s30+$0xC0];
	(xrf2) =	vadd.scan.msk.f32 $0xffff, v3  }
0x145: {  	v26 =	vld [tilespmem:s28+$0xC0];
	v6, _, _ =	vpop (xrf2)  }
0x146: {  	v3 =	vld [tilespmem:s30+$0xD0]  }
0x147: {  	v27 =	vld [tilespmem:s30+$0xFFFFFF60]  }
0x148: {  	v28 =	vld [tilespmem:s28+$0xFFFFFF60];
	v7, _, _ =	vpop (xrf2)  }
0x149: {  	v5 =	vld [tilespmem:s30+$0xFFFFFF70]  }
0x14a: {  	v29 =	vld [tilespmem:s30+$0x40]  }
0x14b: {  	s9 =	sadd.s32 $0x2, s31;
	s10 =	sadd.s32 $0x3, s31;
	v8 =	vmov s31;
	v30 =	vld [tilespmem:s28+$0x40];
	v9, _, _ =	vpop (xrf2)  }
0x14c: {  	s23 =	sadd.s32 $0x1, s31;
	v16 =	vmov s10;
	v10 =	vmov s9;
	s31 =	smov.u32 s16;
	v31 =	vld [tilespmem:s30+$0x50];
	v17 =	vbroadcast v9, $0xF  }
0x14d: {  	v11 =	vmov s23;
	vm0 =	veq.s32 v8, v0;
	v7 =	vbroadcast v7, $0xF;
	v32 =	vld [tilespmem:s28+$0x50]  }
0x14e: {  	v6 =	vbroadcast v6, $0xF;
	v8 =	vld [tilespmem:s30+$0xFFFFFFC0];
	v4 =	vsel vm0, v17, v4;
	vm0 =	veq.s32 v11, v0;
	v9, _, _ =	vpop (xrf2)  }
0x14f: {  	v11 =	vld [tilespmem:s28+$0xFFFFFFC0];
	v4 =	vsel vm0, v7, v4;
	vm0 =	veq.s32 v10, v0;
	v10 =	vbroadcast v9, $0xF  }
0x150: {  	v7 =	vld [tilespmem:s30+$0xFFFFFFD0];
	v4 =	vsel vm0, v6, v4;
	vm0 =	veq.s32 v16, v0  }
0x151: {  	v9 =	vld [tilespmem:s28+$0xFFFFFFD0];
	v4 =	vsel vm0, v10, v4  }
0x152: {  	v33 =	vld [tilespmem:s30+$0xA0]  }
0x153: {  	v34 =	vld [tilespmem:s28+$0xA0]  }
0x154: {  	v6 =	vld [tilespmem:s30+$0xB0]  }
0x155: {  	v10 =	vld [tilespmem:s30+$0xFFFFFF40]  }
0x156: {  	v35 =	vld [tilespmem:s30+$0x20]  }
0x157: {  	v36 =	vld [tilespmem:s28+$0x20]  }
0x158: {  	v19 =	vld [tilespmem:s30+$0x30]  }
0x159: {  	v21 =	vld [tilespmem:s28+$0x30]  }
0x15a: {  	v16 =	vld [tilespmem:s30+$0xFFFFFFA0]  }
0x15b: {  	v20 =	vld [tilespmem:s28+$0xFFFFFFA0]  }
0x15c: {  	v37 =	vld [tilespmem:s30+$0x80]  }
0x15d: {  	v38 =	vld [tilespmem:s28+$0x80]  }
0x15e: {  	v39 =	vld [tilespmem:s30+$0x90]  }
0x15f: {  	v40 =	vld [tilespmem:s28+$0x90]  }
0x160: {  	v41 =	vld [tilespmem:s30+$0x0]  }
0x161: {  	v42 =	vld [tilespmem:s28+$0x0]  }
0x162: {  	v43 =	vld [tilespmem:s30+$0x10]  }
0x163: {  	v44 =	vld [tilespmem:s28+$0x10]  }
0x164: {  	v45 =	vld [tilespmem:s30+$0xFFFFFF80]  }
0x165: {  	v46 =	vld [tilespmem:s28+$0xFFFFFF80]  }
0x166: {  	v47 =	vld [tilespmem:s30+$0xFFFFFF90]  }
0x167: {  	v17 =	vmul.f32 v18, v14;
	v18 =	vmul.f32 v12, v13;
	v48 =	vld [tilespmem:s28+$0xFFFFFF90]  }
0x168: {  	v14 =	vmul.f32 v15, v22;
	v15 =	vmul.f32 v24, v23;
	v49 =	vld [tilespmem:s30+$0xFFFFFF00]  }
0x169: {  	v13 =	vmul.f32 v28, v27;
	v12 =	vmul.f32 v26, v25;
	v22 =	vld [tilespmem:s28+$0xFFFFFF00]  }
0x16a: {  	v23 =	vmul.f32 v30, v29;
	v24 =	vmul.f32 v32, v31;
	v26 =	vld [tilespmem:s30+$0xFFFFFF10]  }
0x16b: {  	v25 =	vmul.f32 v34, v33;
	v27 =	vmul.f32 v36, v35;
	v50 =	vld [tilespmem:s28+$0xFFFFFF10]  }
.Ltmp0:
0x16c: {  	v31 =	vmul.f32 v38, v37;
	v34 =	vmul.f32 v40, v39;
	v28 =	vld [tilespmem:s30+$0xFFFFFFB0];
	(pc) =	sbr.rel @p1 .LBB2_4-.Ltmp0, $4  }
0x16d: {  	v35 =	vmul.f32 v42, v41;
	v39 =	vmul.f32 v44, v43;
	v29 =	vld [tilespmem:s28+$0xFFFFFFB0]  }
0x16e: {  	v36 =	vmul.f32 v46, v45;
	v37 =	vmul.f32 v48, v47;
	v30 =	vld [tilespmem:s30+$0xFFFFFF20]  }
0x16f: {  	v31 =	vadd.f32 $0.0e+00, v31;
	v33 =	vmul.f32 v22, v49;
	v22 =	vadd.f32 $0.0e+00, v34;
	v32 =	vld [tilespmem:s28+$0xFFFFFF20]  }
0x170: {  	s16 =	sadd.s32 $0x4, s16;
	v34 =	vadd.f32 $0.0e+00, v35;
	v35 =	vadd.f32 $0.0e+00, v39;
	v38 =	vmul.f32 v50, v26;
	v26 =	vld [tilespmem:s28+$0xFFFFFF40]  }
0x171: {  	v36 =	vadd.f32 $0.0e+00, v36  }
0x172: {  	v39 =	vld [tilespmem:s30+$0xFFFFFF30];
	v37 =	vadd.f32 $0.0e+00, v37;
	v19 =	vmul.f32 v21, v19;
	v44 =	vadd.f32 $0.0e+00, v33  }
0x173: {  	v46 =	vld [tilespmem:s28+$0xFFFFFF30];
	v16 =	vmul.f32 v20, v16;
	v25 =	vadd.f32 v25, v31;
	v8 =	vmul.f32 v11, v8  }
0x174: {  	v47 =	vld [tilespmem:s30+$0xFFFFFF50];
	v1 =	vmul.f32 v2, v1;
	v45 =	vadd.f32 $0.0e+00, v38;
	v27 =	vadd.f32 v27, v34  }
0x175: {  	v49 =	vld [tilespmem:s28+$0xFFFFFF50];
	v28 =	vmul.f32 v29, v28;
	v19 =	vadd.f32 v19, v35;
	v16 =	vadd.f32 v16, v36  }
0x176: {  	v51 =	vld [tilespmem:s28+$0xB0];
	v2 =	vadd.f32 v12, v25;
	v48 =	vmul.f32 v32, v30;
	v50 =	vadd.f32 v23, v27  }
0x177: {  	v52 =	vld [tilespmem:s28+$0xFFFFFF70];
	v7 =	vmul.f32 v9, v7;
	v53 =	vadd.f32 v28, v37;
	v19 =	vadd.f32 v24, v19  }
0x178: {  	v56 =	vld [tilespmem:s28+$0xD0];
	v8 =	vadd.f32 v8, v16;
	v21 =	vadd.f32 v48, v44;
	v54 =	vmul.f32 v46, v39  }
0x179: {  	v57 =	vld [tilespmem:s30+$0xF0];
	v10 =	vmul.f32 v26, v10;
	v11 =	vadd.f32 v17, v50;
	v7 =	vadd.f32 v7, v53  }
0x17a: {  	v59 =	vld [tilespmem:s28+$0xF0];
	v58 =	vmul.f32 v49, v47;
	v55 =	vadd.f32 v18, v19;
	v9 =	vadd.f32 v54, v45  }
0x17b: {  	v6 =	vmul.f32 v51, v6;
	v8 =	vadd.f32 v14, v8;
	v7 =	vadd.f32 v15, v7  }
0x17c: {  	v5 =	vmul.f32 v52, v5;
	v10 =	vadd.f32 v10, v21;
	v9 =	vadd.f32 v58, v9  }
0x17d: {  	v3 =	vmul.f32 v56, v3;
	v6 =	vadd.f32 v6, v22;
	v11 =	vadd.f32 v55, v11  }
0x17e: {  	v60 =	vadd.f32 v13, v10;
	v5 =	vadd.f32 v5, v9  }
0x17f: {  	v61 =	vmul.f32 v59, v57;
	v7 =	vadd.f32 v7, v8;
	v3 =	vadd.f32 v3, v6  }
0x180: {  	(xrf2) =	vadd.scan.msk.f32 $0xffff, v11;
	v5 =	vadd.f32 v5, v60  }
0x181: {  	v1 =	vadd.f32 v1, v2;
	(xrf2) =	vadd.scan.msk.f32 $0xffff, v7;
	v2 =	vadd.f32 v61, v3  }
0x182: {  	(xrf2) =	vadd.scan.msk.f32 $0xffff, v5  }
0x183: {  	v1 =	vadd.f32 v2, v1;
	_ =	sdelay $0x1  }
0x184: {  	(xrf2) =	vadd.scan.msk.f32 $0xffff, v1;
	_ =	sdelay $0x4  }
0x185: {  	v1, _, _ =	vpop (xrf2)  }
0x186: {  	s16 =	sadd.s32 $0x1, s31;
	v3 =	vmov s31;
	v2, _, _ =	vpop (xrf2)  }
0x187: {  	s9 =	sadd.s32 $0x2, s31;
	vm0 =	veq.s32 v3, v0;
	v3 =	vmov s16;
	v5, _, _ =	vpop (xrf2)  }
0x188: {  	s10 =	sadd.s32 $0x3, s31;
	s31 =	sshll.u32 s26, $0x4;
	s26 =	sadd.s32 $0x1, s26;
	v5 =	vbroadcast v5, $0xF  }
0x189: {  	v62 =	vmov s9;
	v63 =	vmov s10;
	p1 =	sne.s32 s26, $0x5;
	v2 =	vbroadcast v2, $0xF  }
.Ltmp1:
0x18a: {  	vm13 =	veq.s32 v3, v0;
	v1 =	vbroadcast v1, $0xF;
	v3, _, _ =	vpop (xrf2);
	v4 =	vsel vm0, v5, v4;
	(pc) =	sbr.rel @p1 .LBB2_3-.Ltmp1, $4  }
0x18b: {  	vm14 =	veq.s32 v62, v0;
	v3 =	vbroadcast v3, $0xF;
	v2 =	vsel vm13, v2, v4  }
0x18c: {  	vm15 =	veq.s32 v63, v0;
	v1 =	vsel vm14, v1, v2  }
0x18d: {  	s9 =	sand.u32 $0x3FFFFFF0, s31;
	v1 =	vsel vm15, v3, v1  }
0x18e: {  	s21 =	sadd.s32 $0x800, s21;
	s5 =	sadd.s32 $0x800, s5;
	[tilespmem:s9+$0xB000] =	vst v1  }
0x18f: {  	s5 =	rddreg [dreg:$0x4]  }
0x190: {  	s5 =	sadd.s32 s5, s25  }
0x191: {  	s5 =	sshrl.u32 s5, $0x3  }
0x192: {  	s9 =	simm.s32 $0xB000;
	s5 =	sadd.s32 s29, s5  }
0x193: {  	[hbm4b:s5+s3] =	stream.linear.scatter [tilespmem:s9], [sflag:$0x5], $0x50, $0x38;
	[tilespmem:$0x1E980] =	vst v63  }
0x194: {  	_ =	swait.ge [sflag:s7], $0x10  }
0x195: {  	[sflag:s7] =	ssyncset.done $0x0  }
0x196: {  	[sflag:s7] =	ssyncadd.s32 $0xFFFFFFF0  }
0x197: {  	_ =	swait.ge [sflag:s7], $0x10  }
0x198: {  	[sflag:s7] =	ssyncset.done $0x0  }
0x199: {  	[sflag:s7] =	ssyncadd.s32 $0xFFFFFFF0  }
0x19a: {  	_ =	swait.ge [sflag:s7], $0x10  }
0x19b: {  	[sflag:s7] =	ssyncset.done $0x0  }
0x19c: {  	[sflag:s7] =	ssyncadd.s32 $0xFFFFFFF0  }
0x19d: {  	_ =	swait.ge [sflag:s7], $0x10  }
0x19e: {  	[sflag:s7] =	ssyncset.done $0x0  }
0x19f: {  	[sflag:s7] =	ssyncadd.s32 $0xFFFFFFF0  }
0x1a0: {  	_ =	swait.ge [sflag:s7], $0x10  }
0x1a1: {  	[sflag:s7] =	ssyncset.done $0x0  }
0x1a2: {  	[sflag:s7] =	ssyncadd.s32 $0xFFFFFFF0  }
0x1a3: {  	_ =	swait.ge [sflag:s7], $0x10  }
0x1a4: {  	[sflag:s7] =	ssyncset.done $0x0  }
0x1a5: {  	[sflag:s7] =	ssyncadd.s32 $0xFFFFFFF0  }
0x1a6: {  	_ =	swait.ge [sflag:s7], $0x10  }
0x1a7: {  	[sflag:s7] =	ssyncset.done $0x0  }
0x1a8: {  	[sflag:s7] =	ssyncadd.s32 $0xFFFFFFF0  }
0x1a9: {  	_ =	swait.ge [sflag:s7], $0x10  }
0x1aa: {  	[sflag:s7] =	ssyncset.done $0x0  }
0x1ab: {  	[sflag:s7] =	ssyncadd.s32 $0xFFFFFFF0  }
0x1ac: {  	_ =	swait.ge [sflag:s7], $0x10  }
0x1ad: {  	[sflag:s7] =	ssyncset.done $0x0  }
0x1ae: {  	[sflag:s7] =	ssyncadd.s32 $0xFFFFFFF0  }
0x1af: {  	_ =	swait.ge [sflag:s7], $0x10  }
0x1b0: {  	[sflag:s7] =	ssyncset.done $0x0  }
0x1b1: {  	s23 =	simm.s32 $0x1000;
	[sflag:s7] =	ssyncadd.s32 $0xFFFFFFF0  }
0x1b2: {  	[tilespmem:s23], [sflag:$0x3] =	stream.indirect.gather [spmem:s2], $0x80, s3, s8, $0xb8;
	[tilespmem:$0x1E980] =	vst v63  }
0x1b3: {  	s26 =	simm.s32 $0x6000  }
0x1b4: {  	[tilespmem:s26], [sflag:$0x3] =	stream.indirect.gather [spmem:s2], $0x80, s11, s8, $0xb8;
	[tilespmem:$0x1E980] =	vst v63  }
0x1b5: {  	s31 =	simm.s32 $0x1800  }
0x1b6: {  	[tilespmem:s31], [sflag:$0x3] =	stream.indirect.gather [spmem:s2], $0x80, s12, s8, $0xb8;
	[tilespmem:$0x1E980] =	vst v63  }
0x1b7: {  	s9 =	simm.s32 $0x6800  }
0x1b8: {  	[tilespmem:s9], [sflag:$0x3] =	stream.indirect.gather [spmem:s2], $0x80, s13, s8, $0xb8;
	[tilespmem:$0x1E980] =	vst v63  }
0x1b9: {  	s10 =	simm.s32 $0x2000  }
0x1ba: {  	[tilespmem:s10], [sflag:$0x3] =	stream.indirect.gather [spmem:s2], $0x80, s14, s8, $0xb8;
	[tilespmem:$0x1E980] =	vst v63  }
0x1bb: {  	s16 =	simm.s32 $0x7000  }
0x1bc: {  	[tilespmem:s16], [sflag:$0x3] =	stream.indirect.gather [spmem:s2], $0x80, s15, s8, $0xb8;
	[tilespmem:$0x1E980] =	vst v63  }
0x1bd: {  	s21 =	simm.s32 $0x2800  }
0x1be: {  	[tilespmem:s21], [sflag:$0x3] =	stream.indirect.gather [spmem:s2], $0x80, s17, s8, $0xb8;
	[tilespmem:$0x1E980] =	vst v63  }
0x1bf: {  	s23 =	simm.s32 $0x7800  }
0x1c0: {  	[tilespmem:s23], [sflag:$0x3] =	stream.indirect.gather [spmem:s2], $0x80, s18, s8, $0xb8;
	[tilespmem:$0x1E980] =	vst v63  }
0x1c1: {  	s26 =	simm.s32 $0x3000  }
0x1c2: {  	[tilespmem:s26], [sflag:$0x3] =	stream.indirect.gather [spmem:s2], $0x80, s19, s8, $0xb8;
	[tilespmem:$0x1E980] =	vst v63  }
0x1c3: {  	s31 =	simm.s32 $0x8000  }
0x1c4: {  	[tilespmem:s31], [sflag:$0x3] =	stream.indirect.gather [spmem:s2], $0x80, s20, s8, $0xb8;
	[tilespmem:$0x1E980] =	vst v63  }
0x1c5: {  	_ =	swait.ge [sflag:s22], $0x800  }
0x1c6: {  	[sflag:s22] =	ssyncset.done $0x0  }
0x1c7: {  	[sflag:s22] =	ssyncadd.s32 $0xFFFFF800  }
0x1c8: {  	_ =	swait.ge [sflag:s22], $0x800  }
0x1c9: {  	[sflag:s22] =	ssyncset.done $0x0  }
0x1ca: {  	[sflag:s22] =	ssyncadd.s32 $0xFFFFF800  }
0x1cb: {  	_ =	swait.ge [sflag:s22], $0x800  }
0x1cc: {  	[sflag:s22] =	ssyncset.done $0x0  }
0x1cd: {  	[sflag:s22] =	ssyncadd.s32 $0xFFFFF800  }
0x1ce: {  	_ =	swait.ge [sflag:s22], $0x800  }
0x1cf: {  	[sflag:s22] =	ssyncset.done $0x0  }
0x1d0: {  	[sflag:s22] =	ssyncadd.s32 $0xFFFFF800  }
0x1d1: {  	_ =	swait.ge [sflag:s22], $0x800  }
0x1d2: {  	[sflag:s22] =	ssyncset.done $0x0  }
0x1d3: {  	[sflag:s22] =	ssyncadd.s32 $0xFFFFF800  }
0x1d4: {  	_ =	swait.ge [sflag:s22], $0x800  }
0x1d5: {  	[sflag:s22] =	ssyncset.done $0x0  }
0x1d6: {  	[sflag:s22] =	ssyncadd.s32 $0xFFFFF800  }
0x1d7: {  	_ =	swait.ge [sflag:s22], $0x800  }
0x1d8: {  	[sflag:s22] =	ssyncset.done $0x0  }
0x1d9: {  	[sflag:s22] =	ssyncadd.s32 $0xFFFFF800  }
0x1da: {  	_ =	swait.ge [sflag:s22], $0x800  }
0x1db: {  	[sflag:s22] =	ssyncset.done $0x0  }
0x1dc: {  	[sflag:s22] =	ssyncadd.s32 $0xFFFFF800  }
0x1dd: {  	_ =	swait.ge [sflag:s22], $0x800  }
0x1de: {  	[sflag:s22] =	ssyncset.done $0x0  }
0x1df: {  	[sflag:s22] =	ssyncadd.s32 $0xFFFFF800  }
0x1e0: {  	_ =	swait.ge [sflag:s22], $0x800  }
0x1e1: {  	s5 =	sld [smem:$0x7FD];
	_ =	sdelay $0x1  }
0x1e2: {  	p1 =	seq.s32 s24, $0x3D  }
0x1e3: {  	s5 =	sadd.s32 @!p1 s25, s5  }
0x1e4: {  	s10 =	simm.s32 @!p1 $0x0;
	[sflag:s22] =	ssyncset.done $0x0;
	s5 =	sshrl.u32 @!p1 s5, $0x3  }
0x1e5: {  	s16 =	simm.s32 @!p1 $0x400;
	[sflag:s22] =	ssyncadd.s32 $0xFFFFF800;
	s9 =	sadd.s32 @!p1 s4, s5  }
0x1e6: {  	[tilespmem:s16], [sflag:$0x2] =	stream.linear.gather @!p1 [hbm4b:s9+s10], $0x10, $0x38;
	[tilespmem:$0x1E980] =	vst v63  }
0x1e7: {  	s9 =	sadd.s32 @!p1 s1, s5;
	s16 =	simm.s32 @!p1 $0xC00  }
0x1e8: {  	[tilespmem:s16], [sflag:$0x2] =	stream.linear.gather @!p1 [hbm4b:s9+s10], $0x10, $0x38;
	[tilespmem:$0x1E980] =	vst v63  }
0x1e9: {  	s9 =	sadd.s32 @!p1 $0x2, s5  }
0x1ea: {  	s21 =	simm.s32 @!p1 $0x480;
	s16 =	sadd.s32 @!p1 s4, s9  }
0x1eb: {  	[tilespmem:s21], [sflag:$0x2] =	stream.linear.gather @!p1 [hbm4b:s16+s10], $0x10, $0x38;
	[tilespmem:$0x1E980] =	vst v63  }
0x1ec: {  	s9 =	sadd.s32 @!p1 s1, s9;
	s16 =	simm.s32 @!p1 $0xC80  }
0x1ed: {  	[tilespmem:s16], [sflag:$0x2] =	stream.linear.gather @!p1 [hbm4b:s9+s10], $0x10, $0x38;
	[tilespmem:$0x1E980] =	vst v63  }
0x1ee: {  	s9 =	sadd.s32 @!p1 $0x4, s5  }
0x1ef: {  	s21 =	simm.s32 @!p1 $0x500;
	s16 =	sadd.s32 @!p1 s4, s9  }
0x1f0: {  	[tilespmem:s21], [sflag:$0x2] =	stream.linear.gather @!p1 [hbm4b:s16+s10], $0x10, $0x38;
	[tilespmem:$0x1E980] =	vst v63  }
0x1f1: {  	s9 =	sadd.s32 @!p1 s1, s9;
	s16 =	simm.s32 @!p1 $0xD00  }
0x1f2: {  	[tilespmem:s16], [sflag:$0x2] =	stream.linear.gather @!p1 [hbm4b:s9+s10], $0x10, $0x38;
	[tilespmem:$0x1E980] =	vst v63  }
0x1f3: {  	s9 =	sadd.s32 @!p1 $0x6, s5  }
0x1f4: {  	s21 =	simm.s32 @!p1 $0x580;
	s16 =	sadd.s32 @!p1 s4, s9  }
0x1f5: {  	[tilespmem:s21], [sflag:$0x2] =	stream.linear.gather @!p1 [hbm4b:s16+s10], $0x10, $0x38;
	[tilespmem:$0x1E980] =	vst v63  }
0x1f6: {  	s5 =	sadd.s32 @!p1 $0x8, s5;
	s9 =	sadd.s32 @!p1 s1, s9;
	s16 =	simm.s32 @!p1 $0xD80  }
0x1f7: {  	[tilespmem:s16], [sflag:$0x2] =	stream.linear.gather @!p1 [hbm4b:s9+s10], $0x10, $0x38;
	[tilespmem:$0x1E980] =	vst v63  }
0x1f8: {  	s9 =	sadd.s32 @!p1 s4, s5;
	s16 =	simm.s32 @!p1 $0x600  }
0x1f9: {  	[tilespmem:s16], [sflag:$0x2] =	stream.linear.gather @!p1 [hbm4b:s9+s10], $0x10, $0x38;
	[tilespmem:$0x1E980] =	vst v63  }
0x1fa: {  	p2 =	seq.s32 @!p1 s24, $0x0;
	s5 =	sadd.s32 @!p1 s1, s5;
	s9 =	simm.s32 @!p1 $0xE00  }
0x1fb: {  	[tilespmem:s9], [sflag:$0x2] =	stream.linear.gather @!p1 [hbm4b:s5+s10], $0x10, $0x38;
	[tilespmem:$0x1E980] =	vst v63  }
0x1fc: {  	p1 =	por p1, !p2  }
0x1fd: {  	s5 =	simm.s32 @p1 $0x6  }
0x1fe: {  	_ =	swait.ge @p1 [sflag:s5], $0x50  }
0x1ff: {  	s28 =	simm.s32 $0x39F0;
	[sflag:s5] =	ssyncset.done @p1 $0x0  }
0x200: {  	s30 =	simm.s32 $0x89F0;
	s26 =	simm.s32 $0x0;
	[sflag:s5] =	ssyncadd.s32 @p1 $0xFFFFFFB0  }
.LBB2_7:
0x201: {  	v1 =	vld [tilespmem:s28+$0xFFFFFFF0]  }
0x202: {  	v2 =	vld [tilespmem:s30+$0xFFFFFFF0]  }
0x203: {  	v4 =	vld [tilespmem:s28+$0xFFFFFF70]  }
0x204: {  	v12 =	vld [tilespmem:s30+$0xFFFFFF70]  }
0x205: {  	v13 =	vld [tilespmem:s28+$0xFFFFFF80]  }
0x206: {  	v14 =	vld [tilespmem:s30+$0xFFFFFF80]  }
0x207: {  	v15 =	vld [tilespmem:s28+$0xFFFFFEF0]  }
0x208: {  	v22 =	vld [tilespmem:s30+$0xFFFFFEF0]  }
0x209: {  	v23 =	vld [tilespmem:s28+$0xFFFFFF00]  }
0x20a: {  	v24 =	vld [tilespmem:s30+$0xFFFFFF00]  }
0x20b: {  	v25 =	vld [tilespmem:s28+$0xFFFFFFD0]  }
0x20c: {  	v26 =	vld [tilespmem:s30+$0xFFFFFFD0]  }
0x20d: {  	v3 =	vld [tilespmem:s28+$0xFFFFFFE0]  }
0x20e: {  	v27 =	vld [tilespmem:s28+$0xFFFFFE70]  }
0x20f: {  	v28 =	vld [tilespmem:s30+$0xFFFFFE70]  }
0x210: {  	v5 =	vld [tilespmem:s28+$0xFFFFFE80]  }
0x211: {  	v29 =	vld [tilespmem:s28+$0xFFFFFF50]  }
0x212: {  	v30 =	vld [tilespmem:s30+$0xFFFFFF50]  }
0x213: {  	v31 =	vld [tilespmem:s28+$0xFFFFFF60]  }
0x214: {  	v32 =	vld [tilespmem:s30+$0xFFFFFF60]  }
0x215: {  	v8 =	vld [tilespmem:s28+$0xFFFFFED0]  }
0x216: {  	v11 =	vld [tilespmem:s30+$0xFFFFFED0]  }
0x217: {  	v7 =	vld [tilespmem:s28+$0xFFFFFEE0]  }
0x218: {  	v9 =	vld [tilespmem:s30+$0xFFFFFEE0]  }
0x219: {  	v33 =	vld [tilespmem:s28+$0xFFFFFFB0]  }
0x21a: {  	v34 =	vld [tilespmem:s30+$0xFFFFFFB0]  }
0x21b: {  	v6 =	vld [tilespmem:s28+$0xFFFFFFC0]  }
0x21c: {  	v10 =	vld [tilespmem:s28+$0xFFFFFE50]  }
0x21d: {  	v35 =	vld [tilespmem:s28+$0xFFFFFF30]  }
0x21e: {  	v36 =	vld [tilespmem:s30+$0xFFFFFF30]  }
0x21f: {  	v19 =	vld [tilespmem:s28+$0xFFFFFF40]  }
0x220: {  	v21 =	vld [tilespmem:s30+$0xFFFFFF40]  }
0x221: {  	v16 =	vld [tilespmem:s28+$0xFFFFFEB0]  }
0x222: {  	v20 =	vld [tilespmem:s30+$0xFFFFFEB0]  }
0x223: {  	v37 =	vld [tilespmem:s28+$0xFFFFFF90]  }
0x224: {  	v38 =	vld [tilespmem:s30+$0xFFFFFF90]  }
0x225: {  	v39 =	vld [tilespmem:s28+$0xFFFFFFA0]  }
0x226: {  	v40 =	vld [tilespmem:s30+$0xFFFFFFA0]  }
0x227: {  	v41 =	vld [tilespmem:s28+$0xFFFFFF10]  }
0x228: {  	v42 =	vld [tilespmem:s30+$0xFFFFFF10]  }
0x229: {  	v43 =	vld [tilespmem:s28+$0xFFFFFF20]  }
0x22a: {  	v44 =	vld [tilespmem:s30+$0xFFFFFF20]  }
0x22b: {  	v45 =	vld [tilespmem:s28+$0xFFFFFE90]  }
0x22c: {  	v46 =	vld [tilespmem:s30+$0xFFFFFE90]  }
0x22d: {  	v47 =	vld [tilespmem:s28+$0xFFFFFEA0]  }
0x22e: {  	v48 =	vld [tilespmem:s30+$0xFFFFFEA0];
	v17 =	vmul.f32 v12, v4;
	v18 =	vmul.f32 v14, v13  }
0x22f: {  	v49 =	vld [tilespmem:s28+$0xFFFFFE10];
	v14 =	vmul.f32 v22, v15;
	v15 =	vmul.f32 v24, v23  }
0x230: {  	v50 =	vld [tilespmem:s30+$0xFFFFFE20];
	v13 =	vmul.f32 v28, v27;
	v12 =	vmul.f32 v26, v25  }
0x231: {  	v22 =	vld [tilespmem:s30+$0xFFFFFE10];
	v23 =	vmul.f32 v30, v29;
	v24 =	vmul.f32 v32, v31  }
0x232: {  	v26 =	vld [tilespmem:s28+$0xFFFFFE20];
	v27 =	vmul.f32 v36, v35;
	v25 =	vmul.f32 v34, v33  }
0x233: {  	v28 =	vld [tilespmem:s28+$0xFFFFFEC0];
	v31 =	vmul.f32 v38, v37;
	v61 =	vmul.f32 v40, v39  }
0x234: {  	v29 =	vld [tilespmem:s30+$0xFFFFFEC0];
	v62 =	vmul.f32 v42, v41;
	v63 =	vmul.f32 v44, v43  }
0x235: {  	v4 =	vimm.f32 $0.0e+00;
	v30 =	vld [tilespmem:s28+$0xFFFFFE30];
	v36 =	vmul.f32 v46, v45;
	v31 =	vadd.f32 $0.0e+00, v31  }
0x236: {  	s16 =	simm.s32 $0x4;
	v37 =	vmul.f32 v48, v47;
	v32 =	vld [tilespmem:s30+$0xFFFFFE30];
	v34 =	vadd.f32 $0.0e+00, v62;
	v35 =	vadd.f32 $0.0e+00, v63  }
0x237: {  	s5 =	smov.u32 s28;
	s21 =	smov.u32 s30;
	s31 =	simm.s32 $0x0;
	v33 =	vmul.f32 v22, v49;
	v22 =	vadd.f32 $0.0e+00, v61;
	v38 =	vmul.f32 v50, v26;
	v26 =	vld [tilespmem:s30+$0xFFFFFE50]  }
.LBB2_8:
0x238: {  	p1 =	slt.u32 s16, $0xC;
	v39 =	vld [tilespmem:s5+$0xFFFFFE40];
	v36 =	vadd.f32 $0.0e+00, v36;
	v37 =	vadd.f32 $0.0e+00, v37;
	v19 =	vmul.f32 v21, v19  }
0x239: {  	v21 =	vadd.f32 $0.0e+00, v33;
	v16 =	vmul.f32 v20, v16;
	v33 =	vadd.f32 $0.0e+00, v38;
	v38 =	vld [tilespmem:s21+$0xFFFFFE40]  }
0x23a: {  	v28 =	vmul.f32 v29, v28;
	v27 =	vadd.f32 v27, v34;
	v20 =	vld [tilespmem:s5+$0xFFFFFE60];
	v19 =	vadd.f32 v19, v35  }
0x23b: {  	v25 =	vadd.f32 v25, v31;
	v16 =	vadd.f32 v16, v36;
	v29 =	vmul.f32 v32, v30;
	v30 =	vld [tilespmem:s21+$0xFFFFFE60]  }
0x23c: {  	v8 =	vmul.f32 v11, v8;
	v11 =	vadd.f32 v23, v27;
	v19 =	vadd.f32 v24, v19;
	v23 =	vld [tilespmem:s21+$0xFFFFFFC0]  }
0x23d: {  	v7 =	vmul.f32 v9, v7;
	v27 =	vadd.f32 v28, v37;
	v21 =	vadd.f32 v29, v21;
	v24 =	vld [tilespmem:s21+$0xFFFFFE80]  }
0x23e: {  	v11 =	vadd.f32 v17, v11;
	v9 =	vmul.f32 v38, v39;
	v17 =	vadd.f32 v18, v19;
	v18 =	vld [tilespmem:s21+$0xFFFFFFE0]  }
0x23f: {  	v10 =	vmul.f32 v26, v10;
	v8 =	vadd.f32 v8, v16;
	v7 =	vadd.f32 v7, v27;
	v16 =	vld [tilespmem:s5+$0x0]  }
0x240: {  	s5 =	sadd.s32 $0x200, s5;
	v9 =	vadd.f32 v9, v33;
	v19 =	vmul.f32 v30, v20;
	v11 =	vadd.f32 v17, v11;
	v17 =	vld [tilespmem:s21+$0x0]  }
0x241: {  	v8 =	vadd.f32 v14, v8;
	v7 =	vadd.f32 v15, v7;
	s21 =	sadd.s32 $0x200, s21;
	v20 =	vld [tilespmem:s5+$0xFFFFFFF0];
	v6 =	vmul.f32 v23, v6  }
0x242: {  	v10 =	vadd.f32 v10, v21;
	v15 =	vld [tilespmem:s21+$0xFFFFFFF0];
	v9 =	vadd.f32 v19, v9;
	v5 =	vmul.f32 v24, v5;
	(xrf2) =	vadd.scan.msk.f32 $0xffff, v11  }
0x243: {  	v7 =	vadd.f32 v7, v8;
	v14 =	vld [tilespmem:s5+$0xFFFFFF70];
	v6 =	vadd.f32 v6, v22;
	v3 =	vmul.f32 v18, v3  }
0x244: {  	v8 =	vadd.f32 v13, v10;
	v10 =	vmul.f32 v2, v1;
	v18 =	vld [tilespmem:s21+$0xFFFFFF70];
	v5 =	vadd.f32 v5, v9  }
0x245: {  	v9 =	vadd.f32 v12, v25;
	v13 =	vld [tilespmem:s5+$0xFFFFFF80];
	v3 =	vadd.f32 v3, v6;
	v6 =	vmul.f32 v17, v16;
	(xrf2) =	vadd.scan.msk.f32 $0xffff, v7  }
0x246: {  	v12 =	vld [tilespmem:s21+$0xFFFFFF80];
	v5 =	vadd.f32 v5, v8;
	v1 =	vmov v20  }
0x247: {  	v7 =	vadd.f32 v10, v9;
	v22 =	vld [tilespmem:s5+$0xFFFFFEF0];
	v3 =	vadd.f32 v6, v3;
	v2 =	vmov v15  }
0x248: {  	v15 =	vld [tilespmem:s21+$0xFFFFFEF0];
	(xrf2) =	vadd.scan.msk.f32 $0xffff, v5  }
0x249: {  	v23 =	vld [tilespmem:s5+$0xFFFFFF00];
	v3 =	vadd.f32 v3, v7  }
0x24a: {  	v24 =	vld [tilespmem:s21+$0xFFFFFF00]  }
0x24b: {  	v25 =	vld [tilespmem:s5+$0xFFFFFFD0];
	(xrf2) =	vadd.scan.msk.f32 $0xffff, v3  }
0x24c: {  	v26 =	vld [tilespmem:s21+$0xFFFFFFD0];
	v6, _, _ =	vpop (xrf2)  }
0x24d: {  	v3 =	vld [tilespmem:s5+$0xFFFFFFE0]  }
0x24e: {  	v27 =	vld [tilespmem:s5+$0xFFFFFE70]  }
0x24f: {  	v28 =	vld [tilespmem:s21+$0xFFFFFE70];
	v7, _, _ =	vpop (xrf2)  }
0x250: {  	v5 =	vld [tilespmem:s5+$0xFFFFFE80]  }
0x251: {  	v29 =	vld [tilespmem:s5+$0xFFFFFF50]  }
0x252: {  	s9 =	sadd.s32 $0x2, s31;
	s10 =	sadd.s32 $0x3, s31;
	v8 =	vmov s31;
	v30 =	vld [tilespmem:s21+$0xFFFFFF50];
	v9, _, _ =	vpop (xrf2)  }
0x253: {  	s23 =	sadd.s32 $0x1, s31;
	v16 =	vmov s10;
	v10 =	vmov s9;
	s31 =	smov.u32 s16;
	v31 =	vld [tilespmem:s5+$0xFFFFFF60];
	v17 =	vbroadcast v9, $0xF  }
0x254: {  	v11 =	vmov s23;
	vm0 =	veq.s32 v8, v0;
	v7 =	vbroadcast v7, $0xF;
	v32 =	vld [tilespmem:s21+$0xFFFFFF60]  }
0x255: {  	v6 =	vbroadcast v6, $0xF;
	v8 =	vld [tilespmem:s5+$0xFFFFFED0];
	v4 =	vsel vm0, v17, v4;
	vm0 =	veq.s32 v11, v0;
	v9, _, _ =	vpop (xrf2)  }
0x256: {  	v11 =	vld [tilespmem:s21+$0xFFFFFED0];
	v4 =	vsel vm0, v7, v4;
	vm0 =	veq.s32 v10, v0;
	v10 =	vbroadcast v9, $0xF  }
0x257: {  	v7 =	vld [tilespmem:s5+$0xFFFFFEE0];
	v4 =	vsel vm0, v6, v4;
	vm0 =	veq.s32 v16, v0  }
0x258: {  	v9 =	vld [tilespmem:s21+$0xFFFFFEE0];
	v4 =	vsel vm0, v10, v4  }
0x259: {  	v33 =	vld [tilespmem:s5+$0xFFFFFFB0]  }
0x25a: {  	v34 =	vld [tilespmem:s21+$0xFFFFFFB0]  }
0x25b: {  	v6 =	vld [tilespmem:s5+$0xFFFFFFC0]  }
0x25c: {  	v10 =	vld [tilespmem:s5+$0xFFFFFE50]  }
0x25d: {  	v35 =	vld [tilespmem:s5+$0xFFFFFF30]  }
0x25e: {  	v36 =	vld [tilespmem:s21+$0xFFFFFF30]  }
0x25f: {  	v19 =	vld [tilespmem:s5+$0xFFFFFF40]  }
0x260: {  	v21 =	vld [tilespmem:s21+$0xFFFFFF40]  }
0x261: {  	v16 =	vld [tilespmem:s5+$0xFFFFFEB0]  }
0x262: {  	v20 =	vld [tilespmem:s21+$0xFFFFFEB0]  }
0x263: {  	v37 =	vld [tilespmem:s5+$0xFFFFFF90]  }
0x264: {  	v38 =	vld [tilespmem:s21+$0xFFFFFF90]  }
0x265: {  	v39 =	vld [tilespmem:s5+$0xFFFFFFA0]  }
0x266: {  	v40 =	vld [tilespmem:s21+$0xFFFFFFA0]  }
0x267: {  	v41 =	vld [tilespmem:s5+$0xFFFFFF10]  }
0x268: {  	v42 =	vld [tilespmem:s21+$0xFFFFFF10]  }
0x269: {  	v43 =	vld [tilespmem:s5+$0xFFFFFF20]  }
0x26a: {  	v44 =	vld [tilespmem:s21+$0xFFFFFF20]  }
0x26b: {  	v45 =	vld [tilespmem:s5+$0xFFFFFE90]  }
0x26c: {  	v46 =	vld [tilespmem:s21+$0xFFFFFE90]  }
0x26d: {  	v47 =	vld [tilespmem:s5+$0xFFFFFEA0]  }
0x26e: {  	v17 =	vmul.f32 v18, v14;
	v18 =	vmul.f32 v12, v13;
	v48 =	vld [tilespmem:s21+$0xFFFFFEA0]  }
0x26f: {  	v14 =	vmul.f32 v15, v22;
	v15 =	vmul.f32 v24, v23;
	v49 =	vld [tilespmem:s5+$0xFFFFFE10]  }
0x270: {  	v13 =	vmul.f32 v28, v27;
	v12 =	vmul.f32 v26, v25;
	v22 =	vld [tilespmem:s21+$0xFFFFFE10]  }
0x271: {  	v23 =	vmul.f32 v30, v29;
	v24 =	vmul.f32 v32, v31;
	v26 =	vld [tilespmem:s5+$0xFFFFFE20]  }
0x272: {  	v25 =	vmul.f32 v34, v33;
	v27 =	vmul.f32 v36, v35;
	v50 =	vld [tilespmem:s21+$0xFFFFFE20]  }
.Ltmp2:
0x273: {  	v31 =	vmul.f32 v38, v37;
	v34 =	vmul.f32 v40, v39;
	v28 =	vld [tilespmem:s5+$0xFFFFFEC0];
	(pc) =	sbr.rel @p1 .LBB2_8-.Ltmp2, $4  }
0x274: {  	v35 =	vmul.f32 v42, v41;
	v39 =	vmul.f32 v44, v43;
	v29 =	vld [tilespmem:s21+$0xFFFFFEC0]  }
0x275: {  	v36 =	vmul.f32 v46, v45;
	v37 =	vmul.f32 v48, v47;
	v30 =	vld [tilespmem:s5+$0xFFFFFE30]  }
0x276: {  	v31 =	vadd.f32 $0.0e+00, v31;
	v33 =	vmul.f32 v22, v49;
	v22 =	vadd.f32 $0.0e+00, v34;
	v32 =	vld [tilespmem:s21+$0xFFFFFE30]  }
0x277: {  	s16 =	sadd.s32 $0x4, s16;
	v34 =	vadd.f32 $0.0e+00, v35;
	v35 =	vadd.f32 $0.0e+00, v39;
	v38 =	vmul.f32 v50, v26;
	v26 =	vld [tilespmem:s21+$0xFFFFFE50]  }
0x278: {  	v36 =	vadd.f32 $0.0e+00, v36  }
0x279: {  	v39 =	vld [tilespmem:s5+$0xFFFFFE40];
	v37 =	vadd.f32 $0.0e+00, v37;
	v19 =	vmul.f32 v21, v19;
	v44 =	vadd.f32 $0.0e+00, v33  }
0x27a: {  	v46 =	vld [tilespmem:s21+$0xFFFFFE40];
	v16 =	vmul.f32 v20, v16;
	v25 =	vadd.f32 v25, v31;
	v8 =	vmul.f32 v11, v8  }
0x27b: {  	v47 =	vld [tilespmem:s5+$0xFFFFFE60];
	v1 =	vmul.f32 v2, v1;
	v45 =	vadd.f32 $0.0e+00, v38;
	v27 =	vadd.f32 v27, v34  }
0x27c: {  	v49 =	vld [tilespmem:s21+$0xFFFFFE60];
	v28 =	vmul.f32 v29, v28;
	v19 =	vadd.f32 v19, v35;
	v16 =	vadd.f32 v16, v36  }
0x27d: {  	v51 =	vld [tilespmem:s21+$0xFFFFFFC0];
	v2 =	vadd.f32 v12, v25;
	v48 =	vmul.f32 v32, v30;
	v50 =	vadd.f32 v23, v27  }
0x27e: {  	v52 =	vld [tilespmem:s21+$0xFFFFFE80];
	v7 =	vmul.f32 v9, v7;
	v53 =	vadd.f32 v28, v37;
	v19 =	vadd.f32 v24, v19  }
0x27f: {  	v56 =	vld [tilespmem:s21+$0xFFFFFFE0];
	v8 =	vadd.f32 v8, v16;
	v21 =	vadd.f32 v48, v44;
	v54 =	vmul.f32 v46, v39  }
0x280: {  	v57 =	vld [tilespmem:s5+$0x0];
	v10 =	vmul.f32 v26, v10;
	v11 =	vadd.f32 v17, v50;
	v7 =	vadd.f32 v7, v53  }
0x281: {  	v59 =	vld [tilespmem:s21+$0x0];
	v58 =	vmul.f32 v49, v47;
	v55 =	vadd.f32 v18, v19;
	v9 =	vadd.f32 v54, v45  }
0x282: {  	v6 =	vmul.f32 v51, v6;
	v8 =	vadd.f32 v14, v8;
	v7 =	vadd.f32 v15, v7  }
0x283: {  	v5 =	vmul.f32 v52, v5;
	v10 =	vadd.f32 v10, v21;
	v9 =	vadd.f32 v58, v9  }
0x284: {  	v3 =	vmul.f32 v56, v3;
	v6 =	vadd.f32 v6, v22;
	v11 =	vadd.f32 v55, v11  }
0x285: {  	v60 =	vadd.f32 v13, v10;
	v5 =	vadd.f32 v5, v9  }
0x286: {  	v61 =	vmul.f32 v59, v57;
	v7 =	vadd.f32 v7, v8;
	v3 =	vadd.f32 v3, v6  }
0x287: {  	(xrf2) =	vadd.scan.msk.f32 $0xffff, v11;
	v5 =	vadd.f32 v5, v60  }
0x288: {  	v1 =	vadd.f32 v1, v2;
	(xrf2) =	vadd.scan.msk.f32 $0xffff, v7;
	v2 =	vadd.f32 v61, v3  }
0x289: {  	(xrf2) =	vadd.scan.msk.f32 $0xffff, v5  }
0x28a: {  	v1 =	vadd.f32 v2, v1;
	_ =	sdelay $0x1  }
0x28b: {  	(xrf2) =	vadd.scan.msk.f32 $0xffff, v1;
	_ =	sdelay $0x4  }
0x28c: {  	v1, _, _ =	vpop (xrf2)  }
0x28d: {  	s10 =	sadd.s32 $0x1, s31;
	v3 =	vmov s31;
	v2, _, _ =	vpop (xrf2)  }
0x28e: {  	s23 =	sadd.s32 $0x2, s31;
	vm0 =	veq.s32 v3, v0;
	v3 =	vmov s10;
	v5, _, _ =	vpop (xrf2)  }
0x28f: {  	s9 =	sadd.s32 $0x3, s31;
	s31 =	sshll.u32 s26, $0x4;
	s26 =	sadd.s32 $0x1, s26;
	v5 =	vbroadcast v5, $0xF  }
0x290: {  	v62 =	vmov s23;
	v63 =	vmov s9;
	p1 =	sne.s32 s26, $0x5;
	v2 =	vbroadcast v2, $0xF  }
.Ltmp3:
0x291: {  	vm13 =	veq.s32 v3, v0;
	v1 =	vbroadcast v1, $0xF;
	v3, _, _ =	vpop (xrf2);
	v4 =	vsel vm0, v5, v4;
	(pc) =	sbr.rel @p1 .LBB2_7-.Ltmp3, $4  }
0x292: {  	vm14 =	veq.s32 v62, v0;
	v3 =	vbroadcast v3, $0xF;
	v2 =	vsel vm13, v2, v4  }
0x293: {  	vm15 =	veq.s32 v63, v0;
	v1 =	vsel vm14, v1, v2  }
0x294: {  	s5 =	sand.u32 $0x3FFFFFF0, s31;
	v1 =	vsel vm15, v3, v1  }
0x295: {  	s28 =	sadd.s32 $0x800, s28;
	s30 =	sadd.s32 $0x800, s30;
	[tilespmem:s5+$0xB080] =	vst v1  }
0x296: {  	s24 =	sadd.s32 $0x1, s24  }
0x297: {  	p1 =	sne.s32 s24, $0x3E  }
.Ltmp4:
0x298: {  	s5 =	rddreg [dreg:$0xf];
	(pc) =	sbr.rel @p1 .LBB2_2-.Ltmp4, $4  }
0x299: {  	s5 =	sadd.s32 s25, s5  }
0x29a: {  	s5 =	sshrl.u32 s5, $0x3  }
0x29b: {  	s9 =	simm.s32 $0xB080;
	s5 =	sadd.s32 s29, s5  }
0x29c: {  	[hbm4b:s5+s3] =	stream.linear.scatter [tilespmem:s9], [sflag:$0x6], $0x50, $0x38;
	[tilespmem:$0x1E980] =	vst v63  }
0x29d: {  	_ =	swait.ge [sflag:s6], $0x800  }
0x29e: {  	[sflag:s6] =	ssyncset.done $0x0  }
0x29f: {  	[sflag:s6] =	ssyncadd.s32 $0xFFFFF800  }
0x2a0: {  	_ =	swait.ge [sflag:s6], $0x800  }
0x2a1: {  	[sflag:s6] =	ssyncset.done $0x0  }
0x2a2: {  	[sflag:s6] =	ssyncadd.s32 $0xFFFFF800  }
0x2a3: {  	_ =	swait.ge [sflag:s6], $0x800  }
0x2a4: {  	[sflag:s6] =	ssyncset.done $0x0  }
0x2a5: {  	[sflag:s6] =	ssyncadd.s32 $0xFFFFF800  }
0x2a6: {  	_ =	swait.ge [sflag:s6], $0x800  }
0x2a7: {  	[sflag:s6] =	ssyncset.done $0x0  }
0x2a8: {  	[sflag:s6] =	ssyncadd.s32 $0xFFFFF800  }
0x2a9: {  	_ =	swait.ge [sflag:s6], $0x800  }
0x2aa: {  	[sflag:s6] =	ssyncset.done $0x0  }
0x2ab: {  	[sflag:s6] =	ssyncadd.s32 $0xFFFFF800  }
0x2ac: {  	_ =	swait.ge [sflag:s6], $0x800  }
0x2ad: {  	[sflag:s6] =	ssyncset.done $0x0  }
0x2ae: {  	[sflag:s6] =	ssyncadd.s32 $0xFFFFF800  }
0x2af: {  	_ =	swait.ge [sflag:s6], $0x800  }
0x2b0: {  	[sflag:s6] =	ssyncset.done $0x0  }
0x2b1: {  	[sflag:s6] =	ssyncadd.s32 $0xFFFFF800  }
0x2b2: {  	_ =	swait.ge [sflag:s6], $0x800  }
0x2b3: {  	[sflag:s6] =	ssyncset.done $0x0  }
0x2b4: {  	[sflag:s6] =	ssyncadd.s32 $0xFFFFF800  }
0x2b5: {  	_ =	swait.ge [sflag:s6], $0x800  }
0x2b6: {  	[sflag:s6] =	ssyncset.done $0x0  }
0x2b7: {  	[sflag:s6] =	ssyncadd.s32 $0xFFFFF800  }
0x2b8: {  	_ =	swait.ge [sflag:s6], $0x800  }
0x2b9: {  	[sflag:s6] =	ssyncset.done $0x0  }
0x2ba: {  	s30 =	simm.s32 $0x5;
	[sflag:s6] =	ssyncadd.s32 $0xFFFFF800  }
0x2bb: {  	_ =	swait.ge [sflag:s30], $0x50  }
0x2bc: {  	s24 =	simm.s32 $0x0;
	[sflag:s30] =	ssyncset.done $0x0  }
0x2bd: {  	s25 =	simm.s32 $0x6100;
	s26 =	simm.s32 $0x1100;
	[sflag:s30] =	ssyncadd.s32 $0xFFFFFFB0  }
.LBB2_12:
0x2be: {  	v1 =	vld [tilespmem:s26+$0xE0]  }
0x2bf: {  	v2 =	vld [tilespmem:s25+$0xE0]  }
0x2c0: {  	v4 =	vld [tilespmem:s26+$0x60]  }
0x2c1: {  	v12 =	vld [tilespmem:s25+$0x60]  }
0x2c2: {  	v13 =	vld [tilespmem:s26+$0x70]  }
0x2c3: {  	v14 =	vld [tilespmem:s25+$0x70]  }
0x2c4: {  	v15 =	vld [tilespmem:s26+$0xFFFFFFE0]  }
0x2c5: {  	v22 =	vld [tilespmem:s25+$0xFFFFFFE0]  }
0x2c6: {  	v23 =	vld [tilespmem:s26+$0xFFFFFFF0]  }
0x2c7: {  	v24 =	vld [tilespmem:s25+$0xFFFFFFF0]  }
0x2c8: {  	v25 =	vld [tilespmem:s26+$0xC0]  }
0x2c9: {  	v26 =	vld [tilespmem:s25+$0xC0]  }
0x2ca: {  	v3 =	vld [tilespmem:s26+$0xD0]  }
0x2cb: {  	v27 =	vld [tilespmem:s26+$0xFFFFFF60]  }
0x2cc: {  	v28 =	vld [tilespmem:s25+$0xFFFFFF60]  }
0x2cd: {  	v5 =	vld [tilespmem:s26+$0xFFFFFF70]  }
0x2ce: {  	v29 =	vld [tilespmem:s26+$0x40]  }
0x2cf: {  	v30 =	vld [tilespmem:s25+$0x40]  }
0x2d0: {  	v31 =	vld [tilespmem:s26+$0x50]  }
0x2d1: {  	v32 =	vld [tilespmem:s25+$0x50]  }
0x2d2: {  	v8 =	vld [tilespmem:s26+$0xFFFFFFC0]  }
0x2d3: {  	v11 =	vld [tilespmem:s25+$0xFFFFFFC0]  }
0x2d4: {  	v7 =	vld [tilespmem:s26+$0xFFFFFFD0]  }
0x2d5: {  	v9 =	vld [tilespmem:s25+$0xFFFFFFD0]  }
0x2d6: {  	v33 =	vld [tilespmem:s26+$0xA0]  }
0x2d7: {  	v34 =	vld [tilespmem:s25+$0xA0]  }
0x2d8: {  	v6 =	vld [tilespmem:s26+$0xB0]  }
0x2d9: {  	v10 =	vld [tilespmem:s26+$0xFFFFFF40]  }
0x2da: {  	v35 =	vld [tilespmem:s26+$0x20]  }
0x2db: {  	v36 =	vld [tilespmem:s25+$0x20]  }
0x2dc: {  	v19 =	vld [tilespmem:s26+$0x30]  }
0x2dd: {  	v21 =	vld [tilespmem:s25+$0x30]  }
0x2de: {  	v16 =	vld [tilespmem:s26+$0xFFFFFFA0]  }
0x2df: {  	v20 =	vld [tilespmem:s25+$0xFFFFFFA0]  }
0x2e0: {  	v37 =	vld [tilespmem:s26+$0x80]  }
0x2e1: {  	v38 =	vld [tilespmem:s25+$0x80]  }
0x2e2: {  	v39 =	vld [tilespmem:s26+$0x90]  }
0x2e3: {  	v40 =	vld [tilespmem:s25+$0x90]  }
0x2e4: {  	v41 =	vld [tilespmem:s26+$0x0]  }
0x2e5: {  	v42 =	vld [tilespmem:s25+$0x0]  }
0x2e6: {  	v43 =	vld [tilespmem:s26+$0x10]  }
0x2e7: {  	v44 =	vld [tilespmem:s25+$0x10]  }
0x2e8: {  	v45 =	vld [tilespmem:s26+$0xFFFFFF80]  }
0x2e9: {  	v46 =	vld [tilespmem:s25+$0xFFFFFF80]  }
0x2ea: {  	v47 =	vld [tilespmem:s26+$0xFFFFFF90]  }
0x2eb: {  	v48 =	vld [tilespmem:s25+$0xFFFFFF90];
	v17 =	vmul.f32 v12, v4;
	v18 =	vmul.f32 v14, v13  }
0x2ec: {  	v49 =	vld [tilespmem:s26+$0xFFFFFF00];
	v14 =	vmul.f32 v22, v15;
	v15 =	vmul.f32 v24, v23  }
0x2ed: {  	v50 =	vld [tilespmem:s25+$0xFFFFFF10];
	v13 =	vmul.f32 v28, v27;
	v12 =	vmul.f32 v26, v25  }
0x2ee: {  	v22 =	vld [tilespmem:s25+$0xFFFFFF00];
	v23 =	vmul.f32 v30, v29;
	v24 =	vmul.f32 v32, v31  }
0x2ef: {  	v26 =	vld [tilespmem:s26+$0xFFFFFF10];
	v27 =	vmul.f32 v36, v35;
	v25 =	vmul.f32 v34, v33  }
0x2f0: {  	v28 =	vld [tilespmem:s26+$0xFFFFFFB0];
	v31 =	vmul.f32 v38, v37;
	v61 =	vmul.f32 v40, v39  }
0x2f1: {  	v29 =	vld [tilespmem:s25+$0xFFFFFFB0];
	v62 =	vmul.f32 v42, v41;
	v63 =	vmul.f32 v44, v43  }
0x2f2: {  	v4 =	vimm.f32 $0.0e+00;
	v30 =	vld [tilespmem:s26+$0xFFFFFF20];
	v36 =	vmul.f32 v46, v45;
	v31 =	vadd.f32 $0.0e+00, v31  }
0x2f3: {  	s16 =	simm.s32 $0x4;
	v37 =	vmul.f32 v48, v47;
	v32 =	vld [tilespmem:s25+$0xFFFFFF20];
	v34 =	vadd.f32 $0.0e+00, v62;
	v35 =	vadd.f32 $0.0e+00, v63  }
0x2f4: {  	s5 =	smov.u32 s26;
	s21 =	smov.u32 s25;
	s28 =	simm.s32 $0x0;
	v33 =	vmul.f32 v22, v49;
	v22 =	vadd.f32 $0.0e+00, v61;
	v38 =	vmul.f32 v50, v26;
	v26 =	vld [tilespmem:s25+$0xFFFFFF40]  }
.LBB2_13:
0x2f5: {  	p1 =	slt.u32 s16, $0xC;
	v39 =	vld [tilespmem:s5+$0xFFFFFF30];
	v36 =	vadd.f32 $0.0e+00, v36;
	v37 =	vadd.f32 $0.0e+00, v37;
	v19 =	vmul.f32 v21, v19  }
0x2f6: {  	v21 =	vadd.f32 $0.0e+00, v33;
	v16 =	vmul.f32 v20, v16;
	v33 =	vadd.f32 $0.0e+00, v38;
	v38 =	vld [tilespmem:s21+$0xFFFFFF30]  }
0x2f7: {  	v28 =	vmul.f32 v29, v28;
	v27 =	vadd.f32 v27, v34;
	v20 =	vld [tilespmem:s5+$0xFFFFFF50];
	v19 =	vadd.f32 v19, v35  }
0x2f8: {  	v25 =	vadd.f32 v25, v31;
	v16 =	vadd.f32 v16, v36;
	v29 =	vmul.f32 v32, v30;
	v30 =	vld [tilespmem:s21+$0xFFFFFF50]  }
0x2f9: {  	v8 =	vmul.f32 v11, v8;
	v11 =	vadd.f32 v23, v27;
	v19 =	vadd.f32 v24, v19;
	v23 =	vld [tilespmem:s21+$0xB0]  }
0x2fa: {  	v7 =	vmul.f32 v9, v7;
	v27 =	vadd.f32 v28, v37;
	v21 =	vadd.f32 v29, v21;
	v24 =	vld [tilespmem:s21+$0xFFFFFF70]  }
0x2fb: {  	v11 =	vadd.f32 v17, v11;
	v9 =	vmul.f32 v38, v39;
	v17 =	vadd.f32 v18, v19;
	v18 =	vld [tilespmem:s21+$0xD0]  }
0x2fc: {  	v10 =	vmul.f32 v26, v10;
	v8 =	vadd.f32 v8, v16;
	v7 =	vadd.f32 v7, v27;
	v16 =	vld [tilespmem:s5+$0xF0]  }
0x2fd: {  	s5 =	sadd.s32 $0x200, s5;
	v9 =	vadd.f32 v9, v33;
	v19 =	vmul.f32 v30, v20;
	v11 =	vadd.f32 v17, v11;
	v17 =	vld [tilespmem:s21+$0xF0]  }
0x2fe: {  	v8 =	vadd.f32 v14, v8;
	v7 =	vadd.f32 v15, v7;
	s21 =	sadd.s32 $0x200, s21;
	v20 =	vld [tilespmem:s5+$0xE0];
	v6 =	vmul.f32 v23, v6  }
0x2ff: {  	v10 =	vadd.f32 v10, v21;
	v15 =	vld [tilespmem:s21+$0xE0];
	v9 =	vadd.f32 v19, v9;
	v5 =	vmul.f32 v24, v5;
	(xrf2) =	vadd.scan.msk.f32 $0xffff, v11  }
0x300: {  	v7 =	vadd.f32 v7, v8;
	v14 =	vld [tilespmem:s5+$0x60];
	v6 =	vadd.f32 v6, v22;
	v3 =	vmul.f32 v18, v3  }
0x301: {  	v8 =	vadd.f32 v13, v10;
	v10 =	vmul.f32 v2, v1;
	v18 =	vld [tilespmem:s21+$0x60];
	v5 =	vadd.f32 v5, v9  }
0x302: {  	v9 =	vadd.f32 v12, v25;
	v13 =	vld [tilespmem:s5+$0x70];
	v3 =	vadd.f32 v3, v6;
	v6 =	vmul.f32 v17, v16;
	(xrf2) =	vadd.scan.msk.f32 $0xffff, v7  }
0x303: {  	v12 =	vld [tilespmem:s21+$0x70];
	v5 =	vadd.f32 v5, v8;
	v1 =	vmov v20  }
0x304: {  	v7 =	vadd.f32 v10, v9;
	v22 =	vld [tilespmem:s5+$0xFFFFFFE0];
	v3 =	vadd.f32 v6, v3;
	v2 =	vmov v15  }
0x305: {  	v15 =	vld [tilespmem:s21+$0xFFFFFFE0];
	(xrf2) =	vadd.scan.msk.f32 $0xffff, v5  }
0x306: {  	v23 =	vld [tilespmem:s5+$0xFFFFFFF0];
	v3 =	vadd.f32 v3, v7  }
0x307: {  	v24 =	vld [tilespmem:s21+$0xFFFFFFF0]  }
0x308: {  	v25 =	vld [tilespmem:s5+$0xC0];
	(xrf2) =	vadd.scan.msk.f32 $0xffff, v3  }
0x309: {  	v26 =	vld [tilespmem:s21+$0xC0];
	v6, _, _ =	vpop (xrf2)  }
0x30a: {  	v3 =	vld [tilespmem:s5+$0xD0]  }
0x30b: {  	v27 =	vld [tilespmem:s5+$0xFFFFFF60]  }
0x30c: {  	v28 =	vld [tilespmem:s21+$0xFFFFFF60];
	v7, _, _ =	vpop (xrf2)  }
0x30d: {  	v5 =	vld [tilespmem:s5+$0xFFFFFF70]  }
0x30e: {  	v29 =	vld [tilespmem:s5+$0x40]  }
0x30f: {  	s9 =	sadd.s32 $0x2, s28;
	s10 =	sadd.s32 $0x3, s28;
	v8 =	vmov s28;
	v30 =	vld [tilespmem:s21+$0x40];
	v9, _, _ =	vpop (xrf2)  }
0x310: {  	s23 =	sadd.s32 $0x1, s28;
	v16 =	vmov s10;
	v10 =	vmov s9;
	s28 =	smov.u32 s16;
	v31 =	vld [tilespmem:s5+$0x50];
	v17 =	vbroadcast v9, $0xF  }
0x311: {  	v11 =	vmov s23;
	vm0 =	veq.s32 v8, v0;
	v7 =	vbroadcast v7, $0xF;
	v32 =	vld [tilespmem:s21+$0x50]  }
0x312: {  	v6 =	vbroadcast v6, $0xF;
	v8 =	vld [tilespmem:s5+$0xFFFFFFC0];
	v4 =	vsel vm0, v17, v4;
	vm0 =	veq.s32 v11, v0;
	v9, _, _ =	vpop (xrf2)  }
0x313: {  	v11 =	vld [tilespmem:s21+$0xFFFFFFC0];
	v4 =	vsel vm0, v7, v4;
	vm0 =	veq.s32 v10, v0;
	v10 =	vbroadcast v9, $0xF  }
0x314: {  	v7 =	vld [tilespmem:s5+$0xFFFFFFD0];
	v4 =	vsel vm0, v6, v4;
	vm0 =	veq.s32 v16, v0  }
0x315: {  	v9 =	vld [tilespmem:s21+$0xFFFFFFD0];
	v4 =	vsel vm0, v10, v4  }
0x316: {  	v33 =	vld [tilespmem:s5+$0xA0]  }
0x317: {  	v34 =	vld [tilespmem:s21+$0xA0]  }
0x318: {  	v6 =	vld [tilespmem:s5+$0xB0]  }
0x319: {  	v10 =	vld [tilespmem:s5+$0xFFFFFF40]  }
0x31a: {  	v35 =	vld [tilespmem:s5+$0x20]  }
0x31b: {  	v36 =	vld [tilespmem:s21+$0x20]  }
0x31c: {  	v19 =	vld [tilespmem:s5+$0x30]  }
0x31d: {  	v21 =	vld [tilespmem:s21+$0x30]  }
0x31e: {  	v16 =	vld [tilespmem:s5+$0xFFFFFFA0]  }
0x31f: {  	v20 =	vld [tilespmem:s21+$0xFFFFFFA0]  }
0x320: {  	v37 =	vld [tilespmem:s5+$0x80]  }
0x321: {  	v38 =	vld [tilespmem:s21+$0x80]  }
0x322: {  	v39 =	vld [tilespmem:s5+$0x90]  }
0x323: {  	v40 =	vld [tilespmem:s21+$0x90]  }
0x324: {  	v41 =	vld [tilespmem:s5+$0x0]  }
0x325: {  	v42 =	vld [tilespmem:s21+$0x0]  }
0x326: {  	v43 =	vld [tilespmem:s5+$0x10]  }
0x327: {  	v44 =	vld [tilespmem:s21+$0x10]  }
0x328: {  	v45 =	vld [tilespmem:s5+$0xFFFFFF80]  }
0x329: {  	v46 =	vld [tilespmem:s21+$0xFFFFFF80]  }
0x32a: {  	v47 =	vld [tilespmem:s5+$0xFFFFFF90]  }
0x32b: {  	v17 =	vmul.f32 v18, v14;
	v18 =	vmul.f32 v12, v13;
	v48 =	vld [tilespmem:s21+$0xFFFFFF90]  }
0x32c: {  	v14 =	vmul.f32 v15, v22;
	v15 =	vmul.f32 v24, v23;
	v49 =	vld [tilespmem:s5+$0xFFFFFF00]  }
0x32d: {  	v13 =	vmul.f32 v28, v27;
	v12 =	vmul.f32 v26, v25;
	v22 =	vld [tilespmem:s21+$0xFFFFFF00]  }
0x32e: {  	v23 =	vmul.f32 v30, v29;
	v24 =	vmul.f32 v32, v31;
	v26 =	vld [tilespmem:s5+$0xFFFFFF10]  }
0x32f: {  	v25 =	vmul.f32 v34, v33;
	v27 =	vmul.f32 v36, v35;
	v50 =	vld [tilespmem:s21+$0xFFFFFF10]  }
.Ltmp5:
0x330: {  	v31 =	vmul.f32 v38, v37;
	v34 =	vmul.f32 v40, v39;
	v28 =	vld [tilespmem:s5+$0xFFFFFFB0];
	(pc) =	sbr.rel @p1 .LBB2_13-.Ltmp5, $4  }
0x331: {  	v35 =	vmul.f32 v42, v41;
	v39 =	vmul.f32 v44, v43;
	v29 =	vld [tilespmem:s21+$0xFFFFFFB0]  }
0x332: {  	v36 =	vmul.f32 v46, v45;
	v37 =	vmul.f32 v48, v47;
	v30 =	vld [tilespmem:s5+$0xFFFFFF20]  }
0x333: {  	v31 =	vadd.f32 $0.0e+00, v31;
	v33 =	vmul.f32 v22, v49;
	v22 =	vadd.f32 $0.0e+00, v34;
	v32 =	vld [tilespmem:s21+$0xFFFFFF20]  }
0x334: {  	s16 =	sadd.s32 $0x4, s16;
	v34 =	vadd.f32 $0.0e+00, v35;
	v35 =	vadd.f32 $0.0e+00, v39;
	v38 =	vmul.f32 v50, v26;
	v26 =	vld [tilespmem:s21+$0xFFFFFF40]  }
0x335: {  	v36 =	vadd.f32 $0.0e+00, v36  }
0x336: {  	v39 =	vld [tilespmem:s5+$0xFFFFFF30];
	v37 =	vadd.f32 $0.0e+00, v37;
	v19 =	vmul.f32 v21, v19;
	v44 =	vadd.f32 $0.0e+00, v33  }
0x337: {  	v46 =	vld [tilespmem:s21+$0xFFFFFF30];
	v16 =	vmul.f32 v20, v16;
	v25 =	vadd.f32 v25, v31;
	v8 =	vmul.f32 v11, v8  }
0x338: {  	v47 =	vld [tilespmem:s5+$0xFFFFFF50];
	v1 =	vmul.f32 v2, v1;
	v45 =	vadd.f32 $0.0e+00, v38;
	v27 =	vadd.f32 v27, v34  }
0x339: {  	v49 =	vld [tilespmem:s21+$0xFFFFFF50];
	v28 =	vmul.f32 v29, v28;
	v19 =	vadd.f32 v19, v35;
	v16 =	vadd.f32 v16, v36  }
0x33a: {  	v51 =	vld [tilespmem:s21+$0xB0];
	v2 =	vadd.f32 v12, v25;
	v48 =	vmul.f32 v32, v30;
	v50 =	vadd.f32 v23, v27  }
0x33b: {  	v52 =	vld [tilespmem:s21+$0xFFFFFF70];
	v7 =	vmul.f32 v9, v7;
	v53 =	vadd.f32 v28, v37;
	v19 =	vadd.f32 v24, v19  }
0x33c: {  	v56 =	vld [tilespmem:s21+$0xD0];
	v8 =	vadd.f32 v8, v16;
	v21 =	vadd.f32 v48, v44;
	v54 =	vmul.f32 v46, v39  }
0x33d: {  	v57 =	vld [tilespmem:s5+$0xF0];
	v10 =	vmul.f32 v26, v10;
	v11 =	vadd.f32 v17, v50;
	v7 =	vadd.f32 v7, v53  }
0x33e: {  	v59 =	vld [tilespmem:s21+$0xF0];
	v58 =	vmul.f32 v49, v47;
	v55 =	vadd.f32 v18, v19;
	v9 =	vadd.f32 v54, v45  }
0x33f: {  	v6 =	vmul.f32 v51, v6;
	v8 =	vadd.f32 v14, v8;
	v7 =	vadd.f32 v15, v7  }
0x340: {  	v5 =	vmul.f32 v52, v5;
	v10 =	vadd.f32 v10, v21;
	v9 =	vadd.f32 v58, v9  }
0x341: {  	v3 =	vmul.f32 v56, v3;
	v6 =	vadd.f32 v6, v22;
	v11 =	vadd.f32 v55, v11  }
0x342: {  	v60 =	vadd.f32 v13, v10;
	v5 =	vadd.f32 v5, v9  }
0x343: {  	v61 =	vmul.f32 v59, v57;
	v7 =	vadd.f32 v7, v8;
	v3 =	vadd.f32 v3, v6  }
0x344: {  	(xrf2) =	vadd.scan.msk.f32 $0xffff, v11;
	v5 =	vadd.f32 v5, v60  }
0x345: {  	v1 =	vadd.f32 v1, v2;
	(xrf2) =	vadd.scan.msk.f32 $0xffff, v7;
	v2 =	vadd.f32 v61, v3  }
0x346: {  	(xrf2) =	vadd.scan.msk.f32 $0xffff, v5  }
0x347: {  	v1 =	vadd.f32 v2, v1;
	_ =	sdelay $0x1  }
0x348: {  	(xrf2) =	vadd.scan.msk.f32 $0xffff, v1;
	_ =	sdelay $0x4  }
0x349: {  	v1, _, _ =	vpop (xrf2)  }
0x34a: {  	s10 =	sadd.s32 $0x1, s28;
	v3 =	vmov s28;
	v2, _, _ =	vpop (xrf2)  }
0x34b: {  	s23 =	sadd.s32 $0x2, s28;
	vm0 =	veq.s32 v3, v0;
	v3 =	vmov s10;
	v5, _, _ =	vpop (xrf2)  }
0x34c: {  	s9 =	sadd.s32 $0x3, s28;
	s31 =	sshll.u32 s24, $0x4;
	s24 =	sadd.s32 $0x1, s24;
	v5 =	vbroadcast v5, $0xF  }
0x34d: {  	v62 =	vmov s23;
	v63 =	vmov s9;
	p1 =	sne.s32 s24, $0x5;
	v2 =	vbroadcast v2, $0xF  }
.Ltmp6:
0x34e: {  	vm13 =	veq.s32 v3, v0;
	v1 =	vbroadcast v1, $0xF;
	v3, _, _ =	vpop (xrf2);
	v4 =	vsel vm0, v5, v4;
	(pc) =	sbr.rel @p1 .LBB2_12-.Ltmp6, $4  }
0x34f: {  	vm14 =	veq.s32 v62, v0;
	v3 =	vbroadcast v3, $0xF;
	v2 =	vsel vm13, v2, v4  }
0x350: {  	vm15 =	veq.s32 v63, v0;
	v1 =	vsel vm14, v1, v2  }
0x351: {  	s5 =	sand.u32 $0x3FFFFFF0, s31;
	v1 =	vsel vm15, v3, v1  }
0x352: {  	s25 =	sadd.s32 $0x800, s25;
	s26 =	sadd.s32 $0x800, s26;
	[tilespmem:s5+$0xB000] =	vst v1  }
0x353: {  	s5 =	rddreg [dreg:$0x1d];
	s9 =	simm.s32 $0xB000  }
0x354: {  	[hbm4b:s5+s3] =	stream.linear.scatter [tilespmem:s9], [sflag:$0x5], $0x50, $0x38;
	[tilespmem:$0x1E980] =	vst v63  }
0x355: {  	_ =	swait.ge [sflag:s30], $0x50  }
0x356: {  	[sflag:s30] =	ssyncset.done $0x0  }
0x357: {  	[sflag:s30] =	ssyncadd.s32 $0xFFFFFFB0;
	s30 =	simm.s32 $0x6  }
0x358: {  	_ =	swait.ge [sflag:s30], $0x50  }
0x359: {  	s10 =	sld [smem:$0x7FA];
	_ =	sdelay $0x2  }
0x35a: {  	s31 =	rddreg [dreg:$0x1e];
	s10 =	sadd.s32 $0x1, s10  }
0x35b: {  	p1 =	sne.s32 s10, s31  }
.Ltmp7:
0x35c: {  	_ = 	snop;
	(pc) =	sbr.rel @p1 .LBB2_1-.Ltmp7, $3  }
0x35d: {  	_ =	sdelay $0x1  }
0x35e: {  	[sflag:s30] =	ssyncset.done $0x0  }
0x35f: {  	[sflag:s30] =	ssyncadd.s32 $0xFFFFFFB0  }
0x360: {  	_ =	sfence.sel $0x180000  }
0x361: {  	[bflag:$0x0] =	sbarrier.arrive $0xFFFF  }
0x362: {  	_ =	strace $0x90000047  }
0x363: {  	[bflag:$0x2] =	sbarrier.arrive $0xFFFF  }
0x364: {  	s0 =	rddreg [dreg:$0x3]  }
0x365: {  	s0 =	sadd.s32 @!p0 $0x100000, s0  }
0x366: {  	[sflag:s0] =	ssyncadd.tile.s32 @!p0 $0x1;
	_ =	shalt  }
.Lfunc_end2:
_tile_overlayer_lowered:
.L_overlay_start_2:
0x367: {  	(tag) =	ssettag $0x2  }
0x368: {  	s0 =	rddreg [dreg:$0x0];
	s2 =	stileid.u32  }
0x369: {  	s1 =	rddreg [dreg:$0x1];
	p0 =	sne.s32 s2, $0x0  }
0x36a: {  	s3 =	rddreg [dreg:$0x2];
	[bflag:$0x3] =	sbarrier.arrive $0xFFFF;
	s2 =	simm.s32 @!p0 $0x1C08  }
0x36b: {  	[timem:s3], [sflag:s2] =	dma.local @!p0 [hbm:s0], s1  }
0x36c: {  	s0 =	simm.s32 @!p0 $0x8  }
0x36d: {  	_ =	swait.ge @!p0 [sflag:s0], s1  }
0x36e: {  	s1 =	ssub.s32 @!p0 $0x0, s1;
	[sflag:s0] =	ssyncset.done @!p0 $0x0  }
0x36f: {  	[sflag:s0] =	ssyncadd.s32 @!p0 s1  }
0x370: {  	[bflag:$0x3] =	sbarrier.arrive $0xFFFF  }
0x371: {  	_ =	shalt  }

</sc_bundles>
